<compile_context>
chip_gen: v7x
topology: tpu7x:2x2x1
jax: 0.10.2.dev20260603
libtpu: 0.0.44.dev20260713+nightly
codegen_flags: <defaults>
</compile_context>

<pallas_src>
import functools

import jax
import jax.numpy as jnp
from jax import lax
from jax.experimental import pallas as pl
from jax.experimental.pallas import tpu as pltpu
from jax.experimental.pallas import tpu_sc as plsc

NC = 2
NS = 16
NW = NC * NS
LANES = 16
ROW = 128
CHUNK_ROWS = 16
CHUNK = ROW * CHUNK_ROWS


def _mesh():
    return plsc.VectorSubcoreMesh(core_axis_name="c", subcore_axis_name="s",
                                  num_cores=NC, num_subcores=NS)


_SC_PARAMS = pltpu.CompilerParams(needs_layout_passes=False,
                                  use_tc_tiling_on_sc=False)


def _deg_kernel(n_nodes, rows_per_tile):
    nchunks = rows_per_tile // CHUNK_ROWS
    assert nchunks % 2 == 0

    @functools.partial(
        pl.kernel,
        out_type=jax.ShapeDtypeStruct((NW, n_nodes), jnp.float32),
        mesh=_mesh(),
        compiler_params=_SC_PARAMS,
        scratch_types=[
            pltpu.VMEM((n_nodes,), jnp.float32),
            pltpu.VMEM((2, CHUNK_ROWS, ROW), jnp.int32),
            pltpu.VMEM((2, CHUNK_ROWS, ROW), jnp.float32),
            pltpu.SemaphoreType.DMA,
        ],
    )
    def body(dst_hbm, ew_hbm, out_hbm, deg_v, dst_v, ew_v, isem):
        c = lax.axis_index("c")
        s = lax.axis_index("s")
        w = s * NC + c
        zeros16 = jnp.zeros((LANES,), jnp.float32)

        def zstep(i, carry):
            deg_v[pl.ds(i * LANES, LANES)] = zeros16
            return carry

        lax.fori_loop(0, n_nodes // LANES, zstep, 0)

        row0 = w * rows_per_tile

        def fetch(k, b):
            rbase = row0 + k * CHUNK_ROWS
            pltpu.async_copy(dst_hbm.at[pl.ds(rbase, CHUNK_ROWS)],
                             dst_v.at[b], isem)
            pltpu.async_copy(ew_hbm.at[pl.ds(rbase, CHUNK_ROWS)],
                             ew_v.at[b], isem)

        def wait_idx(b):
            pltpu.make_async_copy(dst_hbm.at[pl.ds(0, CHUNK_ROWS)],
                                  dst_v.at[b], isem).wait()
            pltpu.make_async_copy(ew_hbm.at[pl.ds(0, CHUNK_ROWS)],
                                  ew_v.at[b], isem).wait()

        fetch(0, 0)

        def pair(kk, carry):
            for b in range(2):
                k = kk * 2 + b
                wait_idx(b)

                @pl.when(k + 1 < nchunks)
                def _():
                    fetch(k + 1, 1 - b)

                def row_loop(r, carry2):
                    for t in range(ROW // LANES):
                        idx = dst_v[b, r, pl.ds(t * LANES, LANES)]
                        wv = ew_v[b, r, pl.ds(t * LANES, LANES)]
                        plsc.addupdate_scatter(deg_v, [idx], wv)
                    return carry2

                lax.fori_loop(0, CHUNK_ROWS, row_loop, 0)
            return carry

        lax.fori_loop(0, nchunks // 2, pair, 0)
        pltpu.sync_copy(deg_v, out_hbm.at[w])

    return body


def _l1_kernel(n_nodes, rows_per_tile):
    nchunks = rows_per_tile // CHUNK_ROWS
    assert nchunks % 2 == 0
    nsl_a = ((n_nodes // NS) + 7) // 8 * 8
    nsl_last = n_nodes - (NS - 1) * nsl_a
    assert nsl_last > 0

    @functools.partial(
        pl.kernel,
        out_type=jax.ShapeDtypeStruct((NC, n_nodes, 8), jnp.float32),
        mesh=_mesh(),
        compiler_params=_SC_PARAMS,
        scratch_types=[
            pltpu.VMEM((2, CHUNK_ROWS, ROW), jnp.int32),
            pltpu.VMEM((2, CHUNK_ROWS, ROW), jnp.int32),
            pltpu.VMEM((2, CHUNK_ROWS, ROW), jnp.float32),
            pltpu.VMEM((2, CHUNK, 8), jnp.float32),
            pltpu.VMEM_SHARED((n_nodes, 8), jnp.float32),
            pltpu.SemaphoreType.DMA,
            pltpu.SemaphoreType.DMA,
            pltpu.SemaphoreType.DMA,
        ],
    )
    def body(src_hbm, dst_hbm, ew_hbm, xs_hbm, z_hbm, out_hbm,
             src_v, dst_v, ew_v, xg, acc_sh, isem, gsem, ssem):
        c = lax.axis_index("c")
        s = lax.axis_index("s")
        w = s * NC + c

        @pl.when(s < NS - 1)
        def _():
            pltpu.sync_copy(z_hbm.at[pl.ds(s * nsl_a, nsl_a), :],
                            acc_sh.at[pl.ds(s * nsl_a, nsl_a), :])

        @pl.when(s == NS - 1)
        def _():
            off = (NS - 1) * nsl_a
            pltpu.sync_copy(z_hbm.at[pl.ds(off, nsl_last), :],
                            acc_sh.at[pl.ds(off, nsl_last), :])

        plsc.subcore_barrier()

        iota16 = lax.iota(jnp.int32, LANES)
        cols = [jnp.full((LANES,), col, jnp.int32) for col in range(8)]
        row0 = w * rows_per_tile

        def fetch(k, b):
            rbase = row0 + k * CHUNK_ROWS
            pltpu.async_copy(src_hbm.at[pl.ds(rbase, CHUNK_ROWS)],
                             src_v.at[b], isem)
            pltpu.async_copy(dst_hbm.at[pl.ds(rbase, CHUNK_ROWS)],
                             dst_v.at[b], isem)
            pltpu.async_copy(ew_hbm.at[pl.ds(rbase, CHUNK_ROWS)],
                             ew_v.at[b], isem)

        def wait_idx(b):
            pltpu.make_async_copy(src_hbm.at[pl.ds(0, CHUNK_ROWS)],
                                  src_v.at[b], isem).wait()
            pltpu.make_async_copy(dst_hbm.at[pl.ds(0, CHUNK_ROWS)],
                                  dst_v.at[b], isem).wait()
            pltpu.make_async_copy(ew_hbm.at[pl.ds(0, CHUNK_ROWS)],
                                  ew_v.at[b], isem).wait()

        def fire_gathers(b):
            for j in range(CHUNK_ROWS):
                pltpu.async_copy(xs_hbm.at[src_v.at[b, j]],
                                 xg.at[b, pl.ds(j * ROW, ROW), :], gsem)

        def wait_xg(b):
            pltpu.make_async_copy(xs_hbm.at[pl.ds(0, CHUNK)],
                                  xg.at[b], gsem).wait()

        def drain_scatter(b):
            pltpu.make_async_copy(xs_hbm.at[pl.ds(0, CHUNK)],
                                  xg.at[b], ssem).wait()

        fetch(0, 0)

        def pair(kk, carry):
            for b in range(2):
                k = kk * 2 + b
                wait_idx(b)
                fire_gathers(b)

                @pl.when(k + 1 < nchunks)
                def _():
                    fetch(k + 1, 1 - b)

                wait_xg(b)

                def blk(j, carry2):
                    def grp(g, carry3):
                        rowi = j * ROW + g * LANES + iota16
                        se16 = ew_v[b, j, pl.ds(g * LANES, LANES)]
                        xgb = xg.at[b]
                        for col in range(8):
                            v = plsc.load_gather(xgb, [rowi, cols[col]])
                            plsc.store_scatter(xgb, [rowi, cols[col]],
                                               v * se16)
                        return carry3

                    lax.fori_loop(0, ROW // LANES, grp, 0)
                    return carry2

                lax.fori_loop(0, CHUNK_ROWS, blk, 0)

                for j in range(CHUNK_ROWS):
                    pltpu.async_copy(xg.at[b, pl.ds(j * ROW, ROW), :],
                                     acc_sh.at[dst_v.at[b, j]], ssem,
                                     add=True)

                drain_scatter(b)
            return carry

        lax.fori_loop(0, nchunks // 2, pair, 0)
        plsc.subcore_barrier()

        @pl.when(s < NS - 1)
        def _():
            pltpu.sync_copy(acc_sh.at[pl.ds(s * nsl_a, nsl_a), :],
                            out_hbm.at[c, pl.ds(s * nsl_a, nsl_a), :])

        @pl.when(s == NS - 1)
        def _():
            off = (NS - 1) * nsl_a
            pltpu.sync_copy(acc_sh.at[pl.ds(off, nsl_last), :],
                            out_hbm.at[c, pl.ds(off, nsl_last), :])

    return body


def _l2_kernel(n_nodes, rows_per_tile):
    nchunks = rows_per_tile // CHUNK_ROWS
    assert nchunks % 2 == 0
    nsl_a = ((n_nodes // NS) + 7) // 8 * 8
    nsl_last = n_nodes - (NS - 1) * nsl_a
    assert nsl_last > 0

    @functools.partial(
        pl.kernel,
        out_type=jax.ShapeDtypeStruct((NW, n_nodes), jnp.float32),
        mesh=_mesh(),
        compiler_params=_SC_PARAMS,
        scratch_types=[
            pltpu.VMEM((n_nodes,), jnp.float32),
            pltpu.VMEM((2, CHUNK_ROWS, ROW), jnp.int32),
            pltpu.VMEM((2, CHUNK_ROWS, ROW), jnp.int32),
            pltpu.VMEM((2, CHUNK_ROWS, ROW), jnp.float32),
            pltpu.VMEM((2, CHUNK), jnp.float32),
            pltpu.VMEM_SHARED((n_nodes,), jnp.float32),
            pltpu.SemaphoreType.DMA,
            pltpu.SemaphoreType.DMA,
        ],
    )
    def body(src_hbm, dst_hbm, ew_hbm, hws_hbm, out_hbm,
             acc_v, src_v, dst_v, ew_v, hg_v, hws_sh, isem, gsem):
        c = lax.axis_index("c")
        s = lax.axis_index("s")
        w = s * NC + c

        @pl.when(s < NS - 1)
        def _():
            pltpu.sync_copy(hws_hbm.at[pl.ds(s * nsl_a, nsl_a)],
                            hws_sh.at[pl.ds(s * nsl_a, nsl_a)])

        @pl.when(s == NS - 1)
        def _():
            off = (NS - 1) * nsl_a
            pltpu.sync_copy(hws_hbm.at[pl.ds(off, nsl_last)],
                            hws_sh.at[pl.ds(off, nsl_last)])

        zeros16 = jnp.zeros((LANES,), jnp.float32)

        def zstep(i, carry):
            acc_v[pl.ds(i * LANES, LANES)] = zeros16
            return carry

        lax.fori_loop(0, n_nodes // LANES, zstep, 0)
        plsc.subcore_barrier()
        row0 = w * rows_per_tile

        def fetch(k, b):
            rbase = row0 + k * CHUNK_ROWS
            pltpu.async_copy(src_hbm.at[pl.ds(rbase, CHUNK_ROWS)],
                             src_v.at[b], isem)
            pltpu.async_copy(dst_hbm.at[pl.ds(rbase, CHUNK_ROWS)],
                             dst_v.at[b], isem)
            pltpu.async_copy(ew_hbm.at[pl.ds(rbase, CHUNK_ROWS)],
                             ew_v.at[b], isem)

        def wait_idx(b):
            pltpu.make_async_copy(src_hbm.at[pl.ds(0, CHUNK_ROWS)],
                                  src_v.at[b], isem).wait()
            pltpu.make_async_copy(dst_hbm.at[pl.ds(0, CHUNK_ROWS)],
                                  dst_v.at[b], isem).wait()
            pltpu.make_async_copy(ew_hbm.at[pl.ds(0, CHUNK_ROWS)],
                                  ew_v.at[b], isem).wait()

        def fire_gathers(b):
            for j in range(CHUNK_ROWS):
                pltpu.async_copy(hws_sh.at[src_v.at[b, j]],
                                 hg_v.at[b, pl.ds(j * ROW, ROW)], gsem)

        def wait_hg(b):
            pltpu.make_async_copy(hws_sh.at[pl.ds(0, CHUNK)],
                                  hg_v.at[b], gsem).wait()

        fetch(0, 0)

        def pair(kk, carry):
            for b in range(2):
                k = kk * 2 + b
                wait_idx(b)
                fire_gathers(b)

                @pl.when(k + 1 < nchunks)
                def _():
                    fetch(k + 1, 1 - b)

                wait_hg(b)

                def row_loop(r, carry2):
                    for t in range(ROW // LANES):
                        d16 = dst_v[b, r, pl.ds(t * LANES, LANES)]
                        w16 = ew_v[b, r, pl.ds(t * LANES, LANES)]
                        h16 = hg_v[b, pl.ds(r * ROW + t * LANES, LANES)]
                        plsc.addupdate_scatter(acc_v, [d16], h16 * w16)
                    return carry2

                lax.fori_loop(0, CHUNK_ROWS, row_loop, 0)
            return carry

        lax.fori_loop(0, nchunks // 2, pair, 0)
        pltpu.sync_copy(acc_v, out_hbm.at[w])

    return body


def _dis_body(degp_ref, dis_ref):
    deg = jnp.sum(degp_ref[...], axis=0, keepdims=True) + 1.0
    dis_ref[...] = lax.rsqrt(deg)


def _xs_body(x_ref, dis_ref, xs_ref):
    xs_ref[...] = x_ref[...] * dis_ref[...]


def _dense_body(accp_ref, dis_ref, x_ref, w1_ref, b1_ref, w2t_ref, out_ref):
    dis = dis_ref[...]
    a = (accp_ref[0] + accp_ref[1]) * dis + x_ref[...] * (dis * dis)
    h = jnp.dot(a, w1_ref[...], preferred_element_type=jnp.float32)
    h = jnp.maximum(h + b1_ref[...], 0.0)
    hw = jnp.sum(h * w2t_ref[...], axis=1, keepdims=True)
    out_ref[...] = hw * dis


def _fin_body(accp_ref, hws_ref, dis_ref, b2_ref, out_ref):
    acc = jnp.sum(accp_ref[...], axis=0, keepdims=True) + hws_ref[...]
    out_ref[...] = acc * dis_ref[...] + b2_ref[...]


def kernel(x, edge_index, edge_weight, W1, b1, W2, b2):
    n = x.shape[0]
    e = edge_weight.shape[0]
    assert n % LANES == 0, n

    src = edge_index[0].astype(jnp.int32)
    dst = edge_index[1].astype(jnp.int32)
    ew = edge_weight.astype(jnp.float32)

    grain = NW * CHUNK * 2
    ep = ((e + grain - 1) // grain) * grain
    pad = ep - e
    if pad:
        padidx = jnp.arange(pad, dtype=jnp.int32) % n
        src = jnp.concatenate([src, padidx])
        dst = jnp.concatenate([dst, padidx])
        ew = jnp.concatenate([ew, jnp.zeros((pad,), jnp.float32)])
    rows = ep // ROW
    rows_per_tile = rows // NW
    src2 = src.reshape(rows, ROW)
    dst2 = dst.reshape(rows, ROW)
    ew2 = ew.reshape(rows, ROW)

    zeros8 = jnp.zeros((n, 8), jnp.float32)

    degp = _deg_kernel(n, rows_per_tile)(dst2, ew2)

    dis = pl.pallas_call(
        _dis_body,
        out_shape=jax.ShapeDtypeStruct((1, n), jnp.float32),
    )(degp)
    dis_col = dis.reshape(n, 1)
    bn = 4000
    xs = pl.pallas_call(
        _xs_body,
        grid=(n // bn,),
        in_specs=[
            pl.BlockSpec((bn, 8), lambda i: (i, 0)),
            pl.BlockSpec((bn, 1), lambda i: (i, 0)),
        ],
        out_specs=pl.BlockSpec((bn, 8), lambda i: (i, 0)),
        out_shape=jax.ShapeDtypeStruct((n, 8), jnp.float32),
    )(x, dis_col)

    acc1p = _l1_kernel(n, rows_per_tile)(src2, dst2, ew2, xs, zeros8)

    hws = pl.pallas_call(
        _dense_body,
        grid=(n // bn,),
        in_specs=[
            pl.BlockSpec((NC, bn, 8), lambda i: (0, i, 0)),
            pl.BlockSpec((bn, 1), lambda i: (i, 0)),
            pl.BlockSpec((bn, 8), lambda i: (i, 0)),
            pl.BlockSpec((8, 64), lambda i: (0, 0)),
            pl.BlockSpec((1, 64), lambda i: (0, 0)),
            pl.BlockSpec((1, 64), lambda i: (0, 0)),
        ],
        out_specs=pl.BlockSpec((bn, 1), lambda i: (i, 0)),
        out_shape=jax.ShapeDtypeStruct((n, 1), jnp.float32),
    )(acc1p, dis_col, x, W1, b1.reshape(1, 64), W2.reshape(1, 64))

    acc2p = _l2_kernel(n, rows_per_tile)(src2, dst2, ew2, hws.reshape(n))

    out = pl.pallas_call(
        _fin_body,
        out_shape=jax.ShapeDtypeStruct((1, n), jnp.float32),
    )(acc2p, hws.reshape(1, n), dis, b2.reshape(1, 1))
    return out.reshape(n, 1)

# --- scband reference (transcript-rebuilt; emitter-appended) ---
"""Pipeline reference for scband-gnn-19868518711604 (READ-ONLY COPY).

The authoritative reference and input builder live on the scoring server;
editing this copy changes nothing except your own understanding.
"""

import jax, jax.numpy as jnp
import numpy as np

N_NODES = 100000
N_EDGES = 6400000

def gcn_conv(x, edge_index, edge_weight, W, b):
    N = x.shape[0]
    src = edge_index[0]
    dst = edge_index[1]
    # add self loops with weight 1 (PyG GCNConv default add_self_loops=True)
    loop = jnp.arange(N, dtype=edge_index.dtype)
    src = jnp.concatenate([src, loop])
    dst = jnp.concatenate([dst, loop])
    ew = jnp.concatenate([edge_weight, jnp.ones((N,), dtype=x.dtype)])
    # symmetric normalization D^{-1/2} A D^{-1/2}
    deg = jnp.zeros((N,), dtype=x.dtype).at[dst].add(ew)
    deg_inv_sqrt = jnp.where(deg > 0, 1.0 / jnp.sqrt(deg), 0.0)
    norm = deg_inv_sqrt[src] * ew * deg_inv_sqrt[dst]
    # linear transform then message passing (gather from src, scatter-add to dst)
    xw = x @ W
    msgs = xw[src] * norm[:, None]
    out = jnp.zeros((N, W.shape[1]), dtype=x.dtype).at[dst].add(msgs)
    return out + b


def setup_inputs(seed: int = 0) -> dict:
    key = jax.random.key(seed)
    k1, k2, k3, k4, k5, k6, k7 = jax.random.split(key, 7)
    x = jax.random.normal(k1, (N_NODES, 8), dtype=jnp.float32)
    edge_index = jax.random.randint(k2, (2, N_EDGES), 0, N_NODES, dtype=jnp.int64)
    edge_weight = jax.random.uniform(k3, (N_EDGES,), dtype=jnp.float32)
    # GCNConv(8, 64) and GCNConv(64, 1) parameters (glorot init, zero bias)
    W1 = jax.random.normal(k4, (8, 64), dtype=jnp.float32) * (1.0 / np.sqrt(8))
    b1 = jnp.zeros((64,), dtype=jnp.float32)
    W2 = jax.random.normal(k5, (64, 1), dtype=jnp.float32) * (1.0 / np.sqrt(64))
    b2 = jnp.zeros((1,), dtype=jnp.float32)
    return {"x": x, "edge_index": edge_index, "edge_weight": edge_weight,
            "W1": W1, "b1": b1, "W2": W2, "b2": b2}


def reference(x, edge_index, edge_weight, W1, b1, W2, b2):
    h = gcn_conv(x, edge_index, edge_weight, W1, b1)
    h = jax.nn.relu(h)
    out = gcn_conv(h, edge_index, edge_weight, W2, b2)
    return out

if __name__ == "__main__":
    import jax
    _d = setup_inputs()
    print(jax.jit(kernel)(*tuple(_d.values())))

</pallas_src>

<mosaic_0001>
#map = affine_map<(d0, d1) -> (0, 0)>
module attributes {stable_mosaic.version = 14 : i64} {
  func.func @body(%arg0: i32, %arg1: i32, %arg2: memref<50176x128xi32, #tpu.memory_space<hbm>>, %arg3: memref<50176x128xf32, #tpu.memory_space<hbm>>, %arg4: memref<32x100000xf32, #tpu.memory_space<hbm>>, %arg5: memref<100000xf32, #tpu.memory_space<vmem>>, %arg6: memref<2x16x128xi32, #tpu.memory_space<vmem>>, %arg7: memref<2x16x128xf32, #tpu.memory_space<vmem>>, %arg8: memref<!tpu.dma_semaphore, #tpu.memory_space<semaphore_mem>>) attributes {dimension_semantics = [#tpu.dimension_semantics<core_parallel>, #tpu.dimension_semantics<subcore_parallel>], iteration_bounds = array<i64: 2, 16>, scalar_prefetch = 0 : i64, scratch_operands = 4 : i64, tpu.core_type = #tpu.core_type<sc_vector_subcore>, window_params = [{transform_indices = #map}, {transform_indices = #map}, {transform_indices = #map}]} {
    %mul3A = arith.constant 2 : i32
    %mul3A_0 = arith.muli %arg1, %mul3A : i32
    %add3A = arith.addi %mul3A_0, %arg0 : i32
    %broadcast_in_dim3A = arith.constant 0.000000e+00 : f32
    %broadcast_in_dim3A_1 = vector.broadcast %broadcast_in_dim3A : f32 to vector<16xf32>
    %scan3A = arith.constant 0 : i32
    %scan3A_2 = arith.constant 0 : i32
    %scan3A_3 = arith.constant 6250 : i32
    %scan3A_4 = arith.addi %scan3A_2, %scan3A_3 : i32
    %scan3A_5 = arith.constant 1 : i32
    scf.for %scan3A_42 = %scan3A_2 to %scan3A_4 step %scan3A_5  : i32 {
      %mul3A_43 = arith.constant 16 : i32
      %mul3A_44 = arith.muli %scan3A_42, %mul3A_43 : i32
      %swap3A = arith.index_cast %mul3A_44 : i32 to index
      %swap3A_45 = tpu.vector_load %arg5[%swap3A] {strides = array<i32>} : memref<100000xf32, #tpu.memory_space<vmem>>, vector<16xf32>,
      tpu.vector_store %arg5[%swap3A], %broadcast_in_dim3A_1 {strides = array<i32>} : memref<100000xf32, #tpu.memory_space<vmem>>, vector<16xf32>,
    }
    %scan3A_6 = arith.constant 6250 : i32
    %mul3A_7 = arith.constant 1568 : i32
    %mul3A_8 = arith.muli %add3A, %mul3A_7 : i32
    %add3A_9 = arith.constant 0 : i32
    %add3A_10 = arith.addi %mul3A_8, %add3A_9 : i32
    %dma_start3A = arith.constant 0 : i32
    %dma_start3A_11 = arith.constant 0 : i32
    %dma_start3A_12 = arith.constant 0 : i32
    %dma_start3A_13 = tpu.memref_slice %arg6[%dma_start3A, %dma_start3A_11, %dma_start3A_12] : memref<2x16x128xi32, #tpu.memory_space<vmem>> -> memref<1x16x128xi32, #tpu.memory_space<vmem>>
    %dma_start3A_14 = tpu.memref_squeeze %dma_start3A_13 : memref<1x16x128xi32, #tpu.memory_space<vmem>> -> memref<16x128xi32, #tpu.memory_space<vmem>>
    %dma_start3A_15 = arith.constant 0 : i32
    %dma_start3A_16 = tpu.memref_slice %arg2[%add3A_10, %dma_start3A_15] : memref<50176x128xi32, #tpu.memory_space<hbm>> -> memref<16x128xi32, #tpu.memory_space<hbm>>
    %dma_start3A_17 = arith.constant 0 : i32
    %dma_start3A_18 = arith.constant 0 : i32
    %dma_start3A_19 = tpu.memref_slice %arg6[%dma_start3A, %dma_start3A_17, %dma_start3A_18] : memref<2x16x128xi32, #tpu.memory_space<vmem>> -> memref<1x16x128xi32, #tpu.memory_space<vmem>>
    %dma_start3A_20 = tpu.memref_squeeze %dma_start3A_19 : memref<1x16x128xi32, #tpu.memory_space<vmem>> -> memref<16x128xi32, #tpu.memory_space<vmem>>
    %dma_start3A_21 = arith.constant 0 : i32
    %dma_start3A_22 = tpu.memref_slice %arg2[%add3A_10, %dma_start3A_21] : memref<50176x128xi32, #tpu.memory_space<hbm>> -> memref<16x128xi32, #tpu.memory_space<hbm>>
    tpu.enqueue_dma source(%dma_start3A_22 : memref<16x128xi32, #tpu.memory_space<hbm>>) target(%dma_start3A_20 : memref<16x128xi32, #tpu.memory_space<vmem>>) target_semaphore(%arg8 : memref<!tpu.dma_semaphore, #tpu.memory_space<semaphore_mem>>)
    %dma_start3A_23 = arith.constant 0 : i32
    %dma_start3A_24 = arith.constant 0 : i32
    %dma_start3A_25 = arith.constant 0 : i32
    %dma_start3A_26 = tpu.memref_slice %arg7[%dma_start3A_23, %dma_start3A_24, %dma_start3A_25] : memref<2x16x128xf32, #tpu.memory_space<vmem>> -> memref<1x16x128xf32, #tpu.memory_space<vmem>>
    %dma_start3A_27 = tpu.memref_squeeze %dma_start3A_26 : memref<1x16x128xf32, #tpu.memory_space<vmem>> -> memref<16x128xf32, #tpu.memory_space<vmem>>
    %dma_start3A_28 = arith.constant 0 : i32
    %dma_start3A_29 = tpu.memref_slice %arg3[%add3A_10, %dma_start3A_28] : memref<50176x128xf32, #tpu.memory_space<hbm>> -> memref<16x128xf32, #tpu.memory_space<hbm>>
    %dma_start3A_30 = arith.constant 0 : i32
    %dma_start3A_31 = arith.constant 0 : i32
    %dma_start3A_32 = tpu.memref_slice %arg7[%dma_start3A_23, %dma_start3A_30, %dma_start3A_31] : memref<2x16x128xf32, #tpu.memory_space<vmem>> -> memref<1x16x128xf32, #tpu.memory_space<vmem>>
    %dma_start3A_33 = tpu.memref_squeeze %dma_start3A_32 : memref<1x16x128xf32, #tpu.memory_space<vmem>> -> memref<16x128xf32, #tpu.memory_space<vmem>>
    %dma_start3A_34 = arith.constant 0 : i32
    %dma_start3A_35 = tpu.memref_slice %arg3[%add3A_10, %dma_start3A_34] : memref<50176x128xf32, #tpu.memory_space<hbm>> -> memref<16x128xf32, #tpu.memory_space<hbm>>
    tpu.enqueue_dma source(%dma_start3A_35 : memref<16x128xf32, #tpu.memory_space<hbm>>) target(%dma_start3A_33 : memref<16x128xf32, #tpu.memory_space<vmem>>) target_semaphore(%arg8 : memref<!tpu.dma_semaphore, #tpu.memory_space<semaphore_mem>>)
    %scan3A_36 = arith.constant 0 : i32
    %scan3A_37 = arith.constant 0 : i32
    %scan3A_38 = arith.constant 49 : i32
    %scan3A_39 = arith.addi %scan3A_37, %scan3A_38 : i32
    %scan3A_40 = arith.constant 1 : i32
    scf.for %scan3A_42 = %scan3A_37 to %scan3A_39 step %scan3A_40  : i32 {
      %mul3A_43 = arith.constant 2 : i32
      %mul3A_44 = arith.muli %scan3A_42, %mul3A_43 : i32
      %add3A_45 = arith.constant 0 : i32
      %add3A_46 = arith.addi %mul3A_44, %add3A_45 : i32
      %dma_wait3A = arith.constant 0 : i32
      %dma_wait3A_47 = arith.constant 0 : i32
      %dma_wait3A_48 = arith.constant 0 : i32
      %dma_wait3A_49 = tpu.memref_slice %arg6[%dma_wait3A, %dma_wait3A_47, %dma_wait3A_48] : memref<2x16x128xi32, #tpu.memory_space<vmem>> -> memref<1x16x128xi32, #tpu.memory_space<vmem>>
      %dma_wait3A_50 = tpu.memref_squeeze %dma_wait3A_49 : memref<1x16x128xi32, #tpu.memory_space<vmem>> -> memref<16x128xi32, #tpu.memory_space<vmem>>
      %dma_wait3A_51 = arith.constant 0 : i32
      %dma_wait3A_52 = arith.constant 0 : i32
      %dma_wait3A_53 = tpu.memref_slice %arg2[%dma_wait3A_51, %dma_wait3A_52] : memref<50176x128xi32, #tpu.memory_space<hbm>> -> memref<16x128xi32, #tpu.memory_space<hbm>>
      %dma_wait3A_54 = arith.constant 0 : i32
      %dma_wait3A_55 = arith.constant 0 : i32
      %dma_wait3A_56 = tpu.memref_slice %arg6[%dma_wait3A, %dma_wait3A_54, %dma_wait3A_55] : memref<2x16x128xi32, #tpu.memory_space<vmem>> -> memref<1x16x128xi32, #tpu.memory_space<vmem>>
      %dma_wait3A_57 = tpu.memref_squeeze %dma_wait3A_56 : memref<1x16x128xi32, #tpu.memory_space<vmem>> -> memref<16x128xi32, #tpu.memory_space<vmem>>
      %dma_wait3A_58 = arith.constant 0 : i32
      %dma_wait3A_59 = arith.constant 0 : i32
      %dma_wait3A_60 = tpu.memref_slice %arg2[%dma_wait3A_58, %dma_wait3A_59] : memref<50176x128xi32, #tpu.memory_space<hbm>> -> memref<16x128xi32, #tpu.memory_space<hbm>>
      tpu.wait_dma2 semaphore(%arg8 : memref<!tpu.dma_semaphore, #tpu.memory_space<semaphore_mem>>) src(%dma_wait3A_60 : memref<16x128xi32, #tpu.memory_space<hbm>>) dst(%dma_wait3A_57 : memref<16x128xi32, #tpu.memory_space<vmem>>)
      %dma_wait3A_61 = arith.constant 0 : i32
      %dma_wait3A_62 = arith.constant 0 : i32
      %dma_wait3A_63 = arith.constant 0 : i32
      %dma_wait3A_64 = tpu.memref_slice %arg7[%dma_wait3A_61, %dma_wait3A_62, %dma_wait3A_63] : memref<2x16x128xf32, #tpu.memory_space<vmem>> -> memref<1x16x128xf32, #tpu.memory_space<vmem>>
      %dma_wait3A_65 = tpu.memref_squeeze %dma_wait3A_64 : memref<1x16x128xf32, #tpu.memory_space<vmem>> -> memref<16x128xf32, #tpu.memory_space<vmem>>
      %dma_wait3A_66 = arith.constant 0 : i32
      %dma_wait3A_67 = arith.constant 0 : i32
      %dma_wait3A_68 = tpu.memref_slice %arg3[%dma_wait3A_66, %dma_wait3A_67] : memref<50176x128xf32, #tpu.memory_space<hbm>> -> memref<16x128xf32, #tpu.memory_space<hbm>>
      %dma_wait3A_69 = arith.constant 0 : i32
      %dma_wait3A_70 = arith.constant 0 : i32
      %dma_wait3A_71 = tpu.memref_slice %arg7[%dma_wait3A_61, %dma_wait3A_69, %dma_wait3A_70] : memref<2x16x128xf32, #tpu.memory_space<vmem>> -> memref<1x16x128xf32, #tpu.memory_space<vmem>>
      %dma_wait3A_72 = tpu.memref_squeeze %dma_wait3A_71 : memref<1x16x128xf32, #tpu.memory_space<vmem>> -> memref<16x128xf32, #tpu.memory_space<vmem>>
      %dma_wait3A_73 = arith.constant 0 : i32
      %dma_wait3A_74 = arith.constant 0 : i32
      %dma_wait3A_75 = tpu.memref_slice %arg3[%dma_wait3A_73, %dma_wait3A_74] : memref<50176x128xf32, #tpu.memory_space<hbm>> -> memref<16x128xf32, #tpu.memory_space<hbm>>
      tpu.wait_dma2 semaphore(%arg8 : memref<!tpu.dma_semaphore, #tpu.memory_space<semaphore_mem>>) src(%dma_wait3A_75 : memref<16x128xf32, #tpu.memory_space<hbm>>) dst(%dma_wait3A_72 : memref<16x128xf32, #tpu.memory_space<vmem>>)
      %add3A_76 = arith.constant 1 : i32
      %add3A_77 = arith.addi %add3A_46, %add3A_76 : i32
      %lt3A = arith.constant 98 : i32
      %lt3A_78 = arith.cmpi slt, %add3A_77, %lt3A : i32
      %convert_element_type3A = arith.extui %lt3A_78 : i1 to i32
      %cond3A = arith.constant 0 : i32
      %cond3A_79 = arith.cmpi ne, %convert_element_type3A, %cond3A : i32
      scf.if %cond3A_79 {
        %add3A_133 = arith.constant 1 : i32
        %add3A_134 = arith.addi %add3A_46, %add3A_133 : i32
        %mul3A_135 = arith.constant 16 : i32
        %mul3A_136 = arith.muli %add3A_134, %mul3A_135 : i32
        %add3A_137 = arith.addi %mul3A_8, %mul3A_136 : i32
        %dma_start3A_138 = arith.constant 1 : i32
        %dma_start3A_139 = arith.constant 0 : i32
        %dma_start3A_140 = arith.constant 0 : i32
        %dma_start3A_141 = tpu.memref_slice %arg6[%dma_start3A_138, %dma_start3A_139, %dma_start3A_140] : memref<2x16x128xi32, #tpu.memory_space<vmem>> -> memref<1x16x128xi32, #tpu.memory_space<vmem>>
        %dma_start3A_142 = tpu.memref_squeeze %dma_start3A_141 : memref<1x16x128xi32, #tpu.memory_space<vmem>> -> memref<16x128xi32, #tpu.memory_space<vmem>>
        %dma_start3A_143 = arith.constant 0 : i32
        %dma_start3A_144 = tpu.memref_slice %arg2[%add3A_137, %dma_start3A_143] : memref<50176x128xi32, #tpu.memory_space<hbm>> -> memref<16x128xi32, #tpu.memory_space<hbm>>
        %dma_start3A_145 = arith.constant 0 : i32
        %dma_start3A_146 = arith.constant 0 : i32
        %dma_start3A_147 = tpu.memref_slice %arg6[%dma_start3A_138, %dma_start3A_145, %dma_start3A_146] : memref<2x16x128xi32, #tpu.memory_space<vmem>> -> memref<1x16x128xi32, #tpu.memory_space<vmem>>
        %dma_start3A_148 = tpu.memref_squeeze %dma_start3A_147 : memref<1x16x128xi32, #tpu.memory_space<vmem>> -> memref<16x128xi32, #tpu.memory_space<vmem>>
        %dma_start3A_149 = arith.constant 0 : i32
        %dma_start3A_150 = tpu.memref_slice %arg2[%add3A_137, %dma_start3A_149] : memref<50176x128xi32, #tpu.memory_space<hbm>> -> memref<16x128xi32, #tpu.memory_space<hbm>>
        tpu.enqueue_dma source(%dma_start3A_150 : memref<16x128xi32, #tpu.memory_space<hbm>>) target(%dma_start3A_148 : memref<16x128xi32, #tpu.memory_space<vmem>>) target_semaphore(%arg8 : memref<!tpu.dma_semaphore, #tpu.memory_space<semaphore_mem>>)
        %dma_start3A_151 = arith.constant 1 : i32
        %dma_start3A_152 = arith.constant 0 : i32
        %dma_start3A_153 = arith.constant 0 : i32
        %dma_start3A_154 = tpu.memref_slice %arg7[%dma_start3A_151, %dma_start3A_152, %dma_start3A_153] : memref<2x16x128xf32, #tpu.memory_space<vmem>> -> memref<1x16x128xf32, #tpu.memory_space<vmem>>
        %dma_start3A_155 = tpu.memref_squeeze %dma_start3A_154 : memref<1x16x128xf32, #tpu.memory_space<vmem>> -> memref<16x128xf32, #tpu.memory_space<vmem>>
        %dma_start3A_156 = arith.constant 0 : i32
        %dma_start3A_157 = tpu.memref_slice %arg3[%add3A_137, %dma_start3A_156] : memref<50176x128xf32, #tpu.memory_space<hbm>> -> memref<16x128xf32, #tpu.memory_space<hbm>>
        %dma_start3A_158 = arith.constant 0 : i32
        %dma_start3A_159 = arith.constant 0 : i32
        %dma_start3A_160 = tpu.memref_slice %arg7[%dma_start3A_151, %dma_start3A_158, %dma_start3A_159] : memref<2x16x128xf32, #tpu.memory_space<vmem>> -> memref<1x16x128xf32, #tpu.memory_space<vmem>>
        %dma_start3A_161 = tpu.memref_squeeze %dma_start3A_160 : memref<1x16x128xf32, #tpu.memory_space<vmem>> -> memref<16x128xf32, #tpu.memory_space<vmem>>
        %dma_start3A_162 = arith.constant 0 : i32
        %dma_start3A_163 = tpu.memref_slice %arg3[%add3A_137, %dma_start3A_162] : memref<50176x128xf32, #tpu.memory_space<hbm>> -> memref<16x128xf32, #tpu.memory_space<hbm>>
        tpu.enqueue_dma source(%dma_start3A_163 : memref<16x128xf32, #tpu.memory_space<hbm>>) target(%dma_start3A_161 : memref<16x128xf32, #tpu.memory_space<vmem>>) target_semaphore(%arg8 : memref<!tpu.dma_semaphore, #tpu.memory_space<semaphore_mem>>)
      } else {
      }
      %scan3A_80 = arith.constant 0 : i32
      %scan3A_81 = arith.constant 0 : i32
      %scan3A_82 = arith.constant 16 : i32
      %scan3A_83 = arith.addi %scan3A_81, %scan3A_82 : i32
      %scan3A_84 = arith.constant 1 : i32
      scf.for %scan3A_133 = %scan3A_81 to %scan3A_83 step %scan3A_84  : i32 {
        %get3A = arith.constant 0 : i32
        %get3A_134 = arith.index_cast %get3A : i32 to index
        %get3A_135 = arith.index_cast %scan3A_133 : i32 to index
        %get3A_136 = arith.constant 0 : index
        %get3A_137 = tpu.vector_load %arg6[%get3A_134, %get3A_135, %get3A_136] {strides = array<i32>} : memref<2x16x128xi32, #tpu.memory_space<vmem>>, vector<16xi32>,
        %get3A_138 = arith.constant 0 : i32
        %get3A_139 = arith.index_cast %get3A_138 : i32 to index
        %get3A_140 = arith.index_cast %scan3A_133 : i32 to index
        %get3A_141 = arith.constant 0 : index
        %get3A_142 = tpu.vector_load %arg7[%get3A_139, %get3A_140, %get3A_141] {strides = array<i32>} : memref<2x16x128xf32, #tpu.memory_space<vmem>>, vector<16xf32>,
        tpu.vector_store_idx %arg5[%get3A_137], %get3A_142 {add = true} : memref<100000xf32, #tpu.memory_space<vmem>>[vector<16xi32>], vector<16xf32>,
        %get3A_143 = arith.constant 0 : i32
        %get3A_144 = arith.index_cast %get3A_143 : i32 to index
        %get3A_145 = arith.index_cast %scan3A_133 : i32 to index
        %get3A_146 = arith.constant 16 : index
        %get3A_147 = tpu.vector_load %arg6[%get3A_144, %get3A_145, %get3A_146] {strides = array<i32>} : memref<2x16x128xi32, #tpu.memory_space<vmem>>, vector<16xi32>,
        %get3A_148 = arith.constant 0 : i32
        %get3A_149 = arith.index_cast %get3A_148 : i32 to index
        %get3A_150 = arith.index_cast %scan3A_133 : i32 to index
        %get3A_151 = arith.constant 16 : index
        %get3A_152 = tpu.vector_load %arg7[%get3A_149, %get3A_150, %get3A_151] {strides = array<i32>} : memref<2x16x128xf32, #tpu.memory_space<vmem>>, vector<16xf32>,
        tpu.vector_store_idx %arg5[%get3A_147], %get3A_152 {add = true} : memref<100000xf32, #tpu.memory_space<vmem>>[vector<16xi32>], vector<16xf32>,
        %get3A_153 = arith.constant 0 : i32
        %get3A_154 = arith.index_cast %get3A_153 : i32 to index
        %get3A_155 = arith.index_cast %scan3A_133 : i32 to index
        %get3A_156 = arith.constant 32 : index
        %get3A_157 = tpu.vector_load %arg6[%get3A_154, %get3A_155, %get3A_156] {strides = array<i32>} : memref<2x16x128xi32, #tpu.memory_space<vmem>>, vector<16xi32>,
        %get3A_158 = arith.constant 0 : i32
        %get3A_159 = arith.index_cast %get3A_158 : i32 to index
        %get3A_160 = arith.index_cast %scan3A_133 : i32 to index
        %get3A_161 = arith.constant 32 : index
        %get3A_162 = tpu.vector_load %arg7[%get3A_159, %get3A_160, %get3A_161] {strides = array<i32>} : memref<2x16x128xf32, #tpu.memory_space<vmem>>, vector<16xf32>,
        tpu.vector_store_idx %arg5[%get3A_157], %get3A_162 {add = true} : memref<100000xf32, #tpu.memory_space<vmem>>[vector<16xi32>], vector<16xf32>,
        %get3A_163 = arith.constant 0 : i32
        %get3A_164 = arith.index_cast %get3A_163 : i32 to index
        %get3A_165 = arith.index_cast %scan3A_133 : i32 to index
        %get3A_166 = arith.constant 48 : index
        %get3A_167 = tpu.vector_load %arg6[%get3A_164, %get3A_165, %get3A_166] {strides = array<i32>} : memref<2x16x128xi32, #tpu.memory_space<vmem>>, vector<16xi32>,
        %get3A_168 = arith.constant 0 : i32
        %get3A_169 = arith.index_cast %get3A_168 : i32 to index
        %get3A_170 = arith.index_cast %scan3A_133 : i32 to index
        %get3A_171 = arith.constant 48 : index
        %get3A_172 = tpu.vector_load %arg7[%get3A_169, %get3A_170, %get3A_171] {strides = array<i32>} : memref<2x16x128xf32, #tpu.memory_space<vmem>>, vector<16xf32>,
        tpu.vector_store_idx %arg5[%get3A_167], %get3A_172 {add = true} : memref<100000xf32, #tpu.memory_space<vmem>>[vector<16xi32>], vector<16xf32>,
        %get3A_173 = arith.constant 0 : i32
        %get3A_174 = arith.index_cast %get3A_173 : i32 to index
        %get3A_175 = arith.index_cast %scan3A_133 : i32 to index
        %get3A_176 = arith.constant 64 : index
        %get3A_177 = tpu.vector_load %arg6[%get3A_174, %get3A_175, %get3A_176] {strides = array<i32>} : memref<2x16x128xi32, #tpu.memory_space<vmem>>, vector<16xi32>,
        %get3A_178 = arith.constant 0 : i32
        %get3A_179 = arith.index_cast %get3A_178 : i32 to index
        %get3A_180 = arith.index_cast %scan3A_133 : i32 to index
        %get3A_181 = arith.constant 64 : index
        %get3A_182 = tpu.vector_load %arg7[%get3A_179, %get3A_180, %get3A_181] {strides = array<i32>} : memref<2x16x128xf32, #tpu.memory_space<vmem>>, vector<16xf32>,
        tpu.vector_store_idx %arg5[%get3A_177], %get3A_182 {add = true} : memref<100000xf32, #tpu.memory_space<vmem>>[vector<16xi32>], vector<16xf32>,
        %get3A_183 = arith.constant 0 : i32
        %get3A_184 = arith.index_cast %get3A_183 : i32 to index
        %get3A_185 = arith.index_cast %scan3A_133 : i32 to index
        %get3A_186 = arith.constant 80 : index
        %get3A_187 = tpu.vector_load %arg6[%get3A_184, %get3A_185, %get3A_186] {strides = array<i32>} : memref<2x16x128xi32, #tpu.memory_space<vmem>>, vector<16xi32>,
        %get3A_188 = arith.constant 0 : i32
        %get3A_189 = arith.index_cast %get3A_188 : i32 to index
        %get3A_190 = arith.index_cast %scan3A_133 : i32 to index
        %get3A_191 = arith.constant 80 : index
        %get3A_192 = tpu.vector_load %arg7[%get3A_189, %get3A_190, %get3A_191] {strides = array<i32>} : memref<2x16x128xf32, #tpu.memory_space<vmem>>, vector<16xf32>,
        tpu.vector_store_idx %arg5[%get3A_187], %get3A_192 {add = true} : memref<100000xf32, #tpu.memory_space<vmem>>[vector<16xi32>], vector<16xf32>,
        %get3A_193 = arith.constant 0 : i32
        %get3A_194 = arith.index_cast %get3A_193 : i32 to index
        %get3A_195 = arith.index_cast %scan3A_133 : i32 to index
        %get3A_196 = arith.constant 96 : index
        %get3A_197 = tpu.vector_load %arg6[%get3A_194, %get3A_195, %get3A_196] {strides = array<i32>} : memref<2x16x128xi32, #tpu.memory_space<vmem>>, vector<16xi32>,
        %get3A_198 = arith.constant 0 : i32
        %get3A_199 = arith.index_cast %get3A_198 : i32 to index
        %get3A_200 = arith.index_cast %scan3A_133 : i32 to index
        %get3A_201 = arith.constant 96 : index
        %get3A_202 = tpu.vector_load %arg7[%get3A_199, %get3A_200, %get3A_201] {strides = array<i32>} : memref<2x16x128xf32, #tpu.memory_space<vmem>>, vector<16xf32>,
        tpu.vector_store_idx %arg5[%get3A_197], %get3A_202 {add = true} : memref<100000xf32, #tpu.memory_space<vmem>>[vector<16xi32>], vector<16xf32>,
        %get3A_203 = arith.constant 0 : i32
        %get3A_204 = arith.index_cast %get3A_203 : i32 to index
        %get3A_205 = arith.index_cast %scan3A_133 : i32 to index
        %get3A_206 = arith.constant 112 : index
        %get3A_207 = tpu.vector_load %arg6[%get3A_204, %get3A_205, %get3A_206] {strides = array<i32>} : memref<2x16x128xi32, #tpu.memory_space<vmem>>, vector<16xi32>,
        %get3A_208 = arith.constant 0 : i32
        %get3A_209 = arith.index_cast %get3A_208 : i32 to index
        %get3A_210 = arith.index_cast %scan3A_133 : i32 to index
        %get3A_211 = arith.constant 112 : index
        %get3A_212 = tpu.vector_load %arg7[%get3A_209, %get3A_210, %get3A_211] {strides = array<i32>} : memref<2x16x128xf32, #tpu.memory_space<vmem>>, vector<16xf32>,
        tpu.vector_store_idx %arg5[%get3A_207], %get3A_212 {add = true} : memref<100000xf32, #tpu.memory_space<vmem>>[vector<16xi32>], vector<16xf32>,
      }
      %scan3A_85 = arith.constant 16 : i32
      %mul3A_86 = arith.constant 2 : i32
      %mul3A_87 = arith.muli %scan3A_42, %mul3A_86 : i32
      %add3A_88 = arith.constant 1 : i32
      %add3A_89 = arith.addi %mul3A_87, %add3A_88 : i32
      %dma_wait3A_90 = arith.constant 1 : i32
      %dma_wait3A_91 = arith.constant 0 : i32
      %dma_wait3A_92 = arith.constant 0 : i32
      %dma_wait3A_93 = tpu.memref_slice %arg6[%dma_wait3A_90, %dma_wait3A_91, %dma_wait3A_92] : memref<2x16x128xi32, #tpu.memory_space<vmem>> -> memref<1x16x128xi32, #tpu.memory_space<vmem>>
      %dma_wait3A_94 = tpu.memref_squeeze %dma_wait3A_93 : memref<1x16x128xi32, #tpu.memory_space<vmem>> -> memref<16x128xi32, #tpu.memory_space<vmem>>
      %dma_wait3A_95 = arith.constant 0 : i32
      %dma_wait3A_96 = arith.constant 0 : i32
      %dma_wait3A_97 = tpu.memref_slice %arg2[%dma_wait3A_95, %dma_wait3A_96] : memref<50176x128xi32, #tpu.memory_space<hbm>> -> memref<16x128xi32, #tpu.memory_space<hbm>>
      %dma_wait3A_98 = arith.constant 0 : i32
      %dma_wait3A_99 = arith.constant 0 : i32
      %dma_wait3A_100 = tpu.memref_slice %arg6[%dma_wait3A_90, %dma_wait3A_98, %dma_wait3A_99] : memref<2x16x128xi32, #tpu.memory_space<vmem>> -> memref<1x16x128xi32, #tpu.memory_space<vmem>>
      %dma_wait3A_101 = tpu.memref_squeeze %dma_wait3A_100 : memref<1x16x128xi32, #tpu.memory_space<vmem>> -> memref<16x128xi32, #tpu.memory_space<vmem>>
      %dma_wait3A_102 = arith.constant 0 : i32
      %dma_wait3A_103 = arith.constant 0 : i32
      %dma_wait3A_104 = tpu.memref_slice %arg2[%dma_wait3A_102, %dma_wait3A_103] : memref<50176x128xi32, #tpu.memory_space<hbm>> -> memref<16x128xi32, #tpu.memory_space<hbm>>
      tpu.wait_dma2 semaphore(%arg8 : memref<!tpu.dma_semaphore, #tpu.memory_space<semaphore_mem>>) src(%dma_wait3A_104 : memref<16x128xi32, #tpu.memory_space<hbm>>) dst(%dma_wait3A_101 : memref<16x128xi32, #tpu.memory_space<vmem>>)
      %dma_wait3A_105 = arith.constant 1 : i32
      %dma_wait3A_106 = arith.constant 0 : i32
      %dma_wait3A_107 = arith.constant 0 : i32
      %dma_wait3A_108 = tpu.memref_slice %arg7[%dma_wait3A_105, %dma_wait3A_106, %dma_wait3A_107] : memref<2x16x128xf32, #tpu.memory_space<vmem>> -> memref<1x16x128xf32, #tpu.memory_space<vmem>>
      %dma_wait3A_109 = tpu.memref_squeeze %dma_wait3A_108 : memref<1x16x128xf32, #tpu.memory_space<vmem>> -> memref<16x128xf32, #tpu.memory_space<vmem>>
      %dma_wait3A_110 = arith.constant 0 : i32
      %dma_wait3A_111 = arith.constant 0 : i32
      %dma_wait3A_112 = tpu.memref_slice %arg3[%dma_wait3A_110, %dma_wait3A_111] : memref<50176x128xf32, #tpu.memory_space<hbm>> -> memref<16x128xf32, #tpu.memory_space<hbm>>
      %dma_wait3A_113 = arith.constant 0 : i32
      %dma_wait3A_114 = arith.constant 0 : i32
      %dma_wait3A_115 = tpu.memref_slice %arg7[%dma_wait3A_105, %dma_wait3A_113, %dma_wait3A_114] : memref<2x16x128xf32, #tpu.memory_space<vmem>> -> memref<1x16x128xf32, #tpu.memory_space<vmem>>
      %dma_wait3A_116 = tpu.memref_squeeze %dma_wait3A_115 : memref<1x16x128xf32, #tpu.memory_space<vmem>> -> memref<16x128xf32, #tpu.memory_space<vmem>>
      %dma_wait3A_117 = arith.constant 0 : i32
      %dma_wait3A_118 = arith.constant 0 : i32
      %dma_wait3A_119 = tpu.memref_slice %arg3[%dma_wait3A_117, %dma_wait3A_118] : memref<50176x128xf32, #tpu.memory_space<hbm>> -> memref<16x128xf32, #tpu.memory_space<hbm>>
      tpu.wait_dma2 semaphore(%arg8 : memref<!tpu.dma_semaphore, #tpu.memory_space<semaphore_mem>>) src(%dma_wait3A_119 : memref<16x128xf32, #tpu.memory_space<hbm>>) dst(%dma_wait3A_116 : memref<16x128xf32, #tpu.memory_space<vmem>>)
      %add3A_120 = arith.constant 1 : i32
      %add3A_121 = arith.addi %add3A_89, %add3A_120 : i32
      %lt3A_122 = arith.constant 98 : i32
      %lt3A_123 = arith.cmpi slt, %add3A_121, %lt3A_122 : i32
      %convert_element_type3A_124 = arith.extui %lt3A_123 : i1 to i32
      %cond3A_125 = arith.constant 0 : i32
      %cond3A_126 = arith.cmpi ne, %convert_element_type3A_124, %cond3A_125 : i32
      scf.if %cond3A_126 {
        %add3A_133 = arith.constant 1 : i32
        %add3A_134 = arith.addi %add3A_89, %add3A_133 : i32
        %mul3A_135 = arith.constant 16 : i32
        %mul3A_136 = arith.muli %add3A_134, %mul3A_135 : i32
        %add3A_137 = arith.addi %mul3A_8, %mul3A_136 : i32
        %dma_start3A_138 = arith.constant 0 : i32
        %dma_start3A_139 = arith.constant 0 : i32
        %dma_start3A_140 = arith.constant 0 : i32
        %dma_start3A_141 = tpu.memref_slice %arg6[%dma_start3A_138, %dma_start3A_139, %dma_start3A_140] : memref<2x16x128xi32, #tpu.memory_space<vmem>> -> memref<1x16x128xi32, #tpu.memory_space<vmem>>
        %dma_start3A_142 = tpu.memref_squeeze %dma_start3A_141 : memref<1x16x128xi32, #tpu.memory_space<vmem>> -> memref<16x128xi32, #tpu.memory_space<vmem>>
        %dma_start3A_143 = arith.constant 0 : i32
        %dma_start3A_144 = tpu.memref_slice %arg2[%add3A_137, %dma_start3A_143] : memref<50176x128xi32, #tpu.memory_space<hbm>> -> memref<16x128xi32, #tpu.memory_space<hbm>>
        %dma_start3A_145 = arith.constant 0 : i32
        %dma_start3A_146 = arith.constant 0 : i32
        %dma_start3A_147 = tpu.memref_slice %arg6[%dma_start3A_138, %dma_start3A_145, %dma_start3A_146] : memref<2x16x128xi32, #tpu.memory_space<vmem>> -> memref<1x16x128xi32, #tpu.memory_space<vmem>>
        %dma_start3A_148 = tpu.memref_squeeze %dma_start3A_147 : memref<1x16x128xi32, #tpu.memory_space<vmem>> -> memref<16x128xi32, #tpu.memory_space<vmem>>
        %dma_start3A_149 = arith.constant 0 : i32
        %dma_start3A_150 = tpu.memref_slice %arg2[%add3A_137, %dma_start3A_149] : memref<50176x128xi32, #tpu.memory_space<hbm>> -> memref<16x128xi32, #tpu.memory_space<hbm>>
        tpu.enqueue_dma source(%dma_start3A_150 : memref<16x128xi32, #tpu.memory_space<hbm>>) target(%dma_start3A_148 : memref<16x128xi32, #tpu.memory_space<vmem>>) target_semaphore(%arg8 : memref<!tpu.dma_semaphore, #tpu.memory_space<semaphore_mem>>)
        %dma_start3A_151 = arith.constant 0 : i32
        %dma_start3A_152 = arith.constant 0 : i32
        %dma_start3A_153 = arith.constant 0 : i32
        %dma_start3A_154 = tpu.memref_slice %arg7[%dma_start3A_151, %dma_start3A_152, %dma_start3A_153] : memref<2x16x128xf32, #tpu.memory_space<vmem>> -> memref<1x16x128xf32, #tpu.memory_space<vmem>>
        %dma_start3A_155 = tpu.memref_squeeze %dma_start3A_154 : memref<1x16x128xf32, #tpu.memory_space<vmem>> -> memref<16x128xf32, #tpu.memory_space<vmem>>
        %dma_start3A_156 = arith.constant 0 : i32
        %dma_start3A_157 = tpu.memref_slice %arg3[%add3A_137, %dma_start3A_156] : memref<50176x128xf32, #tpu.memory_space<hbm>> -> memref<16x128xf32, #tpu.memory_space<hbm>>
        %dma_start3A_158 = arith.constant 0 : i32
        %dma_start3A_159 = arith.constant 0 : i32
        %dma_start3A_160 = tpu.memref_slice %arg7[%dma_start3A_151, %dma_start3A_158, %dma_start3A_159] : memref<2x16x128xf32, #tpu.memory_space<vmem>> -> memref<1x16x128xf32, #tpu.memory_space<vmem>>
        %dma_start3A_161 = tpu.memref_squeeze %dma_start3A_160 : memref<1x16x128xf32, #tpu.memory_space<vmem>> -> memref<16x128xf32, #tpu.memory_space<vmem>>
        %dma_start3A_162 = arith.constant 0 : i32
        %dma_start3A_163 = tpu.memref_slice %arg3[%add3A_137, %dma_start3A_162] : memref<50176x128xf32, #tpu.memory_space<hbm>> -> memref<16x128xf32, #tpu.memory_space<hbm>>
        tpu.enqueue_dma source(%dma_start3A_163 : memref<16x128xf32, #tpu.memory_space<hbm>>) target(%dma_start3A_161 : memref<16x128xf32, #tpu.memory_space<vmem>>) target_semaphore(%arg8 : memref<!tpu.dma_semaphore, #tpu.memory_space<semaphore_mem>>)
      } else {
      }
      %scan3A_127 = arith.constant 0 : i32
      %scan3A_128 = arith.constant 0 : i32
      %scan3A_129 = arith.constant 16 : i32
      %scan3A_130 = arith.addi %scan3A_128, %scan3A_129 : i32
      %scan3A_131 = arith.constant 1 : i32
      scf.for %scan3A_133 = %scan3A_128 to %scan3A_130 step %scan3A_131  : i32 {
        %get3A = arith.constant 1 : i32
        %get3A_134 = arith.index_cast %get3A : i32 to index
        %get3A_135 = arith.index_cast %scan3A_133 : i32 to index
        %get3A_136 = arith.constant 0 : index
        %get3A_137 = tpu.vector_load %arg6[%get3A_134, %get3A_135, %get3A_136] {strides = array<i32>} : memref<2x16x128xi32, #tpu.memory_space<vmem>>, vector<16xi32>,
        %get3A_138 = arith.constant 1 : i32
        %get3A_139 = arith.index_cast %get3A_138 : i32 to index
        %get3A_140 = arith.index_cast %scan3A_133 : i32 to index
        %get3A_141 = arith.constant 0 : index
        %get3A_142 = tpu.vector_load %arg7[%get3A_139, %get3A_140, %get3A_141] {strides = array<i32>} : memref<2x16x128xf32, #tpu.memory_space<vmem>>, vector<16xf32>,
        tpu.vector_store_idx %arg5[%get3A_137], %get3A_142 {add = true} : memref<100000xf32, #tpu.memory_space<vmem>>[vector<16xi32>], vector<16xf32>,
        %get3A_143 = arith.constant 1 : i32
        %get3A_144 = arith.index_cast %get3A_143 : i32 to index
        %get3A_145 = arith.index_cast %scan3A_133 : i32 to index
        %get3A_146 = arith.constant 16 : index
        %get3A_147 = tpu.vector_load %arg6[%get3A_144, %get3A_145, %get3A_146] {strides = array<i32>} : memref<2x16x128xi32, #tpu.memory_space<vmem>>, vector<16xi32>,
        %get3A_148 = arith.constant 1 : i32
        %get3A_149 = arith.index_cast %get3A_148 : i32 to index
        %get3A_150 = arith.index_cast %scan3A_133 : i32 to index
        %get3A_151 = arith.constant 16 : index
        %get3A_152 = tpu.vector_load %arg7[%get3A_149, %get3A_150, %get3A_151] {strides = array<i32>} : memref<2x16x128xf32, #tpu.memory_space<vmem>>, vector<16xf32>,
        tpu.vector_store_idx %arg5[%get3A_147], %get3A_152 {add = true} : memref<100000xf32, #tpu.memory_space<vmem>>[vector<16xi32>], vector<16xf32>,
        %get3A_153 = arith.constant 1 : i32
        %get3A_154 = arith.index_cast %get3A_153 : i32 to index
        %get3A_155 = arith.index_cast %scan3A_133 : i32 to index
        %get3A_156 = arith.constant 32 : index
        %get3A_157 = tpu.vector_load %arg6[%get3A_154, %get3A_155, %get3A_156] {strides = array<i32>} : memref<2x16x128xi32, #tpu.memory_space<vmem>>, vector<16xi32>,
        %get3A_158 = arith.constant 1 : i32
        %get3A_159 = arith.index_cast %get3A_158 : i32 to index
        %get3A_160 = arith.index_cast %scan3A_133 : i32 to index
        %get3A_161 = arith.constant 32 : index
        %get3A_162 = tpu.vector_load %arg7[%get3A_159, %get3A_160, %get3A_161] {strides = array<i32>} : memref<2x16x128xf32, #tpu.memory_space<vmem>>, vector<16xf32>,
        tpu.vector_store_idx %arg5[%get3A_157], %get3A_162 {add = true} : memref<100000xf32, #tpu.memory_space<vmem>>[vector<16xi32>], vector<16xf32>,
        %get3A_163 = arith.constant 1 : i32
        %get3A_164 = arith.index_cast %get3A_163 : i32 to index
        %get3A_165 = arith.index_cast %scan3A_133 : i32 to index
        %get3A_166 = arith.constant 48 : index
        %get3A_167 = tpu.vector_load %arg6[%get3A_164, %get3A_165, %get3A_166] {strides = array<i32>} : memref<2x16x128xi32, #tpu.memory_space<vmem>>, vector<16xi32>,
        %get3A_168 = arith.constant 1 : i32
        %get3A_169 = arith.index_cast %get3A_168 : i32 to index
        %get3A_170 = arith.index_cast %scan3A_133 : i32 to index
        %get3A_171 = arith.constant 48 : index
        %get3A_172 = tpu.vector_load %arg7[%get3A_169, %get3A_170, %get3A_171] {strides = array<i32>} : memref<2x16x128xf32, #tpu.memory_space<vmem>>, vector<16xf32>,
        tpu.vector_store_idx %arg5[%get3A_167], %get3A_172 {add = true} : memref<100000xf32, #tpu.memory_space<vmem>>[vector<16xi32>], vector<16xf32>,
        %get3A_173 = arith.constant 1 : i32
        %get3A_174 = arith.index_cast %get3A_173 : i32 to index
        %get3A_175 = arith.index_cast %scan3A_133 : i32 to index
        %get3A_176 = arith.constant 64 : index
        %get3A_177 = tpu.vector_load %arg6[%get3A_174, %get3A_175, %get3A_176] {strides = array<i32>} : memref<2x16x128xi32, #tpu.memory_space<vmem>>, vector<16xi32>,
        %get3A_178 = arith.constant 1 : i32
        %get3A_179 = arith.index_cast %get3A_178 : i32 to index
        %get3A_180 = arith.index_cast %scan3A_133 : i32 to index
        %get3A_181 = arith.constant 64 : index
        %get3A_182 = tpu.vector_load %arg7[%get3A_179, %get3A_180, %get3A_181] {strides = array<i32>} : memref<2x16x128xf32, #tpu.memory_space<vmem>>, vector<16xf32>,
        tpu.vector_store_idx %arg5[%get3A_177], %get3A_182 {add = true} : memref<100000xf32, #tpu.memory_space<vmem>>[vector<16xi32>], vector<16xf32>,
        %get3A_183 = arith.constant 1 : i32
        %get3A_184 = arith.index_cast %get3A_183 : i32 to index
        %get3A_185 = arith.index_cast %scan3A_133 : i32 to index
        %get3A_186 = arith.constant 80 : index
        %get3A_187 = tpu.vector_load %arg6[%get3A_184, %get3A_185, %get3A_186] {strides = array<i32>} : memref<2x16x128xi32, #tpu.memory_space<vmem>>, vector<16xi32>,
        %get3A_188 = arith.constant 1 : i32
        %get3A_189 = arith.index_cast %get3A_188 : i32 to index
        %get3A_190 = arith.index_cast %scan3A_133 : i32 to index
        %get3A_191 = arith.constant 80 : index
        %get3A_192 = tpu.vector_load %arg7[%get3A_189, %get3A_190, %get3A_191] {strides = array<i32>} : memref<2x16x128xf32, #tpu.memory_space<vmem>>, vector<16xf32>,
        tpu.vector_store_idx %arg5[%get3A_187], %get3A_192 {add = true} : memref<100000xf32, #tpu.memory_space<vmem>>[vector<16xi32>], vector<16xf32>,
        %get3A_193 = arith.constant 1 : i32
        %get3A_194 = arith.index_cast %get3A_193 : i32 to index
        %get3A_195 = arith.index_cast %scan3A_133 : i32 to index
        %get3A_196 = arith.constant 96 : index
        %get3A_197 = tpu.vector_load %arg6[%get3A_194, %get3A_195, %get3A_196] {strides = array<i32>} : memref<2x16x128xi32, #tpu.memory_space<vmem>>, vector<16xi32>,
        %get3A_198 = arith.constant 1 : i32
        %get3A_199 = arith.index_cast %get3A_198 : i32 to index
        %get3A_200 = arith.index_cast %scan3A_133 : i32 to index
        %get3A_201 = arith.constant 96 : index
        %get3A_202 = tpu.vector_load %arg7[%get3A_199, %get3A_200, %get3A_201] {strides = array<i32>} : memref<2x16x128xf32, #tpu.memory_space<vmem>>, vector<16xf32>,
        tpu.vector_store_idx %arg5[%get3A_197], %get3A_202 {add = true} : memref<100000xf32, #tpu.memory_space<vmem>>[vector<16xi32>], vector<16xf32>,
        %get3A_203 = arith.constant 1 : i32
        %get3A_204 = arith.index_cast %get3A_203 : i32 to index
        %get3A_205 = arith.index_cast %scan3A_133 : i32 to index
        %get3A_206 = arith.constant 112 : index
        %get3A_207 = tpu.vector_load %arg6[%get3A_204, %get3A_205, %get3A_206] {strides = array<i32>} : memref<2x16x128xi32, #tpu.memory_space<vmem>>, vector<16xi32>,
        %get3A_208 = arith.constant 1 : i32
        %get3A_209 = arith.index_cast %get3A_208 : i32 to index
        %get3A_210 = arith.index_cast %scan3A_133 : i32 to index
        %get3A_211 = arith.constant 112 : index
        %get3A_212 = tpu.vector_load %arg7[%get3A_209, %get3A_210, %get3A_211] {strides = array<i32>} : memref<2x16x128xf32, #tpu.memory_space<vmem>>, vector<16xf32>,
        tpu.vector_store_idx %arg5[%get3A_207], %get3A_212 {add = true} : memref<100000xf32, #tpu.memory_space<vmem>>[vector<16xi32>], vector<16xf32>,
      }
      %scan3A_132 = arith.constant 16 : i32
    }
    %scan3A_41 = arith.constant 49 : i32
    "tpu.region"() ({
      %run_scoped3A = tpu.sem_alloc : memref<!tpu.dma_semaphore, #tpu.memory_space<semaphore_mem>>
      %dma_start3A_42 = arith.constant 0 : i32
      %dma_start3A_43 = tpu.memref_slice %arg4[%add3A, %dma_start3A_42] : memref<32x100000xf32, #tpu.memory_space<hbm>> -> memref<1x100000xf32, #tpu.memory_space<hbm>>
      %dma_start3A_44 = tpu.memref_squeeze %dma_start3A_43 : memref<1x100000xf32, #tpu.memory_space<hbm>> -> memref<100000xf32, #tpu.memory_space<hbm>>
      %dma_start3A_45 = arith.constant 0 : i32
      %dma_start3A_46 = tpu.memref_slice %arg4[%add3A, %dma_start3A_45] : memref<32x100000xf32, #tpu.memory_space<hbm>> -> memref<1x100000xf32, #tpu.memory_space<hbm>>
      %dma_start3A_47 = tpu.memref_squeeze %dma_start3A_46 : memref<1x100000xf32, #tpu.memory_space<hbm>> -> memref<100000xf32, #tpu.memory_space<hbm>>
      tpu.enqueue_dma source(%arg5 : memref<100000xf32, #tpu.memory_space<vmem>>) target(%dma_start3A_47 : memref<100000xf32, #tpu.memory_space<hbm>>) target_semaphore(%run_scoped3A : memref<!tpu.dma_semaphore, #tpu.memory_space<semaphore_mem>>)
      %dma_wait3A = arith.constant 0 : i32
      %dma_wait3A_48 = tpu.memref_slice %arg4[%add3A, %dma_wait3A] : memref<32x100000xf32, #tpu.memory_space<hbm>> -> memref<1x100000xf32, #tpu.memory_space<hbm>>
      %dma_wait3A_49 = tpu.memref_squeeze %dma_wait3A_48 : memref<1x100000xf32, #tpu.memory_space<hbm>> -> memref<100000xf32, #tpu.memory_space<hbm>>
      %dma_wait3A_50 = arith.constant 0 : i32
      %dma_wait3A_51 = tpu.memref_slice %arg4[%add3A, %dma_wait3A_50] : memref<32x100000xf32, #tpu.memory_space<hbm>> -> memref<1x100000xf32, #tpu.memory_space<hbm>>
      %dma_wait3A_52 = tpu.memref_squeeze %dma_wait3A_51 : memref<1x100000xf32, #tpu.memory_space<hbm>> -> memref<100000xf32, #tpu.memory_space<hbm>>
      tpu.wait_dma2 semaphore(%run_scoped3A : memref<!tpu.dma_semaphore, #tpu.memory_space<semaphore_mem>>) src(%arg5 : memref<100000xf32, #tpu.memory_space<vmem>>) dst(%dma_wait3A_52 : memref<100000xf32, #tpu.memory_space<hbm>>)
      tpu.yield
    }) : () -> ()
    return
  }
}

#map = affine_map<(d0, d1) -> (0, 0)>
#map1 = affine_map<(d0, d1) -> (0, 0, 0)>
module attributes {stable_mosaic.version = 14 : i64} {
  func.func @body(%arg0: i32, %arg1: i32, %arg2: memref<50176x128xi32, #tpu.memory_space<hbm>>, %arg3: memref<50176x128xi32, #tpu.memory_space<hbm>>, %arg4: memref<50176x128xf32, #tpu.memory_space<hbm>>, %arg5: memref<100000x8xf32, #tpu.memory_space<hbm>>, %arg6: memref<100000x8xf32, #tpu.memory_space<hbm>>, %arg7: memref<2x100000x8xf32, #tpu.memory_space<hbm>>, %arg8: memref<2x16x128xi32, #tpu.memory_space<vmem>>, %arg9: memref<2x16x128xi32, #tpu.memory_space<vmem>>, %arg10: memref<2x16x128xf32, #tpu.memory_space<vmem>>, %arg11: memref<2x2048x8xf32, #tpu.memory_space<vmem>>, %arg12: memref<100000x8xf32, #tpu.memory_space<vmem_shared>>, %arg13: memref<!tpu.dma_semaphore, #tpu.memory_space<semaphore_mem>>, %arg14: memref<!tpu.dma_semaphore, #tpu.memory_space<semaphore_mem>>, %arg15: memref<!tpu.dma_semaphore, #tpu.memory_space<semaphore_mem>>) attributes {dimension_semantics = [#tpu.dimension_semantics<core_parallel>, #tpu.dimension_semantics<subcore_parallel>], iteration_bounds = array<i64: 2, 16>, scalar_prefetch = 0 : i64, scratch_operands = 8 : i64, tpu.core_type = #tpu.core_type<sc_vector_subcore>, window_params = [{transform_indices = #map}, {transform_indices = #map}, {transform_indices = #map}, {transform_indices = #map}, {transform_indices = #map}, {transform_indices = #map1}]} {
    %mul3A = arith.constant 2 : i32
    %mul3A_0 = arith.muli %arg1, %mul3A : i32
    %add3A = arith.addi %mul3A_0, %arg0 : i32
    %lt3A = arith.constant 15 : i32
    %lt3A_1 = arith.cmpi slt, %arg1, %lt3A : i32
    %convert_element_type3A = arith.extui %lt3A_1 : i1 to i32
    %cond3A = arith.constant 0 : i32
    %cond3A_2 = arith.cmpi ne, %convert_element_type3A, %cond3A : i32
    scf.if %cond3A_2 {
      %mul3A_80 = arith.constant 6256 : i32
      %mul3A_81 = arith.muli %arg1, %mul3A_80 : i32
      %mul3A_82 = arith.constant 6256 : i32
      %mul3A_83 = arith.muli %arg1, %mul3A_82 : i32
      "tpu.region"() ({
        %run_scoped3A = tpu.sem_alloc : memref<!tpu.dma_semaphore, #tpu.memory_space<semaphore_mem>>
        %dma_start3A_84 = arith.constant 0 : i32
        %dma_start3A_85 = tpu.memref_slice %arg12[%mul3A_83, %dma_start3A_84] : memref<100000x8xf32, #tpu.memory_space<vmem_shared>> -> memref<6256x8xf32, #tpu.memory_space<vmem_shared>>
        %dma_start3A_86 = arith.constant 0 : i32
        %dma_start3A_87 = tpu.memref_slice %arg6[%mul3A_81, %dma_start3A_86] : memref<100000x8xf32, #tpu.memory_space<hbm>> -> memref<6256x8xf32, #tpu.memory_space<hbm>>
        tpu.enqueue_dma source(%dma_start3A_87 : memref<6256x8xf32, #tpu.memory_space<hbm>>) target(%dma_start3A_85 : memref<6256x8xf32, #tpu.memory_space<vmem_shared>>) target_semaphore(%run_scoped3A : memref<!tpu.dma_semaphore, #tpu.memory_space<semaphore_mem>>)
        %dma_wait3A = arith.constant 0 : i32
        %dma_wait3A_88 = tpu.memref_slice %arg12[%mul3A_83, %dma_wait3A] : memref<100000x8xf32, #tpu.memory_space<vmem_shared>> -> memref<6256x8xf32, #tpu.memory_space<vmem_shared>>
        %dma_wait3A_89 = arith.constant 0 : i32
        %dma_wait3A_90 = tpu.memref_slice %arg6[%mul3A_81, %dma_wait3A_89] : memref<100000x8xf32, #tpu.memory_space<hbm>> -> memref<6256x8xf32, #tpu.memory_space<hbm>>
        tpu.wait_dma2 semaphore(%run_scoped3A : memref<!tpu.dma_semaphore, #tpu.memory_space<semaphore_mem>>) src(%dma_wait3A_90 : memref<6256x8xf32, #tpu.memory_space<hbm>>) dst(%dma_wait3A_88 : memref<6256x8xf32, #tpu.memory_space<vmem_shared>>)
        tpu.yield
      }) : () -> ()
    } else {
    }
    %eq3A = arith.constant 15 : i32
    %eq3A_3 = arith.cmpi eq, %arg1, %eq3A : i32
    %convert_element_type3A_4 = arith.extui %eq3A_3 : i1 to i32
    %cond3A_5 = arith.constant 0 : i32
    %cond3A_6 = arith.cmpi ne, %convert_element_type3A_4, %cond3A_5 : i32
    scf.if %cond3A_6 {
      "tpu.region"() ({
        %run_scoped3A = tpu.sem_alloc : memref<!tpu.dma_semaphore, #tpu.memory_space<semaphore_mem>>
        %dma_start3A_80 = arith.constant 93840 : i32
        %dma_start3A_81 = arith.constant 0 : i32
        %dma_start3A_82 = tpu.memref_slice %arg12[%dma_start3A_80, %dma_start3A_81] : memref<100000x8xf32, #tpu.memory_space<vmem_shared>> -> memref<6160x8xf32, #tpu.memory_space<vmem_shared>>
        %dma_start3A_83 = arith.constant 93840 : i32
        %dma_start3A_84 = arith.constant 0 : i32
        %dma_start3A_85 = tpu.memref_slice %arg6[%dma_start3A_83, %dma_start3A_84] : memref<100000x8xf32, #tpu.memory_space<hbm>> -> memref<6160x8xf32, #tpu.memory_space<hbm>>
        tpu.enqueue_dma source(%dma_start3A_85 : memref<6160x8xf32, #tpu.memory_space<hbm>>) target(%dma_start3A_82 : memref<6160x8xf32, #tpu.memory_space<vmem_shared>>) target_semaphore(%run_scoped3A : memref<!tpu.dma_semaphore, #tpu.memory_space<semaphore_mem>>)
        %dma_wait3A = arith.constant 93840 : i32
        %dma_wait3A_86 = arith.constant 0 : i32
        %dma_wait3A_87 = tpu.memref_slice %arg12[%dma_wait3A, %dma_wait3A_86] : memref<100000x8xf32, #tpu.memory_space<vmem_shared>> -> memref<6160x8xf32, #tpu.memory_space<vmem_shared>>
        %dma_wait3A_88 = arith.constant 93840 : i32
        %dma_wait3A_89 = arith.constant 0 : i32
        %dma_wait3A_90 = tpu.memref_slice %arg6[%dma_wait3A_88, %dma_wait3A_89] : memref<100000x8xf32, #tpu.memory_space<hbm>> -> memref<6160x8xf32, #tpu.memory_space<hbm>>
        tpu.wait_dma2 semaphore(%run_scoped3A : memref<!tpu.dma_semaphore, #tpu.memory_space<semaphore_mem>>) src(%dma_wait3A_90 : memref<6160x8xf32, #tpu.memory_space<hbm>>) dst(%dma_wait3A_87 : memref<6160x8xf32, #tpu.memory_space<vmem_shared>>)
        tpu.yield
      }) : () -> ()
    } else {
    }
    %barrier3A = arith.constant 0 : index
    tpu.barrier barrier_id(%barrier3A)
    %iota3A = tpu.iota {dimensions = array<i32: 0>} : vector<16xi32>
    %broadcast_in_dim3A = arith.constant 0 : i32
    %broadcast_in_dim3A_7 = vector.broadcast %broadcast_in_dim3A : i32 to vector<16xi32>
    %broadcast_in_dim3A_8 = arith.constant 1 : i32
    %broadcast_in_dim3A_9 = vector.broadcast %broadcast_in_dim3A_8 : i32 to vector<16xi32>
    %broadcast_in_dim3A_10 = arith.constant 2 : i32
    %broadcast_in_dim3A_11 = vector.broadcast %broadcast_in_dim3A_10 : i32 to vector<16xi32>
    %broadcast_in_dim3A_12 = arith.constant 3 : i32
    %broadcast_in_dim3A_13 = vector.broadcast %broadcast_in_dim3A_12 : i32 to vector<16xi32>
    %broadcast_in_dim3A_14 = arith.constant 4 : i32
    %broadcast_in_dim3A_15 = vector.broadcast %broadcast_in_dim3A_14 : i32 to vector<16xi32>
    %broadcast_in_dim3A_16 = arith.constant 5 : i32
    %broadcast_in_dim3A_17 = vector.broadcast %broadcast_in_dim3A_16 : i32 to vector<16xi32>
    %broadcast_in_dim3A_18 = arith.constant 6 : i32
    %broadcast_in_dim3A_19 = vector.broadcast %broadcast_in_dim3A_18 : i32 to vector<16xi32>
    %broadcast_in_dim3A_20 = arith.constant 7 : i32
    %broadcast_in_dim3A_21 = vector.broadcast %broadcast_in_dim3A_20 : i32 to vector<16xi32>
    %mul3A_22 = arith.constant 1568 : i32
    %mul3A_23 = arith.muli %add3A, %mul3A_22 : i32
    %add3A_24 = arith.constant 0 : i32
    %add3A_25 = arith.addi %mul3A_23, %add3A_24 : i32
    %dma_start3A = arith.constant 0 : i32
    %dma_start3A_26 = arith.constant 0 : i32
    %dma_start3A_27 = arith.constant 0 : i32
    %dma_start3A_28 = tpu.memref_slice %arg8[%dma_start3A, %dma_start3A_26, %dma_start3A_27] : memref<2x16x128xi32, #tpu.memory_space<vmem>> -> memref<1x16x128xi32, #tpu.memory_space<vmem>>
    %dma_start3A_29 = tpu.memref_squeeze %dma_start3A_28 : memref<1x16x128xi32, #tpu.memory_space<vmem>> -> memref<16x128xi32, #tpu.memory_space<vmem>>
    %dma_start3A_30 = arith.constant 0 : i32
    %dma_start3A_31 = tpu.memref_slice %arg2[%add3A_25, %dma_start3A_30] : memref<50176x128xi32, #tpu.memory_space<hbm>> -> memref<16x128xi32, #tpu.memory_space<hbm>>
    %dma_start3A_32 = arith.constant 0 : i32
    %dma_start3A_33 = arith.constant 0 : i32
    %dma_start3A_34 = tpu.memref_slice %arg8[%dma_start3A, %dma_start3A_32, %dma_start3A_33] : memref<2x16x128xi32, #tpu.memory_space<vmem>> -> memref<1x16x128xi32, #tpu.memory_space<vmem>>
    %dma_start3A_35 = tpu.memref_squeeze %dma_start3A_34 : memref<1x16x128xi32, #tpu.memory_space<vmem>> -> memref<16x128xi32, #tpu.memory_space<vmem>>
    %dma_start3A_36 = arith.constant 0 : i32
    %dma_start3A_37 = tpu.memref_slice %arg2[%add3A_25, %dma_start3A_36] : memref<50176x128xi32, #tpu.memory_space<hbm>> -> memref<16x128xi32, #tpu.memory_space<hbm>>
    tpu.enqueue_dma source(%dma_start3A_37 : memref<16x128xi32, #tpu.memory_space<hbm>>) target(%dma_start3A_35 : memref<16x128xi32, #tpu.memory_space<vmem>>) target_semaphore(%arg13 : memref<!tpu.dma_semaphore, #tpu.memory_space<semaphore_mem>>)
    %dma_start3A_38 = arith.constant 0 : i32
    %dma_start3A_39 = arith.constant 0 : i32
    %dma_start3A_40 = arith.constant 0 : i32
    %dma_start3A_41 = tpu.memref_slice %arg9[%dma_start3A_38, %dma_start3A_39, %dma_start3A_40] : memref<2x16x128xi32, #tpu.memory_space<vmem>> -> memref<1x16x128xi32, #tpu.memory_space<vmem>>
    %dma_start3A_42 = tpu.memref_squeeze %dma_start3A_41 : memref<1x16x128xi32, #tpu.memory_space<vmem>> -> memref<16x128xi32, #tpu.memory_space<vmem>>
    %dma_start3A_43 = arith.constant 0 : i32
    %dma_start3A_44 = tpu.memref_slice %arg3[%add3A_25, %dma_start3A_43] : memref<50176x128xi32, #tpu.memory_space<hbm>> -> memref<16x128xi32, #tpu.memory_space<hbm>>
    %dma_start3A_45 = arith.constant 0 : i32
    %dma_start3A_46 = arith.constant 0 : i32
    %dma_start3A_47 = tpu.memref_slice %arg9[%dma_start3A_38, %dma_start3A_45, %dma_start3A_46] : memref<2x16x128xi32, #tpu.memory_space<vmem>> -> memref<1x16x128xi32, #tpu.memory_space<vmem>>
    %dma_start3A_48 = tpu.memref_squeeze %dma_start3A_47 : memref<1x16x128xi32, #tpu.memory_space<vmem>> -> memref<16x128xi32, #tpu.memory_space<vmem>>
    %dma_start3A_49 = arith.constant 0 : i32
    %dma_start3A_50 = tpu.memref_slice %arg3[%add3A_25, %dma_start3A_49] : memref<50176x128xi32, #tpu.memory_space<hbm>> -> memref<16x128xi32, #tpu.memory_space<hbm>>
    tpu.enqueue_dma source(%dma_start3A_50 : memref<16x128xi32, #tpu.memory_space<hbm>>) target(%dma_start3A_48 : memref<16x128xi32, #tpu.memory_space<vmem>>) target_semaphore(%arg13 : memref<!tpu.dma_semaphore, #tpu.memory_space<semaphore_mem>>)
    %dma_start3A_51 = arith.constant 0 : i32
    %dma_start3A_52 = arith.constant 0 : i32
    %dma_start3A_53 = arith.constant 0 : i32
    %dma_start3A_54 = tpu.memref_slice %arg10[%dma_start3A_51, %dma_start3A_52, %dma_start3A_53] : memref<2x16x128xf32, #tpu.memory_space<vmem>> -> memref<1x16x128xf32, #tpu.memory_space<vmem>>
    %dma_start3A_55 = tpu.memref_squeeze %dma_start3A_54 : memref<1x16x128xf32, #tpu.memory_space<vmem>> -> memref<16x128xf32, #tpu.memory_space<vmem>>
    %dma_start3A_56 = arith.constant 0 : i32
    %dma_start3A_57 = tpu.memref_slice %arg4[%add3A_25, %dma_start3A_56] : memref<50176x128xf32, #tpu.memory_space<hbm>> -> memref<16x128xf32, #tpu.memory_space<hbm>>
    %dma_start3A_58 = arith.constant 0 : i32
    %dma_start3A_59 = arith.constant 0 : i32
    %dma_start3A_60 = tpu.memref_slice %arg10[%dma_start3A_51, %dma_start3A_58, %dma_start3A_59] : memref<2x16x128xf32, #tpu.memory_space<vmem>> -> memref<1x16x128xf32, #tpu.memory_space<vmem>>
    %dma_start3A_61 = tpu.memref_squeeze %dma_start3A_60 : memref<1x16x128xf32, #tpu.memory_space<vmem>> -> memref<16x128xf32, #tpu.memory_space<vmem>>
    %dma_start3A_62 = arith.constant 0 : i32
    %dma_start3A_63 = tpu.memref_slice %arg4[%add3A_25, %dma_start3A_62] : memref<50176x128xf32, #tpu.memory_space<hbm>> -> memref<16x128xf32, #tpu.memory_space<hbm>>
    tpu.enqueue_dma source(%dma_start3A_63 : memref<16x128xf32, #tpu.memory_space<hbm>>) target(%dma_start3A_61 : memref<16x128xf32, #tpu.memory_space<vmem>>) target_semaphore(%arg13 : memref<!tpu.dma_semaphore, #tpu.memory_space<semaphore_mem>>)
    %scan3A = arith.constant 0 : i32
    %scan3A_64 = arith.constant 0 : i32
    %scan3A_65 = arith.constant 49 : i32
    %scan3A_66 = arith.addi %scan3A_64, %scan3A_65 : i32
    %scan3A_67 = arith.constant 1 : i32
    scf.for %scan3A_80 = %scan3A_64 to %scan3A_66 step %scan3A_67  : i32 {
      %mul3A_81 = arith.constant 2 : i32
      %mul3A_82 = arith.muli %scan3A_80, %mul3A_81 : i32
      %add3A_83 = arith.constant 0 : i32
      %add3A_84 = arith.addi %mul3A_82, %add3A_83 : i32
      %dma_wait3A = arith.constant 0 : i32
      %dma_wait3A_85 = arith.constant 0 : i32
      %dma_wait3A_86 = arith.constant 0 : i32
      %dma_wait3A_87 = tpu.memref_slice %arg8[%dma_wait3A, %dma_wait3A_85, %dma_wait3A_86] : memref<2x16x128xi32, #tpu.memory_space<vmem>> -> memref<1x16x128xi32, #tpu.memory_space<vmem>>
      %dma_wait3A_88 = tpu.memref_squeeze %dma_wait3A_87 : memref<1x16x128xi32, #tpu.memory_space<vmem>> -> memref<16x128xi32, #tpu.memory_space<vmem>>
      %dma_wait3A_89 = arith.constant 0 : i32
      %dma_wait3A_90 = arith.constant 0 : i32
      %dma_wait3A_91 = tpu.memref_slice %arg2[%dma_wait3A_89, %dma_wait3A_90] : memref<50176x128xi32, #tpu.memory_space<hbm>> -> memref<16x128xi32, #tpu.memory_space<hbm>>
      %dma_wait3A_92 = arith.constant 0 : i32
      %dma_wait3A_93 = arith.constant 0 : i32
      %dma_wait3A_94 = tpu.memref_slice %arg8[%dma_wait3A, %dma_wait3A_92, %dma_wait3A_93] : memref<2x16x128xi32, #tpu.memory_space<vmem>> -> memref<1x16x128xi32, #tpu.memory_space<vmem>>
      %dma_wait3A_95 = tpu.memref_squeeze %dma_wait3A_94 : memref<1x16x128xi32, #tpu.memory_space<vmem>> -> memref<16x128xi32, #tpu.memory_space<vmem>>
      %dma_wait3A_96 = arith.constant 0 : i32
      %dma_wait3A_97 = arith.constant 0 : i32
      %dma_wait3A_98 = tpu.memref_slice %arg2[%dma_wait3A_96, %dma_wait3A_97] : memref<50176x128xi32, #tpu.memory_space<hbm>> -> memref<16x128xi32, #tpu.memory_space<hbm>>
      tpu.wait_dma2 semaphore(%arg13 : memref<!tpu.dma_semaphore, #tpu.memory_space<semaphore_mem>>) src(%dma_wait3A_98 : memref<16x128xi32, #tpu.memory_space<hbm>>) dst(%dma_wait3A_95 : memref<16x128xi32, #tpu.memory_space<vmem>>)
      %dma_wait3A_99 = arith.constant 0 : i32
      %dma_wait3A_100 = arith.constant 0 : i32
      %dma_wait3A_101 = arith.constant 0 : i32
      %dma_wait3A_102 = tpu.memref_slice %arg9[%dma_wait3A_99, %dma_wait3A_100, %dma_wait3A_101] : memref<2x16x128xi32, #tpu.memory_space<vmem>> -> memref<1x16x128xi32, #tpu.memory_space<vmem>>
      %dma_wait3A_103 = tpu.memref_squeeze %dma_wait3A_102 : memref<1x16x128xi32, #tpu.memory_space<vmem>> -> memref<16x128xi32, #tpu.memory_space<vmem>>
      %dma_wait3A_104 = arith.constant 0 : i32
      %dma_wait3A_105 = arith.constant 0 : i32
      %dma_wait3A_106 = tpu.memref_slice %arg3[%dma_wait3A_104, %dma_wait3A_105] : memref<50176x128xi32, #tpu.memory_space<hbm>> -> memref<16x128xi32, #tpu.memory_space<hbm>>
      %dma_wait3A_107 = arith.constant 0 : i32
      %dma_wait3A_108 = arith.constant 0 : i32
      %dma_wait3A_109 = tpu.memref_slice %arg9[%dma_wait3A_99, %dma_wait3A_107, %dma_wait3A_108] : memref<2x16x128xi32, #tpu.memory_space<vmem>> -> memref<1x16x128xi32, #tpu.memory_space<vmem>>
      %dma_wait3A_110 = tpu.memref_squeeze %dma_wait3A_109 : memref<1x16x128xi32, #tpu.memory_space<vmem>> -> memref<16x128xi32, #tpu.memory_space<vmem>>
      %dma_wait3A_111 = arith.constant 0 : i32
      %dma_wait3A_112 = arith.constant 0 : i32
      %dma_wait3A_113 = tpu.memref_slice %arg3[%dma_wait3A_111, %dma_wait3A_112] : memref<50176x128xi32, #tpu.memory_space<hbm>> -> memref<16x128xi32, #tpu.memory_space<hbm>>
      tpu.wait_dma2 semaphore(%arg13 : memref<!tpu.dma_semaphore, #tpu.memory_space<semaphore_mem>>) src(%dma_wait3A_113 : memref<16x128xi32, #tpu.memory_space<hbm>>) dst(%dma_wait3A_110 : memref<16x128xi32, #tpu.memory_space<vmem>>)
      %dma_wait3A_114 = arith.constant 0 : i32
      %dma_wait3A_115 = arith.constant 0 : i32
      %dma_wait3A_116 = arith.constant 0 : i32
      %dma_wait3A_117 = tpu.memref_slice %arg10[%dma_wait3A_114, %dma_wait3A_115, %dma_wait3A_116] : memref<2x16x128xf32, #tpu.memory_space<vmem>> -> memref<1x16x128xf32, #tpu.memory_space<vmem>>
      %dma_wait3A_118 = tpu.memref_squeeze %dma_wait3A_117 : memref<1x16x128xf32, #tpu.memory_space<vmem>> -> memref<16x128xf32, #tpu.memory_space<vmem>>
      %dma_wait3A_119 = arith.constant 0 : i32
      %dma_wait3A_120 = arith.constant 0 : i32
      %dma_wait3A_121 = tpu.memref_slice %arg4[%dma_wait3A_119, %dma_wait3A_120] : memref<50176x128xf32, #tpu.memory_space<hbm>> -> memref<16x128xf32, #tpu.memory_space<hbm>>
      %dma_wait3A_122 = arith.constant 0 : i32
      %dma_wait3A_123 = arith.constant 0 : i32
      %dma_wait3A_124 = tpu.memref_slice %arg10[%dma_wait3A_114, %dma_wait3A_122, %dma_wait3A_123] : memref<2x16x128xf32, #tpu.memory_space<vmem>> -> memref<1x16x128xf32, #tpu.memory_space<vmem>>
      %dma_wait3A_125 = tpu.memref_squeeze %dma_wait3A_124 : memref<1x16x128xf32, #tpu.memory_space<vmem>> -> memref<16x128xf32, #tpu.memory_space<vmem>>
      %dma_wait3A_126 = arith.constant 0 : i32
      %dma_wait3A_127 = arith.constant 0 : i32
      %dma_wait3A_128 = tpu.memref_slice %arg4[%dma_wait3A_126, %dma_wait3A_127] : memref<50176x128xf32, #tpu.memory_space<hbm>> -> memref<16x128xf32, #tpu.memory_space<hbm>>
      tpu.wait_dma2 semaphore(%arg13 : memref<!tpu.dma_semaphore, #tpu.memory_space<semaphore_mem>>) src(%dma_wait3A_128 : memref<16x128xf32, #tpu.memory_space<hbm>>) dst(%dma_wait3A_125 : memref<16x128xf32, #tpu.memory_space<vmem>>)
      %dma_start3A_129 = arith.constant 0 : i32
      %dma_start3A_130 = arith.constant 0 : i32
      %dma_start3A_131 = arith.constant 0 : i32
      %dma_start3A_132 = arith.constant 0 : i32
      %dma_start3A_133 = arith.constant 0 : i32
      %dma_start3A_134 = tpu.memref_slice %arg11[%dma_start3A_131, %dma_start3A_132, %dma_start3A_133] : memref<2x2048x8xf32, #tpu.memory_space<vmem>> -> memref<1x128x8xf32, #tpu.memory_space<vmem>>
      %dma_start3A_135 = tpu.memref_squeeze %dma_start3A_134 : memref<1x128x8xf32, #tpu.memory_space<vmem>> -> memref<128x8xf32, #tpu.memory_space<vmem>>
      %dma_start3A_136 = arith.constant 0 : i32
      %dma_start3A_137 = tpu.memref_slice %arg8[%dma_start3A_129, %dma_start3A_130, %dma_start3A_136] : memref<2x16x128xi32, #tpu.memory_space<vmem>> -> memref<1x1x128xi32, #tpu.memory_space<vmem>>
      %dma_start3A_138 = tpu.memref_squeeze %dma_start3A_137 : memref<1x1x128xi32, #tpu.memory_space<vmem>> -> memref<128xi32, #tpu.memory_space<vmem>>
      %dma_start3A_139 = arith.constant 0 : i32
      %dma_start3A_140 = arith.constant 0 : i32
      %dma_start3A_141 = tpu.memref_slice %arg5[%dma_start3A_139, %dma_start3A_140] : memref<100000x8xf32, #tpu.memory_space<hbm>> -> memref<100000x8xf32, #tpu.memory_space<hbm>>
      tpu.enqueue_indirect_dma source(%dma_start3A_141 : memref<100000x8xf32, #tpu.memory_space<hbm>>) target(%dma_start3A_135 : memref<128x8xf32, #tpu.memory_space<vmem>>) offsets(%dma_start3A_138 : memref<128xi32, #tpu.memory_space<vmem>>) semaphore(%arg14 : memref<!tpu.dma_semaphore, #tpu.memory_space<semaphore_mem>>)
      %dma_start3A_142 = arith.constant 0 : i32
      %dma_start3A_143 = arith.constant 1 : i32
      %dma_start3A_144 = arith.constant 0 : i32
      %dma_start3A_145 = arith.constant 128 : i32
      %dma_start3A_146 = arith.constant 0 : i32
      %dma_start3A_147 = tpu.memref_slice %arg11[%dma_start3A_144, %dma_start3A_145, %dma_start3A_146] : memref<2x2048x8xf32, #tpu.memory_space<vmem>> -> memref<1x128x8xf32, #tpu.memory_space<vmem>>
      %dma_start3A_148 = tpu.memref_squeeze %dma_start3A_147 : memref<1x128x8xf32, #tpu.memory_space<vmem>> -> memref<128x8xf32, #tpu.memory_space<vmem>>
      %dma_start3A_149 = arith.constant 0 : i32
      %dma_start3A_150 = tpu.memref_slice %arg8[%dma_start3A_142, %dma_start3A_143, %dma_start3A_149] : memref<2x16x128xi32, #tpu.memory_space<vmem>> -> memref<1x1x128xi32, #tpu.memory_space<vmem>>
      %dma_start3A_151 = tpu.memref_squeeze %dma_start3A_150 : memref<1x1x128xi32, #tpu.memory_space<vmem>> -> memref<128xi32, #tpu.memory_space<vmem>>
      %dma_start3A_152 = arith.constant 0 : i32
      %dma_start3A_153 = arith.constant 0 : i32
      %dma_start3A_154 = tpu.memref_slice %arg5[%dma_start3A_152, %dma_start3A_153] : memref<100000x8xf32, #tpu.memory_space<hbm>> -> memref<100000x8xf32, #tpu.memory_space<hbm>>
      tpu.enqueue_indirect_dma source(%dma_start3A_154 : memref<100000x8xf32, #tpu.memory_space<hbm>>) target(%dma_start3A_148 : memref<128x8xf32, #tpu.memory_space<vmem>>) offsets(%dma_start3A_151 : memref<128xi32, #tpu.memory_space<vmem>>) semaphore(%arg14 : memref<!tpu.dma_semaphore, #tpu.memory_space<semaphore_mem>>)
      %dma_start3A_155 = arith.constant 0 : i32
      %dma_start3A_156 = arith.constant 2 : i32
      %dma_start3A_157 = arith.constant 0 : i32
      %dma_start3A_158 = arith.constant 256 : i32
      %dma_start3A_159 = arith.constant 0 : i32
      %dma_start3A_160 = tpu.memref_slice %arg11[%dma_start3A_157, %dma_start3A_158, %dma_start3A_159] : memref<2x2048x8xf32, #tpu.memory_space<vmem>> -> memref<1x128x8xf32, #tpu.memory_space<vmem>>
      %dma_start3A_161 = tpu.memref_squeeze %dma_start3A_160 : memref<1x128x8xf32, #tpu.memory_space<vmem>> -> memref<128x8xf32, #tpu.memory_space<vmem>>
      %dma_start3A_162 = arith.constant 0 : i32
      %dma_start3A_163 = tpu.memref_slice %arg8[%dma_start3A_155, %dma_start3A_156, %dma_start3A_162] : memref<2x16x128xi32, #tpu.memory_space<vmem>> -> memref<1x1x128xi32, #tpu.memory_space<vmem>>
      %dma_start3A_164 = tpu.memref_squeeze %dma_start3A_163 : memref<1x1x128xi32, #tpu.memory_space<vmem>> -> memref<128xi32, #tpu.memory_space<vmem>>
      %dma_start3A_165 = arith.constant 0 : i32
      %dma_start3A_166 = arith.constant 0 : i32
      %dma_start3A_167 = tpu.memref_slice %arg5[%dma_start3A_165, %dma_start3A_166] : memref<100000x8xf32, #tpu.memory_space<hbm>> -> memref<100000x8xf32, #tpu.memory_space<hbm>>
      tpu.enqueue_indirect_dma source(%dma_start3A_167 : memref<100000x8xf32, #tpu.memory_space<hbm>>) target(%dma_start3A_161 : memref<128x8xf32, #tpu.memory_space<vmem>>) offsets(%dma_start3A_164 : memref<128xi32, #tpu.memory_space<vmem>>) semaphore(%arg14 : memref<!tpu.dma_semaphore, #tpu.memory_space<semaphore_mem>>)
      %dma_start3A_168 = arith.constant 0 : i32
      %dma_start3A_169 = arith.constant 3 : i32
      %dma_start3A_170 = arith.constant 0 : i32
      %dma_start3A_171 = arith.constant 384 : i32
      %dma_start3A_172 = arith.constant 0 : i32
      %dma_start3A_173 = tpu.memref_slice %arg11[%dma_start3A_170, %dma_start3A_171, %dma_start3A_172] : memref<2x2048x8xf32, #tpu.memory_space<vmem>> -> memref<1x128x8xf32, #tpu.memory_space<vmem>>
      %dma_start3A_174 = tpu.memref_squeeze %dma_start3A_173 : memref<1x128x8xf32, #tpu.memory_space<vmem>> -> memref<128x8xf32, #tpu.memory_space<vmem>>
      %dma_start3A_175 = arith.constant 0 : i32
      %dma_start3A_176 = tpu.memref_slice %arg8[%dma_start3A_168, %dma_start3A_169, %dma_start3A_175] : memref<2x16x128xi32, #tpu.memory_space<vmem>> -> memref<1x1x128xi32, #tpu.memory_space<vmem>>
      %dma_start3A_177 = tpu.memref_squeeze %dma_start3A_176 : memref<1x1x128xi32, #tpu.memory_space<vmem>> -> memref<128xi32, #tpu.memory_space<vmem>>
      %dma_start3A_178 = arith.constant 0 : i32
      %dma_start3A_179 = arith.constant 0 : i32
      %dma_start3A_180 = tpu.memref_slice %arg5[%dma_start3A_178, %dma_start3A_179] : memref<100000x8xf32, #tpu.memory_space<hbm>> -> memref<100000x8xf32, #tpu.memory_space<hbm>>
      tpu.enqueue_indirect_dma source(%dma_start3A_180 : memref<100000x8xf32, #tpu.memory_space<hbm>>) target(%dma_start3A_174 : memref<128x8xf32, #tpu.memory_space<vmem>>) offsets(%dma_start3A_177 : memref<128xi32, #tpu.memory_space<vmem>>) semaphore(%arg14 : memref<!tpu.dma_semaphore, #tpu.memory_space<semaphore_mem>>)
      %dma_start3A_181 = arith.constant 0 : i32
      %dma_start3A_182 = arith.constant 4 : i32
      %dma_start3A_183 = arith.constant 0 : i32
      %dma_start3A_184 = arith.constant 512 : i32
      %dma_start3A_185 = arith.constant 0 : i32
      %dma_start3A_186 = tpu.memref_slice %arg11[%dma_start3A_183, %dma_start3A_184, %dma_start3A_185] : memref<2x2048x8xf32, #tpu.memory_space<vmem>> -> memref<1x128x8xf32, #tpu.memory_space<vmem>>
      %dma_start3A_187 = tpu.memref_squeeze %dma_start3A_186 : memref<1x128x8xf32, #tpu.memory_space<vmem>> -> memref<128x8xf32, #tpu.memory_space<vmem>>
      %dma_start3A_188 = arith.constant 0 : i32
      %dma_start3A_189 = tpu.memref_slice %arg8[%dma_start3A_181, %dma_start3A_182, %dma_start3A_188] : memref<2x16x128xi32, #tpu.memory_space<vmem>> -> memref<1x1x128xi32, #tpu.memory_space<vmem>>
      %dma_start3A_190 = tpu.memref_squeeze %dma_start3A_189 : memref<1x1x128xi32, #tpu.memory_space<vmem>> -> memref<128xi32, #tpu.memory_space<vmem>>
      %dma_start3A_191 = arith.constant 0 : i32
      %dma_start3A_192 = arith.constant 0 : i32
      %dma_start3A_193 = tpu.memref_slice %arg5[%dma_start3A_191, %dma_start3A_192] : memref<100000x8xf32, #tpu.memory_space<hbm>> -> memref<100000x8xf32, #tpu.memory_space<hbm>>
      tpu.enqueue_indirect_dma source(%dma_start3A_193 : memref<100000x8xf32, #tpu.memory_space<hbm>>) target(%dma_start3A_187 : memref<128x8xf32, #tpu.memory_space<vmem>>) offsets(%dma_start3A_190 : memref<128xi32, #tpu.memory_space<vmem>>) semaphore(%arg14 : memref<!tpu.dma_semaphore, #tpu.memory_space<semaphore_mem>>)
      %dma_start3A_194 = arith.constant 0 : i32
      %dma_start3A_195 = arith.constant 5 : i32
      %dma_start3A_196 = arith.constant 0 : i32
      %dma_start3A_197 = arith.constant 640 : i32
      %dma_start3A_198 = arith.constant 0 : i32
      %dma_start3A_199 = tpu.memref_slice %arg11[%dma_start3A_196, %dma_start3A_197, %dma_start3A_198] : memref<2x2048x8xf32, #tpu.memory_space<vmem>> -> memref<1x128x8xf32, #tpu.memory_space<vmem>>
      %dma_start3A_200 = tpu.memref_squeeze %dma_start3A_199 : memref<1x128x8xf32, #tpu.memory_space<vmem>> -> memref<128x8xf32, #tpu.memory_space<vmem>>
      %dma_start3A_201 = arith.constant 0 : i32
      %dma_start3A_202 = tpu.memref_slice %arg8[%dma_start3A_194, %dma_start3A_195, %dma_start3A_201] : memref<2x16x128xi32, #tpu.memory_space<vmem>> -> memref<1x1x128xi32, #tpu.memory_space<vmem>>
      %dma_start3A_203 = tpu.memref_squeeze %dma_start3A_202 : memref<1x1x128xi32, #tpu.memory_space<vmem>> -> memref<128xi32, #tpu.memory_space<vmem>>
      %dma_start3A_204 = arith.constant 0 : i32
      %dma_start3A_205 = arith.constant 0 : i32
      %dma_start3A_206 = tpu.memref_slice %arg5[%dma_start3A_204, %dma_start3A_205] : memref<100000x8xf32, #tpu.memory_space<hbm>> -> memref<100000x8xf32, #tpu.memory_space<hbm>>
      tpu.enqueue_indirect_dma source(%dma_start3A_206 : memref<100000x8xf32, #tpu.memory_space<hbm>>) target(%dma_start3A_200 : memref<128x8xf32, #tpu.memory_space<vmem>>) offsets(%dma_start3A_203 : memref<128xi32, #tpu.memory_space<vmem>>) semaphore(%arg14 : memref<!tpu.dma_semaphore, #tpu.memory_space<semaphore_mem>>)
      %dma_start3A_207 = arith.constant 0 : i32
      %dma_start3A_208 = arith.constant 6 : i32
      %dma_start3A_209 = arith.constant 0 : i32
      %dma_start3A_210 = arith.constant 768 : i32
      %dma_start3A_211 = arith.constant 0 : i32
      %dma_start3A_212 = tpu.memref_slice %arg11[%dma_start3A_209, %dma_start3A_210, %dma_start3A_211] : memref<2x2048x8xf32, #tpu.memory_space<vmem>> -> memref<1x128x8xf32, #tpu.memory_space<vmem>>
      %dma_start3A_213 = tpu.memref_squeeze %dma_start3A_212 : memref<1x128x8xf32, #tpu.memory_space<vmem>> -> memref<128x8xf32, #tpu.memory_space<vmem>>
      %dma_start3A_214 = arith.constant 0 : i32
      %dma_start3A_215 = tpu.memref_slice %arg8[%dma_start3A_207, %dma_start3A_208, %dma_start3A_214] : memref<2x16x128xi32, #tpu.memory_space<vmem>> -> memref<1x1x128xi32, #tpu.memory_space<vmem>>
      %dma_start3A_216 = tpu.memref_squeeze %dma_start3A_215 : memref<1x1x128xi32, #tpu.memory_space<vmem>> -> memref<128xi32, #tpu.memory_space<vmem>>
      %dma_start3A_217 = arith.constant 0 : i32
      %dma_start3A_218 = arith.constant 0 : i32
      %dma_start3A_219 = tpu.memref_slice %arg5[%dma_start3A_217, %dma_start3A_218] : memref<100000x8xf32, #tpu.memory_space<hbm>> -> memref<100000x8xf32, #tpu.memory_space<hbm>>
      tpu.enqueue_indirect_dma source(%dma_start3A_219 : memref<100000x8xf32, #tpu.memory_space<hbm>>) target(%dma_start3A_213 : memref<128x8xf32, #tpu.memory_space<vmem>>) offsets(%dma_start3A_216 : memref<128xi32, #tpu.memory_space<vmem>>) semaphore(%arg14 : memref<!tpu.dma_semaphore, #tpu.memory_space<semaphore_mem>>)
      %dma_start3A_220 = arith.constant 0 : i32
      %dma_start3A_221 = arith.constant 7 : i32
      %dma_start3A_222 = arith.constant 0 : i32
      %dma_start3A_223 = arith.constant 896 : i32
      %dma_start3A_224 = arith.constant 0 : i32
      %dma_start3A_225 = tpu.memref_slice %arg11[%dma_start3A_222, %dma_start3A_223, %dma_start3A_224] : memref<2x2048x8xf32, #tpu.memory_space<vmem>> -> memref<1x128x8xf32, #tpu.memory_space<vmem>>
      %dma_start3A_226 = tpu.memref_squeeze %dma_start3A_225 : memref<1x128x8xf32, #tpu.memory_space<vmem>> -> memref<128x8xf32, #tpu.memory_space<vmem>>
      %dma_start3A_227 = arith.constant 0 : i32
      %dma_start3A_228 = tpu.memref_slice %arg8[%dma_start3A_220, %dma_start3A_221, %dma_start3A_227] : memref<2x16x128xi32, #tpu.memory_space<vmem>> -> memref<1x1x128xi32, #tpu.memory_space<vmem>>
      %dma_start3A_229 = tpu.memref_squeeze %dma_start3A_228 : memref<1x1x128xi32, #tpu.memory_space<vmem>> -> memref<128xi32, #tpu.memory_space<vmem>>
      %dma_start3A_230 = arith.constant 0 : i32
      %dma_start3A_231 = arith.constant 0 : i32
      %dma_start3A_232 = tpu.memref_slice %arg5[%dma_start3A_230, %dma_start3A_231] : memref<100000x8xf32, #tpu.memory_space<hbm>> -> memref<100000x8xf32, #tpu.memory_space<hbm>>
      tpu.enqueue_indirect_dma source(%dma_start3A_232 : memref<100000x8xf32, #tpu.memory_space<hbm>>) target(%dma_start3A_226 : memref<128x8xf32, #tpu.memory_space<vmem>>) offsets(%dma_start3A_229 : memref<128xi32, #tpu.memory_space<vmem>>) semaphore(%arg14 : memref<!tpu.dma_semaphore, #tpu.memory_space<semaphore_mem>>)
      %dma_start3A_233 = arith.constant 0 : i32
      %dma_start3A_234 = arith.constant 8 : i32
      %dma_start3A_235 = arith.constant 0 : i32
      %dma_start3A_236 = arith.constant 1024 : i32
      %dma_start3A_237 = arith.constant 0 : i32
      %dma_start3A_238 = tpu.memref_slice %arg11[%dma_start3A_235, %dma_start3A_236, %dma_start3A_237] : memref<2x2048x8xf32, #tpu.memory_space<vmem>> -> memref<1x128x8xf32, #tpu.memory_space<vmem>>
      %dma_start3A_239 = tpu.memref_squeeze %dma_start3A_238 : memref<1x128x8xf32, #tpu.memory_space<vmem>> -> memref<128x8xf32, #tpu.memory_space<vmem>>
      %dma_start3A_240 = arith.constant 0 : i32
      %dma_start3A_241 = tpu.memref_slice %arg8[%dma_start3A_233, %dma_start3A_234, %dma_start3A_240] : memref<2x16x128xi32, #tpu.memory_space<vmem>> -> memref<1x1x128xi32, #tpu.memory_space<vmem>>
      %dma_start3A_242 = tpu.memref_squeeze %dma_start3A_241 : memref<1x1x128xi32, #tpu.memory_space<vmem>> -> memref<128xi32, #tpu.memory_space<vmem>>
      %dma_start3A_243 = arith.constant 0 : i32
      %dma_start3A_244 = arith.constant 0 : i32
      %dma_start3A_245 = tpu.memref_slice %arg5[%dma_start3A_243, %dma_start3A_244] : memref<100000x8xf32, #tpu.memory_space<hbm>> -> memref<100000x8xf32, #tpu.memory_space<hbm>>
      tpu.enqueue_indirect_dma source(%dma_start3A_245 : memref<100000x8xf32, #tpu.memory_space<hbm>>) target(%dma_start3A_239 : memref<128x8xf32, #tpu.memory_space<vmem>>) offsets(%dma_start3A_242 : memref<128xi32, #tpu.memory_space<vmem>>) semaphore(%arg14 : memref<!tpu.dma_semaphore, #tpu.memory_space<semaphore_mem>>)
      %dma_start3A_246 = arith.constant 0 : i32
      %dma_start3A_247 = arith.constant 9 : i32
      %dma_start3A_248 = arith.constant 0 : i32
      %dma_start3A_249 = arith.constant 1152 : i32
      %dma_start3A_250 = arith.constant 0 : i32
      %dma_start3A_251 = tpu.memref_slice %arg11[%dma_start3A_248, %dma_start3A_249, %dma_start3A_250] : memref<2x2048x8xf32, #tpu.memory_space<vmem>> -> memref<1x128x8xf32, #tpu.memory_space<vmem>>
      %dma_start3A_252 = tpu.memref_squeeze %dma_start3A_251 : memref<1x128x8xf32, #tpu.memory_space<vmem>> -> memref<128x8xf32, #tpu.memory_space<vmem>>
      %dma_start3A_253 = arith.constant 0 : i32
      %dma_start3A_254 = tpu.memref_slice %arg8[%dma_start3A_246, %dma_start3A_247, %dma_start3A_253] : memref<2x16x128xi32, #tpu.memory_space<vmem>> -> memref<1x1x128xi32, #tpu.memory_space<vmem>>
      %dma_start3A_255 = tpu.memref_squeeze %dma_start3A_254 : memref<1x1x128xi32, #tpu.memory_space<vmem>> -> memref<128xi32, #tpu.memory_space<vmem>>
      %dma_start3A_256 = arith.constant 0 : i32
      %dma_start3A_257 = arith.constant 0 : i32
      %dma_start3A_258 = tpu.memref_slice %arg5[%dma_start3A_256, %dma_start3A_257] : memref<100000x8xf32, #tpu.memory_space<hbm>> -> memref<100000x8xf32, #tpu.memory_space<hbm>>
      tpu.enqueue_indirect_dma source(%dma_start3A_258 : memref<100000x8xf32, #tpu.memory_space<hbm>>) target(%dma_start3A_252 : memref<128x8xf32, #tpu.memory_space<vmem>>) offsets(%dma_start3A_255 : memref<128xi32, #tpu.memory_space<vmem>>) semaphore(%arg14 : memref<!tpu.dma_semaphore, #tpu.memory_space<semaphore_mem>>)
      %dma_start3A_259 = arith.constant 0 : i32
      %dma_start3A_260 = arith.constant 10 : i32
      %dma_start3A_261 = arith.constant 0 : i32
      %dma_start3A_262 = arith.constant 1280 : i32
      %dma_start3A_263 = arith.constant 0 : i32
      %dma_start3A_264 = tpu.memref_slice %arg11[%dma_start3A_261, %dma_start3A_262, %dma_start3A_263] : memref<2x2048x8xf32, #tpu.memory_space<vmem>> -> memref<1x128x8xf32, #tpu.memory_space<vmem>>
      %dma_start3A_265 = tpu.memref_squeeze %dma_start3A_264 : memref<1x128x8xf32, #tpu.memory_space<vmem>> -> memref<128x8xf32, #tpu.memory_space<vmem>>
      %dma_start3A_266 = arith.constant 0 : i32
      %dma_start3A_267 = tpu.memref_slice %arg8[%dma_start3A_259, %dma_start3A_260, %dma_start3A_266] : memref<2x16x128xi32, #tpu.memory_space<vmem>> -> memref<1x1x128xi32, #tpu.memory_space<vmem>>
      %dma_start3A_268 = tpu.memref_squeeze %dma_start3A_267 : memref<1x1x128xi32, #tpu.memory_space<vmem>> -> memref<128xi32, #tpu.memory_space<vmem>>
      %dma_start3A_269 = arith.constant 0 : i32
      %dma_start3A_270 = arith.constant 0 : i32
      %dma_start3A_271 = tpu.memref_slice %arg5[%dma_start3A_269, %dma_start3A_270] : memref<100000x8xf32, #tpu.memory_space<hbm>> -> memref<100000x8xf32, #tpu.memory_space<hbm>>
      tpu.enqueue_indirect_dma source(%dma_start3A_271 : memref<100000x8xf32, #tpu.memory_space<hbm>>) target(%dma_start3A_265 : memref<128x8xf32, #tpu.memory_space<vmem>>) offsets(%dma_start3A_268 : memref<128xi32, #tpu.memory_space<vmem>>) semaphore(%arg14 : memref<!tpu.dma_semaphore, #tpu.memory_space<semaphore_mem>>)
      %dma_start3A_272 = arith.constant 0 : i32
      %dma_start3A_273 = arith.constant 11 : i32
      %dma_start3A_274 = arith.constant 0 : i32
      %dma_start3A_275 = arith.constant 1408 : i32
      %dma_start3A_276 = arith.constant 0 : i32
      %dma_start3A_277 = tpu.memref_slice %arg11[%dma_start3A_274, %dma_start3A_275, %dma_start3A_276] : memref<2x2048x8xf32, #tpu.memory_space<vmem>> -> memref<1x128x8xf32, #tpu.memory_space<vmem>>
      %dma_start3A_278 = tpu.memref_squeeze %dma_start3A_277 : memref<1x128x8xf32, #tpu.memory_space<vmem>> -> memref<128x8xf32, #tpu.memory_space<vmem>>
      %dma_start3A_279 = arith.constant 0 : i32
      %dma_start3A_280 = tpu.memref_slice %arg8[%dma_start3A_272, %dma_start3A_273, %dma_start3A_279] : memref<2x16x128xi32, #tpu.memory_space<vmem>> -> memref<1x1x128xi32, #tpu.memory_space<vmem>>
      %dma_start3A_281 = tpu.memref_squeeze %dma_start3A_280 : memref<1x1x128xi32, #tpu.memory_space<vmem>> -> memref<128xi32, #tpu.memory_space<vmem>>
      %dma_start3A_282 = arith.constant 0 : i32
      %dma_start3A_283 = arith.constant 0 : i32
      %dma_start3A_284 = tpu.memref_slice %arg5[%dma_start3A_282, %dma_start3A_283] : memref<100000x8xf32, #tpu.memory_space<hbm>> -> memref<100000x8xf32, #tpu.memory_space<hbm>>
      tpu.enqueue_indirect_dma source(%dma_start3A_284 : memref<100000x8xf32, #tpu.memory_space<hbm>>) target(%dma_start3A_278 : memref<128x8xf32, #tpu.memory_space<vmem>>) offsets(%dma_start3A_281 : memref<128xi32, #tpu.memory_space<vmem>>) semaphore(%arg14 : memref<!tpu.dma_semaphore, #tpu.memory_space<semaphore_mem>>)
      %dma_start3A_285 = arith.constant 0 : i32
      %dma_start3A_286 = arith.constant 12 : i32
      %dma_start3A_287 = arith.constant 0 : i32
      %dma_start3A_288 = arith.constant 1536 : i32
      %dma_start3A_289 = arith.constant 0 : i32
      %dma_start3A_290 = tpu.memref_slice %arg11[%dma_start3A_287, %dma_start3A_288, %dma_start3A_289] : memref<2x2048x8xf32, #tpu.memory_space<vmem>> -> memref<1x128x8xf32, #tpu.memory_space<vmem>>
      %dma_start3A_291 = tpu.memref_squeeze %dma_start3A_290 : memref<1x128x8xf32, #tpu.memory_space<vmem>> -> memref<128x8xf32, #tpu.memory_space<vmem>>
      %dma_start3A_292 = arith.constant 0 : i32
      %dma_start3A_293 = tpu.memref_slice %arg8[%dma_start3A_285, %dma_start3A_286, %dma_start3A_292] : memref<2x16x128xi32, #tpu.memory_space<vmem>> -> memref<1x1x128xi32, #tpu.memory_space<vmem>>
      %dma_start3A_294 = tpu.memref_squeeze %dma_start3A_293 : memref<1x1x128xi32, #tpu.memory_space<vmem>> -> memref<128xi32, #tpu.memory_space<vmem>>
      %dma_start3A_295 = arith.constant 0 : i32
      %dma_start3A_296 = arith.constant 0 : i32
      %dma_start3A_297 = tpu.memref_slice %arg5[%dma_start3A_295, %dma_start3A_296] : memref<100000x8xf32, #tpu.memory_space<hbm>> -> memref<100000x8xf32, #tpu.memory_space<hbm>>
      tpu.enqueue_indirect_dma source(%dma_start3A_297 : memref<100000x8xf32, #tpu.memory_space<hbm>>) target(%dma_start3A_291 : memref<128x8xf32, #tpu.memory_space<vmem>>) offsets(%dma_start3A_294 : memref<128xi32, #tpu.memory_space<vmem>>) semaphore(%arg14 : memref<!tpu.dma_semaphore, #tpu.memory_space<semaphore_mem>>)
      %dma_start3A_298 = arith.constant 0 : i32
      %dma_start3A_299 = arith.constant 13 : i32
      %dma_start3A_300 = arith.constant 0 : i32
      %dma_start3A_301 = arith.constant 1664 : i32
      %dma_start3A_302 = arith.constant 0 : i32
      %dma_start3A_303 = tpu.memref_slice %arg11[%dma_start3A_300, %dma_start3A_301, %dma_start3A_302] : memref<2x2048x8xf32, #tpu.memory_space<vmem>> -> memref<1x128x8xf32, #tpu.memory_space<vmem>>
      %dma_start3A_304 = tpu.memref_squeeze %dma_start3A_303 : memref<1x128x8xf32, #tpu.memory_space<vmem>> -> memref<128x8xf32, #tpu.memory_space<vmem>>
      %dma_start3A_305 = arith.constant 0 : i32
      %dma_start3A_306 = tpu.memref_slice %arg8[%dma_start3A_298, %dma_start3A_299, %dma_start3A_305] : memref<2x16x128xi32, #tpu.memory_space<vmem>> -> memref<1x1x128xi32, #tpu.memory_space<vmem>>
      %dma_start3A_307 = tpu.memref_squeeze %dma_start3A_306 : memref<1x1x128xi32, #tpu.memory_space<vmem>> -> memref<128xi32, #tpu.memory_space<vmem>>
      %dma_start3A_308 = arith.constant 0 : i32
      %dma_start3A_309 = arith.constant 0 : i32
      %dma_start3A_310 = tpu.memref_slice %arg5[%dma_start3A_308, %dma_start3A_309] : memref<100000x8xf32, #tpu.memory_space<hbm>> -> memref<100000x8xf32, #tpu.memory_space<hbm>>
      tpu.enqueue_indirect_dma source(%dma_start3A_310 : memref<100000x8xf32, #tpu.memory_space<hbm>>) target(%dma_start3A_304 : memref<128x8xf32, #tpu.memory_space<vmem>>) offsets(%dma_start3A_307 : memref<128xi32, #tpu.memory_space<vmem>>) semaphore(%arg14 : memref<!tpu.dma_semaphore, #tpu.memory_space<semaphore_mem>>)
      %dma_start3A_311 = arith.constant 0 : i32
      %dma_start3A_312 = arith.constant 14 : i32
      %dma_start3A_313 = arith.constant 0 : i32
      %dma_start3A_314 = arith.constant 1792 : i32
      %dma_start3A_315 = arith.constant 0 : i32
      %dma_start3A_316 = tpu.memref_slice %arg11[%dma_start3A_313, %dma_start3A_314, %dma_start3A_315] : memref<2x2048x8xf32, #tpu.memory_space<vmem>> -> memref<1x128x8xf32, #tpu.memory_space<vmem>>
      %dma_start3A_317 = tpu.memref_squeeze %dma_start3A_316 : memref<1x128x8xf32, #tpu.memory_space<vmem>> -> memref<128x8xf32, #tpu.memory_space<vmem>>
      %dma_start3A_318 = arith.constant 0 : i32
      %dma_start3A_319 = tpu.memref_slice %arg8[%dma_start3A_311, %dma_start3A_312, %dma_start3A_318] : memref<2x16x128xi32, #tpu.memory_space<vmem>> -> memref<1x1x128xi32, #tpu.memory_space<vmem>>
      %dma_start3A_320 = tpu.memref_squeeze %dma_start3A_319 : memref<1x1x128xi32, #tpu.memory_space<vmem>> -> memref<128xi32, #tpu.memory_space<vmem>>
      %dma_start3A_321 = arith.constant 0 : i32
      %dma_start3A_322 = arith.constant 0 : i32
      %dma_start3A_323 = tpu.memref_slice %arg5[%dma_start3A_321, %dma_start3A_322] : memref<100000x8xf32, #tpu.memory_space<hbm>> -> memref<100000x8xf32, #tpu.memory_space<hbm>>
      tpu.enqueue_indirect_dma source(%dma_start3A_323 : memref<100000x8xf32, #tpu.memory_space<hbm>>) target(%dma_start3A_317 : memref<128x8xf32, #tpu.memory_space<vmem>>) offsets(%dma_start3A_320 : memref<128xi32, #tpu.memory_space<vmem>>) semaphore(%arg14 : memref<!tpu.dma_semaphore, #tpu.memory_space<semaphore_mem>>)
      %dma_start3A_324 = arith.constant 0 : i32
      %dma_start3A_325 = arith.constant 15 : i32
      %dma_start3A_326 = arith.constant 0 : i32
      %dma_start3A_327 = arith.constant 1920 : i32
      %dma_start3A_328 = arith.constant 0 : i32
      %dma_start3A_329 = tpu.memref_slice %arg11[%dma_start3A_326, %dma_start3A_327, %dma_start3A_328] : memref<2x2048x8xf32, #tpu.memory_space<vmem>> -> memref<1x128x8xf32, #tpu.memory_space<vmem>>
      %dma_start3A_330 = tpu.memref_squeeze %dma_start3A_329 : memref<1x128x8xf32, #tpu.memory_space<vmem>> -> memref<128x8xf32, #tpu.memory_space<vmem>>
      %dma_start3A_331 = arith.constant 0 : i32
      %dma_start3A_332 = tpu.memref_slice %arg8[%dma_start3A_324, %dma_start3A_325, %dma_start3A_331] : memref<2x16x128xi32, #tpu.memory_space<vmem>> -> memref<1x1x128xi32, #tpu.memory_space<vmem>>
      %dma_start3A_333 = tpu.memref_squeeze %dma_start3A_332 : memref<1x1x128xi32, #tpu.memory_space<vmem>> -> memref<128xi32, #tpu.memory_space<vmem>>
      %dma_start3A_334 = arith.constant 0 : i32
      %dma_start3A_335 = arith.constant 0 : i32
      %dma_start3A_336 = tpu.memref_slice %arg5[%dma_start3A_334, %dma_start3A_335] : memref<100000x8xf32, #tpu.memory_space<hbm>> -> memref<100000x8xf32, #tpu.memory_space<hbm>>
      tpu.enqueue_indirect_dma source(%dma_start3A_336 : memref<100000x8xf32, #tpu.memory_space<hbm>>) target(%dma_start3A_330 : memref<128x8xf32, #tpu.memory_space<vmem>>) offsets(%dma_start3A_333 : memref<128xi32, #tpu.memory_space<vmem>>) semaphore(%arg14 : memref<!tpu.dma_semaphore, #tpu.memory_space<semaphore_mem>>)
      %add3A_337 = arith.constant 1 : i32
      %add3A_338 = arith.addi %add3A_84, %add3A_337 : i32
      %lt3A_339 = arith.constant 98 : i32
      %lt3A_340 = arith.cmpi slt, %add3A_338, %lt3A_339 : i32
      %convert_element_type3A_341 = arith.extui %lt3A_340 : i1 to i32
      %cond3A_342 = arith.constant 0 : i32
      %cond3A_343 = arith.cmpi ne, %convert_element_type3A_341, %cond3A_342 : i32
      scf.if %cond3A_343 {
        %add3A_1096 = arith.constant 1 : i32
        %add3A_1097 = arith.addi %add3A_84, %add3A_1096 : i32
        %mul3A_1098 = arith.constant 16 : i32
        %mul3A_1099 = arith.muli %add3A_1097, %mul3A_1098 : i32
        %add3A_1100 = arith.addi %mul3A_23, %mul3A_1099 : i32
        %dma_start3A_1101 = arith.constant 1 : i32
        %dma_start3A_1102 = arith.constant 0 : i32
        %dma_start3A_1103 = arith.constant 0 : i32
        %dma_start3A_1104 = tpu.memref_slice %arg8[%dma_start3A_1101, %dma_start3A_1102, %dma_start3A_1103] : memref<2x16x128xi32, #tpu.memory_space<vmem>> -> memref<1x16x128xi32, #tpu.memory_space<vmem>>
        %dma_start3A_1105 = tpu.memref_squeeze %dma_start3A_1104 : memref<1x16x128xi32, #tpu.memory_space<vmem>> -> memref<16x128xi32, #tpu.memory_space<vmem>>
        %dma_start3A_1106 = arith.constant 0 : i32
        %dma_start3A_1107 = tpu.memref_slice %arg2[%add3A_1100, %dma_start3A_1106] : memref<50176x128xi32, #tpu.memory_space<hbm>> -> memref<16x128xi32, #tpu.memory_space<hbm>>
        %dma_start3A_1108 = arith.constant 0 : i32
        %dma_start3A_1109 = arith.constant 0 : i32
        %dma_start3A_1110 = tpu.memref_slice %arg8[%dma_start3A_1101, %dma_start3A_1108, %dma_start3A_1109] : memref<2x16x128xi32, #tpu.memory_space<vmem>> -> memref<1x16x128xi32, #tpu.memory_space<vmem>>
        %dma_start3A_1111 = tpu.memref_squeeze %dma_start3A_1110 : memref<1x16x128xi32, #tpu.memory_space<vmem>> -> memref<16x128xi32, #tpu.memory_space<vmem>>
        %dma_start3A_1112 = arith.constant 0 : i32
        %dma_start3A_1113 = tpu.memref_slice %arg2[%add3A_1100, %dma_start3A_1112] : memref<50176x128xi32, #tpu.memory_space<hbm>> -> memref<16x128xi32, #tpu.memory_space<hbm>>
        tpu.enqueue_dma source(%dma_start3A_1113 : memref<16x128xi32, #tpu.memory_space<hbm>>) target(%dma_start3A_1111 : memref<16x128xi32, #tpu.memory_space<vmem>>) target_semaphore(%arg13 : memref<!tpu.dma_semaphore, #tpu.memory_space<semaphore_mem>>)
        %dma_start3A_1114 = arith.constant 1 : i32
        %dma_start3A_1115 = arith.constant 0 : i32
        %dma_start3A_1116 = arith.constant 0 : i32
        %dma_start3A_1117 = tpu.memref_slice %arg9[%dma_start3A_1114, %dma_start3A_1115, %dma_start3A_1116] : memref<2x16x128xi32, #tpu.memory_space<vmem>> -> memref<1x16x128xi32, #tpu.memory_space<vmem>>
        %dma_start3A_1118 = tpu.memref_squeeze %dma_start3A_1117 : memref<1x16x128xi32, #tpu.memory_space<vmem>> -> memref<16x128xi32, #tpu.memory_space<vmem>>
        %dma_start3A_1119 = arith.constant 0 : i32
        %dma_start3A_1120 = tpu.memref_slice %arg3[%add3A_1100, %dma_start3A_1119] : memref<50176x128xi32, #tpu.memory_space<hbm>> -> memref<16x128xi32, #tpu.memory_space<hbm>>
        %dma_start3A_1121 = arith.constant 0 : i32
        %dma_start3A_1122 = arith.constant 0 : i32
        %dma_start3A_1123 = tpu.memref_slice %arg9[%dma_start3A_1114, %dma_start3A_1121, %dma_start3A_1122] : memref<2x16x128xi32, #tpu.memory_space<vmem>> -> memref<1x16x128xi32, #tpu.memory_space<vmem>>
        %dma_start3A_1124 = tpu.memref_squeeze %dma_start3A_1123 : memref<1x16x128xi32, #tpu.memory_space<vmem>> -> memref<16x128xi32, #tpu.memory_space<vmem>>
        %dma_start3A_1125 = arith.constant 0 : i32
        %dma_start3A_1126 = tpu.memref_slice %arg3[%add3A_1100, %dma_start3A_1125] : memref<50176x128xi32, #tpu.memory_space<hbm>> -> memref<16x128xi32, #tpu.memory_space<hbm>>
        tpu.enqueue_dma source(%dma_start3A_1126 : memref<16x128xi32, #tpu.memory_space<hbm>>) target(%dma_start3A_1124 : memref<16x128xi32, #tpu.memory_space<vmem>>) target_semaphore(%arg13 : memref<!tpu.dma_semaphore, #tpu.memory_space<semaphore_mem>>)
        %dma_start3A_1127 = arith.constant 1 : i32
        %dma_start3A_1128 = arith.constant 0 : i32
        %dma_start3A_1129 = arith.constant 0 : i32
        %dma_start3A_1130 = tpu.memref_slice %arg10[%dma_start3A_1127, %dma_start3A_1128, %dma_start3A_1129] : memref<2x16x128xf32, #tpu.memory_space<vmem>> -> memref<1x16x128xf32, #tpu.memory_space<vmem>>
        %dma_start3A_1131 = tpu.memref_squeeze %dma_start3A_1130 : memref<1x16x128xf32, #tpu.memory_space<vmem>> -> memref<16x128xf32, #tpu.memory_space<vmem>>
        %dma_start3A_1132 = arith.constant 0 : i32
        %dma_start3A_1133 = tpu.memref_slice %arg4[%add3A_1100, %dma_start3A_1132] : memref<50176x128xf32, #tpu.memory_space<hbm>> -> memref<16x128xf32, #tpu.memory_space<hbm>>
        %dma_start3A_1134 = arith.constant 0 : i32
        %dma_start3A_1135 = arith.constant 0 : i32
        %dma_start3A_1136 = tpu.memref_slice %arg10[%dma_start3A_1127, %dma_start3A_1134, %dma_start3A_1135] : memref<2x16x128xf32, #tpu.memory_space<vmem>> -> memref<1x16x128xf32, #tpu.memory_space<vmem>>
        %dma_start3A_1137 = tpu.memref_squeeze %dma_start3A_1136 : memref<1x16x128xf32, #tpu.memory_space<vmem>> -> memref<16x128xf32, #tpu.memory_space<vmem>>
        %dma_start3A_1138 = arith.constant 0 : i32
        %dma_start3A_1139 = tpu.memref_slice %arg4[%add3A_1100, %dma_start3A_1138] : memref<50176x128xf32, #tpu.memory_space<hbm>> -> memref<16x128xf32, #tpu.memory_space<hbm>>
        tpu.enqueue_dma source(%dma_start3A_1139 : memref<16x128xf32, #tpu.memory_space<hbm>>) target(%dma_start3A_1137 : memref<16x128xf32, #tpu.memory_space<vmem>>) target_semaphore(%arg13 : memref<!tpu.dma_semaphore, #tpu.memory_space<semaphore_mem>>)
      } else {
      }
      %dma_wait3A_344 = arith.constant 0 : i32
      %dma_wait3A_345 = arith.constant 0 : i32
      %dma_wait3A_346 = arith.constant 0 : i32
      %dma_wait3A_347 = tpu.memref_slice %arg11[%dma_wait3A_344, %dma_wait3A_345, %dma_wait3A_346] : memref<2x2048x8xf32, #tpu.memory_space<vmem>> -> memref<1x2048x8xf32, #tpu.memory_space<vmem>>
      %dma_wait3A_348 = tpu.memref_squeeze %dma_wait3A_347 : memref<1x2048x8xf32, #tpu.memory_space<vmem>> -> memref<2048x8xf32, #tpu.memory_space<vmem>>
      %dma_wait3A_349 = arith.constant 0 : i32
      %dma_wait3A_350 = arith.constant 0 : i32
      %dma_wait3A_351 = tpu.memref_slice %arg5[%dma_wait3A_349, %dma_wait3A_350] : memref<100000x8xf32, #tpu.memory_space<hbm>> -> memref<2048x8xf32, #tpu.memory_space<hbm>>
      %dma_wait3A_352 = arith.constant 0 : i32
      %dma_wait3A_353 = arith.constant 0 : i32
      %dma_wait3A_354 = tpu.memref_slice %arg11[%dma_wait3A_344, %dma_wait3A_352, %dma_wait3A_353] : memref<2x2048x8xf32, #tpu.memory_space<vmem>> -> memref<1x2048x8xf32, #tpu.memory_space<vmem>>
      %dma_wait3A_355 = tpu.memref_squeeze %dma_wait3A_354 : memref<1x2048x8xf32, #tpu.memory_space<vmem>> -> memref<2048x8xf32, #tpu.memory_space<vmem>>
      %dma_wait3A_356 = arith.constant 0 : i32
      %dma_wait3A_357 = arith.constant 0 : i32
      %dma_wait3A_358 = tpu.memref_slice %arg5[%dma_wait3A_356, %dma_wait3A_357] : memref<100000x8xf32, #tpu.memory_space<hbm>> -> memref<2048x8xf32, #tpu.memory_space<hbm>>
      tpu.wait_dma2 semaphore(%arg14 : memref<!tpu.dma_semaphore, #tpu.memory_space<semaphore_mem>>) src(%dma_wait3A_358 : memref<2048x8xf32, #tpu.memory_space<hbm>>) dst(%dma_wait3A_355 : memref<2048x8xf32, #tpu.memory_space<vmem>>)
      %scan3A_359 = arith.constant 0 : i32
      %scan3A_360 = arith.constant 0 : i32
      %scan3A_361 = arith.constant 16 : i32
      %scan3A_362 = arith.addi %scan3A_360, %scan3A_361 : i32
      %scan3A_363 = arith.constant 1 : i32
      scf.for %scan3A_1096 = %scan3A_360 to %scan3A_362 step %scan3A_363  : i32 {
        %scan3A_1097 = arith.constant 0 : i32
        %scan3A_1098 = arith.constant 0 : i32
        %scan3A_1099 = arith.constant 8 : i32
        %scan3A_1100 = arith.addi %scan3A_1098, %scan3A_1099 : i32
        %scan3A_1101 = arith.constant 1 : i32
        scf.for %scan3A_1103 = %scan3A_1098 to %scan3A_1100 step %scan3A_1101  : i32 {
          %mul3A_1104 = arith.constant 128 : i32
          %mul3A_1105 = arith.muli %scan3A_1096, %mul3A_1104 : i32
          %mul3A_1106 = arith.constant 16 : i32
          %mul3A_1107 = arith.muli %scan3A_1103, %mul3A_1106 : i32
          %add3A_1108 = arith.addi %mul3A_1105, %mul3A_1107 : i32
          %add3A_1109 = vector.broadcast %add3A_1108 : i32 to vector<16xi32>
          %add3A_1110 = arith.addi %add3A_1109, %iota3A : vector<16xi32>
          %mul3A_1111 = arith.constant 16 : i32
          %mul3A_1112 = arith.muli %scan3A_1103, %mul3A_1111 : i32
          %get3A = arith.constant 0 : i32
          %get3A_1113 = arith.index_cast %get3A : i32 to index
          %get3A_1114 = arith.index_cast %scan3A_1096 : i32 to index
          %get3A_1115 = arith.index_cast %mul3A_1112 : i32 to index
          %get3A_1116 = tpu.vector_load %arg10[%get3A_1113, %get3A_1114, %get3A_1115] {strides = array<i32>} : memref<2x16x128xf32, #tpu.memory_space<vmem>>, vector<16xf32>,
          %gather3A = arith.constant 0 : i32
          %gather3A_1117 = arith.constant 0 : i32
          %gather3A_1118 = arith.constant 0 : i32
          %gather3A_1119 = tpu.memref_slice %arg11[%gather3A, %gather3A_1117, %gather3A_1118] : memref<2x2048x8xf32, #tpu.memory_space<vmem>> -> memref<1x2048x8xf32, #tpu.memory_space<vmem>>
          %gather3A_1120 = tpu.memref_squeeze %gather3A_1119 : memref<1x2048x8xf32, #tpu.memory_space<vmem>> -> memref<2048x8xf32, #tpu.memory_space<vmem>>
          %gather3A_1121 = tpu.vector_load_idx %gather3A_1120[%add3A_1110, %broadcast_in_dim3A_7] : memref<2048x8xf32, #tpu.memory_space<vmem>>[vector<16xi32>, vector<16xi32>], vector<16xf32>,
          %mul3A_1122 = arith.mulf %gather3A_1121, %get3A_1116 : vector<16xf32>
          %scatter3A = arith.constant 0 : i32
          %scatter3A_1123 = arith.constant 0 : i32
          %scatter3A_1124 = arith.constant 0 : i32
          %scatter3A_1125 = tpu.memref_slice %arg11[%scatter3A, %scatter3A_1123, %scatter3A_1124] : memref<2x2048x8xf32, #tpu.memory_space<vmem>> -> memref<1x2048x8xf32, #tpu.memory_space<vmem>>
          %scatter3A_1126 = tpu.memref_squeeze %scatter3A_1125 : memref<1x2048x8xf32, #tpu.memory_space<vmem>> -> memref<2048x8xf32, #tpu.memory_space<vmem>>
          tpu.vector_store_idx %scatter3A_1126[%add3A_1110, %broadcast_in_dim3A_7], %mul3A_1122 : memref<2048x8xf32, #tpu.memory_space<vmem>>[vector<16xi32>, vector<16xi32>], vector<16xf32>,
          %gather3A_1127 = arith.constant 0 : i32
          %gather3A_1128 = arith.constant 0 : i32
          %gather3A_1129 = arith.constant 0 : i32
          %gather3A_1130 = tpu.memref_slice %arg11[%gather3A_1127, %gather3A_1128, %gather3A_1129] : memref<2x2048x8xf32, #tpu.memory_space<vmem>> -> memref<1x2048x8xf32, #tpu.memory_space<vmem>>
          %gather3A_1131 = tpu.memref_squeeze %gather3A_1130 : memref<1x2048x8xf32, #tpu.memory_space<vmem>> -> memref<2048x8xf32, #tpu.memory_space<vmem>>
          %gather3A_1132 = tpu.vector_load_idx %gather3A_1131[%add3A_1110, %broadcast_in_dim3A_9] : memref<2048x8xf32, #tpu.memory_space<vmem>>[vector<16xi32>, vector<16xi32>], vector<16xf32>,
          %mul3A_1133 = arith.mulf %gather3A_1132, %get3A_1116 : vector<16xf32>
          %scatter3A_1134 = arith.constant 0 : i32
          %scatter3A_1135 = arith.constant 0 : i32
          %scatter3A_1136 = arith.constant 0 : i32
          %scatter3A_1137 = tpu.memref_slice %arg11[%scatter3A_1134, %scatter3A_1135, %scatter3A_1136] : memref<2x2048x8xf32, #tpu.memory_space<vmem>> -> memref<1x2048x8xf32, #tpu.memory_space<vmem>>
          %scatter3A_1138 = tpu.memref_squeeze %scatter3A_1137 : memref<1x2048x8xf32, #tpu.memory_space<vmem>> -> memref<2048x8xf32, #tpu.memory_space<vmem>>
          tpu.vector_store_idx %scatter3A_1138[%add3A_1110, %broadcast_in_dim3A_9], %mul3A_1133 : memref<2048x8xf32, #tpu.memory_space<vmem>>[vector<16xi32>, vector<16xi32>], vector<16xf32>,
          %gather3A_1139 = arith.constant 0 : i32
          %gather3A_1140 = arith.constant 0 : i32
          %gather3A_1141 = arith.constant 0 : i32
          %gather3A_1142 = tpu.memref_slice %arg11[%gather3A_1139, %gather3A_1140, %gather3A_1141] : memref<2x2048x8xf32, #tpu.memory_space<vmem>> -> memref<1x2048x8xf32, #tpu.memory_space<vmem>>
          %gather3A_1143 = tpu.memref_squeeze %gather3A_1142 : memref<1x2048x8xf32, #tpu.memory_space<vmem>> -> memref<2048x8xf32, #tpu.memory_space<vmem>>
          %gather3A_1144 = tpu.vector_load_idx %gather3A_1143[%add3A_1110, %broadcast_in_dim3A_11] : memref<2048x8xf32, #tpu.memory_space<vmem>>[vector<16xi32>, vector<16xi32>], vector<16xf32>,
          %mul3A_1145 = arith.mulf %gather3A_1144, %get3A_1116 : vector<16xf32>
          %scatter3A_1146 = arith.constant 0 : i32
          %scatter3A_1147 = arith.constant 0 : i32
          %scatter3A_1148 = arith.constant 0 : i32
          %scatter3A_1149 = tpu.memref_slice %arg11[%scatter3A_1146, %scatter3A_1147, %scatter3A_1148] : memref<2x2048x8xf32, #tpu.memory_space<vmem>> -> memref<1x2048x8xf32, #tpu.memory_space<vmem>>
          %scatter3A_1150 = tpu.memref_squeeze %scatter3A_1149 : memref<1x2048x8xf32, #tpu.memory_space<vmem>> -> memref<2048x8xf32, #tpu.memory_space<vmem>>
          tpu.vector_store_idx %scatter3A_1150[%add3A_1110, %broadcast_in_dim3A_11], %mul3A_1145 : memref<2048x8xf32, #tpu.memory_space<vmem>>[vector<16xi32>, vector<16xi32>], vector<16xf32>,
          %gather3A_1151 = arith.constant 0 : i32
          %gather3A_1152 = arith.constant 0 : i32
          %gather3A_1153 = arith.constant 0 : i32
          %gather3A_1154 = tpu.memref_slice %arg11[%gather3A_1151, %gather3A_1152, %gather3A_1153] : memref<2x2048x8xf32, #tpu.memory_space<vmem>> -> memref<1x2048x8xf32, #tpu.memory_space<vmem>>
          %gather3A_1155 = tpu.memref_squeeze %gather3A_1154 : memref<1x2048x8xf32, #tpu.memory_space<vmem>> -> memref<2048x8xf32, #tpu.memory_space<vmem>>
          %gather3A_1156 = tpu.vector_load_idx %gather3A_1155[%add3A_1110, %broadcast_in_dim3A_13] : memref<2048x8xf32, #tpu.memory_space<vmem>>[vector<16xi32>, vector<16xi32>], vector<16xf32>,
          %mul3A_1157 = arith.mulf %gather3A_1156, %get3A_1116 : vector<16xf32>
          %scatter3A_1158 = arith.constant 0 : i32
          %scatter3A_1159 = arith.constant 0 : i32
          %scatter3A_1160 = arith.constant 0 : i32
          %scatter3A_1161 = tpu.memref_slice %arg11[%scatter3A_1158, %scatter3A_1159, %scatter3A_1160] : memref<2x2048x8xf32, #tpu.memory_space<vmem>> -> memref<1x2048x8xf32, #tpu.memory_space<vmem>>
          %scatter3A_1162 = tpu.memref_squeeze %scatter3A_1161 : memref<1x2048x8xf32, #tpu.memory_space<vmem>> -> memref<2048x8xf32, #tpu.memory_space<vmem>>
          tpu.vector_store_idx %scatter3A_1162[%add3A_1110, %broadcast_in_dim3A_13], %mul3A_1157 : memref<2048x8xf32, #tpu.memory_space<vmem>>[vector<16xi32>, vector<16xi32>], vector<16xf32>,
          %gather3A_1163 = arith.constant 0 : i32
          %gather3A_1164 = arith.constant 0 : i32
          %gather3A_1165 = arith.constant 0 : i32
          %gather3A_1166 = tpu.memref_slice %arg11[%gather3A_1163, %gather3A_1164, %gather3A_1165] : memref<2x2048x8xf32, #tpu.memory_space<vmem>> -> memref<1x2048x8xf32, #tpu.memory_space<vmem>>
          %gather3A_1167 = tpu.memref_squeeze %gather3A_1166 : memref<1x2048x8xf32, #tpu.memory_space<vmem>> -> memref<2048x8xf32, #tpu.memory_space<vmem>>
          %gather3A_1168 = tpu.vector_load_idx %gather3A_1167[%add3A_1110, %broadcast_in_dim3A_15] : memref<2048x8xf32, #tpu.memory_space<vmem>>[vector<16xi32>, vector<16xi32>], vector<16xf32>,
          %mul3A_1169 = arith.mulf %gather3A_1168, %get3A_1116 : vector<16xf32>
          %scatter3A_1170 = arith.constant 0 : i32
          %scatter3A_1171 = arith.constant 0 : i32
          %scatter3A_1172 = arith.constant 0 : i32
          %scatter3A_1173 = tpu.memref_slice %arg11[%scatter3A_1170, %scatter3A_1171, %scatter3A_1172] : memref<2x2048x8xf32, #tpu.memory_space<vmem>> -> memref<1x2048x8xf32, #tpu.memory_space<vmem>>
          %scatter3A_1174 = tpu.memref_squeeze %scatter3A_1173 : memref<1x2048x8xf32, #tpu.memory_space<vmem>> -> memref<2048x8xf32, #tpu.memory_space<vmem>>
          tpu.vector_store_idx %scatter3A_1174[%add3A_1110, %broadcast_in_dim3A_15], %mul3A_1169 : memref<2048x8xf32, #tpu.memory_space<vmem>>[vector<16xi32>, vector<16xi32>], vector<16xf32>,
          %gather3A_1175 = arith.constant 0 : i32
          %gather3A_1176 = arith.constant 0 : i32
          %gather3A_1177 = arith.constant 0 : i32
          %gather3A_1178 = tpu.memref_slice %arg11[%gather3A_1175, %gather3A_1176, %gather3A_1177] : memref<2x2048x8xf32, #tpu.memory_space<vmem>> -> memref<1x2048x8xf32, #tpu.memory_space<vmem>>
          %gather3A_1179 = tpu.memref_squeeze %gather3A_1178 : memref<1x2048x8xf32, #tpu.memory_space<vmem>> -> memref<2048x8xf32, #tpu.memory_space<vmem>>
          %gather3A_1180 = tpu.vector_load_idx %gather3A_1179[%add3A_1110, %broadcast_in_dim3A_17] : memref<2048x8xf32, #tpu.memory_space<vmem>>[vector<16xi32>, vector<16xi32>], vector<16xf32>,
          %mul3A_1181 = arith.mulf %gather3A_1180, %get3A_1116 : vector<16xf32>
          %scatter3A_1182 = arith.constant 0 : i32
          %scatter3A_1183 = arith.constant 0 : i32
          %scatter3A_1184 = arith.constant 0 : i32
          %scatter3A_1185 = tpu.memref_slice %arg11[%scatter3A_1182, %scatter3A_1183, %scatter3A_1184] : memref<2x2048x8xf32, #tpu.memory_space<vmem>> -> memref<1x2048x8xf32, #tpu.memory_space<vmem>>
          %scatter3A_1186 = tpu.memref_squeeze %scatter3A_1185 : memref<1x2048x8xf32, #tpu.memory_space<vmem>> -> memref<2048x8xf32, #tpu.memory_space<vmem>>
          tpu.vector_store_idx %scatter3A_1186[%add3A_1110, %broadcast_in_dim3A_17], %mul3A_1181 : memref<2048x8xf32, #tpu.memory_space<vmem>>[vector<16xi32>, vector<16xi32>], vector<16xf32>,
          %gather3A_1187 = arith.constant 0 : i32
          %gather3A_1188 = arith.constant 0 : i32
          %gather3A_1189 = arith.constant 0 : i32
          %gather3A_1190 = tpu.memref_slice %arg11[%gather3A_1187, %gather3A_1188, %gather3A_1189] : memref<2x2048x8xf32, #tpu.memory_space<vmem>> -> memref<1x2048x8xf32, #tpu.memory_space<vmem>>
          %gather3A_1191 = tpu.memref_squeeze %gather3A_1190 : memref<1x2048x8xf32, #tpu.memory_space<vmem>> -> memref<2048x8xf32, #tpu.memory_space<vmem>>
          %gather3A_1192 = tpu.vector_load_idx %gather3A_1191[%add3A_1110, %broadcast_in_dim3A_19] : memref<2048x8xf32, #tpu.memory_space<vmem>>[vector<16xi32>, vector<16xi32>], vector<16xf32>,
          %mul3A_1193 = arith.mulf %gather3A_1192, %get3A_1116 : vector<16xf32>
          %scatter3A_1194 = arith.constant 0 : i32
          %scatter3A_1195 = arith.constant 0 : i32
          %scatter3A_1196 = arith.constant 0 : i32
          %scatter3A_1197 = tpu.memref_slice %arg11[%scatter3A_1194, %scatter3A_1195, %scatter3A_1196] : memref<2x2048x8xf32, #tpu.memory_space<vmem>> -> memref<1x2048x8xf32, #tpu.memory_space<vmem>>
          %scatter3A_1198 = tpu.memref_squeeze %scatter3A_1197 : memref<1x2048x8xf32, #tpu.memory_space<vmem>> -> memref<2048x8xf32, #tpu.memory_space<vmem>>
          tpu.vector_store_idx %scatter3A_1198[%add3A_1110, %broadcast_in_dim3A_19], %mul3A_1193 : memref<2048x8xf32, #tpu.memory_space<vmem>>[vector<16xi32>, vector<16xi32>], vector<16xf32>,
          %gather3A_1199 = arith.constant 0 : i32
          %gather3A_1200 = arith.constant 0 : i32
          %gather3A_1201 = arith.constant 0 : i32
          %gather3A_1202 = tpu.memref_slice %arg11[%gather3A_1199, %gather3A_1200, %gather3A_1201] : memref<2x2048x8xf32, #tpu.memory_space<vmem>> -> memref<1x2048x8xf32, #tpu.memory_space<vmem>>
          %gather3A_1203 = tpu.memref_squeeze %gather3A_1202 : memref<1x2048x8xf32, #tpu.memory_space<vmem>> -> memref<2048x8xf32, #tpu.memory_space<vmem>>
          %gather3A_1204 = tpu.vector_load_idx %gather3A_1203[%add3A_1110, %broadcast_in_dim3A_21] : memref<2048x8xf32, #tpu.memory_space<vmem>>[vector<16xi32>, vector<16xi32>], vector<16xf32>,
          %mul3A_1205 = arith.mulf %gather3A_1204, %get3A_1116 : vector<16xf32>
          %scatter3A_1206 = arith.constant 0 : i32
          %scatter3A_1207 = arith.constant 0 : i32
          %scatter3A_1208 = arith.constant 0 : i32
          %scatter3A_1209 = tpu.memref_slice %arg11[%scatter3A_1206, %scatter3A_1207, %scatter3A_1208] : memref<2x2048x8xf32, #tpu.memory_space<vmem>> -> memref<1x2048x8xf32, #tpu.memory_space<vmem>>
          %scatter3A_1210 = tpu.memref_squeeze %scatter3A_1209 : memref<1x2048x8xf32, #tpu.memory_space<vmem>> -> memref<2048x8xf32, #tpu.memory_space<vmem>>
          tpu.vector_store_idx %scatter3A_1210[%add3A_1110, %broadcast_in_dim3A_21], %mul3A_1205 : memref<2048x8xf32, #tpu.memory_space<vmem>>[vector<16xi32>, vector<16xi32>], vector<16xf32>,
        }
        %scan3A_1102 = arith.constant 8 : i32
      }
      %scan3A_364 = arith.constant 16 : i32
      %dma_start3A_365 = arith.constant 0 : i32
      %dma_start3A_366 = arith.constant 0 : i32
      %dma_start3A_367 = arith.constant 0 : i32
      %dma_start3A_368 = arith.constant 0 : i32
      %dma_start3A_369 = arith.constant 0 : i32
      %dma_start3A_370 = tpu.memref_slice %arg11[%dma_start3A_365, %dma_start3A_368, %dma_start3A_369] : memref<2x2048x8xf32, #tpu.memory_space<vmem>> -> memref<1x128x8xf32, #tpu.memory_space<vmem>>
      %dma_start3A_371 = tpu.memref_squeeze %dma_start3A_370 : memref<1x128x8xf32, #tpu.memory_space<vmem>> -> memref<128x8xf32, #tpu.memory_space<vmem>>
      %dma_start3A_372 = arith.constant 0 : i32
      %dma_start3A_373 = tpu.memref_slice %arg9[%dma_start3A_366, %dma_start3A_367, %dma_start3A_372] : memref<2x16x128xi32, #tpu.memory_space<vmem>> -> memref<1x1x128xi32, #tpu.memory_space<vmem>>
      %dma_start3A_374 = tpu.memref_squeeze %dma_start3A_373 : memref<1x1x128xi32, #tpu.memory_space<vmem>> -> memref<128xi32, #tpu.memory_space<vmem>>
      %dma_start3A_375 = arith.constant 0 : i32
      %dma_start3A_376 = arith.constant 0 : i32
      %dma_start3A_377 = tpu.memref_slice %arg12[%dma_start3A_375, %dma_start3A_376] : memref<100000x8xf32, #tpu.memory_space<vmem_shared>> -> memref<100000x8xf32, #tpu.memory_space<vmem_shared>>
      tpu.enqueue_indirect_dma source(%dma_start3A_371 : memref<128x8xf32, #tpu.memory_space<vmem>>) target(%dma_start3A_377 : memref<100000x8xf32, #tpu.memory_space<vmem_shared>>) offsets(%dma_start3A_374 : memref<128xi32, #tpu.memory_space<vmem>>) semaphore(%arg15 : memref<!tpu.dma_semaphore, #tpu.memory_space<semaphore_mem>>) {add = true}
      %dma_start3A_378 = arith.constant 0 : i32
      %dma_start3A_379 = arith.constant 0 : i32
      %dma_start3A_380 = arith.constant 1 : i32
      %dma_start3A_381 = arith.constant 128 : i32
      %dma_start3A_382 = arith.constant 0 : i32
      %dma_start3A_383 = tpu.memref_slice %arg11[%dma_start3A_378, %dma_start3A_381, %dma_start3A_382] : memref<2x2048x8xf32, #tpu.memory_space<vmem>> -> memref<1x128x8xf32, #tpu.memory_space<vmem>>
      %dma_start3A_384 = tpu.memref_squeeze %dma_start3A_383 : memref<1x128x8xf32, #tpu.memory_space<vmem>> -> memref<128x8xf32, #tpu.memory_space<vmem>>
      %dma_start3A_385 = arith.constant 0 : i32
      %dma_start3A_386 = tpu.memref_slice %arg9[%dma_start3A_379, %dma_start3A_380, %dma_start3A_385] : memref<2x16x128xi32, #tpu.memory_space<vmem>> -> memref<1x1x128xi32, #tpu.memory_space<vmem>>
      %dma_start3A_387 = tpu.memref_squeeze %dma_start3A_386 : memref<1x1x128xi32, #tpu.memory_space<vmem>> -> memref<128xi32, #tpu.memory_space<vmem>>
      %dma_start3A_388 = arith.constant 0 : i32
      %dma_start3A_389 = arith.constant 0 : i32
      %dma_start3A_390 = tpu.memref_slice %arg12[%dma_start3A_388, %dma_start3A_389] : memref<100000x8xf32, #tpu.memory_space<vmem_shared>> -> memref<100000x8xf32, #tpu.memory_space<vmem_shared>>
      tpu.enqueue_indirect_dma source(%dma_start3A_384 : memref<128x8xf32, #tpu.memory_space<vmem>>) target(%dma_start3A_390 : memref<100000x8xf32, #tpu.memory_space<vmem_shared>>) offsets(%dma_start3A_387 : memref<128xi32, #tpu.memory_space<vmem>>) semaphore(%arg15 : memref<!tpu.dma_semaphore, #tpu.memory_space<semaphore_mem>>) {add = true}
      %dma_start3A_391 = arith.constant 0 : i32
      %dma_start3A_392 = arith.constant 0 : i32
      %dma_start3A_393 = arith.constant 2 : i32
      %dma_start3A_394 = arith.constant 256 : i32
      %dma_start3A_395 = arith.constant 0 : i32
      %dma_start3A_396 = tpu.memref_slice %arg11[%dma_start3A_391, %dma_start3A_394, %dma_start3A_395] : memref<2x2048x8xf32, #tpu.memory_space<vmem>> -> memref<1x128x8xf32, #tpu.memory_space<vmem>>
      %dma_start3A_397 = tpu.memref_squeeze %dma_start3A_396 : memref<1x128x8xf32, #tpu.memory_space<vmem>> -> memref<128x8xf32, #tpu.memory_space<vmem>>
      %dma_start3A_398 = arith.constant 0 : i32
      %dma_start3A_399 = tpu.memref_slice %arg9[%dma_start3A_392, %dma_start3A_393, %dma_start3A_398] : memref<2x16x128xi32, #tpu.memory_space<vmem>> -> memref<1x1x128xi32, #tpu.memory_space<vmem>>
      %dma_start3A_400 = tpu.memref_squeeze %dma_start3A_399 : memref<1x1x128xi32, #tpu.memory_space<vmem>> -> memref<128xi32, #tpu.memory_space<vmem>>
      %dma_start3A_401 = arith.constant 0 : i32
      %dma_start3A_402 = arith.constant 0 : i32
      %dma_start3A_403 = tpu.memref_slice %arg12[%dma_start3A_401, %dma_start3A_402] : memref<100000x8xf32, #tpu.memory_space<vmem_shared>> -> memref<100000x8xf32, #tpu.memory_space<vmem_shared>>
      tpu.enqueue_indirect_dma source(%dma_start3A_397 : memref<128x8xf32, #tpu.memory_space<vmem>>) target(%dma_start3A_403 : memref<100000x8xf32, #tpu.memory_space<vmem_shared>>) offsets(%dma_start3A_400 : memref<128xi32, #tpu.memory_space<vmem>>) semaphore(%arg15 : memref<!tpu.dma_semaphore, #tpu.memory_space<semaphore_mem>>) {add = true}
      %dma_start3A_404 = arith.constant 0 : i32
      %dma_start3A_405 = arith.constant 0 : i32
      %dma_start3A_406 = arith.constant 3 : i32
      %dma_start3A_407 = arith.constant 384 : i32
      %dma_start3A_408 = arith.constant 0 : i32
      %dma_start3A_409 = tpu.memref_slice %arg11[%dma_start3A_404, %dma_start3A_407, %dma_start3A_408] : memref<2x2048x8xf32, #tpu.memory_space<vmem>> -> memref<1x128x8xf32, #tpu.memory_space<vmem>>
      %dma_start3A_410 = tpu.memref_squeeze %dma_start3A_409 : memref<1x128x8xf32, #tpu.memory_space<vmem>> -> memref<128x8xf32, #tpu.memory_space<vmem>>
      %dma_start3A_411 = arith.constant 0 : i32
      %dma_start3A_412 = tpu.memref_slice %arg9[%dma_start3A_405, %dma_start3A_406, %dma_start3A_411] : memref<2x16x128xi32, #tpu.memory_space<vmem>> -> memref<1x1x128xi32, #tpu.memory_space<vmem>>
      %dma_start3A_413 = tpu.memref_squeeze %dma_start3A_412 : memref<1x1x128xi32, #tpu.memory_space<vmem>> -> memref<128xi32, #tpu.memory_space<vmem>>
      %dma_start3A_414 = arith.constant 0 : i32
      %dma_start3A_415 = arith.constant 0 : i32
      %dma_start3A_416 = tpu.memref_slice %arg12[%dma_start3A_414, %dma_start3A_415] : memref<100000x8xf32, #tpu.memory_space<vmem_shared>> -> memref<100000x8xf32, #tpu.memory_space<vmem_shared>>
      tpu.enqueue_indirect_dma source(%dma_start3A_410 : memref<128x8xf32, #tpu.memory_space<vmem>>) target(%dma_start3A_416 : memref<100000x8xf32, #tpu.memory_space<vmem_shared>>) offsets(%dma_start3A_413 : memref<128xi32, #tpu.memory_space<vmem>>) semaphore(%arg15 : memref<!tpu.dma_semaphore, #tpu.memory_space<semaphore_mem>>) {add = true}
      %dma_start3A_417 = arith.constant 0 : i32
      %dma_start3A_418 = arith.constant 0 : i32
      %dma_start3A_419 = arith.constant 4 : i32
      %dma_start3A_420 = arith.constant 512 : i32
      %dma_start3A_421 = arith.constant 0 : i32
      %dma_start3A_422 = tpu.memref_slice %arg11[%dma_start3A_417, %dma_start3A_420, %dma_start3A_421] : memref<2x2048x8xf32, #tpu.memory_space<vmem>> -> memref<1x128x8xf32, #tpu.memory_space<vmem>>
      %dma_start3A_423 = tpu.memref_squeeze %dma_start3A_422 : memref<1x128x8xf32, #tpu.memory_space<vmem>> -> memref<128x8xf32, #tpu.memory_space<vmem>>
      %dma_start3A_424 = arith.constant 0 : i32
      %dma_start3A_425 = tpu.memref_slice %arg9[%dma_start3A_418, %dma_start3A_419, %dma_start3A_424] : memref<2x16x128xi32, #tpu.memory_space<vmem>> -> memref<1x1x128xi32, #tpu.memory_space<vmem>>
      %dma_start3A_426 = tpu.memref_squeeze %dma_start3A_425 : memref<1x1x128xi32, #tpu.memory_space<vmem>> -> memref<128xi32, #tpu.memory_space<vmem>>
      %dma_start3A_427 = arith.constant 0 : i32
      %dma_start3A_428 = arith.constant 0 : i32
      %dma_start3A_429 = tpu.memref_slice %arg12[%dma_start3A_427, %dma_start3A_428] : memref<100000x8xf32, #tpu.memory_space<vmem_shared>> -> memref<100000x8xf32, #tpu.memory_space<vmem_shared>>
      tpu.enqueue_indirect_dma source(%dma_start3A_423 : memref<128x8xf32, #tpu.memory_space<vmem>>) target(%dma_start3A_429 : memref<100000x8xf32, #tpu.memory_space<vmem_shared>>) offsets(%dma_start3A_426 : memref<128xi32, #tpu.memory_space<vmem>>) semaphore(%arg15 : memref<!tpu.dma_semaphore, #tpu.memory_space<semaphore_mem>>) {add = true}
      %dma_start3A_430 = arith.constant 0 : i32
      %dma_start3A_431 = arith.constant 0 : i32
      %dma_start3A_432 = arith.constant 5 : i32
      %dma_start3A_433 = arith.constant 640 : i32
      %dma_start3A_434 = arith.constant 0 : i32
      %dma_start3A_435 = tpu.memref_slice %arg11[%dma_start3A_430, %dma_start3A_433, %dma_start3A_434] : memref<2x2048x8xf32, #tpu.memory_space<vmem>> -> memref<1x128x8xf32, #tpu.memory_space<vmem>>
      %dma_start3A_436 = tpu.memref_squeeze %dma_start3A_435 : memref<1x128x8xf32, #tpu.memory_space<vmem>> -> memref<128x8xf32, #tpu.memory_space<vmem>>
      %dma_start3A_437 = arith.constant 0 : i32
      %dma_start3A_438 = tpu.memref_slice %arg9[%dma_start3A_431, %dma_start3A_432, %dma_start3A_437] : memref<2x16x128xi32, #tpu.memory_space<vmem>> -> memref<1x1x128xi32, #tpu.memory_space<vmem>>
      %dma_start3A_439 = tpu.memref_squeeze %dma_start3A_438 : memref<1x1x128xi32, #tpu.memory_space<vmem>> -> memref<128xi32, #tpu.memory_space<vmem>>
      %dma_start3A_440 = arith.constant 0 : i32
      %dma_start3A_441 = arith.constant 0 : i32
      %dma_start3A_442 = tpu.memref_slice %arg12[%dma_start3A_440, %dma_start3A_441] : memref<100000x8xf32, #tpu.memory_space<vmem_shared>> -> memref<100000x8xf32, #tpu.memory_space<vmem_shared>>
      tpu.enqueue_indirect_dma source(%dma_start3A_436 : memref<128x8xf32, #tpu.memory_space<vmem>>) target(%dma_start3A_442 : memref<100000x8xf32, #tpu.memory_space<vmem_shared>>) offsets(%dma_start3A_439 : memref<128xi32, #tpu.memory_space<vmem>>) semaphore(%arg15 : memref<!tpu.dma_semaphore, #tpu.memory_space<semaphore_mem>>) {add = true}
      %dma_start3A_443 = arith.constant 0 : i32
      %dma_start3A_444 = arith.constant 0 : i32
      %dma_start3A_445 = arith.constant 6 : i32
      %dma_start3A_446 = arith.constant 768 : i32
      %dma_start3A_447 = arith.constant 0 : i32
      %dma_start3A_448 = tpu.memref_slice %arg11[%dma_start3A_443, %dma_start3A_446, %dma_start3A_447] : memref<2x2048x8xf32, #tpu.memory_space<vmem>> -> memref<1x128x8xf32, #tpu.memory_space<vmem>>
      %dma_start3A_449 = tpu.memref_squeeze %dma_start3A_448 : memref<1x128x8xf32, #tpu.memory_space<vmem>> -> memref<128x8xf32, #tpu.memory_space<vmem>>
      %dma_start3A_450 = arith.constant 0 : i32
      %dma_start3A_451 = tpu.memref_slice %arg9[%dma_start3A_444, %dma_start3A_445, %dma_start3A_450] : memref<2x16x128xi32, #tpu.memory_space<vmem>> -> memref<1x1x128xi32, #tpu.memory_space<vmem>>
      %dma_start3A_452 = tpu.memref_squeeze %dma_start3A_451 : memref<1x1x128xi32, #tpu.memory_space<vmem>> -> memref<128xi32, #tpu.memory_space<vmem>>
      %dma_start3A_453 = arith.constant 0 : i32
      %dma_start3A_454 = arith.constant 0 : i32
      %dma_start3A_455 = tpu.memref_slice %arg12[%dma_start3A_453, %dma_start3A_454] : memref<100000x8xf32, #tpu.memory_space<vmem_shared>> -> memref<100000x8xf32, #tpu.memory_space<vmem_shared>>
      tpu.enqueue_indirect_dma source(%dma_start3A_449 : memref<128x8xf32, #tpu.memory_space<vmem>>) target(%dma_start3A_455 : memref<100000x8xf32, #tpu.memory_space<vmem_shared>>) offsets(%dma_start3A_452 : memref<128xi32, #tpu.memory_space<vmem>>) semaphore(%arg15 : memref<!tpu.dma_semaphore, #tpu.memory_space<semaphore_mem>>) {add = true}
      %dma_start3A_456 = arith.constant 0 : i32
      %dma_start3A_457 = arith.constant 0 : i32
      %dma_start3A_458 = arith.constant 7 : i32
      %dma_start3A_459 = arith.constant 896 : i32
      %dma_start3A_460 = arith.constant 0 : i32
      %dma_start3A_461 = tpu.memref_slice %arg11[%dma_start3A_456, %dma_start3A_459, %dma_start3A_460] : memref<2x2048x8xf32, #tpu.memory_space<vmem>> -> memref<1x128x8xf32, #tpu.memory_space<vmem>>
      %dma_start3A_462 = tpu.memref_squeeze %dma_start3A_461 : memref<1x128x8xf32, #tpu.memory_space<vmem>> -> memref<128x8xf32, #tpu.memory_space<vmem>>
      %dma_start3A_463 = arith.constant 0 : i32
      %dma_start3A_464 = tpu.memref_slice %arg9[%dma_start3A_457, %dma_start3A_458, %dma_start3A_463] : memref<2x16x128xi32, #tpu.memory_space<vmem>> -> memref<1x1x128xi32, #tpu.memory_space<vmem>>
      %dma_start3A_465 = tpu.memref_squeeze %dma_start3A_464 : memref<1x1x128xi32, #tpu.memory_space<vmem>> -> memref<128xi32, #tpu.memory_space<vmem>>
      %dma_start3A_466 = arith.constant 0 : i32
      %dma_start3A_467 = arith.constant 0 : i32
      %dma_start3A_468 = tpu.memref_slice %arg12[%dma_start3A_466, %dma_start3A_467] : memref<100000x8xf32, #tpu.memory_space<vmem_shared>> -> memref<100000x8xf32, #tpu.memory_space<vmem_shared>>
      tpu.enqueue_indirect_dma source(%dma_start3A_462 : memref<128x8xf32, #tpu.memory_space<vmem>>) target(%dma_start3A_468 : memref<100000x8xf32, #tpu.memory_space<vmem_shared>>) offsets(%dma_start3A_465 : memref<128xi32, #tpu.memory_space<vmem>>) semaphore(%arg15 : memref<!tpu.dma_semaphore, #tpu.memory_space<semaphore_mem>>) {add = true}
      %dma_start3A_469 = arith.constant 0 : i32
      %dma_start3A_470 = arith.constant 0 : i32
      %dma_start3A_471 = arith.constant 8 : i32
      %dma_start3A_472 = arith.constant 1024 : i32
      %dma_start3A_473 = arith.constant 0 : i32
      %dma_start3A_474 = tpu.memref_slice %arg11[%dma_start3A_469, %dma_start3A_472, %dma_start3A_473] : memref<2x2048x8xf32, #tpu.memory_space<vmem>> -> memref<1x128x8xf32, #tpu.memory_space<vmem>>
      %dma_start3A_475 = tpu.memref_squeeze %dma_start3A_474 : memref<1x128x8xf32, #tpu.memory_space<vmem>> -> memref<128x8xf32, #tpu.memory_space<vmem>>
      %dma_start3A_476 = arith.constant 0 : i32
      %dma_start3A_477 = tpu.memref_slice %arg9[%dma_start3A_470, %dma_start3A_471, %dma_start3A_476] : memref<2x16x128xi32, #tpu.memory_space<vmem>> -> memref<1x1x128xi32, #tpu.memory_space<vmem>>
      %dma_start3A_478 = tpu.memref_squeeze %dma_start3A_477 : memref<1x1x128xi32, #tpu.memory_space<vmem>> -> memref<128xi32, #tpu.memory_space<vmem>>
      %dma_start3A_479 = arith.constant 0 : i32
      %dma_start3A_480 = arith.constant 0 : i32
      %dma_start3A_481 = tpu.memref_slice %arg12[%dma_start3A_479, %dma_start3A_480] : memref<100000x8xf32, #tpu.memory_space<vmem_shared>> -> memref<100000x8xf32, #tpu.memory_space<vmem_shared>>
      tpu.enqueue_indirect_dma source(%dma_start3A_475 : memref<128x8xf32, #tpu.memory_space<vmem>>) target(%dma_start3A_481 : memref<100000x8xf32, #tpu.memory_space<vmem_shared>>) offsets(%dma_start3A_478 : memref<128xi32, #tpu.memory_space<vmem>>) semaphore(%arg15 : memref<!tpu.dma_semaphore, #tpu.memory_space<semaphore_mem>>) {add = true}
      %dma_start3A_482 = arith.constant 0 : i32
      %dma_start3A_483 = arith.constant 0 : i32
      %dma_start3A_484 = arith.constant 9 : i32
      %dma_start3A_485 = arith.constant 1152 : i32
      %dma_start3A_486 = arith.constant 0 : i32
      %dma_start3A_487 = tpu.memref_slice %arg11[%dma_start3A_482, %dma_start3A_485, %dma_start3A_486] : memref<2x2048x8xf32, #tpu.memory_space<vmem>> -> memref<1x128x8xf32, #tpu.memory_space<vmem>>
      %dma_start3A_488 = tpu.memref_squeeze %dma_start3A_487 : memref<1x128x8xf32, #tpu.memory_space<vmem>> -> memref<128x8xf32, #tpu.memory_space<vmem>>
      %dma_start3A_489 = arith.constant 0 : i32
      %dma_start3A_490 = tpu.memref_slice %arg9[%dma_start3A_483, %dma_start3A_484, %dma_start3A_489] : memref<2x16x128xi32, #tpu.memory_space<vmem>> -> memref<1x1x128xi32, #tpu.memory_space<vmem>>
      %dma_start3A_491 = tpu.memref_squeeze %dma_start3A_490 : memref<1x1x128xi32, #tpu.memory_space<vmem>> -> memref<128xi32, #tpu.memory_space<vmem>>
      %dma_start3A_492 = arith.constant 0 : i32
      %dma_start3A_493 = arith.constant 0 : i32
      %dma_start3A_494 = tpu.memref_slice %arg12[%dma_start3A_492, %dma_start3A_493] : memref<100000x8xf32, #tpu.memory_space<vmem_shared>> -> memref<100000x8xf32, #tpu.memory_space<vmem_shared>>
      tpu.enqueue_indirect_dma source(%dma_start3A_488 : memref<128x8xf32, #tpu.memory_space<vmem>>) target(%dma_start3A_494 : memref<100000x8xf32, #tpu.memory_space<vmem_shared>>) offsets(%dma_start3A_491 : memref<128xi32, #tpu.memory_space<vmem>>) semaphore(%arg15 : memref<!tpu.dma_semaphore, #tpu.memory_space<semaphore_mem>>) {add = true}
      %dma_start3A_495 = arith.constant 0 : i32
      %dma_start3A_496 = arith.constant 0 : i32
      %dma_start3A_497 = arith.constant 10 : i32
      %dma_start3A_498 = arith.constant 1280 : i32
      %dma_start3A_499 = arith.constant 0 : i32
      %dma_start3A_500 = tpu.memref_slice %arg11[%dma_start3A_495, %dma_start3A_498, %dma_start3A_499] : memref<2x2048x8xf32, #tpu.memory_space<vmem>> -> memref<1x128x8xf32, #tpu.memory_space<vmem>>
      %dma_start3A_501 = tpu.memref_squeeze %dma_start3A_500 : memref<1x128x8xf32, #tpu.memory_space<vmem>> -> memref<128x8xf32, #tpu.memory_space<vmem>>
      %dma_start3A_502 = arith.constant 0 : i32
      %dma_start3A_503 = tpu.memref_slice %arg9[%dma_start3A_496, %dma_start3A_497, %dma_start3A_502] : memref<2x16x128xi32, #tpu.memory_space<vmem>> -> memref<1x1x128xi32, #tpu.memory_space<vmem>>
      %dma_start3A_504 = tpu.memref_squeeze %dma_start3A_503 : memref<1x1x128xi32, #tpu.memory_space<vmem>> -> memref<128xi32, #tpu.memory_space<vmem>>
      %dma_start3A_505 = arith.constant 0 : i32
      %dma_start3A_506 = arith.constant 0 : i32
      %dma_start3A_507 = tpu.memref_slice %arg12[%dma_start3A_505, %dma_start3A_506] : memref<100000x8xf32, #tpu.memory_space<vmem_shared>> -> memref<100000x8xf32, #tpu.memory_space<vmem_shared>>
      tpu.enqueue_indirect_dma source(%dma_start3A_501 : memref<128x8xf32, #tpu.memory_space<vmem>>) target(%dma_start3A_507 : memref<100000x8xf32, #tpu.memory_space<vmem_shared>>) offsets(%dma_start3A_504 : memref<128xi32, #tpu.memory_space<vmem>>) semaphore(%arg15 : memref<!tpu.dma_semaphore, #tpu.memory_space<semaphore_mem>>) {add = true}
      %dma_start3A_508 = arith.constant 0 : i32
      %dma_start3A_509 = arith.constant 0 : i32
      %dma_start3A_510 = arith.constant 11 : i32
      %dma_start3A_511 = arith.constant 1408 : i32
      %dma_start3A_512 = arith.constant 0 : i32
      %dma_start3A_513 = tpu.memref_slice %arg11[%dma_start3A_508, %dma_start3A_511, %dma_start3A_512] : memref<2x2048x8xf32, #tpu.memory_space<vmem>> -> memref<1x128x8xf32, #tpu.memory_space<vmem>>
      %dma_start3A_514 = tpu.memref_squeeze %dma_start3A_513 : memref<1x128x8xf32, #tpu.memory_space<vmem>> -> memref<128x8xf32, #tpu.memory_space<vmem>>
      %dma_start3A_515 = arith.constant 0 : i32
      %dma_start3A_516 = tpu.memref_slice %arg9[%dma_start3A_509, %dma_start3A_510, %dma_start3A_515] : memref<2x16x128xi32, #tpu.memory_space<vmem>> -> memref<1x1x128xi32, #tpu.memory_space<vmem>>
      %dma_start3A_517 = tpu.memref_squeeze %dma_start3A_516 : memref<1x1x128xi32, #tpu.memory_space<vmem>> -> memref<128xi32, #tpu.memory_space<vmem>>
      %dma_start3A_518 = arith.constant 0 : i32
      %dma_start3A_519 = arith.constant 0 : i32
      %dma_start3A_520 = tpu.memref_slice %arg12[%dma_start3A_518, %dma_start3A_519] : memref<100000x8xf32, #tpu.memory_space<vmem_shared>> -> memref<100000x8xf32, #tpu.memory_space<vmem_shared>>
      tpu.enqueue_indirect_dma source(%dma_start3A_514 : memref<128x8xf32, #tpu.memory_space<vmem>>) target(%dma_start3A_520 : memref<100000x8xf32, #tpu.memory_space<vmem_shared>>) offsets(%dma_start3A_517 : memref<128xi32, #tpu.memory_space<vmem>>) semaphore(%arg15 : memref<!tpu.dma_semaphore, #tpu.memory_space<semaphore_mem>>) {add = true}
      %dma_start3A_521 = arith.constant 0 : i32
      %dma_start3A_522 = arith.constant 0 : i32
      %dma_start3A_523 = arith.constant 12 : i32
      %dma_start3A_524 = arith.constant 1536 : i32
      %dma_start3A_525 = arith.constant 0 : i32
      %dma_start3A_526 = tpu.memref_slice %arg11[%dma_start3A_521, %dma_start3A_524, %dma_start3A_525] : memref<2x2048x8xf32, #tpu.memory_space<vmem>> -> memref<1x128x8xf32, #tpu.memory_space<vmem>>
      %dma_start3A_527 = tpu.memref_squeeze %dma_start3A_526 : memref<1x128x8xf32, #tpu.memory_space<vmem>> -> memref<128x8xf32, #tpu.memory_space<vmem>>
      %dma_start3A_528 = arith.constant 0 : i32
      %dma_start3A_529 = tpu.memref_slice %arg9[%dma_start3A_522, %dma_start3A_523, %dma_start3A_528] : memref<2x16x128xi32, #tpu.memory_space<vmem>> -> memref<1x1x128xi32, #tpu.memory_space<vmem>>
      %dma_start3A_530 = tpu.memref_squeeze %dma_start3A_529 : memref<1x1x128xi32, #tpu.memory_space<vmem>> -> memref<128xi32, #tpu.memory_space<vmem>>
      %dma_start3A_531 = arith.constant 0 : i32
      %dma_start3A_532 = arith.constant 0 : i32
      %dma_start3A_533 = tpu.memref_slice %arg12[%dma_start3A_531, %dma_start3A_532] : memref<100000x8xf32, #tpu.memory_space<vmem_shared>> -> memref<100000x8xf32, #tpu.memory_space<vmem_shared>>
      tpu.enqueue_indirect_dma source(%dma_start3A_527 : memref<128x8xf32, #tpu.memory_space<vmem>>) target(%dma_start3A_533 : memref<100000x8xf32, #tpu.memory_space<vmem_shared>>) offsets(%dma_start3A_530 : memref<128xi32, #tpu.memory_space<vmem>>) semaphore(%arg15 : memref<!tpu.dma_semaphore, #tpu.memory_space<semaphore_mem>>) {add = true}
      %dma_start3A_534 = arith.constant 0 : i32
      %dma_start3A_535 = arith.constant 0 : i32
      %dma_start3A_536 = arith.constant 13 : i32
      %dma_start3A_537 = arith.constant 1664 : i32
      %dma_start3A_538 = arith.constant 0 : i32
      %dma_start3A_539 = tpu.memref_slice %arg11[%dma_start3A_534, %dma_start3A_537, %dma_start3A_538] : memref<2x2048x8xf32, #tpu.memory_space<vmem>> -> memref<1x128x8xf32, #tpu.memory_space<vmem>>
      %dma_start3A_540 = tpu.memref_squeeze %dma_start3A_539 : memref<1x128x8xf32, #tpu.memory_space<vmem>> -> memref<128x8xf32, #tpu.memory_space<vmem>>
      %dma_start3A_541 = arith.constant 0 : i32
      %dma_start3A_542 = tpu.memref_slice %arg9[%dma_start3A_535, %dma_start3A_536, %dma_start3A_541] : memref<2x16x128xi32, #tpu.memory_space<vmem>> -> memref<1x1x128xi32, #tpu.memory_space<vmem>>
      %dma_start3A_543 = tpu.memref_squeeze %dma_start3A_542 : memref<1x1x128xi32, #tpu.memory_space<vmem>> -> memref<128xi32, #tpu.memory_space<vmem>>
      %dma_start3A_544 = arith.constant 0 : i32
      %dma_start3A_545 = arith.constant 0 : i32
      %dma_start3A_546 = tpu.memref_slice %arg12[%dma_start3A_544, %dma_start3A_545] : memref<100000x8xf32, #tpu.memory_space<vmem_shared>> -> memref<100000x8xf32, #tpu.memory_space<vmem_shared>>
      tpu.enqueue_indirect_dma source(%dma_start3A_540 : memref<128x8xf32, #tpu.memory_space<vmem>>) target(%dma_start3A_546 : memref<100000x8xf32, #tpu.memory_space<vmem_shared>>) offsets(%dma_start3A_543 : memref<128xi32, #tpu.memory_space<vmem>>) semaphore(%arg15 : memref<!tpu.dma_semaphore, #tpu.memory_space<semaphore_mem>>) {add = true}
      %dma_start3A_547 = arith.constant 0 : i32
      %dma_start3A_548 = arith.constant 0 : i32
      %dma_start3A_549 = arith.constant 14 : i32
      %dma_start3A_550 = arith.constant 1792 : i32
      %dma_start3A_551 = arith.constant 0 : i32
      %dma_start3A_552 = tpu.memref_slice %arg11[%dma_start3A_547, %dma_start3A_550, %dma_start3A_551] : memref<2x2048x8xf32, #tpu.memory_space<vmem>> -> memref<1x128x8xf32, #tpu.memory_space<vmem>>
      %dma_start3A_553 = tpu.memref_squeeze %dma_start3A_552 : memref<1x128x8xf32, #tpu.memory_space<vmem>> -> memref<128x8xf32, #tpu.memory_space<vmem>>
      %dma_start3A_554 = arith.constant 0 : i32
      %dma_start3A_555 = tpu.memref_slice %arg9[%dma_start3A_548, %dma_start3A_549, %dma_start3A_554] : memref<2x16x128xi32, #tpu.memory_space<vmem>> -> memref<1x1x128xi32, #tpu.memory_space<vmem>>
      %dma_start3A_556 = tpu.memref_squeeze %dma_start3A_555 : memref<1x1x128xi32, #tpu.memory_space<vmem>> -> memref<128xi32, #tpu.memory_space<vmem>>
      %dma_start3A_557 = arith.constant 0 : i32
      %dma_start3A_558 = arith.constant 0 : i32
      %dma_start3A_559 = tpu.memref_slice %arg12[%dma_start3A_557, %dma_start3A_558] : memref<100000x8xf32, #tpu.memory_space<vmem_shared>> -> memref<100000x8xf32, #tpu.memory_space<vmem_shared>>
      tpu.enqueue_indirect_dma source(%dma_start3A_553 : memref<128x8xf32, #tpu.memory_space<vmem>>) target(%dma_start3A_559 : memref<100000x8xf32, #tpu.memory_space<vmem_shared>>) offsets(%dma_start3A_556 : memref<128xi32, #tpu.memory_space<vmem>>) semaphore(%arg15 : memref<!tpu.dma_semaphore, #tpu.memory_space<semaphore_mem>>) {add = true}
      %dma_start3A_560 = arith.constant 0 : i32
      %dma_start3A_561 = arith.constant 0 : i32
      %dma_start3A_562 = arith.constant 15 : i32
      %dma_start3A_563 = arith.constant 1920 : i32
      %dma_start3A_564 = arith.constant 0 : i32
      %dma_start3A_565 = tpu.memref_slice %arg11[%dma_start3A_560, %dma_start3A_563, %dma_start3A_564] : memref<2x2048x8xf32, #tpu.memory_space<vmem>> -> memref<1x128x8xf32, #tpu.memory_space<vmem>>
      %dma_start3A_566 = tpu.memref_squeeze %dma_start3A_565 : memref<1x128x8xf32, #tpu.memory_space<vmem>> -> memref<128x8xf32, #tpu.memory_space<vmem>>
      %dma_start3A_567 = arith.constant 0 : i32
      %dma_start3A_568 = tpu.memref_slice %arg9[%dma_start3A_561, %dma_start3A_562, %dma_start3A_567] : memref<2x16x128xi32, #tpu.memory_space<vmem>> -> memref<1x1x128xi32, #tpu.memory_space<vmem>>
      %dma_start3A_569 = tpu.memref_squeeze %dma_start3A_568 : memref<1x1x128xi32, #tpu.memory_space<vmem>> -> memref<128xi32, #tpu.memory_space<vmem>>
      %dma_start3A_570 = arith.constant 0 : i32
      %dma_start3A_571 = arith.constant 0 : i32
      %dma_start3A_572 = tpu.memref_slice %arg12[%dma_start3A_570, %dma_start3A_571] : memref<100000x8xf32, #tpu.memory_space<vmem_shared>> -> memref<100000x8xf32, #tpu.memory_space<vmem_shared>>
      tpu.enqueue_indirect_dma source(%dma_start3A_566 : memref<128x8xf32, #tpu.memory_space<vmem>>) target(%dma_start3A_572 : memref<100000x8xf32, #tpu.memory_space<vmem_shared>>) offsets(%dma_start3A_569 : memref<128xi32, #tpu.memory_space<vmem>>) semaphore(%arg15 : memref<!tpu.dma_semaphore, #tpu.memory_space<semaphore_mem>>) {add = true}
      %dma_wait3A_573 = arith.constant 0 : i32
      %dma_wait3A_574 = arith.constant 0 : i32
      %dma_wait3A_575 = arith.constant 0 : i32
      %dma_wait3A_576 = tpu.memref_slice %arg11[%dma_wait3A_573, %dma_wait3A_574, %dma_wait3A_575] : memref<2x2048x8xf32, #tpu.memory_space<vmem>> -> memref<1x2048x8xf32, #tpu.memory_space<vmem>>
      %dma_wait3A_577 = tpu.memref_squeeze %dma_wait3A_576 : memref<1x2048x8xf32, #tpu.memory_space<vmem>> -> memref<2048x8xf32, #tpu.memory_space<vmem>>
      %dma_wait3A_578 = arith.constant 0 : i32
      %dma_wait3A_579 = arith.constant 0 : i32
      %dma_wait3A_580 = tpu.memref_slice %arg5[%dma_wait3A_578, %dma_wait3A_579] : memref<100000x8xf32, #tpu.memory_space<hbm>> -> memref<2048x8xf32, #tpu.memory_space<hbm>>
      %dma_wait3A_581 = arith.constant 0 : i32
      %dma_wait3A_582 = arith.constant 0 : i32
      %dma_wait3A_583 = tpu.memref_slice %arg11[%dma_wait3A_573, %dma_wait3A_581, %dma_wait3A_582] : memref<2x2048x8xf32, #tpu.memory_space<vmem>> -> memref<1x2048x8xf32, #tpu.memory_space<vmem>>
      %dma_wait3A_584 = tpu.memref_squeeze %dma_wait3A_583 : memref<1x2048x8xf32, #tpu.memory_space<vmem>> -> memref<2048x8xf32, #tpu.memory_space<vmem>>
      %dma_wait3A_585 = arith.constant 0 : i32
      %dma_wait3A_586 = arith.constant 0 : i32
      %dma_wait3A_587 = tpu.memref_slice %arg5[%dma_wait3A_585, %dma_wait3A_586] : memref<100000x8xf32, #tpu.memory_space<hbm>> -> memref<2048x8xf32, #tpu.memory_space<hbm>>
      tpu.wait_dma2 semaphore(%arg15 : memref<!tpu.dma_semaphore, #tpu.memory_space<semaphore_mem>>) src(%dma_wait3A_587 : memref<2048x8xf32, #tpu.memory_space<hbm>>) dst(%dma_wait3A_584 : memref<2048x8xf32, #tpu.memory_space<vmem>>)
      %mul3A_588 = arith.constant 2 : i32
      %mul3A_589 = arith.muli %scan3A_80, %mul3A_588 : i32
      %add3A_590 = arith.constant 1 : i32
      %add3A_591 = arith.addi %mul3A_589, %add3A_590 : i32
      %dma_wait3A_592 = arith.constant 1 : i32
      %dma_wait3A_593 = arith.constant 0 : i32
      %dma_wait3A_594 = arith.constant 0 : i32
      %dma_wait3A_595 = tpu.memref_slice %arg8[%dma_wait3A_592, %dma_wait3A_593, %dma_wait3A_594] : memref<2x16x128xi32, #tpu.memory_space<vmem>> -> memref<1x16x128xi32, #tpu.memory_space<vmem>>
      %dma_wait3A_596 = tpu.memref_squeeze %dma_wait3A_595 : memref<1x16x128xi32, #tpu.memory_space<vmem>> -> memref<16x128xi32, #tpu.memory_space<vmem>>
      %dma_wait3A_597 = arith.constant 0 : i32
      %dma_wait3A_598 = arith.constant 0 : i32
      %dma_wait3A_599 = tpu.memref_slice %arg2[%dma_wait3A_597, %dma_wait3A_598] : memref<50176x128xi32, #tpu.memory_space<hbm>> -> memref<16x128xi32, #tpu.memory_space<hbm>>
      %dma_wait3A_600 = arith.constant 0 : i32
      %dma_wait3A_601 = arith.constant 0 : i32
      %dma_wait3A_602 = tpu.memref_slice %arg8[%dma_wait3A_592, %dma_wait3A_600, %dma_wait3A_601] : memref<2x16x128xi32, #tpu.memory_space<vmem>> -> memref<1x16x128xi32, #tpu.memory_space<vmem>>
      %dma_wait3A_603 = tpu.memref_squeeze %dma_wait3A_602 : memref<1x16x128xi32, #tpu.memory_space<vmem>> -> memref<16x128xi32, #tpu.memory_space<vmem>>
      %dma_wait3A_604 = arith.constant 0 : i32
      %dma_wait3A_605 = arith.constant 0 : i32
      %dma_wait3A_606 = tpu.memref_slice %arg2[%dma_wait3A_604, %dma_wait3A_605] : memref<50176x128xi32, #tpu.memory_space<hbm>> -> memref<16x128xi32, #tpu.memory_space<hbm>>
      tpu.wait_dma2 semaphore(%arg13 : memref<!tpu.dma_semaphore, #tpu.memory_space<semaphore_mem>>) src(%dma_wait3A_606 : memref<16x128xi32, #tpu.memory_space<hbm>>) dst(%dma_wait3A_603 : memref<16x128xi32, #tpu.memory_space<vmem>>)
      %dma_wait3A_607 = arith.constant 1 : i32
      %dma_wait3A_608 = arith.constant 0 : i32
      %dma_wait3A_609 = arith.constant 0 : i32
      %dma_wait3A_610 = tpu.memref_slice %arg9[%dma_wait3A_607, %dma_wait3A_608, %dma_wait3A_609] : memref<2x16x128xi32, #tpu.memory_space<vmem>> -> memref<1x16x128xi32, #tpu.memory_space<vmem>>
      %dma_wait3A_611 = tpu.memref_squeeze %dma_wait3A_610 : memref<1x16x128xi32, #tpu.memory_space<vmem>> -> memref<16x128xi32, #tpu.memory_space<vmem>>
      %dma_wait3A_612 = arith.constant 0 : i32
      %dma_wait3A_613 = arith.constant 0 : i32
      %dma_wait3A_614 = tpu.memref_slice %arg3[%dma_wait3A_612, %dma_wait3A_613] : memref<50176x128xi32, #tpu.memory_space<hbm>> -> memref<16x128xi32, #tpu.memory_space<hbm>>
      %dma_wait3A_615 = arith.constant 0 : i32
      %dma_wait3A_616 = arith.constant 0 : i32
      %dma_wait3A_617 = tpu.memref_slice %arg9[%dma_wait3A_607, %dma_wait3A_615, %dma_wait3A_616] : memref<2x16x128xi32, #tpu.memory_space<vmem>> -> memref<1x16x128xi32, #tpu.memory_space<vmem>>
      %dma_wait3A_618 = tpu.memref_squeeze %dma_wait3A_617 : memref<1x16x128xi32, #tpu.memory_space<vmem>> -> memref<16x128xi32, #tpu.memory_space<vmem>>
      %dma_wait3A_619 = arith.constant 0 : i32
      %dma_wait3A_620 = arith.constant 0 : i32
      %dma_wait3A_621 = tpu.memref_slice %arg3[%dma_wait3A_619, %dma_wait3A_620] : memref<50176x128xi32, #tpu.memory_space<hbm>> -> memref<16x128xi32, #tpu.memory_space<hbm>>
      tpu.wait_dma2 semaphore(%arg13 : memref<!tpu.dma_semaphore, #tpu.memory_space<semaphore_mem>>) src(%dma_wait3A_621 : memref<16x128xi32, #tpu.memory_space<hbm>>) dst(%dma_wait3A_618 : memref<16x128xi32, #tpu.memory_space<vmem>>)
      %dma_wait3A_622 = arith.constant 1 : i32
      %dma_wait3A_623 = arith.constant 0 : i32
      %dma_wait3A_624 = arith.constant 0 : i32
      %dma_wait3A_625 = tpu.memref_slice %arg10[%dma_wait3A_622, %dma_wait3A_623, %dma_wait3A_624] : memref<2x16x128xf32, #tpu.memory_space<vmem>> -> memref<1x16x128xf32, #tpu.memory_space<vmem>>
      %dma_wait3A_626 = tpu.memref_squeeze %dma_wait3A_625 : memref<1x16x128xf32, #tpu.memory_space<vmem>> -> memref<16x128xf32, #tpu.memory_space<vmem>>
      %dma_wait3A_627 = arith.constant 0 : i32
      %dma_wait3A_628 = arith.constant 0 : i32
      %dma_wait3A_629 = tpu.memref_slice %arg4[%dma_wait3A_627, %dma_wait3A_628] : memref<50176x128xf32, #tpu.memory_space<hbm>> -> memref<16x128xf32, #tpu.memory_space<hbm>>
      %dma_wait3A_630 = arith.constant 0 : i32
      %dma_wait3A_631 = arith.constant 0 : i32
      %dma_wait3A_632 = tpu.memref_slice %arg10[%dma_wait3A_622, %dma_wait3A_630, %dma_wait3A_631] : memref<2x16x128xf32, #tpu.memory_space<vmem>> -> memref<1x16x128xf32, #tpu.memory_space<vmem>>
      %dma_wait3A_633 = tpu.memref_squeeze %dma_wait3A_632 : memref<1x16x128xf32, #tpu.memory_space<vmem>> -> memref<16x128xf32, #tpu.memory_space<vmem>>
      %dma_wait3A_634 = arith.constant 0 : i32
      %dma_wait3A_635 = arith.constant 0 : i32
      %dma_wait3A_636 = tpu.memref_slice %arg4[%dma_wait3A_634, %dma_wait3A_635] : memref<50176x128xf32, #tpu.memory_space<hbm>> -> memref<16x128xf32, #tpu.memory_space<hbm>>
      tpu.wait_dma2 semaphore(%arg13 : memref<!tpu.dma_semaphore, #tpu.memory_space<semaphore_mem>>) src(%dma_wait3A_636 : memref<16x128xf32, #tpu.memory_space<hbm>>) dst(%dma_wait3A_633 : memref<16x128xf32, #tpu.memory_space<vmem>>)
      %dma_start3A_637 = arith.constant 1 : i32
      %dma_start3A_638 = arith.constant 0 : i32
      %dma_start3A_639 = arith.constant 1 : i32
      %dma_start3A_640 = arith.constant 0 : i32
      %dma_start3A_641 = arith.constant 0 : i32
      %dma_start3A_642 = tpu.memref_slice %arg11[%dma_start3A_639, %dma_start3A_640, %dma_start3A_641] : memref<2x2048x8xf32, #tpu.memory_space<vmem>> -> memref<1x128x8xf32, #tpu.memory_space<vmem>>
      %dma_start3A_643 = tpu.memref_squeeze %dma_start3A_642 : memref<1x128x8xf32, #tpu.memory_space<vmem>> -> memref<128x8xf32, #tpu.memory_space<vmem>>
      %dma_start3A_644 = arith.constant 0 : i32
      %dma_start3A_645 = tpu.memref_slice %arg8[%dma_start3A_637, %dma_start3A_638, %dma_start3A_644] : memref<2x16x128xi32, #tpu.memory_space<vmem>> -> memref<1x1x128xi32, #tpu.memory_space<vmem>>
      %dma_start3A_646 = tpu.memref_squeeze %dma_start3A_645 : memref<1x1x128xi32, #tpu.memory_space<vmem>> -> memref<128xi32, #tpu.memory_space<vmem>>
      %dma_start3A_647 = arith.constant 0 : i32
      %dma_start3A_648 = arith.constant 0 : i32
      %dma_start3A_649 = tpu.memref_slice %arg5[%dma_start3A_647, %dma_start3A_648] : memref<100000x8xf32, #tpu.memory_space<hbm>> -> memref<100000x8xf32, #tpu.memory_space<hbm>>
      tpu.enqueue_indirect_dma source(%dma_start3A_649 : memref<100000x8xf32, #tpu.memory_space<hbm>>) target(%dma_start3A_643 : memref<128x8xf32, #tpu.memory_space<vmem>>) offsets(%dma_start3A_646 : memref<128xi32, #tpu.memory_space<vmem>>) semaphore(%arg14 : memref<!tpu.dma_semaphore, #tpu.memory_space<semaphore_mem>>)
      %dma_start3A_650 = arith.constant 1 : i32
      %dma_start3A_651 = arith.constant 1 : i32
      %dma_start3A_652 = arith.constant 1 : i32
      %dma_start3A_653 = arith.constant 128 : i32
      %dma_start3A_654 = arith.constant 0 : i32
      %dma_start3A_655 = tpu.memref_slice %arg11[%dma_start3A_652, %dma_start3A_653, %dma_start3A_654] : memref<2x2048x8xf32, #tpu.memory_space<vmem>> -> memref<1x128x8xf32, #tpu.memory_space<vmem>>
      %dma_start3A_656 = tpu.memref_squeeze %dma_start3A_655 : memref<1x128x8xf32, #tpu.memory_space<vmem>> -> memref<128x8xf32, #tpu.memory_space<vmem>>
      %dma_start3A_657 = arith.constant 0 : i32
      %dma_start3A_658 = tpu.memref_slice %arg8[%dma_start3A_650, %dma_start3A_651, %dma_start3A_657] : memref<2x16x128xi32, #tpu.memory_space<vmem>> -> memref<1x1x128xi32, #tpu.memory_space<vmem>>
      %dma_start3A_659 = tpu.memref_squeeze %dma_start3A_658 : memref<1x1x128xi32, #tpu.memory_space<vmem>> -> memref<128xi32, #tpu.memory_space<vmem>>
      %dma_start3A_660 = arith.constant 0 : i32
      %dma_start3A_661 = arith.constant 0 : i32
      %dma_start3A_662 = tpu.memref_slice %arg5[%dma_start3A_660, %dma_start3A_661] : memref<100000x8xf32, #tpu.memory_space<hbm>> -> memref<100000x8xf32, #tpu.memory_space<hbm>>
      tpu.enqueue_indirect_dma source(%dma_start3A_662 : memref<100000x8xf32, #tpu.memory_space<hbm>>) target(%dma_start3A_656 : memref<128x8xf32, #tpu.memory_space<vmem>>) offsets(%dma_start3A_659 : memref<128xi32, #tpu.memory_space<vmem>>) semaphore(%arg14 : memref<!tpu.dma_semaphore, #tpu.memory_space<semaphore_mem>>)
      %dma_start3A_663 = arith.constant 1 : i32
      %dma_start3A_664 = arith.constant 2 : i32
      %dma_start3A_665 = arith.constant 1 : i32
      %dma_start3A_666 = arith.constant 256 : i32
      %dma_start3A_667 = arith.constant 0 : i32
      %dma_start3A_668 = tpu.memref_slice %arg11[%dma_start3A_665, %dma_start3A_666, %dma_start3A_667] : memref<2x2048x8xf32, #tpu.memory_space<vmem>> -> memref<1x128x8xf32, #tpu.memory_space<vmem>>
      %dma_start3A_669 = tpu.memref_squeeze %dma_start3A_668 : memref<1x128x8xf32, #tpu.memory_space<vmem>> -> memref<128x8xf32, #tpu.memory_space<vmem>>
      %dma_start3A_670 = arith.constant 0 : i32
      %dma_start3A_671 = tpu.memref_slice %arg8[%dma_start3A_663, %dma_start3A_664, %dma_start3A_670] : memref<2x16x128xi32, #tpu.memory_space<vmem>> -> memref<1x1x128xi32, #tpu.memory_space<vmem>>
      %dma_start3A_672 = tpu.memref_squeeze %dma_start3A_671 : memref<1x1x128xi32, #tpu.memory_space<vmem>> -> memref<128xi32, #tpu.memory_space<vmem>>
      %dma_start3A_673 = arith.constant 0 : i32
      %dma_start3A_674 = arith.constant 0 : i32
      %dma_start3A_675 = tpu.memref_slice %arg5[%dma_start3A_673, %dma_start3A_674] : memref<100000x8xf32, #tpu.memory_space<hbm>> -> memref<100000x8xf32, #tpu.memory_space<hbm>>
      tpu.enqueue_indirect_dma source(%dma_start3A_675 : memref<100000x8xf32, #tpu.memory_space<hbm>>) target(%dma_start3A_669 : memref<128x8xf32, #tpu.memory_space<vmem>>) offsets(%dma_start3A_672 : memref<128xi32, #tpu.memory_space<vmem>>) semaphore(%arg14 : memref<!tpu.dma_semaphore, #tpu.memory_space<semaphore_mem>>)
      %dma_start3A_676 = arith.constant 1 : i32
      %dma_start3A_677 = arith.constant 3 : i32
      %dma_start3A_678 = arith.constant 1 : i32
      %dma_start3A_679 = arith.constant 384 : i32
      %dma_start3A_680 = arith.constant 0 : i32
      %dma_start3A_681 = tpu.memref_slice %arg11[%dma_start3A_678, %dma_start3A_679, %dma_start3A_680] : memref<2x2048x8xf32, #tpu.memory_space<vmem>> -> memref<1x128x8xf32, #tpu.memory_space<vmem>>
      %dma_start3A_682 = tpu.memref_squeeze %dma_start3A_681 : memref<1x128x8xf32, #tpu.memory_space<vmem>> -> memref<128x8xf32, #tpu.memory_space<vmem>>
      %dma_start3A_683 = arith.constant 0 : i32
      %dma_start3A_684 = tpu.memref_slice %arg8[%dma_start3A_676, %dma_start3A_677, %dma_start3A_683] : memref<2x16x128xi32, #tpu.memory_space<vmem>> -> memref<1x1x128xi32, #tpu.memory_space<vmem>>
      %dma_start3A_685 = tpu.memref_squeeze %dma_start3A_684 : memref<1x1x128xi32, #tpu.memory_space<vmem>> -> memref<128xi32, #tpu.memory_space<vmem>>
      %dma_start3A_686 = arith.constant 0 : i32
      %dma_start3A_687 = arith.constant 0 : i32
      %dma_start3A_688 = tpu.memref_slice %arg5[%dma_start3A_686, %dma_start3A_687] : memref<100000x8xf32, #tpu.memory_space<hbm>> -> memref<100000x8xf32, #tpu.memory_space<hbm>>
      tpu.enqueue_indirect_dma source(%dma_start3A_688 : memref<100000x8xf32, #tpu.memory_space<hbm>>) target(%dma_start3A_682 : memref<128x8xf32, #tpu.memory_space<vmem>>) offsets(%dma_start3A_685 : memref<128xi32, #tpu.memory_space<vmem>>) semaphore(%arg14 : memref<!tpu.dma_semaphore, #tpu.memory_space<semaphore_mem>>)
      %dma_start3A_689 = arith.constant 1 : i32
      %dma_start3A_690 = arith.constant 4 : i32
      %dma_start3A_691 = arith.constant 1 : i32
      %dma_start3A_692 = arith.constant 512 : i32
      %dma_start3A_693 = arith.constant 0 : i32
      %dma_start3A_694 = tpu.memref_slice %arg11[%dma_start3A_691, %dma_start3A_692, %dma_start3A_693] : memref<2x2048x8xf32, #tpu.memory_space<vmem>> -> memref<1x128x8xf32, #tpu.memory_space<vmem>>
      %dma_start3A_695 = tpu.memref_squeeze %dma_start3A_694 : memref<1x128x8xf32, #tpu.memory_space<vmem>> -> memref<128x8xf32, #tpu.memory_space<vmem>>
      %dma_start3A_696 = arith.constant 0 : i32
      %dma_start3A_697 = tpu.memref_slice %arg8[%dma_start3A_689, %dma_start3A_690, %dma_start3A_696] : memref<2x16x128xi32, #tpu.memory_space<vmem>> -> memref<1x1x128xi32, #tpu.memory_space<vmem>>
      %dma_start3A_698 = tpu.memref_squeeze %dma_start3A_697 : memref<1x1x128xi32, #tpu.memory_space<vmem>> -> memref<128xi32, #tpu.memory_space<vmem>>
      %dma_start3A_699 = arith.constant 0 : i32
      %dma_start3A_700 = arith.constant 0 : i32
      %dma_start3A_701 = tpu.memref_slice %arg5[%dma_start3A_699, %dma_start3A_700] : memref<100000x8xf32, #tpu.memory_space<hbm>> -> memref<100000x8xf32, #tpu.memory_space<hbm>>
      tpu.enqueue_indirect_dma source(%dma_start3A_701 : memref<100000x8xf32, #tpu.memory_space<hbm>>) target(%dma_start3A_695 : memref<128x8xf32, #tpu.memory_space<vmem>>) offsets(%dma_start3A_698 : memref<128xi32, #tpu.memory_space<vmem>>) semaphore(%arg14 : memref<!tpu.dma_semaphore, #tpu.memory_space<semaphore_mem>>)
      %dma_start3A_702 = arith.constant 1 : i32
      %dma_start3A_703 = arith.constant 5 : i32
      %dma_start3A_704 = arith.constant 1 : i32
      %dma_start3A_705 = arith.constant 640 : i32
      %dma_start3A_706 = arith.constant 0 : i32
      %dma_start3A_707 = tpu.memref_slice %arg11[%dma_start3A_704, %dma_start3A_705, %dma_start3A_706] : memref<2x2048x8xf32, #tpu.memory_space<vmem>> -> memref<1x128x8xf32, #tpu.memory_space<vmem>>
      %dma_start3A_708 = tpu.memref_squeeze %dma_start3A_707 : memref<1x128x8xf32, #tpu.memory_space<vmem>> -> memref<128x8xf32, #tpu.memory_space<vmem>>
      %dma_start3A_709 = arith.constant 0 : i32
      %dma_start3A_710 = tpu.memref_slice %arg8[%dma_start3A_702, %dma_start3A_703, %dma_start3A_709] : memref<2x16x128xi32, #tpu.memory_space<vmem>> -> memref<1x1x128xi32, #tpu.memory_space<vmem>>
      %dma_start3A_711 = tpu.memref_squeeze %dma_start3A_710 : memref<1x1x128xi32, #tpu.memory_space<vmem>> -> memref<128xi32, #tpu.memory_space<vmem>>
      %dma_start3A_712 = arith.constant 0 : i32
      %dma_start3A_713 = arith.constant 0 : i32
      %dma_start3A_714 = tpu.memref_slice %arg5[%dma_start3A_712, %dma_start3A_713] : memref<100000x8xf32, #tpu.memory_space<hbm>> -> memref<100000x8xf32, #tpu.memory_space<hbm>>
      tpu.enqueue_indirect_dma source(%dma_start3A_714 : memref<100000x8xf32, #tpu.memory_space<hbm>>) target(%dma_start3A_708 : memref<128x8xf32, #tpu.memory_space<vmem>>) offsets(%dma_start3A_711 : memref<128xi32, #tpu.memory_space<vmem>>) semaphore(%arg14 : memref<!tpu.dma_semaphore, #tpu.memory_space<semaphore_mem>>)
      %dma_start3A_715 = arith.constant 1 : i32
      %dma_start3A_716 = arith.constant 6 : i32
      %dma_start3A_717 = arith.constant 1 : i32
      %dma_start3A_718 = arith.constant 768 : i32
      %dma_start3A_719 = arith.constant 0 : i32
      %dma_start3A_720 = tpu.memref_slice %arg11[%dma_start3A_717, %dma_start3A_718, %dma_start3A_719] : memref<2x2048x8xf32, #tpu.memory_space<vmem>> -> memref<1x128x8xf32, #tpu.memory_space<vmem>>
      %dma_start3A_721 = tpu.memref_squeeze %dma_start3A_720 : memref<1x128x8xf32, #tpu.memory_space<vmem>> -> memref<128x8xf32, #tpu.memory_space<vmem>>
      %dma_start3A_722 = arith.constant 0 : i32
      %dma_start3A_723 = tpu.memref_slice %arg8[%dma_start3A_715, %dma_start3A_716, %dma_start3A_722] : memref<2x16x128xi32, #tpu.memory_space<vmem>> -> memref<1x1x128xi32, #tpu.memory_space<vmem>>
      %dma_start3A_724 = tpu.memref_squeeze %dma_start3A_723 : memref<1x1x128xi32, #tpu.memory_space<vmem>> -> memref<128xi32, #tpu.memory_space<vmem>>
      %dma_start3A_725 = arith.constant 0 : i32
      %dma_start3A_726 = arith.constant 0 : i32
      %dma_start3A_727 = tpu.memref_slice %arg5[%dma_start3A_725, %dma_start3A_726] : memref<100000x8xf32, #tpu.memory_space<hbm>> -> memref<100000x8xf32, #tpu.memory_space<hbm>>
      tpu.enqueue_indirect_dma source(%dma_start3A_727 : memref<100000x8xf32, #tpu.memory_space<hbm>>) target(%dma_start3A_721 : memref<128x8xf32, #tpu.memory_space<vmem>>) offsets(%dma_start3A_724 : memref<128xi32, #tpu.memory_space<vmem>>) semaphore(%arg14 : memref<!tpu.dma_semaphore, #tpu.memory_space<semaphore_mem>>)
      %dma_start3A_728 = arith.constant 1 : i32
      %dma_start3A_729 = arith.constant 7 : i32
      %dma_start3A_730 = arith.constant 1 : i32
      %dma_start3A_731 = arith.constant 896 : i32
      %dma_start3A_732 = arith.constant 0 : i32
      %dma_start3A_733 = tpu.memref_slice %arg11[%dma_start3A_730, %dma_start3A_731, %dma_start3A_732] : memref<2x2048x8xf32, #tpu.memory_space<vmem>> -> memref<1x128x8xf32, #tpu.memory_space<vmem>>
      %dma_start3A_734 = tpu.memref_squeeze %dma_start3A_733 : memref<1x128x8xf32, #tpu.memory_space<vmem>> -> memref<128x8xf32, #tpu.memory_space<vmem>>
      %dma_start3A_735 = arith.constant 0 : i32
      %dma_start3A_736 = tpu.memref_slice %arg8[%dma_start3A_728, %dma_start3A_729, %dma_start3A_735] : memref<2x16x128xi32, #tpu.memory_space<vmem>> -> memref<1x1x128xi32, #tpu.memory_space<vmem>>
      %dma_start3A_737 = tpu.memref_squeeze %dma_start3A_736 : memref<1x1x128xi32, #tpu.memory_space<vmem>> -> memref<128xi32, #tpu.memory_space<vmem>>
      %dma_start3A_738 = arith.constant 0 : i32
      %dma_start3A_739 = arith.constant 0 : i32
      %dma_start3A_740 = tpu.memref_slice %arg5[%dma_start3A_738, %dma_start3A_739] : memref<100000x8xf32, #tpu.memory_space<hbm>> -> memref<100000x8xf32, #tpu.memory_space<hbm>>
      tpu.enqueue_indirect_dma source(%dma_start3A_740 : memref<100000x8xf32, #tpu.memory_space<hbm>>) target(%dma_start3A_734 : memref<128x8xf32, #tpu.memory_space<vmem>>) offsets(%dma_start3A_737 : memref<128xi32, #tpu.memory_space<vmem>>) semaphore(%arg14 : memref<!tpu.dma_semaphore, #tpu.memory_space<semaphore_mem>>)
      %dma_start3A_741 = arith.constant 1 : i32
      %dma_start3A_742 = arith.constant 8 : i32
      %dma_start3A_743 = arith.constant 1 : i32
      %dma_start3A_744 = arith.constant 1024 : i32
      %dma_start3A_745 = arith.constant 0 : i32
      %dma_start3A_746 = tpu.memref_slice %arg11[%dma_start3A_743, %dma_start3A_744, %dma_start3A_745] : memref<2x2048x8xf32, #tpu.memory_space<vmem>> -> memref<1x128x8xf32, #tpu.memory_space<vmem>>
      %dma_start3A_747 = tpu.memref_squeeze %dma_start3A_746 : memref<1x128x8xf32, #tpu.memory_space<vmem>> -> memref<128x8xf32, #tpu.memory_space<vmem>>
      %dma_start3A_748 = arith.constant 0 : i32
      %dma_start3A_749 = tpu.memref_slice %arg8[%dma_start3A_741, %dma_start3A_742, %dma_start3A_748] : memref<2x16x128xi32, #tpu.memory_space<vmem>> -> memref<1x1x128xi32, #tpu.memory_space<vmem>>
      %dma_start3A_750 = tpu.memref_squeeze %dma_start3A_749 : memref<1x1x128xi32, #tpu.memory_space<vmem>> -> memref<128xi32, #tpu.memory_space<vmem>>
      %dma_start3A_751 = arith.constant 0 : i32
      %dma_start3A_752 = arith.constant 0 : i32
      %dma_start3A_753 = tpu.memref_slice %arg5[%dma_start3A_751, %dma_start3A_752] : memref<100000x8xf32, #tpu.memory_space<hbm>> -> memref<100000x8xf32, #tpu.memory_space<hbm>>
      tpu.enqueue_indirect_dma source(%dma_start3A_753 : memref<100000x8xf32, #tpu.memory_space<hbm>>) target(%dma_start3A_747 : memref<128x8xf32, #tpu.memory_space<vmem>>) offsets(%dma_start3A_750 : memref<128xi32, #tpu.memory_space<vmem>>) semaphore(%arg14 : memref<!tpu.dma_semaphore, #tpu.memory_space<semaphore_mem>>)
      %dma_start3A_754 = arith.constant 1 : i32
      %dma_start3A_755 = arith.constant 9 : i32
      %dma_start3A_756 = arith.constant 1 : i32
      %dma_start3A_757 = arith.constant 1152 : i32
      %dma_start3A_758 = arith.constant 0 : i32
      %dma_start3A_759 = tpu.memref_slice %arg11[%dma_start3A_756, %dma_start3A_757, %dma_start3A_758] : memref<2x2048x8xf32, #tpu.memory_space<vmem>> -> memref<1x128x8xf32, #tpu.memory_space<vmem>>
      %dma_start3A_760 = tpu.memref_squeeze %dma_start3A_759 : memref<1x128x8xf32, #tpu.memory_space<vmem>> -> memref<128x8xf32, #tpu.memory_space<vmem>>
      %dma_start3A_761 = arith.constant 0 : i32
      %dma_start3A_762 = tpu.memref_slice %arg8[%dma_start3A_754, %dma_start3A_755, %dma_start3A_761] : memref<2x16x128xi32, #tpu.memory_space<vmem>> -> memref<1x1x128xi32, #tpu.memory_space<vmem>>
      %dma_start3A_763 = tpu.memref_squeeze %dma_start3A_762 : memref<1x1x128xi32, #tpu.memory_space<vmem>> -> memref<128xi32, #tpu.memory_space<vmem>>
      %dma_start3A_764 = arith.constant 0 : i32
      %dma_start3A_765 = arith.constant 0 : i32
      %dma_start3A_766 = tpu.memref_slice %arg5[%dma_start3A_764, %dma_start3A_765] : memref<100000x8xf32, #tpu.memory_space<hbm>> -> memref<100000x8xf32, #tpu.memory_space<hbm>>
      tpu.enqueue_indirect_dma source(%dma_start3A_766 : memref<100000x8xf32, #tpu.memory_space<hbm>>) target(%dma_start3A_760 : memref<128x8xf32, #tpu.memory_space<vmem>>) offsets(%dma_start3A_763 : memref<128xi32, #tpu.memory_space<vmem>>) semaphore(%arg14 : memref<!tpu.dma_semaphore, #tpu.memory_space<semaphore_mem>>)
      %dma_start3A_767 = arith.constant 1 : i32
      %dma_start3A_768 = arith.constant 10 : i32
      %dma_start3A_769 = arith.constant 1 : i32
      %dma_start3A_770 = arith.constant 1280 : i32
      %dma_start3A_771 = arith.constant 0 : i32
      %dma_start3A_772 = tpu.memref_slice %arg11[%dma_start3A_769, %dma_start3A_770, %dma_start3A_771] : memref<2x2048x8xf32, #tpu.memory_space<vmem>> -> memref<1x128x8xf32, #tpu.memory_space<vmem>>
      %dma_start3A_773 = tpu.memref_squeeze %dma_start3A_772 : memref<1x128x8xf32, #tpu.memory_space<vmem>> -> memref<128x8xf32, #tpu.memory_space<vmem>>
      %dma_start3A_774 = arith.constant 0 : i32
      %dma_start3A_775 = tpu.memref_slice %arg8[%dma_start3A_767, %dma_start3A_768, %dma_start3A_774] : memref<2x16x128xi32, #tpu.memory_space<vmem>> -> memref<1x1x128xi32, #tpu.memory_space<vmem>>
      %dma_start3A_776 = tpu.memref_squeeze %dma_start3A_775 : memref<1x1x128xi32, #tpu.memory_space<vmem>> -> memref<128xi32, #tpu.memory_space<vmem>>
      %dma_start3A_777 = arith.constant 0 : i32
      %dma_start3A_778 = arith.constant 0 : i32
      %dma_start3A_779 = tpu.memref_slice %arg5[%dma_start3A_777, %dma_start3A_778] : memref<100000x8xf32, #tpu.memory_space<hbm>> -> memref<100000x8xf32, #tpu.memory_space<hbm>>
      tpu.enqueue_indirect_dma source(%dma_start3A_779 : memref<100000x8xf32, #tpu.memory_space<hbm>>) target(%dma_start3A_773 : memref<128x8xf32, #tpu.memory_space<vmem>>) offsets(%dma_start3A_776 : memref<128xi32, #tpu.memory_space<vmem>>) semaphore(%arg14 : memref<!tpu.dma_semaphore, #tpu.memory_space<semaphore_mem>>)
      %dma_start3A_780 = arith.constant 1 : i32
      %dma_start3A_781 = arith.constant 11 : i32
      %dma_start3A_782 = arith.constant 1 : i32
      %dma_start3A_783 = arith.constant 1408 : i32
      %dma_start3A_784 = arith.constant 0 : i32
      %dma_start3A_785 = tpu.memref_slice %arg11[%dma_start3A_782, %dma_start3A_783, %dma_start3A_784] : memref<2x2048x8xf32, #tpu.memory_space<vmem>> -> memref<1x128x8xf32, #tpu.memory_space<vmem>>
      %dma_start3A_786 = tpu.memref_squeeze %dma_start3A_785 : memref<1x128x8xf32, #tpu.memory_space<vmem>> -> memref<128x8xf32, #tpu.memory_space<vmem>>
      %dma_start3A_787 = arith.constant 0 : i32
      %dma_start3A_788 = tpu.memref_slice %arg8[%dma_start3A_780, %dma_start3A_781, %dma_start3A_787] : memref<2x16x128xi32, #tpu.memory_space<vmem>> -> memref<1x1x128xi32, #tpu.memory_space<vmem>>
      %dma_start3A_789 = tpu.memref_squeeze %dma_start3A_788 : memref<1x1x128xi32, #tpu.memory_space<vmem>> -> memref<128xi32, #tpu.memory_space<vmem>>
      %dma_start3A_790 = arith.constant 0 : i32
      %dma_start3A_791 = arith.constant 0 : i32
      %dma_start3A_792 = tpu.memref_slice %arg5[%dma_start3A_790, %dma_start3A_791] : memref<100000x8xf32, #tpu.memory_space<hbm>> -> memref<100000x8xf32, #tpu.memory_space<hbm>>
      tpu.enqueue_indirect_dma source(%dma_start3A_792 : memref<100000x8xf32, #tpu.memory_space<hbm>>) target(%dma_start3A_786 : memref<128x8xf32, #tpu.memory_space<vmem>>) offsets(%dma_start3A_789 : memref<128xi32, #tpu.memory_space<vmem>>) semaphore(%arg14 : memref<!tpu.dma_semaphore, #tpu.memory_space<semaphore_mem>>)
      %dma_start3A_793 = arith.constant 1 : i32
      %dma_start3A_794 = arith.constant 12 : i32
      %dma_start3A_795 = arith.constant 1 : i32
      %dma_start3A_796 = arith.constant 1536 : i32
      %dma_start3A_797 = arith.constant 0 : i32
      %dma_start3A_798 = tpu.memref_slice %arg11[%dma_start3A_795, %dma_start3A_796, %dma_start3A_797] : memref<2x2048x8xf32, #tpu.memory_space<vmem>> -> memref<1x128x8xf32, #tpu.memory_space<vmem>>
      %dma_start3A_799 = tpu.memref_squeeze %dma_start3A_798 : memref<1x128x8xf32, #tpu.memory_space<vmem>> -> memref<128x8xf32, #tpu.memory_space<vmem>>
      %dma_start3A_800 = arith.constant 0 : i32
      %dma_start3A_801 = tpu.memref_slice %arg8[%dma_start3A_793, %dma_start3A_794, %dma_start3A_800] : memref<2x16x128xi32, #tpu.memory_space<vmem>> -> memref<1x1x128xi32, #tpu.memory_space<vmem>>
      %dma_start3A_802 = tpu.memref_squeeze %dma_start3A_801 : memref<1x1x128xi32, #tpu.memory_space<vmem>> -> memref<128xi32, #tpu.memory_space<vmem>>
      %dma_start3A_803 = arith.constant 0 : i32
      %dma_start3A_804 = arith.constant 0 : i32
      %dma_start3A_805 = tpu.memref_slice %arg5[%dma_start3A_803, %dma_start3A_804] : memref<100000x8xf32, #tpu.memory_space<hbm>> -> memref<100000x8xf32, #tpu.memory_space<hbm>>
      tpu.enqueue_indirect_dma source(%dma_start3A_805 : memref<100000x8xf32, #tpu.memory_space<hbm>>) target(%dma_start3A_799 : memref<128x8xf32, #tpu.memory_space<vmem>>) offsets(%dma_start3A_802 : memref<128xi32, #tpu.memory_space<vmem>>) semaphore(%arg14 : memref<!tpu.dma_semaphore, #tpu.memory_space<semaphore_mem>>)
      %dma_start3A_806 = arith.constant 1 : i32
      %dma_start3A_807 = arith.constant 13 : i32
      %dma_start3A_808 = arith.constant 1 : i32
      %dma_start3A_809 = arith.constant 1664 : i32
      %dma_start3A_810 = arith.constant 0 : i32
      %dma_start3A_811 = tpu.memref_slice %arg11[%dma_start3A_808, %dma_start3A_809, %dma_start3A_810] : memref<2x2048x8xf32, #tpu.memory_space<vmem>> -> memref<1x128x8xf32, #tpu.memory_space<vmem>>
      %dma_start3A_812 = tpu.memref_squeeze %dma_start3A_811 : memref<1x128x8xf32, #tpu.memory_space<vmem>> -> memref<128x8xf32, #tpu.memory_space<vmem>>
      %dma_start3A_813 = arith.constant 0 : i32
      %dma_start3A_814 = tpu.memref_slice %arg8[%dma_start3A_806, %dma_start3A_807, %dma_start3A_813] : memref<2x16x128xi32, #tpu.memory_space<vmem>> -> memref<1x1x128xi32, #tpu.memory_space<vmem>>
      %dma_start3A_815 = tpu.memref_squeeze %dma_start3A_814 : memref<1x1x128xi32, #tpu.memory_space<vmem>> -> memref<128xi32, #tpu.memory_space<vmem>>
      %dma_start3A_816 = arith.constant 0 : i32
      %dma_start3A_817 = arith.constant 0 : i32
      %dma_start3A_818 = tpu.memref_slice %arg5[%dma_start3A_816, %dma_start3A_817] : memref<100000x8xf32, #tpu.memory_space<hbm>> -> memref<100000x8xf32, #tpu.memory_space<hbm>>
      tpu.enqueue_indirect_dma source(%dma_start3A_818 : memref<100000x8xf32, #tpu.memory_space<hbm>>) target(%dma_start3A_812 : memref<128x8xf32, #tpu.memory_space<vmem>>) offsets(%dma_start3A_815 : memref<128xi32, #tpu.memory_space<vmem>>) semaphore(%arg14 : memref<!tpu.dma_semaphore, #tpu.memory_space<semaphore_mem>>)
      %dma_start3A_819 = arith.constant 1 : i32
      %dma_start3A_820 = arith.constant 14 : i32
      %dma_start3A_821 = arith.constant 1 : i32
      %dma_start3A_822 = arith.constant 1792 : i32
      %dma_start3A_823 = arith.constant 0 : i32
      %dma_start3A_824 = tpu.memref_slice %arg11[%dma_start3A_821, %dma_start3A_822, %dma_start3A_823] : memref<2x2048x8xf32, #tpu.memory_space<vmem>> -> memref<1x128x8xf32, #tpu.memory_space<vmem>>
      %dma_start3A_825 = tpu.memref_squeeze %dma_start3A_824 : memref<1x128x8xf32, #tpu.memory_space<vmem>> -> memref<128x8xf32, #tpu.memory_space<vmem>>
      %dma_start3A_826 = arith.constant 0 : i32
      %dma_start3A_827 = tpu.memref_slice %arg8[%dma_start3A_819, %dma_start3A_820, %dma_start3A_826] : memref<2x16x128xi32, #tpu.memory_space<vmem>> -> memref<1x1x128xi32, #tpu.memory_space<vmem>>
      %dma_start3A_828 = tpu.memref_squeeze %dma_start3A_827 : memref<1x1x128xi32, #tpu.memory_space<vmem>> -> memref<128xi32, #tpu.memory_space<vmem>>
      %dma_start3A_829 = arith.constant 0 : i32
      %dma_start3A_830 = arith.constant 0 : i32
      %dma_start3A_831 = tpu.memref_slice %arg5[%dma_start3A_829, %dma_start3A_830] : memref<100000x8xf32, #tpu.memory_space<hbm>> -> memref<100000x8xf32, #tpu.memory_space<hbm>>
      tpu.enqueue_indirect_dma source(%dma_start3A_831 : memref<100000x8xf32, #tpu.memory_space<hbm>>) target(%dma_start3A_825 : memref<128x8xf32, #tpu.memory_space<vmem>>) offsets(%dma_start3A_828 : memref<128xi32, #tpu.memory_space<vmem>>) semaphore(%arg14 : memref<!tpu.dma_semaphore, #tpu.memory_space<semaphore_mem>>)
      %dma_start3A_832 = arith.constant 1 : i32
      %dma_start3A_833 = arith.constant 15 : i32
      %dma_start3A_834 = arith.constant 1 : i32
      %dma_start3A_835 = arith.constant 1920 : i32
      %dma_start3A_836 = arith.constant 0 : i32
      %dma_start3A_837 = tpu.memref_slice %arg11[%dma_start3A_834, %dma_start3A_835, %dma_start3A_836] : memref<2x2048x8xf32, #tpu.memory_space<vmem>> -> memref<1x128x8xf32, #tpu.memory_space<vmem>>
      %dma_start3A_838 = tpu.memref_squeeze %dma_start3A_837 : memref<1x128x8xf32, #tpu.memory_space<vmem>> -> memref<128x8xf32, #tpu.memory_space<vmem>>
      %dma_start3A_839 = arith.constant 0 : i32
      %dma_start3A_840 = tpu.memref_slice %arg8[%dma_start3A_832, %dma_start3A_833, %dma_start3A_839] : memref<2x16x128xi32, #tpu.memory_space<vmem>> -> memref<1x1x128xi32, #tpu.memory_space<vmem>>
      %dma_start3A_841 = tpu.memref_squeeze %dma_start3A_840 : memref<1x1x128xi32, #tpu.memory_space<vmem>> -> memref<128xi32, #tpu.memory_space<vmem>>
      %dma_start3A_842 = arith.constant 0 : i32
      %dma_start3A_843 = arith.constant 0 : i32
      %dma_start3A_844 = tpu.memref_slice %arg5[%dma_start3A_842, %dma_start3A_843] : memref<100000x8xf32, #tpu.memory_space<hbm>> -> memref<100000x8xf32, #tpu.memory_space<hbm>>
      tpu.enqueue_indirect_dma source(%dma_start3A_844 : memref<100000x8xf32, #tpu.memory_space<hbm>>) target(%dma_start3A_838 : memref<128x8xf32, #tpu.memory_space<vmem>>) offsets(%dma_start3A_841 : memref<128xi32, #tpu.memory_space<vmem>>) semaphore(%arg14 : memref<!tpu.dma_semaphore, #tpu.memory_space<semaphore_mem>>)
      %add3A_845 = arith.constant 1 : i32
      %add3A_846 = arith.addi %add3A_591, %add3A_845 : i32
      %lt3A_847 = arith.constant 98 : i32
      %lt3A_848 = arith.cmpi slt, %add3A_846, %lt3A_847 : i32
      %convert_element_type3A_849 = arith.extui %lt3A_848 : i1 to i32
      %cond3A_850 = arith.constant 0 : i32
      %cond3A_851 = arith.cmpi ne, %convert_element_type3A_849, %cond3A_850 : i32
      scf.if %cond3A_851 {
        %add3A_1096 = arith.constant 1 : i32
        %add3A_1097 = arith.addi %add3A_591, %add3A_1096 : i32
        %mul3A_1098 = arith.constant 16 : i32
        %mul3A_1099 = arith.muli %add3A_1097, %mul3A_1098 : i32
        %add3A_1100 = arith.addi %mul3A_23, %mul3A_1099 : i32
        %dma_start3A_1101 = arith.constant 0 : i32
        %dma_start3A_1102 = arith.constant 0 : i32
        %dma_start3A_1103 = arith.constant 0 : i32
        %dma_start3A_1104 = tpu.memref_slice %arg8[%dma_start3A_1101, %dma_start3A_1102, %dma_start3A_1103] : memref<2x16x128xi32, #tpu.memory_space<vmem>> -> memref<1x16x128xi32, #tpu.memory_space<vmem>>
        %dma_start3A_1105 = tpu.memref_squeeze %dma_start3A_1104 : memref<1x16x128xi32, #tpu.memory_space<vmem>> -> memref<16x128xi32, #tpu.memory_space<vmem>>
        %dma_start3A_1106 = arith.constant 0 : i32
        %dma_start3A_1107 = tpu.memref_slice %arg2[%add3A_1100, %dma_start3A_1106] : memref<50176x128xi32, #tpu.memory_space<hbm>> -> memref<16x128xi32, #tpu.memory_space<hbm>>
        %dma_start3A_1108 = arith.constant 0 : i32
        %dma_start3A_1109 = arith.constant 0 : i32
        %dma_start3A_1110 = tpu.memref_slice %arg8[%dma_start3A_1101, %dma_start3A_1108, %dma_start3A_1109] : memref<2x16x128xi32, #tpu.memory_space<vmem>> -> memref<1x16x128xi32, #tpu.memory_space<vmem>>
        %dma_start3A_1111 = tpu.memref_squeeze %dma_start3A_1110 : memref<1x16x128xi32, #tpu.memory_space<vmem>> -> memref<16x128xi32, #tpu.memory_space<vmem>>
        %dma_start3A_1112 = arith.constant 0 : i32
        %dma_start3A_1113 = tpu.memref_slice %arg2[%add3A_1100, %dma_start3A_1112] : memref<50176x128xi32, #tpu.memory_space<hbm>> -> memref<16x128xi32, #tpu.memory_space<hbm>>
        tpu.enqueue_dma source(%dma_start3A_1113 : memref<16x128xi32, #tpu.memory_space<hbm>>) target(%dma_start3A_1111 : memref<16x128xi32, #tpu.memory_space<vmem>>) target_semaphore(%arg13 : memref<!tpu.dma_semaphore, #tpu.memory_space<semaphore_mem>>)
        %dma_start3A_1114 = arith.constant 0 : i32
        %dma_start3A_1115 = arith.constant 0 : i32
        %dma_start3A_1116 = arith.constant 0 : i32
        %dma_start3A_1117 = tpu.memref_slice %arg9[%dma_start3A_1114, %dma_start3A_1115, %dma_start3A_1116] : memref<2x16x128xi32, #tpu.memory_space<vmem>> -> memref<1x16x128xi32, #tpu.memory_space<vmem>>
        %dma_start3A_1118 = tpu.memref_squeeze %dma_start3A_1117 : memref<1x16x128xi32, #tpu.memory_space<vmem>> -> memref<16x128xi32, #tpu.memory_space<vmem>>
        %dma_start3A_1119 = arith.constant 0 : i32
        %dma_start3A_1120 = tpu.memref_slice %arg3[%add3A_1100, %dma_start3A_1119] : memref<50176x128xi32, #tpu.memory_space<hbm>> -> memref<16x128xi32, #tpu.memory_space<hbm>>
        %dma_start3A_1121 = arith.constant 0 : i32
        %dma_start3A_1122 = arith.constant 0 : i32
        %dma_start3A_1123 = tpu.memref_slice %arg9[%dma_start3A_1114, %dma_start3A_1121, %dma_start3A_1122] : memref<2x16x128xi32, #tpu.memory_space<vmem>> -> memref<1x16x128xi32, #tpu.memory_space<vmem>>
        %dma_start3A_1124 = tpu.memref_squeeze %dma_start3A_1123 : memref<1x16x128xi32, #tpu.memory_space<vmem>> -> memref<16x128xi32, #tpu.memory_space<vmem>>
        %dma_start3A_1125 = arith.constant 0 : i32
        %dma_start3A_1126 = tpu.memref_slice %arg3[%add3A_1100, %dma_start3A_1125] : memref<50176x128xi32, #tpu.memory_space<hbm>> -> memref<16x128xi32, #tpu.memory_space<hbm>>
        tpu.enqueue_dma source(%dma_start3A_1126 : memref<16x128xi32, #tpu.memory_space<hbm>>) target(%dma_start3A_1124 : memref<16x128xi32, #tpu.memory_space<vmem>>) target_semaphore(%arg13 : memref<!tpu.dma_semaphore, #tpu.memory_space<semaphore_mem>>)
        %dma_start3A_1127 = arith.constant 0 : i32
        %dma_start3A_1128 = arith.constant 0 : i32
        %dma_start3A_1129 = arith.constant 0 : i32
        %dma_start3A_1130 = tpu.memref_slice %arg10[%dma_start3A_1127, %dma_start3A_1128, %dma_start3A_1129] : memref<2x16x128xf32, #tpu.memory_space<vmem>> -> memref<1x16x128xf32, #tpu.memory_space<vmem>>
        %dma_start3A_1131 = tpu.memref_squeeze %dma_start3A_1130 : memref<1x16x128xf32, #tpu.memory_space<vmem>> -> memref<16x128xf32, #tpu.memory_space<vmem>>
        %dma_start3A_1132 = arith.constant 0 : i32
        %dma_start3A_1133 = tpu.memref_slice %arg4[%add3A_1100, %dma_start3A_1132] : memref<50176x128xf32, #tpu.memory_space<hbm>> -> memref<16x128xf32, #tpu.memory_space<hbm>>
        %dma_start3A_1134 = arith.constant 0 : i32
        %dma_start3A_1135 = arith.constant 0 : i32
        %dma_start3A_1136 = tpu.memref_slice %arg10[%dma_start3A_1127, %dma_start3A_1134, %dma_start3A_1135] : memref<2x16x128xf32, #tpu.memory_space<vmem>> -> memref<1x16x128xf32, #tpu.memory_space<vmem>>
        %dma_start3A_1137 = tpu.memref_squeeze %dma_start3A_1136 : memref<1x16x128xf32, #tpu.memory_space<vmem>> -> memref<16x128xf32, #tpu.memory_space<vmem>>
        %dma_start3A_1138 = arith.constant 0 : i32
        %dma_start3A_1139 = tpu.memref_slice %arg4[%add3A_1100, %dma_start3A_1138] : memref<50176x128xf32, #tpu.memory_space<hbm>> -> memref<16x128xf32, #tpu.memory_space<hbm>>
        tpu.enqueue_dma source(%dma_start3A_1139 : memref<16x128xf32, #tpu.memory_space<hbm>>) target(%dma_start3A_1137 : memref<16x128xf32, #tpu.memory_space<vmem>>) target_semaphore(%arg13 : memref<!tpu.dma_semaphore, #tpu.memory_space<semaphore_mem>>)
      } else {
      }
      %dma_wait3A_852 = arith.constant 1 : i32
      %dma_wait3A_853 = arith.constant 0 : i32
      %dma_wait3A_854 = arith.constant 0 : i32
      %dma_wait3A_855 = tpu.memref_slice %arg11[%dma_wait3A_852, %dma_wait3A_853, %dma_wait3A_854] : memref<2x2048x8xf32, #tpu.memory_space<vmem>> -> memref<1x2048x8xf32, #tpu.memory_space<vmem>>
      %dma_wait3A_856 = tpu.memref_squeeze %dma_wait3A_855 : memref<1x2048x8xf32, #tpu.memory_space<vmem>> -> memref<2048x8xf32, #tpu.memory_space<vmem>>
      %dma_wait3A_857 = arith.constant 0 : i32
      %dma_wait3A_858 = arith.constant 0 : i32
      %dma_wait3A_859 = tpu.memref_slice %arg5[%dma_wait3A_857, %dma_wait3A_858] : memref<100000x8xf32, #tpu.memory_space<hbm>> -> memref<2048x8xf32, #tpu.memory_space<hbm>>
      %dma_wait3A_860 = arith.constant 0 : i32
      %dma_wait3A_861 = arith.constant 0 : i32
      %dma_wait3A_862 = tpu.memref_slice %arg11[%dma_wait3A_852, %dma_wait3A_860, %dma_wait3A_861] : memref<2x2048x8xf32, #tpu.memory_space<vmem>> -> memref<1x2048x8xf32, #tpu.memory_space<vmem>>
      %dma_wait3A_863 = tpu.memref_squeeze %dma_wait3A_862 : memref<1x2048x8xf32, #tpu.memory_space<vmem>> -> memref<2048x8xf32, #tpu.memory_space<vmem>>
      %dma_wait3A_864 = arith.constant 0 : i32
      %dma_wait3A_865 = arith.constant 0 : i32
      %dma_wait3A_866 = tpu.memref_slice %arg5[%dma_wait3A_864, %dma_wait3A_865] : memref<100000x8xf32, #tpu.memory_space<hbm>> -> memref<2048x8xf32, #tpu.memory_space<hbm>>
      tpu.wait_dma2 semaphore(%arg14 : memref<!tpu.dma_semaphore, #tpu.memory_space<semaphore_mem>>) src(%dma_wait3A_866 : memref<2048x8xf32, #tpu.memory_space<hbm>>) dst(%dma_wait3A_863 : memref<2048x8xf32, #tpu.memory_space<vmem>>)
      %scan3A_867 = arith.constant 0 : i32
      %scan3A_868 = arith.constant 0 : i32
      %scan3A_869 = arith.constant 16 : i32
      %scan3A_870 = arith.addi %scan3A_868, %scan3A_869 : i32
      %scan3A_871 = arith.constant 1 : i32
      scf.for %scan3A_1096 = %scan3A_868 to %scan3A_870 step %scan3A_871  : i32 {
        %scan3A_1097 = arith.constant 0 : i32
        %scan3A_1098 = arith.constant 0 : i32
        %scan3A_1099 = arith.constant 8 : i32
        %scan3A_1100 = arith.addi %scan3A_1098, %scan3A_1099 : i32
        %scan3A_1101 = arith.constant 1 : i32
        scf.for %scan3A_1103 = %scan3A_1098 to %scan3A_1100 step %scan3A_1101  : i32 {
          %mul3A_1104 = arith.constant 128 : i32
          %mul3A_1105 = arith.muli %scan3A_1096, %mul3A_1104 : i32
          %mul3A_1106 = arith.constant 16 : i32
          %mul3A_1107 = arith.muli %scan3A_1103, %mul3A_1106 : i32
          %add3A_1108 = arith.addi %mul3A_1105, %mul3A_1107 : i32
          %add3A_1109 = vector.broadcast %add3A_1108 : i32 to vector<16xi32>
          %add3A_1110 = arith.addi %add3A_1109, %iota3A : vector<16xi32>
          %mul3A_1111 = arith.constant 16 : i32
          %mul3A_1112 = arith.muli %scan3A_1103, %mul3A_1111 : i32
          %get3A = arith.constant 1 : i32
          %get3A_1113 = arith.index_cast %get3A : i32 to index
          %get3A_1114 = arith.index_cast %scan3A_1096 : i32 to index
          %get3A_1115 = arith.index_cast %mul3A_1112 : i32 to index
          %get3A_1116 = tpu.vector_load %arg10[%get3A_1113, %get3A_1114, %get3A_1115] {strides = array<i32>} : memref<2x16x128xf32, #tpu.memory_space<vmem>>, vector<16xf32>,
          %gather3A = arith.constant 1 : i32
          %gather3A_1117 = arith.constant 0 : i32
          %gather3A_1118 = arith.constant 0 : i32
          %gather3A_1119 = tpu.memref_slice %arg11[%gather3A, %gather3A_1117, %gather3A_1118] : memref<2x2048x8xf32, #tpu.memory_space<vmem>> -> memref<1x2048x8xf32, #tpu.memory_space<vmem>>
          %gather3A_1120 = tpu.memref_squeeze %gather3A_1119 : memref<1x2048x8xf32, #tpu.memory_space<vmem>> -> memref<2048x8xf32, #tpu.memory_space<vmem>>
          %gather3A_1121 = tpu.vector_load_idx %gather3A_1120[%add3A_1110, %broadcast_in_dim3A_7] : memref<2048x8xf32, #tpu.memory_space<vmem>>[vector<16xi32>, vector<16xi32>], vector<16xf32>,
          %mul3A_1122 = arith.mulf %gather3A_1121, %get3A_1116 : vector<16xf32>
          %scatter3A = arith.constant 1 : i32
          %scatter3A_1123 = arith.constant 0 : i32
          %scatter3A_1124 = arith.constant 0 : i32
          %scatter3A_1125 = tpu.memref_slice %arg11[%scatter3A, %scatter3A_1123, %scatter3A_1124] : memref<2x2048x8xf32, #tpu.memory_space<vmem>> -> memref<1x2048x8xf32, #tpu.memory_space<vmem>>
          %scatter3A_1126 = tpu.memref_squeeze %scatter3A_1125 : memref<1x2048x8xf32, #tpu.memory_space<vmem>> -> memref<2048x8xf32, #tpu.memory_space<vmem>>
          tpu.vector_store_idx %scatter3A_1126[%add3A_1110, %broadcast_in_dim3A_7], %mul3A_1122 : memref<2048x8xf32, #tpu.memory_space<vmem>>[vector<16xi32>, vector<16xi32>], vector<16xf32>,
          %gather3A_1127 = arith.constant 1 : i32
          %gather3A_1128 = arith.constant 0 : i32
          %gather3A_1129 = arith.constant 0 : i32
          %gather3A_1130 = tpu.memref_slice %arg11[%gather3A_1127, %gather3A_1128, %gather3A_1129] : memref<2x2048x8xf32, #tpu.memory_space<vmem>> -> memref<1x2048x8xf32, #tpu.memory_space<vmem>>
          %gather3A_1131 = tpu.memref_squeeze %gather3A_1130 : memref<1x2048x8xf32, #tpu.memory_space<vmem>> -> memref<2048x8xf32, #tpu.memory_space<vmem>>
          %gather3A_1132 = tpu.vector_load_idx %gather3A_1131[%add3A_1110, %broadcast_in_dim3A_9] : memref<2048x8xf32, #tpu.memory_space<vmem>>[vector<16xi32>, vector<16xi32>], vector<16xf32>,
          %mul3A_1133 = arith.mulf %gather3A_1132, %get3A_1116 : vector<16xf32>
          %scatter3A_1134 = arith.constant 1 : i32
          %scatter3A_1135 = arith.constant 0 : i32
          %scatter3A_1136 = arith.constant 0 : i32
          %scatter3A_1137 = tpu.memref_slice %arg11[%scatter3A_1134, %scatter3A_1135, %scatter3A_1136] : memref<2x2048x8xf32, #tpu.memory_space<vmem>> -> memref<1x2048x8xf32, #tpu.memory_space<vmem>>
          %scatter3A_1138 = tpu.memref_squeeze %scatter3A_1137 : memref<1x2048x8xf32, #tpu.memory_space<vmem>> -> memref<2048x8xf32, #tpu.memory_space<vmem>>
          tpu.vector_store_idx %scatter3A_1138[%add3A_1110, %broadcast_in_dim3A_9], %mul3A_1133 : memref<2048x8xf32, #tpu.memory_space<vmem>>[vector<16xi32>, vector<16xi32>], vector<16xf32>,
          %gather3A_1139 = arith.constant 1 : i32
          %gather3A_1140 = arith.constant 0 : i32
          %gather3A_1141 = arith.constant 0 : i32
          %gather3A_1142 = tpu.memref_slice %arg11[%gather3A_1139, %gather3A_1140, %gather3A_1141] : memref<2x2048x8xf32, #tpu.memory_space<vmem>> -> memref<1x2048x8xf32, #tpu.memory_space<vmem>>
          %gather3A_1143 = tpu.memref_squeeze %gather3A_1142 : memref<1x2048x8xf32, #tpu.memory_space<vmem>> -> memref<2048x8xf32, #tpu.memory_space<vmem>>
          %gather3A_1144 = tpu.vector_load_idx %gather3A_1143[%add3A_1110, %broadcast_in_dim3A_11] : memref<2048x8xf32, #tpu.memory_space<vmem>>[vector<16xi32>, vector<16xi32>], vector<16xf32>,
          %mul3A_1145 = arith.mulf %gather3A_1144, %get3A_1116 : vector<16xf32>
          %scatter3A_1146 = arith.constant 1 : i32
          %scatter3A_1147 = arith.constant 0 : i32
          %scatter3A_1148 = arith.constant 0 : i32
          %scatter3A_1149 = tpu.memref_slice %arg11[%scatter3A_1146, %scatter3A_1147, %scatter3A_1148] : memref<2x2048x8xf32, #tpu.memory_space<vmem>> -> memref<1x2048x8xf32, #tpu.memory_space<vmem>>
          %scatter3A_1150 = tpu.memref_squeeze %scatter3A_1149 : memref<1x2048x8xf32, #tpu.memory_space<vmem>> -> memref<2048x8xf32, #tpu.memory_space<vmem>>
          tpu.vector_store_idx %scatter3A_1150[%add3A_1110, %broadcast_in_dim3A_11], %mul3A_1145 : memref<2048x8xf32, #tpu.memory_space<vmem>>[vector<16xi32>, vector<16xi32>], vector<16xf32>,
          %gather3A_1151 = arith.constant 1 : i32
          %gather3A_1152 = arith.constant 0 : i32
          %gather3A_1153 = arith.constant 0 : i32
          %gather3A_1154 = tpu.memref_slice %arg11[%gather3A_1151, %gather3A_1152, %gather3A_1153] : memref<2x2048x8xf32, #tpu.memory_space<vmem>> -> memref<1x2048x8xf32, #tpu.memory_space<vmem>>
          %gather3A_1155 = tpu.memref_squeeze %gather3A_1154 : memref<1x2048x8xf32, #tpu.memory_space<vmem>> -> memref<2048x8xf32, #tpu.memory_space<vmem>>
          %gather3A_1156 = tpu.vector_load_idx %gather3A_1155[%add3A_1110, %broadcast_in_dim3A_13] : memref<2048x8xf32, #tpu.memory_space<vmem>>[vector<16xi32>, vector<16xi32>], vector<16xf32>,
          %mul3A_1157 = arith.mulf %gather3A_1156, %get3A_1116 : vector<16xf32>
          %scatter3A_1158 = arith.constant 1 : i32
          %scatter3A_1159 = arith.constant 0 : i32
          %scatter3A_1160 = arith.constant 0 : i32
          %scatter3A_1161 = tpu.memref_slice %arg11[%scatter3A_1158, %scatter3A_1159, %scatter3A_1160] : memref<2x2048x8xf32, #tpu.memory_space<vmem>> -> memref<1x2048x8xf32, #tpu.memory_space<vmem>>
          %scatter3A_1162 = tpu.memref_squeeze %scatter3A_1161 : memref<1x2048x8xf32, #tpu.memory_space<vmem>> -> memref<2048x8xf32, #tpu.memory_space<vmem>>
          tpu.vector_store_idx %scatter3A_1162[%add3A_1110, %broadcast_in_dim3A_13], %mul3A_1157 : memref<2048x8xf32, #tpu.memory_space<vmem>>[vector<16xi32>, vector<16xi32>], vector<16xf32>,
          %gather3A_1163 = arith.constant 1 : i32
          %gather3A_1164 = arith.constant 0 : i32
          %gather3A_1165 = arith.constant 0 : i32
          %gather3A_1166 = tpu.memref_slice %arg11[%gather3A_1163, %gather3A_1164, %gather3A_1165] : memref<2x2048x8xf32, #tpu.memory_space<vmem>> -> memref<1x2048x8xf32, #tpu.memory_space<vmem>>
          %gather3A_1167 = tpu.memref_squeeze %gather3A_1166 : memref<1x2048x8xf32, #tpu.memory_space<vmem>> -> memref<2048x8xf32, #tpu.memory_space<vmem>>
          %gather3A_1168 = tpu.vector_load_idx %gather3A_1167[%add3A_1110, %broadcast_in_dim3A_15] : memref<2048x8xf32, #tpu.memory_space<vmem>>[vector<16xi32>, vector<16xi32>], vector<16xf32>,
          %mul3A_1169 = arith.mulf %gather3A_1168, %get3A_1116 : vector<16xf32>
          %scatter3A_1170 = arith.constant 1 : i32
          %scatter3A_1171 = arith.constant 0 : i32
          %scatter3A_1172 = arith.constant 0 : i32
          %scatter3A_1173 = tpu.memref_slice %arg11[%scatter3A_1170, %scatter3A_1171, %scatter3A_1172] : memref<2x2048x8xf32, #tpu.memory_space<vmem>> -> memref<1x2048x8xf32, #tpu.memory_space<vmem>>
          %scatter3A_1174 = tpu.memref_squeeze %scatter3A_1173 : memref<1x2048x8xf32, #tpu.memory_space<vmem>> -> memref<2048x8xf32, #tpu.memory_space<vmem>>
          tpu.vector_store_idx %scatter3A_1174[%add3A_1110, %broadcast_in_dim3A_15], %mul3A_1169 : memref<2048x8xf32, #tpu.memory_space<vmem>>[vector<16xi32>, vector<16xi32>], vector<16xf32>,
          %gather3A_1175 = arith.constant 1 : i32
          %gather3A_1176 = arith.constant 0 : i32
          %gather3A_1177 = arith.constant 0 : i32
          %gather3A_1178 = tpu.memref_slice %arg11[%gather3A_1175, %gather3A_1176, %gather3A_1177] : memref<2x2048x8xf32, #tpu.memory_space<vmem>> -> memref<1x2048x8xf32, #tpu.memory_space<vmem>>
          %gather3A_1179 = tpu.memref_squeeze %gather3A_1178 : memref<1x2048x8xf32, #tpu.memory_space<vmem>> -> memref<2048x8xf32, #tpu.memory_space<vmem>>
          %gather3A_1180 = tpu.vector_load_idx %gather3A_1179[%add3A_1110, %broadcast_in_dim3A_17] : memref<2048x8xf32, #tpu.memory_space<vmem>>[vector<16xi32>, vector<16xi32>], vector<16xf32>,
          %mul3A_1181 = arith.mulf %gather3A_1180, %get3A_1116 : vector<16xf32>
          %scatter3A_1182 = arith.constant 1 : i32
          %scatter3A_1183 = arith.constant 0 : i32
          %scatter3A_1184 = arith.constant 0 : i32
          %scatter3A_1185 = tpu.memref_slice %arg11[%scatter3A_1182, %scatter3A_1183, %scatter3A_1184] : memref<2x2048x8xf32, #tpu.memory_space<vmem>> -> memref<1x2048x8xf32, #tpu.memory_space<vmem>>
          %scatter3A_1186 = tpu.memref_squeeze %scatter3A_1185 : memref<1x2048x8xf32, #tpu.memory_space<vmem>> -> memref<2048x8xf32, #tpu.memory_space<vmem>>
          tpu.vector_store_idx %scatter3A_1186[%add3A_1110, %broadcast_in_dim3A_17], %mul3A_1181 : memref<2048x8xf32, #tpu.memory_space<vmem>>[vector<16xi32>, vector<16xi32>], vector<16xf32>,
          %gather3A_1187 = arith.constant 1 : i32
          %gather3A_1188 = arith.constant 0 : i32
          %gather3A_1189 = arith.constant 0 : i32
          %gather3A_1190 = tpu.memref_slice %arg11[%gather3A_1187, %gather3A_1188, %gather3A_1189] : memref<2x2048x8xf32, #tpu.memory_space<vmem>> -> memref<1x2048x8xf32, #tpu.memory_space<vmem>>
          %gather3A_1191 = tpu.memref_squeeze %gather3A_1190 : memref<1x2048x8xf32, #tpu.memory_space<vmem>> -> memref<2048x8xf32, #tpu.memory_space<vmem>>
          %gather3A_1192 = tpu.vector_load_idx %gather3A_1191[%add3A_1110, %broadcast_in_dim3A_19] : memref<2048x8xf32, #tpu.memory_space<vmem>>[vector<16xi32>, vector<16xi32>], vector<16xf32>,
          %mul3A_1193 = arith.mulf %gather3A_1192, %get3A_1116 : vector<16xf32>
          %scatter3A_1194 = arith.constant 1 : i32
          %scatter3A_1195 = arith.constant 0 : i32
          %scatter3A_1196 = arith.constant 0 : i32
          %scatter3A_1197 = tpu.memref_slice %arg11[%scatter3A_1194, %scatter3A_1195, %scatter3A_1196] : memref<2x2048x8xf32, #tpu.memory_space<vmem>> -> memref<1x2048x8xf32, #tpu.memory_space<vmem>>
          %scatter3A_1198 = tpu.memref_squeeze %scatter3A_1197 : memref<1x2048x8xf32, #tpu.memory_space<vmem>> -> memref<2048x8xf32, #tpu.memory_space<vmem>>
          tpu.vector_store_idx %scatter3A_1198[%add3A_1110, %broadcast_in_dim3A_19], %mul3A_1193 : memref<2048x8xf32, #tpu.memory_space<vmem>>[vector<16xi32>, vector<16xi32>], vector<16xf32>,
          %gather3A_1199 = arith.constant 1 : i32
          %gather3A_1200 = arith.constant 0 : i32
          %gather3A_1201 = arith.constant 0 : i32
          %gather3A_1202 = tpu.memref_slice %arg11[%gather3A_1199, %gather3A_1200, %gather3A_1201] : memref<2x2048x8xf32, #tpu.memory_space<vmem>> -> memref<1x2048x8xf32, #tpu.memory_space<vmem>>
          %gather3A_1203 = tpu.memref_squeeze %gather3A_1202 : memref<1x2048x8xf32, #tpu.memory_space<vmem>> -> memref<2048x8xf32, #tpu.memory_space<vmem>>
          %gather3A_1204 = tpu.vector_load_idx %gather3A_1203[%add3A_1110, %broadcast_in_dim3A_21] : memref<2048x8xf32, #tpu.memory_space<vmem>>[vector<16xi32>, vector<16xi32>], vector<16xf32>,
          %mul3A_1205 = arith.mulf %gather3A_1204, %get3A_1116 : vector<16xf32>
          %scatter3A_1206 = arith.constant 1 : i32
          %scatter3A_1207 = arith.constant 0 : i32
          %scatter3A_1208 = arith.constant 0 : i32
          %scatter3A_1209 = tpu.memref_slice %arg11[%scatter3A_1206, %scatter3A_1207, %scatter3A_1208] : memref<2x2048x8xf32, #tpu.memory_space<vmem>> -> memref<1x2048x8xf32, #tpu.memory_space<vmem>>
          %scatter3A_1210 = tpu.memref_squeeze %scatter3A_1209 : memref<1x2048x8xf32, #tpu.memory_space<vmem>> -> memref<2048x8xf32, #tpu.memory_space<vmem>>
          tpu.vector_store_idx %scatter3A_1210[%add3A_1110, %broadcast_in_dim3A_21], %mul3A_1205 : memref<2048x8xf32, #tpu.memory_space<vmem>>[vector<16xi32>, vector<16xi32>], vector<16xf32>,
        }
        %scan3A_1102 = arith.constant 8 : i32
      }
      %scan3A_872 = arith.constant 16 : i32
      %dma_start3A_873 = arith.constant 1 : i32
      %dma_start3A_874 = arith.constant 1 : i32
      %dma_start3A_875 = arith.constant 0 : i32
      %dma_start3A_876 = arith.constant 0 : i32
      %dma_start3A_877 = arith.constant 0 : i32
      %dma_start3A_878 = tpu.memref_slice %arg11[%dma_start3A_873, %dma_start3A_876, %dma_start3A_877] : memref<2x2048x8xf32, #tpu.memory_space<vmem>> -> memref<1x128x8xf32, #tpu.memory_space<vmem>>
      %dma_start3A_879 = tpu.memref_squeeze %dma_start3A_878 : memref<1x128x8xf32, #tpu.memory_space<vmem>> -> memref<128x8xf32, #tpu.memory_space<vmem>>
      %dma_start3A_880 = arith.constant 0 : i32
      %dma_start3A_881 = tpu.memref_slice %arg9[%dma_start3A_874, %dma_start3A_875, %dma_start3A_880] : memref<2x16x128xi32, #tpu.memory_space<vmem>> -> memref<1x1x128xi32, #tpu.memory_space<vmem>>
      %dma_start3A_882 = tpu.memref_squeeze %dma_start3A_881 : memref<1x1x128xi32, #tpu.memory_space<vmem>> -> memref<128xi32, #tpu.memory_space<vmem>>
      %dma_start3A_883 = arith.constant 0 : i32
      %dma_start3A_884 = arith.constant 0 : i32
      %dma_start3A_885 = tpu.memref_slice %arg12[%dma_start3A_883, %dma_start3A_884] : memref<100000x8xf32, #tpu.memory_space<vmem_shared>> -> memref<100000x8xf32, #tpu.memory_space<vmem_shared>>
      tpu.enqueue_indirect_dma source(%dma_start3A_879 : memref<128x8xf32, #tpu.memory_space<vmem>>) target(%dma_start3A_885 : memref<100000x8xf32, #tpu.memory_space<vmem_shared>>) offsets(%dma_start3A_882 : memref<128xi32, #tpu.memory_space<vmem>>) semaphore(%arg15 : memref<!tpu.dma_semaphore, #tpu.memory_space<semaphore_mem>>) {add = true}
      %dma_start3A_886 = arith.constant 1 : i32
      %dma_start3A_887 = arith.constant 1 : i32
      %dma_start3A_888 = arith.constant 1 : i32
      %dma_start3A_889 = arith.constant 128 : i32
      %dma_start3A_890 = arith.constant 0 : i32
      %dma_start3A_891 = tpu.memref_slice %arg11[%dma_start3A_886, %dma_start3A_889, %dma_start3A_890] : memref<2x2048x8xf32, #tpu.memory_space<vmem>> -> memref<1x128x8xf32, #tpu.memory_space<vmem>>
      %dma_start3A_892 = tpu.memref_squeeze %dma_start3A_891 : memref<1x128x8xf32, #tpu.memory_space<vmem>> -> memref<128x8xf32, #tpu.memory_space<vmem>>
      %dma_start3A_893 = arith.constant 0 : i32
      %dma_start3A_894 = tpu.memref_slice %arg9[%dma_start3A_887, %dma_start3A_888, %dma_start3A_893] : memref<2x16x128xi32, #tpu.memory_space<vmem>> -> memref<1x1x128xi32, #tpu.memory_space<vmem>>
      %dma_start3A_895 = tpu.memref_squeeze %dma_start3A_894 : memref<1x1x128xi32, #tpu.memory_space<vmem>> -> memref<128xi32, #tpu.memory_space<vmem>>
      %dma_start3A_896 = arith.constant 0 : i32
      %dma_start3A_897 = arith.constant 0 : i32
      %dma_start3A_898 = tpu.memref_slice %arg12[%dma_start3A_896, %dma_start3A_897] : memref<100000x8xf32, #tpu.memory_space<vmem_shared>> -> memref<100000x8xf32, #tpu.memory_space<vmem_shared>>
      tpu.enqueue_indirect_dma source(%dma_start3A_892 : memref<128x8xf32, #tpu.memory_space<vmem>>) target(%dma_start3A_898 : memref<100000x8xf32, #tpu.memory_space<vmem_shared>>) offsets(%dma_start3A_895 : memref<128xi32, #tpu.memory_space<vmem>>) semaphore(%arg15 : memref<!tpu.dma_semaphore, #tpu.memory_space<semaphore_mem>>) {add = true}
      %dma_start3A_899 = arith.constant 1 : i32
      %dma_start3A_900 = arith.constant 1 : i32
      %dma_start3A_901 = arith.constant 2 : i32
      %dma_start3A_902 = arith.constant 256 : i32
      %dma_start3A_903 = arith.constant 0 : i32
      %dma_start3A_904 = tpu.memref_slice %arg11[%dma_start3A_899, %dma_start3A_902, %dma_start3A_903] : memref<2x2048x8xf32, #tpu.memory_space<vmem>> -> memref<1x128x8xf32, #tpu.memory_space<vmem>>
      %dma_start3A_905 = tpu.memref_squeeze %dma_start3A_904 : memref<1x128x8xf32, #tpu.memory_space<vmem>> -> memref<128x8xf32, #tpu.memory_space<vmem>>
      %dma_start3A_906 = arith.constant 0 : i32
      %dma_start3A_907 = tpu.memref_slice %arg9[%dma_start3A_900, %dma_start3A_901, %dma_start3A_906] : memref<2x16x128xi32, #tpu.memory_space<vmem>> -> memref<1x1x128xi32, #tpu.memory_space<vmem>>
      %dma_start3A_908 = tpu.memref_squeeze %dma_start3A_907 : memref<1x1x128xi32, #tpu.memory_space<vmem>> -> memref<128xi32, #tpu.memory_space<vmem>>
      %dma_start3A_909 = arith.constant 0 : i32
      %dma_start3A_910 = arith.constant 0 : i32
      %dma_start3A_911 = tpu.memref_slice %arg12[%dma_start3A_909, %dma_start3A_910] : memref<100000x8xf32, #tpu.memory_space<vmem_shared>> -> memref<100000x8xf32, #tpu.memory_space<vmem_shared>>
      tpu.enqueue_indirect_dma source(%dma_start3A_905 : memref<128x8xf32, #tpu.memory_space<vmem>>) target(%dma_start3A_911 : memref<100000x8xf32, #tpu.memory_space<vmem_shared>>) offsets(%dma_start3A_908 : memref<128xi32, #tpu.memory_space<vmem>>) semaphore(%arg15 : memref<!tpu.dma_semaphore, #tpu.memory_space<semaphore_mem>>) {add = true}
      %dma_start3A_912 = arith.constant 1 : i32
      %dma_start3A_913 = arith.constant 1 : i32
      %dma_start3A_914 = arith.constant 3 : i32
      %dma_start3A_915 = arith.constant 384 : i32
      %dma_start3A_916 = arith.constant 0 : i32
      %dma_start3A_917 = tpu.memref_slice %arg11[%dma_start3A_912, %dma_start3A_915, %dma_start3A_916] : memref<2x2048x8xf32, #tpu.memory_space<vmem>> -> memref<1x128x8xf32, #tpu.memory_space<vmem>>
      %dma_start3A_918 = tpu.memref_squeeze %dma_start3A_917 : memref<1x128x8xf32, #tpu.memory_space<vmem>> -> memref<128x8xf32, #tpu.memory_space<vmem>>
      %dma_start3A_919 = arith.constant 0 : i32
      %dma_start3A_920 = tpu.memref_slice %arg9[%dma_start3A_913, %dma_start3A_914, %dma_start3A_919] : memref<2x16x128xi32, #tpu.memory_space<vmem>> -> memref<1x1x128xi32, #tpu.memory_space<vmem>>
      %dma_start3A_921 = tpu.memref_squeeze %dma_start3A_920 : memref<1x1x128xi32, #tpu.memory_space<vmem>> -> memref<128xi32, #tpu.memory_space<vmem>>
      %dma_start3A_922 = arith.constant 0 : i32
      %dma_start3A_923 = arith.constant 0 : i32
      %dma_start3A_924 = tpu.memref_slice %arg12[%dma_start3A_922, %dma_start3A_923] : memref<100000x8xf32, #tpu.memory_space<vmem_shared>> -> memref<100000x8xf32, #tpu.memory_space<vmem_shared>>
      tpu.enqueue_indirect_dma source(%dma_start3A_918 : memref<128x8xf32, #tpu.memory_space<vmem>>) target(%dma_start3A_924 : memref<100000x8xf32, #tpu.memory_space<vmem_shared>>) offsets(%dma_start3A_921 : memref<128xi32, #tpu.memory_space<vmem>>) semaphore(%arg15 : memref<!tpu.dma_semaphore, #tpu.memory_space<semaphore_mem>>) {add = true}
      %dma_start3A_925 = arith.constant 1 : i32
      %dma_start3A_926 = arith.constant 1 : i32
      %dma_start3A_927 = arith.constant 4 : i32
      %dma_start3A_928 = arith.constant 512 : i32
      %dma_start3A_929 = arith.constant 0 : i32
      %dma_start3A_930 = tpu.memref_slice %arg11[%dma_start3A_925, %dma_start3A_928, %dma_start3A_929] : memref<2x2048x8xf32, #tpu.memory_space<vmem>> -> memref<1x128x8xf32, #tpu.memory_space<vmem>>
      %dma_start3A_931 = tpu.memref_squeeze %dma_start3A_930 : memref<1x128x8xf32, #tpu.memory_space<vmem>> -> memref<128x8xf32, #tpu.memory_space<vmem>>
      %dma_start3A_932 = arith.constant 0 : i32
      %dma_start3A_933 = tpu.memref_slice %arg9[%dma_start3A_926, %dma_start3A_927, %dma_start3A_932] : memref<2x16x128xi32, #tpu.memory_space<vmem>> -> memref<1x1x128xi32, #tpu.memory_space<vmem>>
      %dma_start3A_934 = tpu.memref_squeeze %dma_start3A_933 : memref<1x1x128xi32, #tpu.memory_space<vmem>> -> memref<128xi32, #tpu.memory_space<vmem>>
      %dma_start3A_935 = arith.constant 0 : i32
      %dma_start3A_936 = arith.constant 0 : i32
      %dma_start3A_937 = tpu.memref_slice %arg12[%dma_start3A_935, %dma_start3A_936] : memref<100000x8xf32, #tpu.memory_space<vmem_shared>> -> memref<100000x8xf32, #tpu.memory_space<vmem_shared>>
      tpu.enqueue_indirect_dma source(%dma_start3A_931 : memref<128x8xf32, #tpu.memory_space<vmem>>) target(%dma_start3A_937 : memref<100000x8xf32, #tpu.memory_space<vmem_shared>>) offsets(%dma_start3A_934 : memref<128xi32, #tpu.memory_space<vmem>>) semaphore(%arg15 : memref<!tpu.dma_semaphore, #tpu.memory_space<semaphore_mem>>) {add = true}
      %dma_start3A_938 = arith.constant 1 : i32
      %dma_start3A_939 = arith.constant 1 : i32
      %dma_start3A_940 = arith.constant 5 : i32
      %dma_start3A_941 = arith.constant 640 : i32
      %dma_start3A_942 = arith.constant 0 : i32
      %dma_start3A_943 = tpu.memref_slice %arg11[%dma_start3A_938, %dma_start3A_941, %dma_start3A_942] : memref<2x2048x8xf32, #tpu.memory_space<vmem>> -> memref<1x128x8xf32, #tpu.memory_space<vmem>>
      %dma_start3A_944 = tpu.memref_squeeze %dma_start3A_943 : memref<1x128x8xf32, #tpu.memory_space<vmem>> -> memref<128x8xf32, #tpu.memory_space<vmem>>
      %dma_start3A_945 = arith.constant 0 : i32
      %dma_start3A_946 = tpu.memref_slice %arg9[%dma_start3A_939, %dma_start3A_940, %dma_start3A_945] : memref<2x16x128xi32, #tpu.memory_space<vmem>> -> memref<1x1x128xi32, #tpu.memory_space<vmem>>
      %dma_start3A_947 = tpu.memref_squeeze %dma_start3A_946 : memref<1x1x128xi32, #tpu.memory_space<vmem>> -> memref<128xi32, #tpu.memory_space<vmem>>
      %dma_start3A_948 = arith.constant 0 : i32
      %dma_start3A_949 = arith.constant 0 : i32
      %dma_start3A_950 = tpu.memref_slice %arg12[%dma_start3A_948, %dma_start3A_949] : memref<100000x8xf32, #tpu.memory_space<vmem_shared>> -> memref<100000x8xf32, #tpu.memory_space<vmem_shared>>
      tpu.enqueue_indirect_dma source(%dma_start3A_944 : memref<128x8xf32, #tpu.memory_space<vmem>>) target(%dma_start3A_950 : memref<100000x8xf32, #tpu.memory_space<vmem_shared>>) offsets(%dma_start3A_947 : memref<128xi32, #tpu.memory_space<vmem>>) semaphore(%arg15 : memref<!tpu.dma_semaphore, #tpu.memory_space<semaphore_mem>>) {add = true}
      %dma_start3A_951 = arith.constant 1 : i32
      %dma_start3A_952 = arith.constant 1 : i32
      %dma_start3A_953 = arith.constant 6 : i32
      %dma_start3A_954 = arith.constant 768 : i32
      %dma_start3A_955 = arith.constant 0 : i32
      %dma_start3A_956 = tpu.memref_slice %arg11[%dma_start3A_951, %dma_start3A_954, %dma_start3A_955] : memref<2x2048x8xf32, #tpu.memory_space<vmem>> -> memref<1x128x8xf32, #tpu.memory_space<vmem>>
      %dma_start3A_957 = tpu.memref_squeeze %dma_start3A_956 : memref<1x128x8xf32, #tpu.memory_space<vmem>> -> memref<128x8xf32, #tpu.memory_space<vmem>>
      %dma_start3A_958 = arith.constant 0 : i32
      %dma_start3A_959 = tpu.memref_slice %arg9[%dma_start3A_952, %dma_start3A_953, %dma_start3A_958] : memref<2x16x128xi32, #tpu.memory_space<vmem>> -> memref<1x1x128xi32, #tpu.memory_space<vmem>>
      %dma_start3A_960 = tpu.memref_squeeze %dma_start3A_959 : memref<1x1x128xi32, #tpu.memory_space<vmem>> -> memref<128xi32, #tpu.memory_space<vmem>>
      %dma_start3A_961 = arith.constant 0 : i32
      %dma_start3A_962 = arith.constant 0 : i32
      %dma_start3A_963 = tpu.memref_slice %arg12[%dma_start3A_961, %dma_start3A_962] : memref<100000x8xf32, #tpu.memory_space<vmem_shared>> -> memref<100000x8xf32, #tpu.memory_space<vmem_shared>>
      tpu.enqueue_indirect_dma source(%dma_start3A_957 : memref<128x8xf32, #tpu.memory_space<vmem>>) target(%dma_start3A_963 : memref<100000x8xf32, #tpu.memory_space<vmem_shared>>) offsets(%dma_start3A_960 : memref<128xi32, #tpu.memory_space<vmem>>) semaphore(%arg15 : memref<!tpu.dma_semaphore, #tpu.memory_space<semaphore_mem>>) {add = true}
      %dma_start3A_964 = arith.constant 1 : i32
      %dma_start3A_965 = arith.constant 1 : i32
      %dma_start3A_966 = arith.constant 7 : i32
      %dma_start3A_967 = arith.constant 896 : i32
      %dma_start3A_968 = arith.constant 0 : i32
      %dma_start3A_969 = tpu.memref_slice %arg11[%dma_start3A_964, %dma_start3A_967, %dma_start3A_968] : memref<2x2048x8xf32, #tpu.memory_space<vmem>> -> memref<1x128x8xf32, #tpu.memory_space<vmem>>
      %dma_start3A_970 = tpu.memref_squeeze %dma_start3A_969 : memref<1x128x8xf32, #tpu.memory_space<vmem>> -> memref<128x8xf32, #tpu.memory_space<vmem>>
      %dma_start3A_971 = arith.constant 0 : i32
      %dma_start3A_972 = tpu.memref_slice %arg9[%dma_start3A_965, %dma_start3A_966, %dma_start3A_971] : memref<2x16x128xi32, #tpu.memory_space<vmem>> -> memref<1x1x128xi32, #tpu.memory_space<vmem>>
      %dma_start3A_973 = tpu.memref_squeeze %dma_start3A_972 : memref<1x1x128xi32, #tpu.memory_space<vmem>> -> memref<128xi32, #tpu.memory_space<vmem>>
      %dma_start3A_974 = arith.constant 0 : i32
      %dma_start3A_975 = arith.constant 0 : i32
      %dma_start3A_976 = tpu.memref_slice %arg12[%dma_start3A_974, %dma_start3A_975] : memref<100000x8xf32, #tpu.memory_space<vmem_shared>> -> memref<100000x8xf32, #tpu.memory_space<vmem_shared>>
      tpu.enqueue_indirect_dma source(%dma_start3A_970 : memref<128x8xf32, #tpu.memory_space<vmem>>) target(%dma_start3A_976 : memref<100000x8xf32, #tpu.memory_space<vmem_shared>>) offsets(%dma_start3A_973 : memref<128xi32, #tpu.memory_space<vmem>>) semaphore(%arg15 : memref<!tpu.dma_semaphore, #tpu.memory_space<semaphore_mem>>) {add = true}
      %dma_start3A_977 = arith.constant 1 : i32
      %dma_start3A_978 = arith.constant 1 : i32
      %dma_start3A_979 = arith.constant 8 : i32
      %dma_start3A_980 = arith.constant 1024 : i32
      %dma_start3A_981 = arith.constant 0 : i32
      %dma_start3A_982 = tpu.memref_slice %arg11[%dma_start3A_977, %dma_start3A_980, %dma_start3A_981] : memref<2x2048x8xf32, #tpu.memory_space<vmem>> -> memref<1x128x8xf32, #tpu.memory_space<vmem>>
      %dma_start3A_983 = tpu.memref_squeeze %dma_start3A_982 : memref<1x128x8xf32, #tpu.memory_space<vmem>> -> memref<128x8xf32, #tpu.memory_space<vmem>>
      %dma_start3A_984 = arith.constant 0 : i32
      %dma_start3A_985 = tpu.memref_slice %arg9[%dma_start3A_978, %dma_start3A_979, %dma_start3A_984] : memref<2x16x128xi32, #tpu.memory_space<vmem>> -> memref<1x1x128xi32, #tpu.memory_space<vmem>>
      %dma_start3A_986 = tpu.memref_squeeze %dma_start3A_985 : memref<1x1x128xi32, #tpu.memory_space<vmem>> -> memref<128xi32, #tpu.memory_space<vmem>>
      %dma_start3A_987 = arith.constant 0 : i32
      %dma_start3A_988 = arith.constant 0 : i32
      %dma_start3A_989 = tpu.memref_slice %arg12[%dma_start3A_987, %dma_start3A_988] : memref<100000x8xf32, #tpu.memory_space<vmem_shared>> -> memref<100000x8xf32, #tpu.memory_space<vmem_shared>>
      tpu.enqueue_indirect_dma source(%dma_start3A_983 : memref<128x8xf32, #tpu.memory_space<vmem>>) target(%dma_start3A_989 : memref<100000x8xf32, #tpu.memory_space<vmem_shared>>) offsets(%dma_start3A_986 : memref<128xi32, #tpu.memory_space<vmem>>) semaphore(%arg15 : memref<!tpu.dma_semaphore, #tpu.memory_space<semaphore_mem>>) {add = true}
      %dma_start3A_990 = arith.constant 1 : i32
      %dma_start3A_991 = arith.constant 1 : i32
      %dma_start3A_992 = arith.constant 9 : i32
      %dma_start3A_993 = arith.constant 1152 : i32
      %dma_start3A_994 = arith.constant 0 : i32
      %dma_start3A_995 = tpu.memref_slice %arg11[%dma_start3A_990, %dma_start3A_993, %dma_start3A_994] : memref<2x2048x8xf32, #tpu.memory_space<vmem>> -> memref<1x128x8xf32, #tpu.memory_space<vmem>>
      %dma_start3A_996 = tpu.memref_squeeze %dma_start3A_995 : memref<1x128x8xf32, #tpu.memory_space<vmem>> -> memref<128x8xf32, #tpu.memory_space<vmem>>
      %dma_start3A_997 = arith.constant 0 : i32
      %dma_start3A_998 = tpu.memref_slice %arg9[%dma_start3A_991, %dma_start3A_992, %dma_start3A_997] : memref<2x16x128xi32, #tpu.memory_space<vmem>> -> memref<1x1x128xi32, #tpu.memory_space<vmem>>
      %dma_start3A_999 = tpu.memref_squeeze %dma_start3A_998 : memref<1x1x128xi32, #tpu.memory_space<vmem>> -> memref<128xi32, #tpu.memory_space<vmem>>
      %dma_start3A_1000 = arith.constant 0 : i32
      %dma_start3A_1001 = arith.constant 0 : i32
      %dma_start3A_1002 = tpu.memref_slice %arg12[%dma_start3A_1000, %dma_start3A_1001] : memref<100000x8xf32, #tpu.memory_space<vmem_shared>> -> memref<100000x8xf32, #tpu.memory_space<vmem_shared>>
      tpu.enqueue_indirect_dma source(%dma_start3A_996 : memref<128x8xf32, #tpu.memory_space<vmem>>) target(%dma_start3A_1002 : memref<100000x8xf32, #tpu.memory_space<vmem_shared>>) offsets(%dma_start3A_999 : memref<128xi32, #tpu.memory_space<vmem>>) semaphore(%arg15 : memref<!tpu.dma_semaphore, #tpu.memory_space<semaphore_mem>>) {add = true}
      %dma_start3A_1003 = arith.constant 1 : i32
      %dma_start3A_1004 = arith.constant 1 : i32
      %dma_start3A_1005 = arith.constant 10 : i32
      %dma_start3A_1006 = arith.constant 1280 : i32
      %dma_start3A_1007 = arith.constant 0 : i32
      %dma_start3A_1008 = tpu.memref_slice %arg11[%dma_start3A_1003, %dma_start3A_1006, %dma_start3A_1007] : memref<2x2048x8xf32, #tpu.memory_space<vmem>> -> memref<1x128x8xf32, #tpu.memory_space<vmem>>
      %dma_start3A_1009 = tpu.memref_squeeze %dma_start3A_1008 : memref<1x128x8xf32, #tpu.memory_space<vmem>> -> memref<128x8xf32, #tpu.memory_space<vmem>>
      %dma_start3A_1010 = arith.constant 0 : i32
      %dma_start3A_1011 = tpu.memref_slice %arg9[%dma_start3A_1004, %dma_start3A_1005, %dma_start3A_1010] : memref<2x16x128xi32, #tpu.memory_space<vmem>> -> memref<1x1x128xi32, #tpu.memory_space<vmem>>
      %dma_start3A_1012 = tpu.memref_squeeze %dma_start3A_1011 : memref<1x1x128xi32, #tpu.memory_space<vmem>> -> memref<128xi32, #tpu.memory_space<vmem>>
      %dma_start3A_1013 = arith.constant 0 : i32
      %dma_start3A_1014 = arith.constant 0 : i32
      %dma_start3A_1015 = tpu.memref_slice %arg12[%dma_start3A_1013, %dma_start3A_1014] : memref<100000x8xf32, #tpu.memory_space<vmem_shared>> -> memref<100000x8xf32, #tpu.memory_space<vmem_shared>>
      tpu.enqueue_indirect_dma source(%dma_start3A_1009 : memref<128x8xf32, #tpu.memory_space<vmem>>) target(%dma_start3A_1015 : memref<100000x8xf32, #tpu.memory_space<vmem_shared>>) offsets(%dma_start3A_1012 : memref<128xi32, #tpu.memory_space<vmem>>) semaphore(%arg15 : memref<!tpu.dma_semaphore, #tpu.memory_space<semaphore_mem>>) {add = true}
      %dma_start3A_1016 = arith.constant 1 : i32
      %dma_start3A_1017 = arith.constant 1 : i32
      %dma_start3A_1018 = arith.constant 11 : i32
      %dma_start3A_1019 = arith.constant 1408 : i32
      %dma_start3A_1020 = arith.constant 0 : i32
      %dma_start3A_1021 = tpu.memref_slice %arg11[%dma_start3A_1016, %dma_start3A_1019, %dma_start3A_1020] : memref<2x2048x8xf32, #tpu.memory_space<vmem>> -> memref<1x128x8xf32, #tpu.memory_space<vmem>>
      %dma_start3A_1022 = tpu.memref_squeeze %dma_start3A_1021 : memref<1x128x8xf32, #tpu.memory_space<vmem>> -> memref<128x8xf32, #tpu.memory_space<vmem>>
      %dma_start3A_1023 = arith.constant 0 : i32
      %dma_start3A_1024 = tpu.memref_slice %arg9[%dma_start3A_1017, %dma_start3A_1018, %dma_start3A_1023] : memref<2x16x128xi32, #tpu.memory_space<vmem>> -> memref<1x1x128xi32, #tpu.memory_space<vmem>>
      %dma_start3A_1025 = tpu.memref_squeeze %dma_start3A_1024 : memref<1x1x128xi32, #tpu.memory_space<vmem>> -> memref<128xi32, #tpu.memory_space<vmem>>
      %dma_start3A_1026 = arith.constant 0 : i32
      %dma_start3A_1027 = arith.constant 0 : i32
      %dma_start3A_1028 = tpu.memref_slice %arg12[%dma_start3A_1026, %dma_start3A_1027] : memref<100000x8xf32, #tpu.memory_space<vmem_shared>> -> memref<100000x8xf32, #tpu.memory_space<vmem_shared>>
      tpu.enqueue_indirect_dma source(%dma_start3A_1022 : memref<128x8xf32, #tpu.memory_space<vmem>>) target(%dma_start3A_1028 : memref<100000x8xf32, #tpu.memory_space<vmem_shared>>) offsets(%dma_start3A_1025 : memref<128xi32, #tpu.memory_space<vmem>>) semaphore(%arg15 : memref<!tpu.dma_semaphore, #tpu.memory_space<semaphore_mem>>) {add = true}
      %dma_start3A_1029 = arith.constant 1 : i32
      %dma_start3A_1030 = arith.constant 1 : i32
      %dma_start3A_1031 = arith.constant 12 : i32
      %dma_start3A_1032 = arith.constant 1536 : i32
      %dma_start3A_1033 = arith.constant 0 : i32
      %dma_start3A_1034 = tpu.memref_slice %arg11[%dma_start3A_1029, %dma_start3A_1032, %dma_start3A_1033] : memref<2x2048x8xf32, #tpu.memory_space<vmem>> -> memref<1x128x8xf32, #tpu.memory_space<vmem>>
      %dma_start3A_1035 = tpu.memref_squeeze %dma_start3A_1034 : memref<1x128x8xf32, #tpu.memory_space<vmem>> -> memref<128x8xf32, #tpu.memory_space<vmem>>
      %dma_start3A_1036 = arith.constant 0 : i32
      %dma_start3A_1037 = tpu.memref_slice %arg9[%dma_start3A_1030, %dma_start3A_1031, %dma_start3A_1036] : memref<2x16x128xi32, #tpu.memory_space<vmem>> -> memref<1x1x128xi32, #tpu.memory_space<vmem>>
      %dma_start3A_1038 = tpu.memref_squeeze %dma_start3A_1037 : memref<1x1x128xi32, #tpu.memory_space<vmem>> -> memref<128xi32, #tpu.memory_space<vmem>>
      %dma_start3A_1039 = arith.constant 0 : i32
      %dma_start3A_1040 = arith.constant 0 : i32
      %dma_start3A_1041 = tpu.memref_slice %arg12[%dma_start3A_1039, %dma_start3A_1040] : memref<100000x8xf32, #tpu.memory_space<vmem_shared>> -> memref<100000x8xf32, #tpu.memory_space<vmem_shared>>
      tpu.enqueue_indirect_dma source(%dma_start3A_1035 : memref<128x8xf32, #tpu.memory_space<vmem>>) target(%dma_start3A_1041 : memref<100000x8xf32, #tpu.memory_space<vmem_shared>>) offsets(%dma_start3A_1038 : memref<128xi32, #tpu.memory_space<vmem>>) semaphore(%arg15 : memref<!tpu.dma_semaphore, #tpu.memory_space<semaphore_mem>>) {add = true}
      %dma_start3A_1042 = arith.constant 1 : i32
      %dma_start3A_1043 = arith.constant 1 : i32
      %dma_start3A_1044 = arith.constant 13 : i32
      %dma_start3A_1045 = arith.constant 1664 : i32
      %dma_start3A_1046 = arith.constant 0 : i32
      %dma_start3A_1047 = tpu.memref_slice %arg11[%dma_start3A_1042, %dma_start3A_1045, %dma_start3A_1046] : memref<2x2048x8xf32, #tpu.memory_space<vmem>> -> memref<1x128x8xf32, #tpu.memory_space<vmem>>
      %dma_start3A_1048 = tpu.memref_squeeze %dma_start3A_1047 : memref<1x128x8xf32, #tpu.memory_space<vmem>> -> memref<128x8xf32, #tpu.memory_space<vmem>>
      %dma_start3A_1049 = arith.constant 0 : i32
      %dma_start3A_1050 = tpu.memref_slice %arg9[%dma_start3A_1043, %dma_start3A_1044, %dma_start3A_1049] : memref<2x16x128xi32, #tpu.memory_space<vmem>> -> memref<1x1x128xi32, #tpu.memory_space<vmem>>
      %dma_start3A_1051 = tpu.memref_squeeze %dma_start3A_1050 : memref<1x1x128xi32, #tpu.memory_space<vmem>> -> memref<128xi32, #tpu.memory_space<vmem>>
      %dma_start3A_1052 = arith.constant 0 : i32
      %dma_start3A_1053 = arith.constant 0 : i32
      %dma_start3A_1054 = tpu.memref_slice %arg12[%dma_start3A_1052, %dma_start3A_1053] : memref<100000x8xf32, #tpu.memory_space<vmem_shared>> -> memref<100000x8xf32, #tpu.memory_space<vmem_shared>>
      tpu.enqueue_indirect_dma source(%dma_start3A_1048 : memref<128x8xf32, #tpu.memory_space<vmem>>) target(%dma_start3A_1054 : memref<100000x8xf32, #tpu.memory_space<vmem_shared>>) offsets(%dma_start3A_1051 : memref<128xi32, #tpu.memory_space<vmem>>) semaphore(%arg15 : memref<!tpu.dma_semaphore, #tpu.memory_space<semaphore_mem>>) {add = true}
      %dma_start3A_1055 = arith.constant 1 : i32
      %dma_start3A_1056 = arith.constant 1 : i32
      %dma_start3A_1057 = arith.constant 14 : i32
      %dma_start3A_1058 = arith.constant 1792 : i32
      %dma_start3A_1059 = arith.constant 0 : i32
      %dma_start3A_1060 = tpu.memref_slice %arg11[%dma_start3A_1055, %dma_start3A_1058, %dma_start3A_1059] : memref<2x2048x8xf32, #tpu.memory_space<vmem>> -> memref<1x128x8xf32, #tpu.memory_space<vmem>>
      %dma_start3A_1061 = tpu.memref_squeeze %dma_start3A_1060 : memref<1x128x8xf32, #tpu.memory_space<vmem>> -> memref<128x8xf32, #tpu.memory_space<vmem>>
      %dma_start3A_1062 = arith.constant 0 : i32
      %dma_start3A_1063 = tpu.memref_slice %arg9[%dma_start3A_1056, %dma_start3A_1057, %dma_start3A_1062] : memref<2x16x128xi32, #tpu.memory_space<vmem>> -> memref<1x1x128xi32, #tpu.memory_space<vmem>>
      %dma_start3A_1064 = tpu.memref_squeeze %dma_start3A_1063 : memref<1x1x128xi32, #tpu.memory_space<vmem>> -> memref<128xi32, #tpu.memory_space<vmem>>
      %dma_start3A_1065 = arith.constant 0 : i32
      %dma_start3A_1066 = arith.constant 0 : i32
      %dma_start3A_1067 = tpu.memref_slice %arg12[%dma_start3A_1065, %dma_start3A_1066] : memref<100000x8xf32, #tpu.memory_space<vmem_shared>> -> memref<100000x8xf32, #tpu.memory_space<vmem_shared>>
      tpu.enqueue_indirect_dma source(%dma_start3A_1061 : memref<128x8xf32, #tpu.memory_space<vmem>>) target(%dma_start3A_1067 : memref<100000x8xf32, #tpu.memory_space<vmem_shared>>) offsets(%dma_start3A_1064 : memref<128xi32, #tpu.memory_space<vmem>>) semaphore(%arg15 : memref<!tpu.dma_semaphore, #tpu.memory_space<semaphore_mem>>) {add = true}
      %dma_start3A_1068 = arith.constant 1 : i32
      %dma_start3A_1069 = arith.constant 1 : i32
      %dma_start3A_1070 = arith.constant 15 : i32
      %dma_start3A_1071 = arith.constant 1920 : i32
      %dma_start3A_1072 = arith.constant 0 : i32
      %dma_start3A_1073 = tpu.memref_slice %arg11[%dma_start3A_1068, %dma_start3A_1071, %dma_start3A_1072] : memref<2x2048x8xf32, #tpu.memory_space<vmem>> -> memref<1x128x8xf32, #tpu.memory_space<vmem>>
      %dma_start3A_1074 = tpu.memref_squeeze %dma_start3A_1073 : memref<1x128x8xf32, #tpu.memory_space<vmem>> -> memref<128x8xf32, #tpu.memory_space<vmem>>
      %dma_start3A_1075 = arith.constant 0 : i32
      %dma_start3A_1076 = tpu.memref_slice %arg9[%dma_start3A_1069, %dma_start3A_1070, %dma_start3A_1075] : memref<2x16x128xi32, #tpu.memory_space<vmem>> -> memref<1x1x128xi32, #tpu.memory_space<vmem>>
      %dma_start3A_1077 = tpu.memref_squeeze %dma_start3A_1076 : memref<1x1x128xi32, #tpu.memory_space<vmem>> -> memref<128xi32, #tpu.memory_space<vmem>>
      %dma_start3A_1078 = arith.constant 0 : i32
      %dma_start3A_1079 = arith.constant 0 : i32
      %dma_start3A_1080 = tpu.memref_slice %arg12[%dma_start3A_1078, %dma_start3A_1079] : memref<100000x8xf32, #tpu.memory_space<vmem_shared>> -> memref<100000x8xf32, #tpu.memory_space<vmem_shared>>
      tpu.enqueue_indirect_dma source(%dma_start3A_1074 : memref<128x8xf32, #tpu.memory_space<vmem>>) target(%dma_start3A_1080 : memref<100000x8xf32, #tpu.memory_space<vmem_shared>>) offsets(%dma_start3A_1077 : memref<128xi32, #tpu.memory_space<vmem>>) semaphore(%arg15 : memref<!tpu.dma_semaphore, #tpu.memory_space<semaphore_mem>>) {add = true}
      %dma_wait3A_1081 = arith.constant 1 : i32
      %dma_wait3A_1082 = arith.constant 0 : i32
      %dma_wait3A_1083 = arith.constant 0 : i32
      %dma_wait3A_1084 = tpu.memref_slice %arg11[%dma_wait3A_1081, %dma_wait3A_1082, %dma_wait3A_1083] : memref<2x2048x8xf32, #tpu.memory_space<vmem>> -> memref<1x2048x8xf32, #tpu.memory_space<vmem>>
      %dma_wait3A_1085 = tpu.memref_squeeze %dma_wait3A_1084 : memref<1x2048x8xf32, #tpu.memory_space<vmem>> -> memref<2048x8xf32, #tpu.memory_space<vmem>>
      %dma_wait3A_1086 = arith.constant 0 : i32
      %dma_wait3A_1087 = arith.constant 0 : i32
      %dma_wait3A_1088 = tpu.memref_slice %arg5[%dma_wait3A_1086, %dma_wait3A_1087] : memref<100000x8xf32, #tpu.memory_space<hbm>> -> memref<2048x8xf32, #tpu.memory_space<hbm>>
      %dma_wait3A_1089 = arith.constant 0 : i32
      %dma_wait3A_1090 = arith.constant 0 : i32
      %dma_wait3A_1091 = tpu.memref_slice %arg11[%dma_wait3A_1081, %dma_wait3A_1089, %dma_wait3A_1090] : memref<2x2048x8xf32, #tpu.memory_space<vmem>> -> memref<1x2048x8xf32, #tpu.memory_space<vmem>>
      %dma_wait3A_1092 = tpu.memref_squeeze %dma_wait3A_1091 : memref<1x2048x8xf32, #tpu.memory_space<vmem>> -> memref<2048x8xf32, #tpu.memory_space<vmem>>
      %dma_wait3A_1093 = arith.constant 0 : i32
      %dma_wait3A_1094 = arith.constant 0 : i32
      %dma_wait3A_1095 = tpu.memref_slice %arg5[%dma_wait3A_1093, %dma_wait3A_1094] : memref<100000x8xf32, #tpu.memory_space<hbm>> -> memref<2048x8xf32, #tpu.memory_space<hbm>>
      tpu.wait_dma2 semaphore(%arg15 : memref<!tpu.dma_semaphore, #tpu.memory_space<semaphore_mem>>) src(%dma_wait3A_1095 : memref<2048x8xf32, #tpu.memory_space<hbm>>) dst(%dma_wait3A_1092 : memref<2048x8xf32, #tpu.memory_space<vmem>>)
    }
    %scan3A_68 = arith.constant 49 : i32
    %barrier3A_69 = arith.constant 0 : index
    tpu.barrier barrier_id(%barrier3A_69)
    %lt3A_70 = arith.constant 15 : i32
    %lt3A_71 = arith.cmpi slt, %arg1, %lt3A_70 : i32
    %convert_element_type3A_72 = arith.extui %lt3A_71 : i1 to i32
    %cond3A_73 = arith.constant 0 : i32
    %cond3A_74 = arith.cmpi ne, %convert_element_type3A_72, %cond3A_73 : i32
    scf.if %cond3A_74 {
      %mul3A_80 = arith.constant 6256 : i32
      %mul3A_81 = arith.muli %arg1, %mul3A_80 : i32
      %mul3A_82 = arith.constant 6256 : i32
      %mul3A_83 = arith.muli %arg1, %mul3A_82 : i32
      "tpu.region"() ({
        %run_scoped3A = tpu.sem_alloc : memref<!tpu.dma_semaphore, #tpu.memory_space<semaphore_mem>>
        %dma_start3A_84 = arith.constant 0 : i32
        %dma_start3A_85 = tpu.memref_slice %arg7[%arg0, %mul3A_83, %dma_start3A_84] : memref<2x100000x8xf32, #tpu.memory_space<hbm>> -> memref<1x6256x8xf32, #tpu.memory_space<hbm>>
        %dma_start3A_86 = tpu.memref_squeeze %dma_start3A_85 : memref<1x6256x8xf32, #tpu.memory_space<hbm>> -> memref<6256x8xf32, #tpu.memory_space<hbm>>
        %dma_start3A_87 = arith.constant 0 : i32
        %dma_start3A_88 = tpu.memref_slice %arg12[%mul3A_81, %dma_start3A_87] : memref<100000x8xf32, #tpu.memory_space<vmem_shared>> -> memref<6256x8xf32, #tpu.memory_space<vmem_shared>>
        tpu.enqueue_dma source(%dma_start3A_88 : memref<6256x8xf32, #tpu.memory_space<vmem_shared>>) target(%dma_start3A_86 : memref<6256x8xf32, #tpu.memory_space<hbm>>) target_semaphore(%run_scoped3A : memref<!tpu.dma_semaphore, #tpu.memory_space<semaphore_mem>>)
        %dma_wait3A = arith.constant 0 : i32
        %dma_wait3A_89 = tpu.memref_slice %arg7[%arg0, %mul3A_83, %dma_wait3A] : memref<2x100000x8xf32, #tpu.memory_space<hbm>> -> memref<1x6256x8xf32, #tpu.memory_space<hbm>>
        %dma_wait3A_90 = tpu.memref_squeeze %dma_wait3A_89 : memref<1x6256x8xf32, #tpu.memory_space<hbm>> -> memref<6256x8xf32, #tpu.memory_space<hbm>>
        %dma_wait3A_91 = arith.constant 0 : i32
        %dma_wait3A_92 = tpu.memref_slice %arg12[%mul3A_81, %dma_wait3A_91] : memref<100000x8xf32, #tpu.memory_space<vmem_shared>> -> memref<6256x8xf32, #tpu.memory_space<vmem_shared>>
        tpu.wait_dma2 semaphore(%run_scoped3A : memref<!tpu.dma_semaphore, #tpu.memory_space<semaphore_mem>>) src(%dma_wait3A_92 : memref<6256x8xf32, #tpu.memory_space<vmem_shared>>) dst(%dma_wait3A_90 : memref<6256x8xf32, #tpu.memory_space<hbm>>)
        tpu.yield
      }) : () -> ()
    } else {
    }
    %eq3A_75 = arith.constant 15 : i32
    %eq3A_76 = arith.cmpi eq, %arg1, %eq3A_75 : i32
    %convert_element_type3A_77 = arith.extui %eq3A_76 : i1 to i32
    %cond3A_78 = arith.constant 0 : i32
    %cond3A_79 = arith.cmpi ne, %convert_element_type3A_77, %cond3A_78 : i32
    scf.if %cond3A_79 {
      "tpu.region"() ({
        %run_scoped3A = tpu.sem_alloc : memref<!tpu.dma_semaphore, #tpu.memory_space<semaphore_mem>>
        %dma_start3A_80 = arith.constant 93840 : i32
        %dma_start3A_81 = arith.constant 0 : i32
        %dma_start3A_82 = tpu.memref_slice %arg7[%arg0, %dma_start3A_80, %dma_start3A_81] : memref<2x100000x8xf32, #tpu.memory_space<hbm>> -> memref<1x6160x8xf32, #tpu.memory_space<hbm>>
        %dma_start3A_83 = tpu.memref_squeeze %dma_start3A_82 : memref<1x6160x8xf32, #tpu.memory_space<hbm>> -> memref<6160x8xf32, #tpu.memory_space<hbm>>
        %dma_start3A_84 = arith.constant 93840 : i32
        %dma_start3A_85 = arith.constant 0 : i32
        %dma_start3A_86 = tpu.memref_slice %arg12[%dma_start3A_84, %dma_start3A_85] : memref<100000x8xf32, #tpu.memory_space<vmem_shared>> -> memref<6160x8xf32, #tpu.memory_space<vmem_shared>>
        tpu.enqueue_dma source(%dma_start3A_86 : memref<6160x8xf32, #tpu.memory_space<vmem_shared>>) target(%dma_start3A_83 : memref<6160x8xf32, #tpu.memory_space<hbm>>) target_semaphore(%run_scoped3A : memref<!tpu.dma_semaphore, #tpu.memory_space<semaphore_mem>>)
        %dma_wait3A = arith.constant 93840 : i32
        %dma_wait3A_87 = arith.constant 0 : i32
        %dma_wait3A_88 = tpu.memref_slice %arg7[%arg0, %dma_wait3A, %dma_wait3A_87] : memref<2x100000x8xf32, #tpu.memory_space<hbm>> -> memref<1x6160x8xf32, #tpu.memory_space<hbm>>
        %dma_wait3A_89 = tpu.memref_squeeze %dma_wait3A_88 : memref<1x6160x8xf32, #tpu.memory_space<hbm>> -> memref<6160x8xf32, #tpu.memory_space<hbm>>
        %dma_wait3A_90 = arith.constant 93840 : i32
        %dma_wait3A_91 = arith.constant 0 : i32
        %dma_wait3A_92 = tpu.memref_slice %arg12[%dma_wait3A_90, %dma_wait3A_91] : memref<100000x8xf32, #tpu.memory_space<vmem_shared>> -> memref<6160x8xf32, #tpu.memory_space<vmem_shared>>
        tpu.wait_dma2 semaphore(%run_scoped3A : memref<!tpu.dma_semaphore, #tpu.memory_space<semaphore_mem>>) src(%dma_wait3A_92 : memref<6160x8xf32, #tpu.memory_space<vmem_shared>>) dst(%dma_wait3A_89 : memref<6160x8xf32, #tpu.memory_space<hbm>>)
        tpu.yield
      }) : () -> ()
    } else {
    }
    return
  }
}

#map = affine_map<(d0, d1) -> (0, 0)>
#map1 = affine_map<(d0, d1) -> (0)>
module attributes {stable_mosaic.version = 14 : i64} {
  func.func @body(%arg0: i32, %arg1: i32, %arg2: memref<50176x128xi32, #tpu.memory_space<hbm>>, %arg3: memref<50176x128xi32, #tpu.memory_space<hbm>>, %arg4: memref<50176x128xf32, #tpu.memory_space<hbm>>, %arg5: memref<100000xf32, #tpu.memory_space<hbm>>, %arg6: memref<32x100000xf32, #tpu.memory_space<hbm>>, %arg7: memref<100000xf32, #tpu.memory_space<vmem>>, %arg8: memref<2x16x128xi32, #tpu.memory_space<vmem>>, %arg9: memref<2x16x128xi32, #tpu.memory_space<vmem>>, %arg10: memref<2x16x128xf32, #tpu.memory_space<vmem>>, %arg11: memref<2x2048xf32, #tpu.memory_space<vmem>>, %arg12: memref<100000xf32, #tpu.memory_space<vmem_shared>>, %arg13: memref<!tpu.dma_semaphore, #tpu.memory_space<semaphore_mem>>, %arg14: memref<!tpu.dma_semaphore, #tpu.memory_space<semaphore_mem>>) attributes {dimension_semantics = [#tpu.dimension_semantics<core_parallel>, #tpu.dimension_semantics<subcore_parallel>], iteration_bounds = array<i64: 2, 16>, scalar_prefetch = 0 : i64, scratch_operands = 8 : i64, tpu.core_type = #tpu.core_type<sc_vector_subcore>, window_params = [{transform_indices = #map}, {transform_indices = #map}, {transform_indices = #map}, {transform_indices = #map1}, {transform_indices = #map}]} {
    %mul3A = arith.constant 2 : i32
    %mul3A_0 = arith.muli %arg1, %mul3A : i32
    %add3A = arith.addi %mul3A_0, %arg0 : i32
    %lt3A = arith.constant 15 : i32
    %lt3A_1 = arith.cmpi slt, %arg1, %lt3A : i32
    %convert_element_type3A = arith.extui %lt3A_1 : i1 to i32
    %cond3A = arith.constant 0 : i32
    %cond3A_2 = arith.cmpi ne, %convert_element_type3A, %cond3A : i32
    scf.if %cond3A_2 {
      %mul3A_61 = arith.constant 6256 : i32
      %mul3A_62 = arith.muli %arg1, %mul3A_61 : i32
      %mul3A_63 = arith.constant 6256 : i32
      %mul3A_64 = arith.muli %arg1, %mul3A_63 : i32
      "tpu.region"() ({
        %run_scoped3A = tpu.sem_alloc : memref<!tpu.dma_semaphore, #tpu.memory_space<semaphore_mem>>
        %dma_start3A_65 = tpu.memref_slice %arg12[%mul3A_64] : memref<100000xf32, #tpu.memory_space<vmem_shared>> -> memref<6256xf32, #tpu.memory_space<vmem_shared>>
        %dma_start3A_66 = tpu.memref_slice %arg5[%mul3A_62] : memref<100000xf32, #tpu.memory_space<hbm>> -> memref<6256xf32, #tpu.memory_space<hbm>>
        tpu.enqueue_dma source(%dma_start3A_66 : memref<6256xf32, #tpu.memory_space<hbm>>) target(%dma_start3A_65 : memref<6256xf32, #tpu.memory_space<vmem_shared>>) target_semaphore(%run_scoped3A : memref<!tpu.dma_semaphore, #tpu.memory_space<semaphore_mem>>)
        %dma_wait3A = tpu.memref_slice %arg12[%mul3A_64] : memref<100000xf32, #tpu.memory_space<vmem_shared>> -> memref<6256xf32, #tpu.memory_space<vmem_shared>>
        %dma_wait3A_67 = tpu.memref_slice %arg5[%mul3A_62] : memref<100000xf32, #tpu.memory_space<hbm>> -> memref<6256xf32, #tpu.memory_space<hbm>>
        tpu.wait_dma2 semaphore(%run_scoped3A : memref<!tpu.dma_semaphore, #tpu.memory_space<semaphore_mem>>) src(%dma_wait3A_67 : memref<6256xf32, #tpu.memory_space<hbm>>) dst(%dma_wait3A : memref<6256xf32, #tpu.memory_space<vmem_shared>>)
        tpu.yield
      }) : () -> ()
    } else {
    }
    %eq3A = arith.constant 15 : i32
    %eq3A_3 = arith.cmpi eq, %arg1, %eq3A : i32
    %convert_element_type3A_4 = arith.extui %eq3A_3 : i1 to i32
    %cond3A_5 = arith.constant 0 : i32
    %cond3A_6 = arith.cmpi ne, %convert_element_type3A_4, %cond3A_5 : i32
    scf.if %cond3A_6 {
      "tpu.region"() ({
        %run_scoped3A = tpu.sem_alloc : memref<!tpu.dma_semaphore, #tpu.memory_space<semaphore_mem>>
        %dma_start3A_61 = arith.constant 93840 : i32
        %dma_start3A_62 = tpu.memref_slice %arg12[%dma_start3A_61] : memref<100000xf32, #tpu.memory_space<vmem_shared>> -> memref<6160xf32, #tpu.memory_space<vmem_shared>>
        %dma_start3A_63 = arith.constant 93840 : i32
        %dma_start3A_64 = tpu.memref_slice %arg5[%dma_start3A_63] : memref<100000xf32, #tpu.memory_space<hbm>> -> memref<6160xf32, #tpu.memory_space<hbm>>
        tpu.enqueue_dma source(%dma_start3A_64 : memref<6160xf32, #tpu.memory_space<hbm>>) target(%dma_start3A_62 : memref<6160xf32, #tpu.memory_space<vmem_shared>>) target_semaphore(%run_scoped3A : memref<!tpu.dma_semaphore, #tpu.memory_space<semaphore_mem>>)
        %dma_wait3A = arith.constant 93840 : i32
        %dma_wait3A_65 = tpu.memref_slice %arg12[%dma_wait3A] : memref<100000xf32, #tpu.memory_space<vmem_shared>> -> memref<6160xf32, #tpu.memory_space<vmem_shared>>
        %dma_wait3A_66 = arith.constant 93840 : i32
        %dma_wait3A_67 = tpu.memref_slice %arg5[%dma_wait3A_66] : memref<100000xf32, #tpu.memory_space<hbm>> -> memref<6160xf32, #tpu.memory_space<hbm>>
        tpu.wait_dma2 semaphore(%run_scoped3A : memref<!tpu.dma_semaphore, #tpu.memory_space<semaphore_mem>>) src(%dma_wait3A_67 : memref<6160xf32, #tpu.memory_space<hbm>>) dst(%dma_wait3A_65 : memref<6160xf32, #tpu.memory_space<vmem_shared>>)
        tpu.yield
      }) : () -> ()
    } else {
    }
    %broadcast_in_dim3A = arith.constant 0.000000e+00 : f32
    %broadcast_in_dim3A_7 = vector.broadcast %broadcast_in_dim3A : f32 to vector<16xf32>
    %scan3A = arith.constant 0 : i32
    %scan3A_8 = arith.constant 0 : i32
    %scan3A_9 = arith.constant 6250 : i32
    %scan3A_10 = arith.addi %scan3A_8, %scan3A_9 : i32
    %scan3A_11 = arith.constant 1 : i32
    scf.for %scan3A_61 = %scan3A_8 to %scan3A_10 step %scan3A_11  : i32 {
      %mul3A_62 = arith.constant 16 : i32
      %mul3A_63 = arith.muli %scan3A_61, %mul3A_62 : i32
      %swap3A = arith.index_cast %mul3A_63 : i32 to index
      %swap3A_64 = tpu.vector_load %arg7[%swap3A] {strides = array<i32>} : memref<100000xf32, #tpu.memory_space<vmem>>, vector<16xf32>,
      tpu.vector_store %arg7[%swap3A], %broadcast_in_dim3A_7 {strides = array<i32>} : memref<100000xf32, #tpu.memory_space<vmem>>, vector<16xf32>,
    }
    %scan3A_12 = arith.constant 6250 : i32
    %barrier3A = arith.constant 0 : index
    tpu.barrier barrier_id(%barrier3A)
    %mul3A_13 = arith.constant 1568 : i32
    %mul3A_14 = arith.muli %add3A, %mul3A_13 : i32
    %add3A_15 = arith.constant 0 : i32
    %add3A_16 = arith.addi %mul3A_14, %add3A_15 : i32
    %dma_start3A = arith.constant 0 : i32
    %dma_start3A_17 = arith.constant 0 : i32
    %dma_start3A_18 = arith.constant 0 : i32
    %dma_start3A_19 = tpu.memref_slice %arg8[%dma_start3A, %dma_start3A_17, %dma_start3A_18] : memref<2x16x128xi32, #tpu.memory_space<vmem>> -> memref<1x16x128xi32, #tpu.memory_space<vmem>>
    %dma_start3A_20 = tpu.memref_squeeze %dma_start3A_19 : memref<1x16x128xi32, #tpu.memory_space<vmem>> -> memref<16x128xi32, #tpu.memory_space<vmem>>
    %dma_start3A_21 = arith.constant 0 : i32
    %dma_start3A_22 = tpu.memref_slice %arg2[%add3A_16, %dma_start3A_21] : memref<50176x128xi32, #tpu.memory_space<hbm>> -> memref<16x128xi32, #tpu.memory_space<hbm>>
    %dma_start3A_23 = arith.constant 0 : i32
    %dma_start3A_24 = arith.constant 0 : i32
    %dma_start3A_25 = tpu.memref_slice %arg8[%dma_start3A, %dma_start3A_23, %dma_start3A_24] : memref<2x16x128xi32, #tpu.memory_space<vmem>> -> memref<1x16x128xi32, #tpu.memory_space<vmem>>
    %dma_start3A_26 = tpu.memref_squeeze %dma_start3A_25 : memref<1x16x128xi32, #tpu.memory_space<vmem>> -> memref<16x128xi32, #tpu.memory_space<vmem>>
    %dma_start3A_27 = arith.constant 0 : i32
    %dma_start3A_28 = tpu.memref_slice %arg2[%add3A_16, %dma_start3A_27] : memref<50176x128xi32, #tpu.memory_space<hbm>> -> memref<16x128xi32, #tpu.memory_space<hbm>>
    tpu.enqueue_dma source(%dma_start3A_28 : memref<16x128xi32, #tpu.memory_space<hbm>>) target(%dma_start3A_26 : memref<16x128xi32, #tpu.memory_space<vmem>>) target_semaphore(%arg13 : memref<!tpu.dma_semaphore, #tpu.memory_space<semaphore_mem>>)
    %dma_start3A_29 = arith.constant 0 : i32
    %dma_start3A_30 = arith.constant 0 : i32
    %dma_start3A_31 = arith.constant 0 : i32
    %dma_start3A_32 = tpu.memref_slice %arg9[%dma_start3A_29, %dma_start3A_30, %dma_start3A_31] : memref<2x16x128xi32, #tpu.memory_space<vmem>> -> memref<1x16x128xi32, #tpu.memory_space<vmem>>
    %dma_start3A_33 = tpu.memref_squeeze %dma_start3A_32 : memref<1x16x128xi32, #tpu.memory_space<vmem>> -> memref<16x128xi32, #tpu.memory_space<vmem>>
    %dma_start3A_34 = arith.constant 0 : i32
    %dma_start3A_35 = tpu.memref_slice %arg3[%add3A_16, %dma_start3A_34] : memref<50176x128xi32, #tpu.memory_space<hbm>> -> memref<16x128xi32, #tpu.memory_space<hbm>>
    %dma_start3A_36 = arith.constant 0 : i32
    %dma_start3A_37 = arith.constant 0 : i32
    %dma_start3A_38 = tpu.memref_slice %arg9[%dma_start3A_29, %dma_start3A_36, %dma_start3A_37] : memref<2x16x128xi32, #tpu.memory_space<vmem>> -> memref<1x16x128xi32, #tpu.memory_space<vmem>>
    %dma_start3A_39 = tpu.memref_squeeze %dma_start3A_38 : memref<1x16x128xi32, #tpu.memory_space<vmem>> -> memref<16x128xi32, #tpu.memory_space<vmem>>
    %dma_start3A_40 = arith.constant 0 : i32
    %dma_start3A_41 = tpu.memref_slice %arg3[%add3A_16, %dma_start3A_40] : memref<50176x128xi32, #tpu.memory_space<hbm>> -> memref<16x128xi32, #tpu.memory_space<hbm>>
    tpu.enqueue_dma source(%dma_start3A_41 : memref<16x128xi32, #tpu.memory_space<hbm>>) target(%dma_start3A_39 : memref<16x128xi32, #tpu.memory_space<vmem>>) target_semaphore(%arg13 : memref<!tpu.dma_semaphore, #tpu.memory_space<semaphore_mem>>)
    %dma_start3A_42 = arith.constant 0 : i32
    %dma_start3A_43 = arith.constant 0 : i32
    %dma_start3A_44 = arith.constant 0 : i32
    %dma_start3A_45 = tpu.memref_slice %arg10[%dma_start3A_42, %dma_start3A_43, %dma_start3A_44] : memref<2x16x128xf32, #tpu.memory_space<vmem>> -> memref<1x16x128xf32, #tpu.memory_space<vmem>>
    %dma_start3A_46 = tpu.memref_squeeze %dma_start3A_45 : memref<1x16x128xf32, #tpu.memory_space<vmem>> -> memref<16x128xf32, #tpu.memory_space<vmem>>
    %dma_start3A_47 = arith.constant 0 : i32
    %dma_start3A_48 = tpu.memref_slice %arg4[%add3A_16, %dma_start3A_47] : memref<50176x128xf32, #tpu.memory_space<hbm>> -> memref<16x128xf32, #tpu.memory_space<hbm>>
    %dma_start3A_49 = arith.constant 0 : i32
    %dma_start3A_50 = arith.constant 0 : i32
    %dma_start3A_51 = tpu.memref_slice %arg10[%dma_start3A_42, %dma_start3A_49, %dma_start3A_50] : memref<2x16x128xf32, #tpu.memory_space<vmem>> -> memref<1x16x128xf32, #tpu.memory_space<vmem>>
    %dma_start3A_52 = tpu.memref_squeeze %dma_start3A_51 : memref<1x16x128xf32, #tpu.memory_space<vmem>> -> memref<16x128xf32, #tpu.memory_space<vmem>>
    %dma_start3A_53 = arith.constant 0 : i32
    %dma_start3A_54 = tpu.memref_slice %arg4[%add3A_16, %dma_start3A_53] : memref<50176x128xf32, #tpu.memory_space<hbm>> -> memref<16x128xf32, #tpu.memory_space<hbm>>
    tpu.enqueue_dma source(%dma_start3A_54 : memref<16x128xf32, #tpu.memory_space<hbm>>) target(%dma_start3A_52 : memref<16x128xf32, #tpu.memory_space<vmem>>) target_semaphore(%arg13 : memref<!tpu.dma_semaphore, #tpu.memory_space<semaphore_mem>>)
    %scan3A_55 = arith.constant 0 : i32
    %scan3A_56 = arith.constant 0 : i32
    %scan3A_57 = arith.constant 49 : i32
    %scan3A_58 = arith.addi %scan3A_56, %scan3A_57 : i32
    %scan3A_59 = arith.constant 1 : i32
    scf.for %scan3A_61 = %scan3A_56 to %scan3A_58 step %scan3A_59  : i32 {
      %mul3A_62 = arith.constant 2 : i32
      %mul3A_63 = arith.muli %scan3A_61, %mul3A_62 : i32
      %add3A_64 = arith.constant 0 : i32
      %add3A_65 = arith.addi %mul3A_63, %add3A_64 : i32
      %dma_wait3A = arith.constant 0 : i32
      %dma_wait3A_66 = arith.constant 0 : i32
      %dma_wait3A_67 = arith.constant 0 : i32
      %dma_wait3A_68 = tpu.memref_slice %arg8[%dma_wait3A, %dma_wait3A_66, %dma_wait3A_67] : memref<2x16x128xi32, #tpu.memory_space<vmem>> -> memref<1x16x128xi32, #tpu.memory_space<vmem>>
      %dma_wait3A_69 = tpu.memref_squeeze %dma_wait3A_68 : memref<1x16x128xi32, #tpu.memory_space<vmem>> -> memref<16x128xi32, #tpu.memory_space<vmem>>
      %dma_wait3A_70 = arith.constant 0 : i32
      %dma_wait3A_71 = arith.constant 0 : i32
      %dma_wait3A_72 = tpu.memref_slice %arg2[%dma_wait3A_70, %dma_wait3A_71] : memref<50176x128xi32, #tpu.memory_space<hbm>> -> memref<16x128xi32, #tpu.memory_space<hbm>>
      %dma_wait3A_73 = arith.constant 0 : i32
      %dma_wait3A_74 = arith.constant 0 : i32
      %dma_wait3A_75 = tpu.memref_slice %arg8[%dma_wait3A, %dma_wait3A_73, %dma_wait3A_74] : memref<2x16x128xi32, #tpu.memory_space<vmem>> -> memref<1x16x128xi32, #tpu.memory_space<vmem>>
      %dma_wait3A_76 = tpu.memref_squeeze %dma_wait3A_75 : memref<1x16x128xi32, #tpu.memory_space<vmem>> -> memref<16x128xi32, #tpu.memory_space<vmem>>
      %dma_wait3A_77 = arith.constant 0 : i32
      %dma_wait3A_78 = arith.constant 0 : i32
      %dma_wait3A_79 = tpu.memref_slice %arg2[%dma_wait3A_77, %dma_wait3A_78] : memref<50176x128xi32, #tpu.memory_space<hbm>> -> memref<16x128xi32, #tpu.memory_space<hbm>>
      tpu.wait_dma2 semaphore(%arg13 : memref<!tpu.dma_semaphore, #tpu.memory_space<semaphore_mem>>) src(%dma_wait3A_79 : memref<16x128xi32, #tpu.memory_space<hbm>>) dst(%dma_wait3A_76 : memref<16x128xi32, #tpu.memory_space<vmem>>)
      %dma_wait3A_80 = arith.constant 0 : i32
      %dma_wait3A_81 = arith.constant 0 : i32
      %dma_wait3A_82 = arith.constant 0 : i32
      %dma_wait3A_83 = tpu.memref_slice %arg9[%dma_wait3A_80, %dma_wait3A_81, %dma_wait3A_82] : memref<2x16x128xi32, #tpu.memory_space<vmem>> -> memref<1x16x128xi32, #tpu.memory_space<vmem>>
      %dma_wait3A_84 = tpu.memref_squeeze %dma_wait3A_83 : memref<1x16x128xi32, #tpu.memory_space<vmem>> -> memref<16x128xi32, #tpu.memory_space<vmem>>
      %dma_wait3A_85 = arith.constant 0 : i32
      %dma_wait3A_86 = arith.constant 0 : i32
      %dma_wait3A_87 = tpu.memref_slice %arg3[%dma_wait3A_85, %dma_wait3A_86] : memref<50176x128xi32, #tpu.memory_space<hbm>> -> memref<16x128xi32, #tpu.memory_space<hbm>>
      %dma_wait3A_88 = arith.constant 0 : i32
      %dma_wait3A_89 = arith.constant 0 : i32
      %dma_wait3A_90 = tpu.memref_slice %arg9[%dma_wait3A_80, %dma_wait3A_88, %dma_wait3A_89] : memref<2x16x128xi32, #tpu.memory_space<vmem>> -> memref<1x16x128xi32, #tpu.memory_space<vmem>>
      %dma_wait3A_91 = tpu.memref_squeeze %dma_wait3A_90 : memref<1x16x128xi32, #tpu.memory_space<vmem>> -> memref<16x128xi32, #tpu.memory_space<vmem>>
      %dma_wait3A_92 = arith.constant 0 : i32
      %dma_wait3A_93 = arith.constant 0 : i32
      %dma_wait3A_94 = tpu.memref_slice %arg3[%dma_wait3A_92, %dma_wait3A_93] : memref<50176x128xi32, #tpu.memory_space<hbm>> -> memref<16x128xi32, #tpu.memory_space<hbm>>
      tpu.wait_dma2 semaphore(%arg13 : memref<!tpu.dma_semaphore, #tpu.memory_space<semaphore_mem>>) src(%dma_wait3A_94 : memref<16x128xi32, #tpu.memory_space<hbm>>) dst(%dma_wait3A_91 : memref<16x128xi32, #tpu.memory_space<vmem>>)
      %dma_wait3A_95 = arith.constant 0 : i32
      %dma_wait3A_96 = arith.constant 0 : i32
      %dma_wait3A_97 = arith.constant 0 : i32
      %dma_wait3A_98 = tpu.memref_slice %arg10[%dma_wait3A_95, %dma_wait3A_96, %dma_wait3A_97] : memref<2x16x128xf32, #tpu.memory_space<vmem>> -> memref<1x16x128xf32, #tpu.memory_space<vmem>>
      %dma_wait3A_99 = tpu.memref_squeeze %dma_wait3A_98 : memref<1x16x128xf32, #tpu.memory_space<vmem>> -> memref<16x128xf32, #tpu.memory_space<vmem>>
      %dma_wait3A_100 = arith.constant 0 : i32
      %dma_wait3A_101 = arith.constant 0 : i32
      %dma_wait3A_102 = tpu.memref_slice %arg4[%dma_wait3A_100, %dma_wait3A_101] : memref<50176x128xf32, #tpu.memory_space<hbm>> -> memref<16x128xf32, #tpu.memory_space<hbm>>
      %dma_wait3A_103 = arith.constant 0 : i32
      %dma_wait3A_104 = arith.constant 0 : i32
      %dma_wait3A_105 = tpu.memref_slice %arg10[%dma_wait3A_95, %dma_wait3A_103, %dma_wait3A_104] : memref<2x16x128xf32, #tpu.memory_space<vmem>> -> memref<1x16x128xf32, #tpu.memory_space<vmem>>
      %dma_wait3A_106 = tpu.memref_squeeze %dma_wait3A_105 : memref<1x16x128xf32, #tpu.memory_space<vmem>> -> memref<16x128xf32, #tpu.memory_space<vmem>>
      %dma_wait3A_107 = arith.constant 0 : i32
      %dma_wait3A_108 = arith.constant 0 : i32
      %dma_wait3A_109 = tpu.memref_slice %arg4[%dma_wait3A_107, %dma_wait3A_108] : memref<50176x128xf32, #tpu.memory_space<hbm>> -> memref<16x128xf32, #tpu.memory_space<hbm>>
      tpu.wait_dma2 semaphore(%arg13 : memref<!tpu.dma_semaphore, #tpu.memory_space<semaphore_mem>>) src(%dma_wait3A_109 : memref<16x128xf32, #tpu.memory_space<hbm>>) dst(%dma_wait3A_106 : memref<16x128xf32, #tpu.memory_space<vmem>>)
      %dma_start3A_110 = arith.constant 0 : i32
      %dma_start3A_111 = arith.constant 0 : i32
      %dma_start3A_112 = arith.constant 0 : i32
      %dma_start3A_113 = arith.constant 0 : i32
      %dma_start3A_114 = tpu.memref_slice %arg11[%dma_start3A_112, %dma_start3A_113] : memref<2x2048xf32, #tpu.memory_space<vmem>> -> memref<1x128xf32, #tpu.memory_space<vmem>>
      %dma_start3A_115 = tpu.memref_squeeze %dma_start3A_114 : memref<1x128xf32, #tpu.memory_space<vmem>> -> memref<128xf32, #tpu.memory_space<vmem>>
      %dma_start3A_116 = arith.constant 0 : i32
      %dma_start3A_117 = tpu.memref_slice %arg8[%dma_start3A_110, %dma_start3A_111, %dma_start3A_116] : memref<2x16x128xi32, #tpu.memory_space<vmem>> -> memref<1x1x128xi32, #tpu.memory_space<vmem>>
      %dma_start3A_118 = tpu.memref_squeeze %dma_start3A_117 : memref<1x1x128xi32, #tpu.memory_space<vmem>> -> memref<128xi32, #tpu.memory_space<vmem>>
      %dma_start3A_119 = arith.constant 0 : i32
      %dma_start3A_120 = tpu.memref_slice %arg12[%dma_start3A_119] : memref<100000xf32, #tpu.memory_space<vmem_shared>> -> memref<100000xf32, #tpu.memory_space<vmem_shared>>
      tpu.enqueue_indirect_dma source(%dma_start3A_120 : memref<100000xf32, #tpu.memory_space<vmem_shared>>) target(%dma_start3A_115 : memref<128xf32, #tpu.memory_space<vmem>>) offsets(%dma_start3A_118 : memref<128xi32, #tpu.memory_space<vmem>>) semaphore(%arg14 : memref<!tpu.dma_semaphore, #tpu.memory_space<semaphore_mem>>)
      %dma_start3A_121 = arith.constant 0 : i32
      %dma_start3A_122 = arith.constant 1 : i32
      %dma_start3A_123 = arith.constant 0 : i32
      %dma_start3A_124 = arith.constant 128 : i32
      %dma_start3A_125 = tpu.memref_slice %arg11[%dma_start3A_123, %dma_start3A_124] : memref<2x2048xf32, #tpu.memory_space<vmem>> -> memref<1x128xf32, #tpu.memory_space<vmem>>
      %dma_start3A_126 = tpu.memref_squeeze %dma_start3A_125 : memref<1x128xf32, #tpu.memory_space<vmem>> -> memref<128xf32, #tpu.memory_space<vmem>>
      %dma_start3A_127 = arith.constant 0 : i32
      %dma_start3A_128 = tpu.memref_slice %arg8[%dma_start3A_121, %dma_start3A_122, %dma_start3A_127] : memref<2x16x128xi32, #tpu.memory_space<vmem>> -> memref<1x1x128xi32, #tpu.memory_space<vmem>>
      %dma_start3A_129 = tpu.memref_squeeze %dma_start3A_128 : memref<1x1x128xi32, #tpu.memory_space<vmem>> -> memref<128xi32, #tpu.memory_space<vmem>>
      %dma_start3A_130 = arith.constant 0 : i32
      %dma_start3A_131 = tpu.memref_slice %arg12[%dma_start3A_130] : memref<100000xf32, #tpu.memory_space<vmem_shared>> -> memref<100000xf32, #tpu.memory_space<vmem_shared>>
      tpu.enqueue_indirect_dma source(%dma_start3A_131 : memref<100000xf32, #tpu.memory_space<vmem_shared>>) target(%dma_start3A_126 : memref<128xf32, #tpu.memory_space<vmem>>) offsets(%dma_start3A_129 : memref<128xi32, #tpu.memory_space<vmem>>) semaphore(%arg14 : memref<!tpu.dma_semaphore, #tpu.memory_space<semaphore_mem>>)
      %dma_start3A_132 = arith.constant 0 : i32
      %dma_start3A_133 = arith.constant 2 : i32
      %dma_start3A_134 = arith.constant 0 : i32
      %dma_start3A_135 = arith.constant 256 : i32
      %dma_start3A_136 = tpu.memref_slice %arg11[%dma_start3A_134, %dma_start3A_135] : memref<2x2048xf32, #tpu.memory_space<vmem>> -> memref<1x128xf32, #tpu.memory_space<vmem>>
      %dma_start3A_137 = tpu.memref_squeeze %dma_start3A_136 : memref<1x128xf32, #tpu.memory_space<vmem>> -> memref<128xf32, #tpu.memory_space<vmem>>
      %dma_start3A_138 = arith.constant 0 : i32
      %dma_start3A_139 = tpu.memref_slice %arg8[%dma_start3A_132, %dma_start3A_133, %dma_start3A_138] : memref<2x16x128xi32, #tpu.memory_space<vmem>> -> memref<1x1x128xi32, #tpu.memory_space<vmem>>
      %dma_start3A_140 = tpu.memref_squeeze %dma_start3A_139 : memref<1x1x128xi32, #tpu.memory_space<vmem>> -> memref<128xi32, #tpu.memory_space<vmem>>
      %dma_start3A_141 = arith.constant 0 : i32
      %dma_start3A_142 = tpu.memref_slice %arg12[%dma_start3A_141] : memref<100000xf32, #tpu.memory_space<vmem_shared>> -> memref<100000xf32, #tpu.memory_space<vmem_shared>>
      tpu.enqueue_indirect_dma source(%dma_start3A_142 : memref<100000xf32, #tpu.memory_space<vmem_shared>>) target(%dma_start3A_137 : memref<128xf32, #tpu.memory_space<vmem>>) offsets(%dma_start3A_140 : memref<128xi32, #tpu.memory_space<vmem>>) semaphore(%arg14 : memref<!tpu.dma_semaphore, #tpu.memory_space<semaphore_mem>>)
      %dma_start3A_143 = arith.constant 0 : i32
      %dma_start3A_144 = arith.constant 3 : i32
      %dma_start3A_145 = arith.constant 0 : i32
      %dma_start3A_146 = arith.constant 384 : i32
      %dma_start3A_147 = tpu.memref_slice %arg11[%dma_start3A_145, %dma_start3A_146] : memref<2x2048xf32, #tpu.memory_space<vmem>> -> memref<1x128xf32, #tpu.memory_space<vmem>>
      %dma_start3A_148 = tpu.memref_squeeze %dma_start3A_147 : memref<1x128xf32, #tpu.memory_space<vmem>> -> memref<128xf32, #tpu.memory_space<vmem>>
      %dma_start3A_149 = arith.constant 0 : i32
      %dma_start3A_150 = tpu.memref_slice %arg8[%dma_start3A_143, %dma_start3A_144, %dma_start3A_149] : memref<2x16x128xi32, #tpu.memory_space<vmem>> -> memref<1x1x128xi32, #tpu.memory_space<vmem>>
      %dma_start3A_151 = tpu.memref_squeeze %dma_start3A_150 : memref<1x1x128xi32, #tpu.memory_space<vmem>> -> memref<128xi32, #tpu.memory_space<vmem>>
      %dma_start3A_152 = arith.constant 0 : i32
      %dma_start3A_153 = tpu.memref_slice %arg12[%dma_start3A_152] : memref<100000xf32, #tpu.memory_space<vmem_shared>> -> memref<100000xf32, #tpu.memory_space<vmem_shared>>
      tpu.enqueue_indirect_dma source(%dma_start3A_153 : memref<100000xf32, #tpu.memory_space<vmem_shared>>) target(%dma_start3A_148 : memref<128xf32, #tpu.memory_space<vmem>>) offsets(%dma_start3A_151 : memref<128xi32, #tpu.memory_space<vmem>>) semaphore(%arg14 : memref<!tpu.dma_semaphore, #tpu.memory_space<semaphore_mem>>)
      %dma_start3A_154 = arith.constant 0 : i32
      %dma_start3A_155 = arith.constant 4 : i32
      %dma_start3A_156 = arith.constant 0 : i32
      %dma_start3A_157 = arith.constant 512 : i32
      %dma_start3A_158 = tpu.memref_slice %arg11[%dma_start3A_156, %dma_start3A_157] : memref<2x2048xf32, #tpu.memory_space<vmem>> -> memref<1x128xf32, #tpu.memory_space<vmem>>
      %dma_start3A_159 = tpu.memref_squeeze %dma_start3A_158 : memref<1x128xf32, #tpu.memory_space<vmem>> -> memref<128xf32, #tpu.memory_space<vmem>>
      %dma_start3A_160 = arith.constant 0 : i32
      %dma_start3A_161 = tpu.memref_slice %arg8[%dma_start3A_154, %dma_start3A_155, %dma_start3A_160] : memref<2x16x128xi32, #tpu.memory_space<vmem>> -> memref<1x1x128xi32, #tpu.memory_space<vmem>>
      %dma_start3A_162 = tpu.memref_squeeze %dma_start3A_161 : memref<1x1x128xi32, #tpu.memory_space<vmem>> -> memref<128xi32, #tpu.memory_space<vmem>>
      %dma_start3A_163 = arith.constant 0 : i32
      %dma_start3A_164 = tpu.memref_slice %arg12[%dma_start3A_163] : memref<100000xf32, #tpu.memory_space<vmem_shared>> -> memref<100000xf32, #tpu.memory_space<vmem_shared>>
      tpu.enqueue_indirect_dma source(%dma_start3A_164 : memref<100000xf32, #tpu.memory_space<vmem_shared>>) target(%dma_start3A_159 : memref<128xf32, #tpu.memory_space<vmem>>) offsets(%dma_start3A_162 : memref<128xi32, #tpu.memory_space<vmem>>) semaphore(%arg14 : memref<!tpu.dma_semaphore, #tpu.memory_space<semaphore_mem>>)
      %dma_start3A_165 = arith.constant 0 : i32
      %dma_start3A_166 = arith.constant 5 : i32
      %dma_start3A_167 = arith.constant 0 : i32
      %dma_start3A_168 = arith.constant 640 : i32
      %dma_start3A_169 = tpu.memref_slice %arg11[%dma_start3A_167, %dma_start3A_168] : memref<2x2048xf32, #tpu.memory_space<vmem>> -> memref<1x128xf32, #tpu.memory_space<vmem>>
      %dma_start3A_170 = tpu.memref_squeeze %dma_start3A_169 : memref<1x128xf32, #tpu.memory_space<vmem>> -> memref<128xf32, #tpu.memory_space<vmem>>
      %dma_start3A_171 = arith.constant 0 : i32
      %dma_start3A_172 = tpu.memref_slice %arg8[%dma_start3A_165, %dma_start3A_166, %dma_start3A_171] : memref<2x16x128xi32, #tpu.memory_space<vmem>> -> memref<1x1x128xi32, #tpu.memory_space<vmem>>
      %dma_start3A_173 = tpu.memref_squeeze %dma_start3A_172 : memref<1x1x128xi32, #tpu.memory_space<vmem>> -> memref<128xi32, #tpu.memory_space<vmem>>
      %dma_start3A_174 = arith.constant 0 : i32
      %dma_start3A_175 = tpu.memref_slice %arg12[%dma_start3A_174] : memref<100000xf32, #tpu.memory_space<vmem_shared>> -> memref<100000xf32, #tpu.memory_space<vmem_shared>>
      tpu.enqueue_indirect_dma source(%dma_start3A_175 : memref<100000xf32, #tpu.memory_space<vmem_shared>>) target(%dma_start3A_170 : memref<128xf32, #tpu.memory_space<vmem>>) offsets(%dma_start3A_173 : memref<128xi32, #tpu.memory_space<vmem>>) semaphore(%arg14 : memref<!tpu.dma_semaphore, #tpu.memory_space<semaphore_mem>>)
      %dma_start3A_176 = arith.constant 0 : i32
      %dma_start3A_177 = arith.constant 6 : i32
      %dma_start3A_178 = arith.constant 0 : i32
      %dma_start3A_179 = arith.constant 768 : i32
      %dma_start3A_180 = tpu.memref_slice %arg11[%dma_start3A_178, %dma_start3A_179] : memref<2x2048xf32, #tpu.memory_space<vmem>> -> memref<1x128xf32, #tpu.memory_space<vmem>>
      %dma_start3A_181 = tpu.memref_squeeze %dma_start3A_180 : memref<1x128xf32, #tpu.memory_space<vmem>> -> memref<128xf32, #tpu.memory_space<vmem>>
      %dma_start3A_182 = arith.constant 0 : i32
      %dma_start3A_183 = tpu.memref_slice %arg8[%dma_start3A_176, %dma_start3A_177, %dma_start3A_182] : memref<2x16x128xi32, #tpu.memory_space<vmem>> -> memref<1x1x128xi32, #tpu.memory_space<vmem>>
      %dma_start3A_184 = tpu.memref_squeeze %dma_start3A_183 : memref<1x1x128xi32, #tpu.memory_space<vmem>> -> memref<128xi32, #tpu.memory_space<vmem>>
      %dma_start3A_185 = arith.constant 0 : i32
      %dma_start3A_186 = tpu.memref_slice %arg12[%dma_start3A_185] : memref<100000xf32, #tpu.memory_space<vmem_shared>> -> memref<100000xf32, #tpu.memory_space<vmem_shared>>
      tpu.enqueue_indirect_dma source(%dma_start3A_186 : memref<100000xf32, #tpu.memory_space<vmem_shared>>) target(%dma_start3A_181 : memref<128xf32, #tpu.memory_space<vmem>>) offsets(%dma_start3A_184 : memref<128xi32, #tpu.memory_space<vmem>>) semaphore(%arg14 : memref<!tpu.dma_semaphore, #tpu.memory_space<semaphore_mem>>)
      %dma_start3A_187 = arith.constant 0 : i32
      %dma_start3A_188 = arith.constant 7 : i32
      %dma_start3A_189 = arith.constant 0 : i32
      %dma_start3A_190 = arith.constant 896 : i32
      %dma_start3A_191 = tpu.memref_slice %arg11[%dma_start3A_189, %dma_start3A_190] : memref<2x2048xf32, #tpu.memory_space<vmem>> -> memref<1x128xf32, #tpu.memory_space<vmem>>
      %dma_start3A_192 = tpu.memref_squeeze %dma_start3A_191 : memref<1x128xf32, #tpu.memory_space<vmem>> -> memref<128xf32, #tpu.memory_space<vmem>>
      %dma_start3A_193 = arith.constant 0 : i32
      %dma_start3A_194 = tpu.memref_slice %arg8[%dma_start3A_187, %dma_start3A_188, %dma_start3A_193] : memref<2x16x128xi32, #tpu.memory_space<vmem>> -> memref<1x1x128xi32, #tpu.memory_space<vmem>>
      %dma_start3A_195 = tpu.memref_squeeze %dma_start3A_194 : memref<1x1x128xi32, #tpu.memory_space<vmem>> -> memref<128xi32, #tpu.memory_space<vmem>>
      %dma_start3A_196 = arith.constant 0 : i32
      %dma_start3A_197 = tpu.memref_slice %arg12[%dma_start3A_196] : memref<100000xf32, #tpu.memory_space<vmem_shared>> -> memref<100000xf32, #tpu.memory_space<vmem_shared>>
      tpu.enqueue_indirect_dma source(%dma_start3A_197 : memref<100000xf32, #tpu.memory_space<vmem_shared>>) target(%dma_start3A_192 : memref<128xf32, #tpu.memory_space<vmem>>) offsets(%dma_start3A_195 : memref<128xi32, #tpu.memory_space<vmem>>) semaphore(%arg14 : memref<!tpu.dma_semaphore, #tpu.memory_space<semaphore_mem>>)
      %dma_start3A_198 = arith.constant 0 : i32
      %dma_start3A_199 = arith.constant 8 : i32
      %dma_start3A_200 = arith.constant 0 : i32
      %dma_start3A_201 = arith.constant 1024 : i32
      %dma_start3A_202 = tpu.memref_slice %arg11[%dma_start3A_200, %dma_start3A_201] : memref<2x2048xf32, #tpu.memory_space<vmem>> -> memref<1x128xf32, #tpu.memory_space<vmem>>
      %dma_start3A_203 = tpu.memref_squeeze %dma_start3A_202 : memref<1x128xf32, #tpu.memory_space<vmem>> -> memref<128xf32, #tpu.memory_space<vmem>>
      %dma_start3A_204 = arith.constant 0 : i32
      %dma_start3A_205 = tpu.memref_slice %arg8[%dma_start3A_198, %dma_start3A_199, %dma_start3A_204] : memref<2x16x128xi32, #tpu.memory_space<vmem>> -> memref<1x1x128xi32, #tpu.memory_space<vmem>>
      %dma_start3A_206 = tpu.memref_squeeze %dma_start3A_205 : memref<1x1x128xi32, #tpu.memory_space<vmem>> -> memref<128xi32, #tpu.memory_space<vmem>>
      %dma_start3A_207 = arith.constant 0 : i32
      %dma_start3A_208 = tpu.memref_slice %arg12[%dma_start3A_207] : memref<100000xf32, #tpu.memory_space<vmem_shared>> -> memref<100000xf32, #tpu.memory_space<vmem_shared>>
      tpu.enqueue_indirect_dma source(%dma_start3A_208 : memref<100000xf32, #tpu.memory_space<vmem_shared>>) target(%dma_start3A_203 : memref<128xf32, #tpu.memory_space<vmem>>) offsets(%dma_start3A_206 : memref<128xi32, #tpu.memory_space<vmem>>) semaphore(%arg14 : memref<!tpu.dma_semaphore, #tpu.memory_space<semaphore_mem>>)
      %dma_start3A_209 = arith.constant 0 : i32
      %dma_start3A_210 = arith.constant 9 : i32
      %dma_start3A_211 = arith.constant 0 : i32
      %dma_start3A_212 = arith.constant 1152 : i32
      %dma_start3A_213 = tpu.memref_slice %arg11[%dma_start3A_211, %dma_start3A_212] : memref<2x2048xf32, #tpu.memory_space<vmem>> -> memref<1x128xf32, #tpu.memory_space<vmem>>
      %dma_start3A_214 = tpu.memref_squeeze %dma_start3A_213 : memref<1x128xf32, #tpu.memory_space<vmem>> -> memref<128xf32, #tpu.memory_space<vmem>>
      %dma_start3A_215 = arith.constant 0 : i32
      %dma_start3A_216 = tpu.memref_slice %arg8[%dma_start3A_209, %dma_start3A_210, %dma_start3A_215] : memref<2x16x128xi32, #tpu.memory_space<vmem>> -> memref<1x1x128xi32, #tpu.memory_space<vmem>>
      %dma_start3A_217 = tpu.memref_squeeze %dma_start3A_216 : memref<1x1x128xi32, #tpu.memory_space<vmem>> -> memref<128xi32, #tpu.memory_space<vmem>>
      %dma_start3A_218 = arith.constant 0 : i32
      %dma_start3A_219 = tpu.memref_slice %arg12[%dma_start3A_218] : memref<100000xf32, #tpu.memory_space<vmem_shared>> -> memref<100000xf32, #tpu.memory_space<vmem_shared>>
      tpu.enqueue_indirect_dma source(%dma_start3A_219 : memref<100000xf32, #tpu.memory_space<vmem_shared>>) target(%dma_start3A_214 : memref<128xf32, #tpu.memory_space<vmem>>) offsets(%dma_start3A_217 : memref<128xi32, #tpu.memory_space<vmem>>) semaphore(%arg14 : memref<!tpu.dma_semaphore, #tpu.memory_space<semaphore_mem>>)
      %dma_start3A_220 = arith.constant 0 : i32
      %dma_start3A_221 = arith.constant 10 : i32
      %dma_start3A_222 = arith.constant 0 : i32
      %dma_start3A_223 = arith.constant 1280 : i32
      %dma_start3A_224 = tpu.memref_slice %arg11[%dma_start3A_222, %dma_start3A_223] : memref<2x2048xf32, #tpu.memory_space<vmem>> -> memref<1x128xf32, #tpu.memory_space<vmem>>
      %dma_start3A_225 = tpu.memref_squeeze %dma_start3A_224 : memref<1x128xf32, #tpu.memory_space<vmem>> -> memref<128xf32, #tpu.memory_space<vmem>>
      %dma_start3A_226 = arith.constant 0 : i32
      %dma_start3A_227 = tpu.memref_slice %arg8[%dma_start3A_220, %dma_start3A_221, %dma_start3A_226] : memref<2x16x128xi32, #tpu.memory_space<vmem>> -> memref<1x1x128xi32, #tpu.memory_space<vmem>>
      %dma_start3A_228 = tpu.memref_squeeze %dma_start3A_227 : memref<1x1x128xi32, #tpu.memory_space<vmem>> -> memref<128xi32, #tpu.memory_space<vmem>>
      %dma_start3A_229 = arith.constant 0 : i32
      %dma_start3A_230 = tpu.memref_slice %arg12[%dma_start3A_229] : memref<100000xf32, #tpu.memory_space<vmem_shared>> -> memref<100000xf32, #tpu.memory_space<vmem_shared>>
      tpu.enqueue_indirect_dma source(%dma_start3A_230 : memref<100000xf32, #tpu.memory_space<vmem_shared>>) target(%dma_start3A_225 : memref<128xf32, #tpu.memory_space<vmem>>) offsets(%dma_start3A_228 : memref<128xi32, #tpu.memory_space<vmem>>) semaphore(%arg14 : memref<!tpu.dma_semaphore, #tpu.memory_space<semaphore_mem>>)
      %dma_start3A_231 = arith.constant 0 : i32
      %dma_start3A_232 = arith.constant 11 : i32
      %dma_start3A_233 = arith.constant 0 : i32
      %dma_start3A_234 = arith.constant 1408 : i32
      %dma_start3A_235 = tpu.memref_slice %arg11[%dma_start3A_233, %dma_start3A_234] : memref<2x2048xf32, #tpu.memory_space<vmem>> -> memref<1x128xf32, #tpu.memory_space<vmem>>
      %dma_start3A_236 = tpu.memref_squeeze %dma_start3A_235 : memref<1x128xf32, #tpu.memory_space<vmem>> -> memref<128xf32, #tpu.memory_space<vmem>>
      %dma_start3A_237 = arith.constant 0 : i32
      %dma_start3A_238 = tpu.memref_slice %arg8[%dma_start3A_231, %dma_start3A_232, %dma_start3A_237] : memref<2x16x128xi32, #tpu.memory_space<vmem>> -> memref<1x1x128xi32, #tpu.memory_space<vmem>>
      %dma_start3A_239 = tpu.memref_squeeze %dma_start3A_238 : memref<1x1x128xi32, #tpu.memory_space<vmem>> -> memref<128xi32, #tpu.memory_space<vmem>>
      %dma_start3A_240 = arith.constant 0 : i32
      %dma_start3A_241 = tpu.memref_slice %arg12[%dma_start3A_240] : memref<100000xf32, #tpu.memory_space<vmem_shared>> -> memref<100000xf32, #tpu.memory_space<vmem_shared>>
      tpu.enqueue_indirect_dma source(%dma_start3A_241 : memref<100000xf32, #tpu.memory_space<vmem_shared>>) target(%dma_start3A_236 : memref<128xf32, #tpu.memory_space<vmem>>) offsets(%dma_start3A_239 : memref<128xi32, #tpu.memory_space<vmem>>) semaphore(%arg14 : memref<!tpu.dma_semaphore, #tpu.memory_space<semaphore_mem>>)
      %dma_start3A_242 = arith.constant 0 : i32
      %dma_start3A_243 = arith.constant 12 : i32
      %dma_start3A_244 = arith.constant 0 : i32
      %dma_start3A_245 = arith.constant 1536 : i32
      %dma_start3A_246 = tpu.memref_slice %arg11[%dma_start3A_244, %dma_start3A_245] : memref<2x2048xf32, #tpu.memory_space<vmem>> -> memref<1x128xf32, #tpu.memory_space<vmem>>
      %dma_start3A_247 = tpu.memref_squeeze %dma_start3A_246 : memref<1x128xf32, #tpu.memory_space<vmem>> -> memref<128xf32, #tpu.memory_space<vmem>>
      %dma_start3A_248 = arith.constant 0 : i32
      %dma_start3A_249 = tpu.memref_slice %arg8[%dma_start3A_242, %dma_start3A_243, %dma_start3A_248] : memref<2x16x128xi32, #tpu.memory_space<vmem>> -> memref<1x1x128xi32, #tpu.memory_space<vmem>>
      %dma_start3A_250 = tpu.memref_squeeze %dma_start3A_249 : memref<1x1x128xi32, #tpu.memory_space<vmem>> -> memref<128xi32, #tpu.memory_space<vmem>>
      %dma_start3A_251 = arith.constant 0 : i32
      %dma_start3A_252 = tpu.memref_slice %arg12[%dma_start3A_251] : memref<100000xf32, #tpu.memory_space<vmem_shared>> -> memref<100000xf32, #tpu.memory_space<vmem_shared>>
      tpu.enqueue_indirect_dma source(%dma_start3A_252 : memref<100000xf32, #tpu.memory_space<vmem_shared>>) target(%dma_start3A_247 : memref<128xf32, #tpu.memory_space<vmem>>) offsets(%dma_start3A_250 : memref<128xi32, #tpu.memory_space<vmem>>) semaphore(%arg14 : memref<!tpu.dma_semaphore, #tpu.memory_space<semaphore_mem>>)
      %dma_start3A_253 = arith.constant 0 : i32
      %dma_start3A_254 = arith.constant 13 : i32
      %dma_start3A_255 = arith.constant 0 : i32
      %dma_start3A_256 = arith.constant 1664 : i32
      %dma_start3A_257 = tpu.memref_slice %arg11[%dma_start3A_255, %dma_start3A_256] : memref<2x2048xf32, #tpu.memory_space<vmem>> -> memref<1x128xf32, #tpu.memory_space<vmem>>
      %dma_start3A_258 = tpu.memref_squeeze %dma_start3A_257 : memref<1x128xf32, #tpu.memory_space<vmem>> -> memref<128xf32, #tpu.memory_space<vmem>>
      %dma_start3A_259 = arith.constant 0 : i32
      %dma_start3A_260 = tpu.memref_slice %arg8[%dma_start3A_253, %dma_start3A_254, %dma_start3A_259] : memref<2x16x128xi32, #tpu.memory_space<vmem>> -> memref<1x1x128xi32, #tpu.memory_space<vmem>>
      %dma_start3A_261 = tpu.memref_squeeze %dma_start3A_260 : memref<1x1x128xi32, #tpu.memory_space<vmem>> -> memref<128xi32, #tpu.memory_space<vmem>>
      %dma_start3A_262 = arith.constant 0 : i32
      %dma_start3A_263 = tpu.memref_slice %arg12[%dma_start3A_262] : memref<100000xf32, #tpu.memory_space<vmem_shared>> -> memref<100000xf32, #tpu.memory_space<vmem_shared>>
      tpu.enqueue_indirect_dma source(%dma_start3A_263 : memref<100000xf32, #tpu.memory_space<vmem_shared>>) target(%dma_start3A_258 : memref<128xf32, #tpu.memory_space<vmem>>) offsets(%dma_start3A_261 : memref<128xi32, #tpu.memory_space<vmem>>) semaphore(%arg14 : memref<!tpu.dma_semaphore, #tpu.memory_space<semaphore_mem>>)
      %dma_start3A_264 = arith.constant 0 : i32
      %dma_start3A_265 = arith.constant 14 : i32
      %dma_start3A_266 = arith.constant 0 : i32
      %dma_start3A_267 = arith.constant 1792 : i32
      %dma_start3A_268 = tpu.memref_slice %arg11[%dma_start3A_266, %dma_start3A_267] : memref<2x2048xf32, #tpu.memory_space<vmem>> -> memref<1x128xf32, #tpu.memory_space<vmem>>
      %dma_start3A_269 = tpu.memref_squeeze %dma_start3A_268 : memref<1x128xf32, #tpu.memory_space<vmem>> -> memref<128xf32, #tpu.memory_space<vmem>>
      %dma_start3A_270 = arith.constant 0 : i32
      %dma_start3A_271 = tpu.memref_slice %arg8[%dma_start3A_264, %dma_start3A_265, %dma_start3A_270] : memref<2x16x128xi32, #tpu.memory_space<vmem>> -> memref<1x1x128xi32, #tpu.memory_space<vmem>>
      %dma_start3A_272 = tpu.memref_squeeze %dma_start3A_271 : memref<1x1x128xi32, #tpu.memory_space<vmem>> -> memref<128xi32, #tpu.memory_space<vmem>>
      %dma_start3A_273 = arith.constant 0 : i32
      %dma_start3A_274 = tpu.memref_slice %arg12[%dma_start3A_273] : memref<100000xf32, #tpu.memory_space<vmem_shared>> -> memref<100000xf32, #tpu.memory_space<vmem_shared>>
      tpu.enqueue_indirect_dma source(%dma_start3A_274 : memref<100000xf32, #tpu.memory_space<vmem_shared>>) target(%dma_start3A_269 : memref<128xf32, #tpu.memory_space<vmem>>) offsets(%dma_start3A_272 : memref<128xi32, #tpu.memory_space<vmem>>) semaphore(%arg14 : memref<!tpu.dma_semaphore, #tpu.memory_space<semaphore_mem>>)
      %dma_start3A_275 = arith.constant 0 : i32
      %dma_start3A_276 = arith.constant 15 : i32
      %dma_start3A_277 = arith.constant 0 : i32
      %dma_start3A_278 = arith.constant 1920 : i32
      %dma_start3A_279 = tpu.memref_slice %arg11[%dma_start3A_277, %dma_start3A_278] : memref<2x2048xf32, #tpu.memory_space<vmem>> -> memref<1x128xf32, #tpu.memory_space<vmem>>
      %dma_start3A_280 = tpu.memref_squeeze %dma_start3A_279 : memref<1x128xf32, #tpu.memory_space<vmem>> -> memref<128xf32, #tpu.memory_space<vmem>>
      %dma_start3A_281 = arith.constant 0 : i32
      %dma_start3A_282 = tpu.memref_slice %arg8[%dma_start3A_275, %dma_start3A_276, %dma_start3A_281] : memref<2x16x128xi32, #tpu.memory_space<vmem>> -> memref<1x1x128xi32, #tpu.memory_space<vmem>>
      %dma_start3A_283 = tpu.memref_squeeze %dma_start3A_282 : memref<1x1x128xi32, #tpu.memory_space<vmem>> -> memref<128xi32, #tpu.memory_space<vmem>>
      %dma_start3A_284 = arith.constant 0 : i32
      %dma_start3A_285 = tpu.memref_slice %arg12[%dma_start3A_284] : memref<100000xf32, #tpu.memory_space<vmem_shared>> -> memref<100000xf32, #tpu.memory_space<vmem_shared>>
      tpu.enqueue_indirect_dma source(%dma_start3A_285 : memref<100000xf32, #tpu.memory_space<vmem_shared>>) target(%dma_start3A_280 : memref<128xf32, #tpu.memory_space<vmem>>) offsets(%dma_start3A_283 : memref<128xi32, #tpu.memory_space<vmem>>) semaphore(%arg14 : memref<!tpu.dma_semaphore, #tpu.memory_space<semaphore_mem>>)
      %add3A_286 = arith.constant 1 : i32
      %add3A_287 = arith.addi %add3A_65, %add3A_286 : i32
      %lt3A_288 = arith.constant 98 : i32
      %lt3A_289 = arith.cmpi slt, %add3A_287, %lt3A_288 : i32
      %convert_element_type3A_290 = arith.extui %lt3A_289 : i1 to i32
      %cond3A_291 = arith.constant 0 : i32
      %cond3A_292 = arith.cmpi ne, %convert_element_type3A_290, %cond3A_291 : i32
      scf.if %cond3A_292 {
        %add3A_559 = arith.constant 1 : i32
        %add3A_560 = arith.addi %add3A_65, %add3A_559 : i32
        %mul3A_561 = arith.constant 16 : i32
        %mul3A_562 = arith.muli %add3A_560, %mul3A_561 : i32
        %add3A_563 = arith.addi %mul3A_14, %mul3A_562 : i32
        %dma_start3A_564 = arith.constant 1 : i32
        %dma_start3A_565 = arith.constant 0 : i32
        %dma_start3A_566 = arith.constant 0 : i32
        %dma_start3A_567 = tpu.memref_slice %arg8[%dma_start3A_564, %dma_start3A_565, %dma_start3A_566] : memref<2x16x128xi32, #tpu.memory_space<vmem>> -> memref<1x16x128xi32, #tpu.memory_space<vmem>>
        %dma_start3A_568 = tpu.memref_squeeze %dma_start3A_567 : memref<1x16x128xi32, #tpu.memory_space<vmem>> -> memref<16x128xi32, #tpu.memory_space<vmem>>
        %dma_start3A_569 = arith.constant 0 : i32
        %dma_start3A_570 = tpu.memref_slice %arg2[%add3A_563, %dma_start3A_569] : memref<50176x128xi32, #tpu.memory_space<hbm>> -> memref<16x128xi32, #tpu.memory_space<hbm>>
        %dma_start3A_571 = arith.constant 0 : i32
        %dma_start3A_572 = arith.constant 0 : i32
        %dma_start3A_573 = tpu.memref_slice %arg8[%dma_start3A_564, %dma_start3A_571, %dma_start3A_572] : memref<2x16x128xi32, #tpu.memory_space<vmem>> -> memref<1x16x128xi32, #tpu.memory_space<vmem>>
        %dma_start3A_574 = tpu.memref_squeeze %dma_start3A_573 : memref<1x16x128xi32, #tpu.memory_space<vmem>> -> memref<16x128xi32, #tpu.memory_space<vmem>>
        %dma_start3A_575 = arith.constant 0 : i32
        %dma_start3A_576 = tpu.memref_slice %arg2[%add3A_563, %dma_start3A_575] : memref<50176x128xi32, #tpu.memory_space<hbm>> -> memref<16x128xi32, #tpu.memory_space<hbm>>
        tpu.enqueue_dma source(%dma_start3A_576 : memref<16x128xi32, #tpu.memory_space<hbm>>) target(%dma_start3A_574 : memref<16x128xi32, #tpu.memory_space<vmem>>) target_semaphore(%arg13 : memref<!tpu.dma_semaphore, #tpu.memory_space<semaphore_mem>>)
        %dma_start3A_577 = arith.constant 1 : i32
        %dma_start3A_578 = arith.constant 0 : i32
        %dma_start3A_579 = arith.constant 0 : i32
        %dma_start3A_580 = tpu.memref_slice %arg9[%dma_start3A_577, %dma_start3A_578, %dma_start3A_579] : memref<2x16x128xi32, #tpu.memory_space<vmem>> -> memref<1x16x128xi32, #tpu.memory_space<vmem>>
        %dma_start3A_581 = tpu.memref_squeeze %dma_start3A_580 : memref<1x16x128xi32, #tpu.memory_space<vmem>> -> memref<16x128xi32, #tpu.memory_space<vmem>>
        %dma_start3A_582 = arith.constant 0 : i32
        %dma_start3A_583 = tpu.memref_slice %arg3[%add3A_563, %dma_start3A_582] : memref<50176x128xi32, #tpu.memory_space<hbm>> -> memref<16x128xi32, #tpu.memory_space<hbm>>
        %dma_start3A_584 = arith.constant 0 : i32
        %dma_start3A_585 = arith.constant 0 : i32
        %dma_start3A_586 = tpu.memref_slice %arg9[%dma_start3A_577, %dma_start3A_584, %dma_start3A_585] : memref<2x16x128xi32, #tpu.memory_space<vmem>> -> memref<1x16x128xi32, #tpu.memory_space<vmem>>
        %dma_start3A_587 = tpu.memref_squeeze %dma_start3A_586 : memref<1x16x128xi32, #tpu.memory_space<vmem>> -> memref<16x128xi32, #tpu.memory_space<vmem>>
        %dma_start3A_588 = arith.constant 0 : i32
        %dma_start3A_589 = tpu.memref_slice %arg3[%add3A_563, %dma_start3A_588] : memref<50176x128xi32, #tpu.memory_space<hbm>> -> memref<16x128xi32, #tpu.memory_space<hbm>>
        tpu.enqueue_dma source(%dma_start3A_589 : memref<16x128xi32, #tpu.memory_space<hbm>>) target(%dma_start3A_587 : memref<16x128xi32, #tpu.memory_space<vmem>>) target_semaphore(%arg13 : memref<!tpu.dma_semaphore, #tpu.memory_space<semaphore_mem>>)
        %dma_start3A_590 = arith.constant 1 : i32
        %dma_start3A_591 = arith.constant 0 : i32
        %dma_start3A_592 = arith.constant 0 : i32
        %dma_start3A_593 = tpu.memref_slice %arg10[%dma_start3A_590, %dma_start3A_591, %dma_start3A_592] : memref<2x16x128xf32, #tpu.memory_space<vmem>> -> memref<1x16x128xf32, #tpu.memory_space<vmem>>
        %dma_start3A_594 = tpu.memref_squeeze %dma_start3A_593 : memref<1x16x128xf32, #tpu.memory_space<vmem>> -> memref<16x128xf32, #tpu.memory_space<vmem>>
        %dma_start3A_595 = arith.constant 0 : i32
        %dma_start3A_596 = tpu.memref_slice %arg4[%add3A_563, %dma_start3A_595] : memref<50176x128xf32, #tpu.memory_space<hbm>> -> memref<16x128xf32, #tpu.memory_space<hbm>>
        %dma_start3A_597 = arith.constant 0 : i32
        %dma_start3A_598 = arith.constant 0 : i32
        %dma_start3A_599 = tpu.memref_slice %arg10[%dma_start3A_590, %dma_start3A_597, %dma_start3A_598] : memref<2x16x128xf32, #tpu.memory_space<vmem>> -> memref<1x16x128xf32, #tpu.memory_space<vmem>>
        %dma_start3A_600 = tpu.memref_squeeze %dma_start3A_599 : memref<1x16x128xf32, #tpu.memory_space<vmem>> -> memref<16x128xf32, #tpu.memory_space<vmem>>
        %dma_start3A_601 = arith.constant 0 : i32
        %dma_start3A_602 = tpu.memref_slice %arg4[%add3A_563, %dma_start3A_601] : memref<50176x128xf32, #tpu.memory_space<hbm>> -> memref<16x128xf32, #tpu.memory_space<hbm>>
        tpu.enqueue_dma source(%dma_start3A_602 : memref<16x128xf32, #tpu.memory_space<hbm>>) target(%dma_start3A_600 : memref<16x128xf32, #tpu.memory_space<vmem>>) target_semaphore(%arg13 : memref<!tpu.dma_semaphore, #tpu.memory_space<semaphore_mem>>)
      } else {
      }
      %dma_wait3A_293 = arith.constant 0 : i32
      %dma_wait3A_294 = arith.constant 0 : i32
      %dma_wait3A_295 = tpu.memref_slice %arg11[%dma_wait3A_293, %dma_wait3A_294] : memref<2x2048xf32, #tpu.memory_space<vmem>> -> memref<1x2048xf32, #tpu.memory_space<vmem>>
      %dma_wait3A_296 = tpu.memref_squeeze %dma_wait3A_295 : memref<1x2048xf32, #tpu.memory_space<vmem>> -> memref<2048xf32, #tpu.memory_space<vmem>>
      %dma_wait3A_297 = arith.constant 0 : i32
      %dma_wait3A_298 = tpu.memref_slice %arg12[%dma_wait3A_297] : memref<100000xf32, #tpu.memory_space<vmem_shared>> -> memref<2048xf32, #tpu.memory_space<vmem_shared>>
      %dma_wait3A_299 = arith.constant 0 : i32
      %dma_wait3A_300 = tpu.memref_slice %arg11[%dma_wait3A_293, %dma_wait3A_299] : memref<2x2048xf32, #tpu.memory_space<vmem>> -> memref<1x2048xf32, #tpu.memory_space<vmem>>
      %dma_wait3A_301 = tpu.memref_squeeze %dma_wait3A_300 : memref<1x2048xf32, #tpu.memory_space<vmem>> -> memref<2048xf32, #tpu.memory_space<vmem>>
      %dma_wait3A_302 = arith.constant 0 : i32
      %dma_wait3A_303 = tpu.memref_slice %arg12[%dma_wait3A_302] : memref<100000xf32, #tpu.memory_space<vmem_shared>> -> memref<2048xf32, #tpu.memory_space<vmem_shared>>
      tpu.wait_dma2 semaphore(%arg14 : memref<!tpu.dma_semaphore, #tpu.memory_space<semaphore_mem>>) src(%dma_wait3A_303 : memref<2048xf32, #tpu.memory_space<vmem_shared>>) dst(%dma_wait3A_301 : memref<2048xf32, #tpu.memory_space<vmem>>)
      %scan3A_304 = arith.constant 0 : i32
      %scan3A_305 = arith.constant 0 : i32
      %scan3A_306 = arith.constant 16 : i32
      %scan3A_307 = arith.addi %scan3A_305, %scan3A_306 : i32
      %scan3A_308 = arith.constant 1 : i32
      scf.for %scan3A_559 = %scan3A_305 to %scan3A_307 step %scan3A_308  : i32 {
        %get3A = arith.constant 0 : i32
        %get3A_560 = arith.index_cast %get3A : i32 to index
        %get3A_561 = arith.index_cast %scan3A_559 : i32 to index
        %get3A_562 = arith.constant 0 : index
        %get3A_563 = tpu.vector_load %arg9[%get3A_560, %get3A_561, %get3A_562] {strides = array<i32>} : memref<2x16x128xi32, #tpu.memory_space<vmem>>, vector<16xi32>,
        %get3A_564 = arith.constant 0 : i32
        %get3A_565 = arith.index_cast %get3A_564 : i32 to index
        %get3A_566 = arith.index_cast %scan3A_559 : i32 to index
        %get3A_567 = arith.constant 0 : index
        %get3A_568 = tpu.vector_load %arg10[%get3A_565, %get3A_566, %get3A_567] {strides = array<i32>} : memref<2x16x128xf32, #tpu.memory_space<vmem>>, vector<16xf32>,
        %mul3A_569 = arith.constant 128 : i32
        %mul3A_570 = arith.muli %scan3A_559, %mul3A_569 : i32
        %add3A_571 = arith.constant 0 : i32
        %add3A_572 = arith.addi %mul3A_570, %add3A_571 : i32
        %get3A_573 = arith.constant 0 : i32
        %get3A_574 = arith.index_cast %get3A_573 : i32 to index
        %get3A_575 = arith.index_cast %add3A_572 : i32 to index
        %get3A_576 = tpu.vector_load %arg11[%get3A_574, %get3A_575] {strides = array<i32>} : memref<2x2048xf32, #tpu.memory_space<vmem>>, vector<16xf32>,
        %mul3A_577 = arith.mulf %get3A_576, %get3A_568 : vector<16xf32>
        tpu.vector_store_idx %arg7[%get3A_563], %mul3A_577 {add = true} : memref<100000xf32, #tpu.memory_space<vmem>>[vector<16xi32>], vector<16xf32>,
        %get3A_578 = arith.constant 0 : i32
        %get3A_579 = arith.index_cast %get3A_578 : i32 to index
        %get3A_580 = arith.index_cast %scan3A_559 : i32 to index
        %get3A_581 = arith.constant 16 : index
        %get3A_582 = tpu.vector_load %arg9[%get3A_579, %get3A_580, %get3A_581] {strides = array<i32>} : memref<2x16x128xi32, #tpu.memory_space<vmem>>, vector<16xi32>,
        %get3A_583 = arith.constant 0 : i32
        %get3A_584 = arith.index_cast %get3A_583 : i32 to index
        %get3A_585 = arith.index_cast %scan3A_559 : i32 to index
        %get3A_586 = arith.constant 16 : index
        %get3A_587 = tpu.vector_load %arg10[%get3A_584, %get3A_585, %get3A_586] {strides = array<i32>} : memref<2x16x128xf32, #tpu.memory_space<vmem>>, vector<16xf32>,
        %mul3A_588 = arith.constant 128 : i32
        %mul3A_589 = arith.muli %scan3A_559, %mul3A_588 : i32
        %add3A_590 = arith.constant 16 : i32
        %add3A_591 = arith.addi %mul3A_589, %add3A_590 : i32
        %get3A_592 = arith.constant 0 : i32
        %get3A_593 = arith.index_cast %get3A_592 : i32 to index
        %get3A_594 = arith.index_cast %add3A_591 : i32 to index
        %get3A_595 = tpu.vector_load %arg11[%get3A_593, %get3A_594] {strides = array<i32>} : memref<2x2048xf32, #tpu.memory_space<vmem>>, vector<16xf32>,
        %mul3A_596 = arith.mulf %get3A_595, %get3A_587 : vector<16xf32>
        tpu.vector_store_idx %arg7[%get3A_582], %mul3A_596 {add = true} : memref<100000xf32, #tpu.memory_space<vmem>>[vector<16xi32>], vector<16xf32>,
        %get3A_597 = arith.constant 0 : i32
        %get3A_598 = arith.index_cast %get3A_597 : i32 to index
        %get3A_599 = arith.index_cast %scan3A_559 : i32 to index
        %get3A_600 = arith.constant 32 : index
        %get3A_601 = tpu.vector_load %arg9[%get3A_598, %get3A_599, %get3A_600] {strides = array<i32>} : memref<2x16x128xi32, #tpu.memory_space<vmem>>, vector<16xi32>,
        %get3A_602 = arith.constant 0 : i32
        %get3A_603 = arith.index_cast %get3A_602 : i32 to index
        %get3A_604 = arith.index_cast %scan3A_559 : i32 to index
        %get3A_605 = arith.constant 32 : index
        %get3A_606 = tpu.vector_load %arg10[%get3A_603, %get3A_604, %get3A_605] {strides = array<i32>} : memref<2x16x128xf32, #tpu.memory_space<vmem>>, vector<16xf32>,
        %mul3A_607 = arith.constant 128 : i32
        %mul3A_608 = arith.muli %scan3A_559, %mul3A_607 : i32
        %add3A_609 = arith.constant 32 : i32
        %add3A_610 = arith.addi %mul3A_608, %add3A_609 : i32
        %get3A_611 = arith.constant 0 : i32
        %get3A_612 = arith.index_cast %get3A_611 : i32 to index
        %get3A_613 = arith.index_cast %add3A_610 : i32 to index
        %get3A_614 = tpu.vector_load %arg11[%get3A_612, %get3A_613] {strides = array<i32>} : memref<2x2048xf32, #tpu.memory_space<vmem>>, vector<16xf32>,
        %mul3A_615 = arith.mulf %get3A_614, %get3A_606 : vector<16xf32>
        tpu.vector_store_idx %arg7[%get3A_601], %mul3A_615 {add = true} : memref<100000xf32, #tpu.memory_space<vmem>>[vector<16xi32>], vector<16xf32>,
        %get3A_616 = arith.constant 0 : i32
        %get3A_617 = arith.index_cast %get3A_616 : i32 to index
        %get3A_618 = arith.index_cast %scan3A_559 : i32 to index
        %get3A_619 = arith.constant 48 : index
        %get3A_620 = tpu.vector_load %arg9[%get3A_617, %get3A_618, %get3A_619] {strides = array<i32>} : memref<2x16x128xi32, #tpu.memory_space<vmem>>, vector<16xi32>,
        %get3A_621 = arith.constant 0 : i32
        %get3A_622 = arith.index_cast %get3A_621 : i32 to index
        %get3A_623 = arith.index_cast %scan3A_559 : i32 to index
        %get3A_624 = arith.constant 48 : index
        %get3A_625 = tpu.vector_load %arg10[%get3A_622, %get3A_623, %get3A_624] {strides = array<i32>} : memref<2x16x128xf32, #tpu.memory_space<vmem>>, vector<16xf32>,
        %mul3A_626 = arith.constant 128 : i32
        %mul3A_627 = arith.muli %scan3A_559, %mul3A_626 : i32
        %add3A_628 = arith.constant 48 : i32
        %add3A_629 = arith.addi %mul3A_627, %add3A_628 : i32
        %get3A_630 = arith.constant 0 : i32
        %get3A_631 = arith.index_cast %get3A_630 : i32 to index
        %get3A_632 = arith.index_cast %add3A_629 : i32 to index
        %get3A_633 = tpu.vector_load %arg11[%get3A_631, %get3A_632] {strides = array<i32>} : memref<2x2048xf32, #tpu.memory_space<vmem>>, vector<16xf32>,
        %mul3A_634 = arith.mulf %get3A_633, %get3A_625 : vector<16xf32>
        tpu.vector_store_idx %arg7[%get3A_620], %mul3A_634 {add = true} : memref<100000xf32, #tpu.memory_space<vmem>>[vector<16xi32>], vector<16xf32>,
        %get3A_635 = arith.constant 0 : i32
        %get3A_636 = arith.index_cast %get3A_635 : i32 to index
        %get3A_637 = arith.index_cast %scan3A_559 : i32 to index
        %get3A_638 = arith.constant 64 : index
        %get3A_639 = tpu.vector_load %arg9[%get3A_636, %get3A_637, %get3A_638] {strides = array<i32>} : memref<2x16x128xi32, #tpu.memory_space<vmem>>, vector<16xi32>,
        %get3A_640 = arith.constant 0 : i32
        %get3A_641 = arith.index_cast %get3A_640 : i32 to index
        %get3A_642 = arith.index_cast %scan3A_559 : i32 to index
        %get3A_643 = arith.constant 64 : index
        %get3A_644 = tpu.vector_load %arg10[%get3A_641, %get3A_642, %get3A_643] {strides = array<i32>} : memref<2x16x128xf32, #tpu.memory_space<vmem>>, vector<16xf32>,
        %mul3A_645 = arith.constant 128 : i32
        %mul3A_646 = arith.muli %scan3A_559, %mul3A_645 : i32
        %add3A_647 = arith.constant 64 : i32
        %add3A_648 = arith.addi %mul3A_646, %add3A_647 : i32
        %get3A_649 = arith.constant 0 : i32
        %get3A_650 = arith.index_cast %get3A_649 : i32 to index
        %get3A_651 = arith.index_cast %add3A_648 : i32 to index
        %get3A_652 = tpu.vector_load %arg11[%get3A_650, %get3A_651] {strides = array<i32>} : memref<2x2048xf32, #tpu.memory_space<vmem>>, vector<16xf32>,
        %mul3A_653 = arith.mulf %get3A_652, %get3A_644 : vector<16xf32>
        tpu.vector_store_idx %arg7[%get3A_639], %mul3A_653 {add = true} : memref<100000xf32, #tpu.memory_space<vmem>>[vector<16xi32>], vector<16xf32>,
        %get3A_654 = arith.constant 0 : i32
        %get3A_655 = arith.index_cast %get3A_654 : i32 to index
        %get3A_656 = arith.index_cast %scan3A_559 : i32 to index
        %get3A_657 = arith.constant 80 : index
        %get3A_658 = tpu.vector_load %arg9[%get3A_655, %get3A_656, %get3A_657] {strides = array<i32>} : memref<2x16x128xi32, #tpu.memory_space<vmem>>, vector<16xi32>,
        %get3A_659 = arith.constant 0 : i32
        %get3A_660 = arith.index_cast %get3A_659 : i32 to index
        %get3A_661 = arith.index_cast %scan3A_559 : i32 to index
        %get3A_662 = arith.constant 80 : index
        %get3A_663 = tpu.vector_load %arg10[%get3A_660, %get3A_661, %get3A_662] {strides = array<i32>} : memref<2x16x128xf32, #tpu.memory_space<vmem>>, vector<16xf32>,
        %mul3A_664 = arith.constant 128 : i32
        %mul3A_665 = arith.muli %scan3A_559, %mul3A_664 : i32
        %add3A_666 = arith.constant 80 : i32
        %add3A_667 = arith.addi %mul3A_665, %add3A_666 : i32
        %get3A_668 = arith.constant 0 : i32
        %get3A_669 = arith.index_cast %get3A_668 : i32 to index
        %get3A_670 = arith.index_cast %add3A_667 : i32 to index
        %get3A_671 = tpu.vector_load %arg11[%get3A_669, %get3A_670] {strides = array<i32>} : memref<2x2048xf32, #tpu.memory_space<vmem>>, vector<16xf32>,
        %mul3A_672 = arith.mulf %get3A_671, %get3A_663 : vector<16xf32>
        tpu.vector_store_idx %arg7[%get3A_658], %mul3A_672 {add = true} : memref<100000xf32, #tpu.memory_space<vmem>>[vector<16xi32>], vector<16xf32>,
        %get3A_673 = arith.constant 0 : i32
        %get3A_674 = arith.index_cast %get3A_673 : i32 to index
        %get3A_675 = arith.index_cast %scan3A_559 : i32 to index
        %get3A_676 = arith.constant 96 : index
        %get3A_677 = tpu.vector_load %arg9[%get3A_674, %get3A_675, %get3A_676] {strides = array<i32>} : memref<2x16x128xi32, #tpu.memory_space<vmem>>, vector<16xi32>,
        %get3A_678 = arith.constant 0 : i32
        %get3A_679 = arith.index_cast %get3A_678 : i32 to index
        %get3A_680 = arith.index_cast %scan3A_559 : i32 to index
        %get3A_681 = arith.constant 96 : index
        %get3A_682 = tpu.vector_load %arg10[%get3A_679, %get3A_680, %get3A_681] {strides = array<i32>} : memref<2x16x128xf32, #tpu.memory_space<vmem>>, vector<16xf32>,
        %mul3A_683 = arith.constant 128 : i32
        %mul3A_684 = arith.muli %scan3A_559, %mul3A_683 : i32
        %add3A_685 = arith.constant 96 : i32
        %add3A_686 = arith.addi %mul3A_684, %add3A_685 : i32
        %get3A_687 = arith.constant 0 : i32
        %get3A_688 = arith.index_cast %get3A_687 : i32 to index
        %get3A_689 = arith.index_cast %add3A_686 : i32 to index
        %get3A_690 = tpu.vector_load %arg11[%get3A_688, %get3A_689] {strides = array<i32>} : memref<2x2048xf32, #tpu.memory_space<vmem>>, vector<16xf32>,
        %mul3A_691 = arith.mulf %get3A_690, %get3A_682 : vector<16xf32>
        tpu.vector_store_idx %arg7[%get3A_677], %mul3A_691 {add = true} : memref<100000xf32, #tpu.memory_space<vmem>>[vector<16xi32>], vector<16xf32>,
        %get3A_692 = arith.constant 0 : i32
        %get3A_693 = arith.index_cast %get3A_692 : i32 to index
        %get3A_694 = arith.index_cast %scan3A_559 : i32 to index
        %get3A_695 = arith.constant 112 : index
        %get3A_696 = tpu.vector_load %arg9[%get3A_693, %get3A_694, %get3A_695] {strides = array<i32>} : memref<2x16x128xi32, #tpu.memory_space<vmem>>, vector<16xi32>,
        %get3A_697 = arith.constant 0 : i32
        %get3A_698 = arith.index_cast %get3A_697 : i32 to index
        %get3A_699 = arith.index_cast %scan3A_559 : i32 to index
        %get3A_700 = arith.constant 112 : index
        %get3A_701 = tpu.vector_load %arg10[%get3A_698, %get3A_699, %get3A_700] {strides = array<i32>} : memref<2x16x128xf32, #tpu.memory_space<vmem>>, vector<16xf32>,
        %mul3A_702 = arith.constant 128 : i32
        %mul3A_703 = arith.muli %scan3A_559, %mul3A_702 : i32
        %add3A_704 = arith.constant 112 : i32
        %add3A_705 = arith.addi %mul3A_703, %add3A_704 : i32
        %get3A_706 = arith.constant 0 : i32
        %get3A_707 = arith.index_cast %get3A_706 : i32 to index
        %get3A_708 = arith.index_cast %add3A_705 : i32 to index
        %get3A_709 = tpu.vector_load %arg11[%get3A_707, %get3A_708] {strides = array<i32>} : memref<2x2048xf32, #tpu.memory_space<vmem>>, vector<16xf32>,
        %mul3A_710 = arith.mulf %get3A_709, %get3A_701 : vector<16xf32>
        tpu.vector_store_idx %arg7[%get3A_696], %mul3A_710 {add = true} : memref<100000xf32, #tpu.memory_space<vmem>>[vector<16xi32>], vector<16xf32>,
      }
      %scan3A_309 = arith.constant 16 : i32
      %mul3A_310 = arith.constant 2 : i32
      %mul3A_311 = arith.muli %scan3A_61, %mul3A_310 : i32
      %add3A_312 = arith.constant 1 : i32
      %add3A_313 = arith.addi %mul3A_311, %add3A_312 : i32
      %dma_wait3A_314 = arith.constant 1 : i32
      %dma_wait3A_315 = arith.constant 0 : i32
      %dma_wait3A_316 = arith.constant 0 : i32
      %dma_wait3A_317 = tpu.memref_slice %arg8[%dma_wait3A_314, %dma_wait3A_315, %dma_wait3A_316] : memref<2x16x128xi32, #tpu.memory_space<vmem>> -> memref<1x16x128xi32, #tpu.memory_space<vmem>>
      %dma_wait3A_318 = tpu.memref_squeeze %dma_wait3A_317 : memref<1x16x128xi32, #tpu.memory_space<vmem>> -> memref<16x128xi32, #tpu.memory_space<vmem>>
      %dma_wait3A_319 = arith.constant 0 : i32
      %dma_wait3A_320 = arith.constant 0 : i32
      %dma_wait3A_321 = tpu.memref_slice %arg2[%dma_wait3A_319, %dma_wait3A_320] : memref<50176x128xi32, #tpu.memory_space<hbm>> -> memref<16x128xi32, #tpu.memory_space<hbm>>
      %dma_wait3A_322 = arith.constant 0 : i32
      %dma_wait3A_323 = arith.constant 0 : i32
      %dma_wait3A_324 = tpu.memref_slice %arg8[%dma_wait3A_314, %dma_wait3A_322, %dma_wait3A_323] : memref<2x16x128xi32, #tpu.memory_space<vmem>> -> memref<1x16x128xi32, #tpu.memory_space<vmem>>
      %dma_wait3A_325 = tpu.memref_squeeze %dma_wait3A_324 : memref<1x16x128xi32, #tpu.memory_space<vmem>> -> memref<16x128xi32, #tpu.memory_space<vmem>>
      %dma_wait3A_326 = arith.constant 0 : i32
      %dma_wait3A_327 = arith.constant 0 : i32
      %dma_wait3A_328 = tpu.memref_slice %arg2[%dma_wait3A_326, %dma_wait3A_327] : memref<50176x128xi32, #tpu.memory_space<hbm>> -> memref<16x128xi32, #tpu.memory_space<hbm>>
      tpu.wait_dma2 semaphore(%arg13 : memref<!tpu.dma_semaphore, #tpu.memory_space<semaphore_mem>>) src(%dma_wait3A_328 : memref<16x128xi32, #tpu.memory_space<hbm>>) dst(%dma_wait3A_325 : memref<16x128xi32, #tpu.memory_space<vmem>>)
      %dma_wait3A_329 = arith.constant 1 : i32
      %dma_wait3A_330 = arith.constant 0 : i32
      %dma_wait3A_331 = arith.constant 0 : i32
      %dma_wait3A_332 = tpu.memref_slice %arg9[%dma_wait3A_329, %dma_wait3A_330, %dma_wait3A_331] : memref<2x16x128xi32, #tpu.memory_space<vmem>> -> memref<1x16x128xi32, #tpu.memory_space<vmem>>
      %dma_wait3A_333 = tpu.memref_squeeze %dma_wait3A_332 : memref<1x16x128xi32, #tpu.memory_space<vmem>> -> memref<16x128xi32, #tpu.memory_space<vmem>>
      %dma_wait3A_334 = arith.constant 0 : i32
      %dma_wait3A_335 = arith.constant 0 : i32
      %dma_wait3A_336 = tpu.memref_slice %arg3[%dma_wait3A_334, %dma_wait3A_335] : memref<50176x128xi32, #tpu.memory_space<hbm>> -> memref<16x128xi32, #tpu.memory_space<hbm>>
      %dma_wait3A_337 = arith.constant 0 : i32
      %dma_wait3A_338 = arith.constant 0 : i32
      %dma_wait3A_339 = tpu.memref_slice %arg9[%dma_wait3A_329, %dma_wait3A_337, %dma_wait3A_338] : memref<2x16x128xi32, #tpu.memory_space<vmem>> -> memref<1x16x128xi32, #tpu.memory_space<vmem>>
      %dma_wait3A_340 = tpu.memref_squeeze %dma_wait3A_339 : memref<1x16x128xi32, #tpu.memory_space<vmem>> -> memref<16x128xi32, #tpu.memory_space<vmem>>
      %dma_wait3A_341 = arith.constant 0 : i32
      %dma_wait3A_342 = arith.constant 0 : i32
      %dma_wait3A_343 = tpu.memref_slice %arg3[%dma_wait3A_341, %dma_wait3A_342] : memref<50176x128xi32, #tpu.memory_space<hbm>> -> memref<16x128xi32, #tpu.memory_space<hbm>>
      tpu.wait_dma2 semaphore(%arg13 : memref<!tpu.dma_semaphore, #tpu.memory_space<semaphore_mem>>) src(%dma_wait3A_343 : memref<16x128xi32, #tpu.memory_space<hbm>>) dst(%dma_wait3A_340 : memref<16x128xi32, #tpu.memory_space<vmem>>)
      %dma_wait3A_344 = arith.constant 1 : i32
      %dma_wait3A_345 = arith.constant 0 : i32
      %dma_wait3A_346 = arith.constant 0 : i32
      %dma_wait3A_347 = tpu.memref_slice %arg10[%dma_wait3A_344, %dma_wait3A_345, %dma_wait3A_346] : memref<2x16x128xf32, #tpu.memory_space<vmem>> -> memref<1x16x128xf32, #tpu.memory_space<vmem>>
      %dma_wait3A_348 = tpu.memref_squeeze %dma_wait3A_347 : memref<1x16x128xf32, #tpu.memory_space<vmem>> -> memref<16x128xf32, #tpu.memory_space<vmem>>
      %dma_wait3A_349 = arith.constant 0 : i32
      %dma_wait3A_350 = arith.constant 0 : i32
      %dma_wait3A_351 = tpu.memref_slice %arg4[%dma_wait3A_349, %dma_wait3A_350] : memref<50176x128xf32, #tpu.memory_space<hbm>> -> memref<16x128xf32, #tpu.memory_space<hbm>>
      %dma_wait3A_352 = arith.constant 0 : i32
      %dma_wait3A_353 = arith.constant 0 : i32
      %dma_wait3A_354 = tpu.memref_slice %arg10[%dma_wait3A_344, %dma_wait3A_352, %dma_wait3A_353] : memref<2x16x128xf32, #tpu.memory_space<vmem>> -> memref<1x16x128xf32, #tpu.memory_space<vmem>>
      %dma_wait3A_355 = tpu.memref_squeeze %dma_wait3A_354 : memref<1x16x128xf32, #tpu.memory_space<vmem>> -> memref<16x128xf32, #tpu.memory_space<vmem>>
      %dma_wait3A_356 = arith.constant 0 : i32
      %dma_wait3A_357 = arith.constant 0 : i32
      %dma_wait3A_358 = tpu.memref_slice %arg4[%dma_wait3A_356, %dma_wait3A_357] : memref<50176x128xf32, #tpu.memory_space<hbm>> -> memref<16x128xf32, #tpu.memory_space<hbm>>
      tpu.wait_dma2 semaphore(%arg13 : memref<!tpu.dma_semaphore, #tpu.memory_space<semaphore_mem>>) src(%dma_wait3A_358 : memref<16x128xf32, #tpu.memory_space<hbm>>) dst(%dma_wait3A_355 : memref<16x128xf32, #tpu.memory_space<vmem>>)
      %dma_start3A_359 = arith.constant 1 : i32
      %dma_start3A_360 = arith.constant 0 : i32
      %dma_start3A_361 = arith.constant 1 : i32
      %dma_start3A_362 = arith.constant 0 : i32
      %dma_start3A_363 = tpu.memref_slice %arg11[%dma_start3A_361, %dma_start3A_362] : memref<2x2048xf32, #tpu.memory_space<vmem>> -> memref<1x128xf32, #tpu.memory_space<vmem>>
      %dma_start3A_364 = tpu.memref_squeeze %dma_start3A_363 : memref<1x128xf32, #tpu.memory_space<vmem>> -> memref<128xf32, #tpu.memory_space<vmem>>
      %dma_start3A_365 = arith.constant 0 : i32
      %dma_start3A_366 = tpu.memref_slice %arg8[%dma_start3A_359, %dma_start3A_360, %dma_start3A_365] : memref<2x16x128xi32, #tpu.memory_space<vmem>> -> memref<1x1x128xi32, #tpu.memory_space<vmem>>
      %dma_start3A_367 = tpu.memref_squeeze %dma_start3A_366 : memref<1x1x128xi32, #tpu.memory_space<vmem>> -> memref<128xi32, #tpu.memory_space<vmem>>
      %dma_start3A_368 = arith.constant 0 : i32
      %dma_start3A_369 = tpu.memref_slice %arg12[%dma_start3A_368] : memref<100000xf32, #tpu.memory_space<vmem_shared>> -> memref<100000xf32, #tpu.memory_space<vmem_shared>>
      tpu.enqueue_indirect_dma source(%dma_start3A_369 : memref<100000xf32, #tpu.memory_space<vmem_shared>>) target(%dma_start3A_364 : memref<128xf32, #tpu.memory_space<vmem>>) offsets(%dma_start3A_367 : memref<128xi32, #tpu.memory_space<vmem>>) semaphore(%arg14 : memref<!tpu.dma_semaphore, #tpu.memory_space<semaphore_mem>>)
      %dma_start3A_370 = arith.constant 1 : i32
      %dma_start3A_371 = arith.constant 1 : i32
      %dma_start3A_372 = arith.constant 1 : i32
      %dma_start3A_373 = arith.constant 128 : i32
      %dma_start3A_374 = tpu.memref_slice %arg11[%dma_start3A_372, %dma_start3A_373] : memref<2x2048xf32, #tpu.memory_space<vmem>> -> memref<1x128xf32, #tpu.memory_space<vmem>>
      %dma_start3A_375 = tpu.memref_squeeze %dma_start3A_374 : memref<1x128xf32, #tpu.memory_space<vmem>> -> memref<128xf32, #tpu.memory_space<vmem>>
      %dma_start3A_376 = arith.constant 0 : i32
      %dma_start3A_377 = tpu.memref_slice %arg8[%dma_start3A_370, %dma_start3A_371, %dma_start3A_376] : memref<2x16x128xi32, #tpu.memory_space<vmem>> -> memref<1x1x128xi32, #tpu.memory_space<vmem>>
      %dma_start3A_378 = tpu.memref_squeeze %dma_start3A_377 : memref<1x1x128xi32, #tpu.memory_space<vmem>> -> memref<128xi32, #tpu.memory_space<vmem>>
      %dma_start3A_379 = arith.constant 0 : i32
      %dma_start3A_380 = tpu.memref_slice %arg12[%dma_start3A_379] : memref<100000xf32, #tpu.memory_space<vmem_shared>> -> memref<100000xf32, #tpu.memory_space<vmem_shared>>
      tpu.enqueue_indirect_dma source(%dma_start3A_380 : memref<100000xf32, #tpu.memory_space<vmem_shared>>) target(%dma_start3A_375 : memref<128xf32, #tpu.memory_space<vmem>>) offsets(%dma_start3A_378 : memref<128xi32, #tpu.memory_space<vmem>>) semaphore(%arg14 : memref<!tpu.dma_semaphore, #tpu.memory_space<semaphore_mem>>)
      %dma_start3A_381 = arith.constant 1 : i32
      %dma_start3A_382 = arith.constant 2 : i32
      %dma_start3A_383 = arith.constant 1 : i32
      %dma_start3A_384 = arith.constant 256 : i32
      %dma_start3A_385 = tpu.memref_slice %arg11[%dma_start3A_383, %dma_start3A_384] : memref<2x2048xf32, #tpu.memory_space<vmem>> -> memref<1x128xf32, #tpu.memory_space<vmem>>
      %dma_start3A_386 = tpu.memref_squeeze %dma_start3A_385 : memref<1x128xf32, #tpu.memory_space<vmem>> -> memref<128xf32, #tpu.memory_space<vmem>>
      %dma_start3A_387 = arith.constant 0 : i32
      %dma_start3A_388 = tpu.memref_slice %arg8[%dma_start3A_381, %dma_start3A_382, %dma_start3A_387] : memref<2x16x128xi32, #tpu.memory_space<vmem>> -> memref<1x1x128xi32, #tpu.memory_space<vmem>>
      %dma_start3A_389 = tpu.memref_squeeze %dma_start3A_388 : memref<1x1x128xi32, #tpu.memory_space<vmem>> -> memref<128xi32, #tpu.memory_space<vmem>>
      %dma_start3A_390 = arith.constant 0 : i32
      %dma_start3A_391 = tpu.memref_slice %arg12[%dma_start3A_390] : memref<100000xf32, #tpu.memory_space<vmem_shared>> -> memref<100000xf32, #tpu.memory_space<vmem_shared>>
      tpu.enqueue_indirect_dma source(%dma_start3A_391 : memref<100000xf32, #tpu.memory_space<vmem_shared>>) target(%dma_start3A_386 : memref<128xf32, #tpu.memory_space<vmem>>) offsets(%dma_start3A_389 : memref<128xi32, #tpu.memory_space<vmem>>) semaphore(%arg14 : memref<!tpu.dma_semaphore, #tpu.memory_space<semaphore_mem>>)
      %dma_start3A_392 = arith.constant 1 : i32
      %dma_start3A_393 = arith.constant 3 : i32
      %dma_start3A_394 = arith.constant 1 : i32
      %dma_start3A_395 = arith.constant 384 : i32
      %dma_start3A_396 = tpu.memref_slice %arg11[%dma_start3A_394, %dma_start3A_395] : memref<2x2048xf32, #tpu.memory_space<vmem>> -> memref<1x128xf32, #tpu.memory_space<vmem>>
      %dma_start3A_397 = tpu.memref_squeeze %dma_start3A_396 : memref<1x128xf32, #tpu.memory_space<vmem>> -> memref<128xf32, #tpu.memory_space<vmem>>
      %dma_start3A_398 = arith.constant 0 : i32
      %dma_start3A_399 = tpu.memref_slice %arg8[%dma_start3A_392, %dma_start3A_393, %dma_start3A_398] : memref<2x16x128xi32, #tpu.memory_space<vmem>> -> memref<1x1x128xi32, #tpu.memory_space<vmem>>
      %dma_start3A_400 = tpu.memref_squeeze %dma_start3A_399 : memref<1x1x128xi32, #tpu.memory_space<vmem>> -> memref<128xi32, #tpu.memory_space<vmem>>
      %dma_start3A_401 = arith.constant 0 : i32
      %dma_start3A_402 = tpu.memref_slice %arg12[%dma_start3A_401] : memref<100000xf32, #tpu.memory_space<vmem_shared>> -> memref<100000xf32, #tpu.memory_space<vmem_shared>>
      tpu.enqueue_indirect_dma source(%dma_start3A_402 : memref<100000xf32, #tpu.memory_space<vmem_shared>>) target(%dma_start3A_397 : memref<128xf32, #tpu.memory_space<vmem>>) offsets(%dma_start3A_400 : memref<128xi32, #tpu.memory_space<vmem>>) semaphore(%arg14 : memref<!tpu.dma_semaphore, #tpu.memory_space<semaphore_mem>>)
      %dma_start3A_403 = arith.constant 1 : i32
      %dma_start3A_404 = arith.constant 4 : i32
      %dma_start3A_405 = arith.constant 1 : i32
      %dma_start3A_406 = arith.constant 512 : i32
      %dma_start3A_407 = tpu.memref_slice %arg11[%dma_start3A_405, %dma_start3A_406] : memref<2x2048xf32, #tpu.memory_space<vmem>> -> memref<1x128xf32, #tpu.memory_space<vmem>>
      %dma_start3A_408 = tpu.memref_squeeze %dma_start3A_407 : memref<1x128xf32, #tpu.memory_space<vmem>> -> memref<128xf32, #tpu.memory_space<vmem>>
      %dma_start3A_409 = arith.constant 0 : i32
      %dma_start3A_410 = tpu.memref_slice %arg8[%dma_start3A_403, %dma_start3A_404, %dma_start3A_409] : memref<2x16x128xi32, #tpu.memory_space<vmem>> -> memref<1x1x128xi32, #tpu.memory_space<vmem>>
      %dma_start3A_411 = tpu.memref_squeeze %dma_start3A_410 : memref<1x1x128xi32, #tpu.memory_space<vmem>> -> memref<128xi32, #tpu.memory_space<vmem>>
      %dma_start3A_412 = arith.constant 0 : i32
      %dma_start3A_413 = tpu.memref_slice %arg12[%dma_start3A_412] : memref<100000xf32, #tpu.memory_space<vmem_shared>> -> memref<100000xf32, #tpu.memory_space<vmem_shared>>
      tpu.enqueue_indirect_dma source(%dma_start3A_413 : memref<100000xf32, #tpu.memory_space<vmem_shared>>) target(%dma_start3A_408 : memref<128xf32, #tpu.memory_space<vmem>>) offsets(%dma_start3A_411 : memref<128xi32, #tpu.memory_space<vmem>>) semaphore(%arg14 : memref<!tpu.dma_semaphore, #tpu.memory_space<semaphore_mem>>)
      %dma_start3A_414 = arith.constant 1 : i32
      %dma_start3A_415 = arith.constant 5 : i32
      %dma_start3A_416 = arith.constant 1 : i32
      %dma_start3A_417 = arith.constant 640 : i32
      %dma_start3A_418 = tpu.memref_slice %arg11[%dma_start3A_416, %dma_start3A_417] : memref<2x2048xf32, #tpu.memory_space<vmem>> -> memref<1x128xf32, #tpu.memory_space<vmem>>
      %dma_start3A_419 = tpu.memref_squeeze %dma_start3A_418 : memref<1x128xf32, #tpu.memory_space<vmem>> -> memref<128xf32, #tpu.memory_space<vmem>>
      %dma_start3A_420 = arith.constant 0 : i32
      %dma_start3A_421 = tpu.memref_slice %arg8[%dma_start3A_414, %dma_start3A_415, %dma_start3A_420] : memref<2x16x128xi32, #tpu.memory_space<vmem>> -> memref<1x1x128xi32, #tpu.memory_space<vmem>>
      %dma_start3A_422 = tpu.memref_squeeze %dma_start3A_421 : memref<1x1x128xi32, #tpu.memory_space<vmem>> -> memref<128xi32, #tpu.memory_space<vmem>>
      %dma_start3A_423 = arith.constant 0 : i32
      %dma_start3A_424 = tpu.memref_slice %arg12[%dma_start3A_423] : memref<100000xf32, #tpu.memory_space<vmem_shared>> -> memref<100000xf32, #tpu.memory_space<vmem_shared>>
      tpu.enqueue_indirect_dma source(%dma_start3A_424 : memref<100000xf32, #tpu.memory_space<vmem_shared>>) target(%dma_start3A_419 : memref<128xf32, #tpu.memory_space<vmem>>) offsets(%dma_start3A_422 : memref<128xi32, #tpu.memory_space<vmem>>) semaphore(%arg14 : memref<!tpu.dma_semaphore, #tpu.memory_space<semaphore_mem>>)
      %dma_start3A_425 = arith.constant 1 : i32
      %dma_start3A_426 = arith.constant 6 : i32
      %dma_start3A_427 = arith.constant 1 : i32
      %dma_start3A_428 = arith.constant 768 : i32
      %dma_start3A_429 = tpu.memref_slice %arg11[%dma_start3A_427, %dma_start3A_428] : memref<2x2048xf32, #tpu.memory_space<vmem>> -> memref<1x128xf32, #tpu.memory_space<vmem>>
      %dma_start3A_430 = tpu.memref_squeeze %dma_start3A_429 : memref<1x128xf32, #tpu.memory_space<vmem>> -> memref<128xf32, #tpu.memory_space<vmem>>
      %dma_start3A_431 = arith.constant 0 : i32
      %dma_start3A_432 = tpu.memref_slice %arg8[%dma_start3A_425, %dma_start3A_426, %dma_start3A_431] : memref<2x16x128xi32, #tpu.memory_space<vmem>> -> memref<1x1x128xi32, #tpu.memory_space<vmem>>
      %dma_start3A_433 = tpu.memref_squeeze %dma_start3A_432 : memref<1x1x128xi32, #tpu.memory_space<vmem>> -> memref<128xi32, #tpu.memory_space<vmem>>
      %dma_start3A_434 = arith.constant 0 : i32
      %dma_start3A_435 = tpu.memref_slice %arg12[%dma_start3A_434] : memref<100000xf32, #tpu.memory_space<vmem_shared>> -> memref<100000xf32, #tpu.memory_space<vmem_shared>>
      tpu.enqueue_indirect_dma source(%dma_start3A_435 : memref<100000xf32, #tpu.memory_space<vmem_shared>>) target(%dma_start3A_430 : memref<128xf32, #tpu.memory_space<vmem>>) offsets(%dma_start3A_433 : memref<128xi32, #tpu.memory_space<vmem>>) semaphore(%arg14 : memref<!tpu.dma_semaphore, #tpu.memory_space<semaphore_mem>>)
      %dma_start3A_436 = arith.constant 1 : i32
      %dma_start3A_437 = arith.constant 7 : i32
      %dma_start3A_438 = arith.constant 1 : i32
      %dma_start3A_439 = arith.constant 896 : i32
      %dma_start3A_440 = tpu.memref_slice %arg11[%dma_start3A_438, %dma_start3A_439] : memref<2x2048xf32, #tpu.memory_space<vmem>> -> memref<1x128xf32, #tpu.memory_space<vmem>>
      %dma_start3A_441 = tpu.memref_squeeze %dma_start3A_440 : memref<1x128xf32, #tpu.memory_space<vmem>> -> memref<128xf32, #tpu.memory_space<vmem>>
      %dma_start3A_442 = arith.constant 0 : i32
      %dma_start3A_443 = tpu.memref_slice %arg8[%dma_start3A_436, %dma_start3A_437, %dma_start3A_442] : memref<2x16x128xi32, #tpu.memory_space<vmem>> -> memref<1x1x128xi32, #tpu.memory_space<vmem>>
      %dma_start3A_444 = tpu.memref_squeeze %dma_start3A_443 : memref<1x1x128xi32, #tpu.memory_space<vmem>> -> memref<128xi32, #tpu.memory_space<vmem>>
      %dma_start3A_445 = arith.constant 0 : i32
      %dma_start3A_446 = tpu.memref_slice %arg12[%dma_start3A_445] : memref<100000xf32, #tpu.memory_space<vmem_shared>> -> memref<100000xf32, #tpu.memory_space<vmem_shared>>
      tpu.enqueue_indirect_dma source(%dma_start3A_446 : memref<100000xf32, #tpu.memory_space<vmem_shared>>) target(%dma_start3A_441 : memref<128xf32, #tpu.memory_space<vmem>>) offsets(%dma_start3A_444 : memref<128xi32, #tpu.memory_space<vmem>>) semaphore(%arg14 : memref<!tpu.dma_semaphore, #tpu.memory_space<semaphore_mem>>)
      %dma_start3A_447 = arith.constant 1 : i32
      %dma_start3A_448 = arith.constant 8 : i32
      %dma_start3A_449 = arith.constant 1 : i32
      %dma_start3A_450 = arith.constant 1024 : i32
      %dma_start3A_451 = tpu.memref_slice %arg11[%dma_start3A_449, %dma_start3A_450] : memref<2x2048xf32, #tpu.memory_space<vmem>> -> memref<1x128xf32, #tpu.memory_space<vmem>>
      %dma_start3A_452 = tpu.memref_squeeze %dma_start3A_451 : memref<1x128xf32, #tpu.memory_space<vmem>> -> memref<128xf32, #tpu.memory_space<vmem>>
      %dma_start3A_453 = arith.constant 0 : i32
      %dma_start3A_454 = tpu.memref_slice %arg8[%dma_start3A_447, %dma_start3A_448, %dma_start3A_453] : memref<2x16x128xi32, #tpu.memory_space<vmem>> -> memref<1x1x128xi32, #tpu.memory_space<vmem>>
      %dma_start3A_455 = tpu.memref_squeeze %dma_start3A_454 : memref<1x1x128xi32, #tpu.memory_space<vmem>> -> memref<128xi32, #tpu.memory_space<vmem>>
      %dma_start3A_456 = arith.constant 0 : i32
      %dma_start3A_457 = tpu.memref_slice %arg12[%dma_start3A_456] : memref<100000xf32, #tpu.memory_space<vmem_shared>> -> memref<100000xf32, #tpu.memory_space<vmem_shared>>
      tpu.enqueue_indirect_dma source(%dma_start3A_457 : memref<100000xf32, #tpu.memory_space<vmem_shared>>) target(%dma_start3A_452 : memref<128xf32, #tpu.memory_space<vmem>>) offsets(%dma_start3A_455 : memref<128xi32, #tpu.memory_space<vmem>>) semaphore(%arg14 : memref<!tpu.dma_semaphore, #tpu.memory_space<semaphore_mem>>)
      %dma_start3A_458 = arith.constant 1 : i32
      %dma_start3A_459 = arith.constant 9 : i32
      %dma_start3A_460 = arith.constant 1 : i32
      %dma_start3A_461 = arith.constant 1152 : i32
      %dma_start3A_462 = tpu.memref_slice %arg11[%dma_start3A_460, %dma_start3A_461] : memref<2x2048xf32, #tpu.memory_space<vmem>> -> memref<1x128xf32, #tpu.memory_space<vmem>>
      %dma_start3A_463 = tpu.memref_squeeze %dma_start3A_462 : memref<1x128xf32, #tpu.memory_space<vmem>> -> memref<128xf32, #tpu.memory_space<vmem>>
      %dma_start3A_464 = arith.constant 0 : i32
      %dma_start3A_465 = tpu.memref_slice %arg8[%dma_start3A_458, %dma_start3A_459, %dma_start3A_464] : memref<2x16x128xi32, #tpu.memory_space<vmem>> -> memref<1x1x128xi32, #tpu.memory_space<vmem>>
      %dma_start3A_466 = tpu.memref_squeeze %dma_start3A_465 : memref<1x1x128xi32, #tpu.memory_space<vmem>> -> memref<128xi32, #tpu.memory_space<vmem>>
      %dma_start3A_467 = arith.constant 0 : i32
      %dma_start3A_468 = tpu.memref_slice %arg12[%dma_start3A_467] : memref<100000xf32, #tpu.memory_space<vmem_shared>> -> memref<100000xf32, #tpu.memory_space<vmem_shared>>
      tpu.enqueue_indirect_dma source(%dma_start3A_468 : memref<100000xf32, #tpu.memory_space<vmem_shared>>) target(%dma_start3A_463 : memref<128xf32, #tpu.memory_space<vmem>>) offsets(%dma_start3A_466 : memref<128xi32, #tpu.memory_space<vmem>>) semaphore(%arg14 : memref<!tpu.dma_semaphore, #tpu.memory_space<semaphore_mem>>)
      %dma_start3A_469 = arith.constant 1 : i32
      %dma_start3A_470 = arith.constant 10 : i32
      %dma_start3A_471 = arith.constant 1 : i32
      %dma_start3A_472 = arith.constant 1280 : i32
      %dma_start3A_473 = tpu.memref_slice %arg11[%dma_start3A_471, %dma_start3A_472] : memref<2x2048xf32, #tpu.memory_space<vmem>> -> memref<1x128xf32, #tpu.memory_space<vmem>>
      %dma_start3A_474 = tpu.memref_squeeze %dma_start3A_473 : memref<1x128xf32, #tpu.memory_space<vmem>> -> memref<128xf32, #tpu.memory_space<vmem>>
      %dma_start3A_475 = arith.constant 0 : i32
      %dma_start3A_476 = tpu.memref_slice %arg8[%dma_start3A_469, %dma_start3A_470, %dma_start3A_475] : memref<2x16x128xi32, #tpu.memory_space<vmem>> -> memref<1x1x128xi32, #tpu.memory_space<vmem>>
      %dma_start3A_477 = tpu.memref_squeeze %dma_start3A_476 : memref<1x1x128xi32, #tpu.memory_space<vmem>> -> memref<128xi32, #tpu.memory_space<vmem>>
      %dma_start3A_478 = arith.constant 0 : i32
      %dma_start3A_479 = tpu.memref_slice %arg12[%dma_start3A_478] : memref<100000xf32, #tpu.memory_space<vmem_shared>> -> memref<100000xf32, #tpu.memory_space<vmem_shared>>
      tpu.enqueue_indirect_dma source(%dma_start3A_479 : memref<100000xf32, #tpu.memory_space<vmem_shared>>) target(%dma_start3A_474 : memref<128xf32, #tpu.memory_space<vmem>>) offsets(%dma_start3A_477 : memref<128xi32, #tpu.memory_space<vmem>>) semaphore(%arg14 : memref<!tpu.dma_semaphore, #tpu.memory_space<semaphore_mem>>)
      %dma_start3A_480 = arith.constant 1 : i32
      %dma_start3A_481 = arith.constant 11 : i32
      %dma_start3A_482 = arith.constant 1 : i32
      %dma_start3A_483 = arith.constant 1408 : i32
      %dma_start3A_484 = tpu.memref_slice %arg11[%dma_start3A_482, %dma_start3A_483] : memref<2x2048xf32, #tpu.memory_space<vmem>> -> memref<1x128xf32, #tpu.memory_space<vmem>>
      %dma_start3A_485 = tpu.memref_squeeze %dma_start3A_484 : memref<1x128xf32, #tpu.memory_space<vmem>> -> memref<128xf32, #tpu.memory_space<vmem>>
      %dma_start3A_486 = arith.constant 0 : i32
      %dma_start3A_487 = tpu.memref_slice %arg8[%dma_start3A_480, %dma_start3A_481, %dma_start3A_486] : memref<2x16x128xi32, #tpu.memory_space<vmem>> -> memref<1x1x128xi32, #tpu.memory_space<vmem>>
      %dma_start3A_488 = tpu.memref_squeeze %dma_start3A_487 : memref<1x1x128xi32, #tpu.memory_space<vmem>> -> memref<128xi32, #tpu.memory_space<vmem>>
      %dma_start3A_489 = arith.constant 0 : i32
      %dma_start3A_490 = tpu.memref_slice %arg12[%dma_start3A_489] : memref<100000xf32, #tpu.memory_space<vmem_shared>> -> memref<100000xf32, #tpu.memory_space<vmem_shared>>
      tpu.enqueue_indirect_dma source(%dma_start3A_490 : memref<100000xf32, #tpu.memory_space<vmem_shared>>) target(%dma_start3A_485 : memref<128xf32, #tpu.memory_space<vmem>>) offsets(%dma_start3A_488 : memref<128xi32, #tpu.memory_space<vmem>>) semaphore(%arg14 : memref<!tpu.dma_semaphore, #tpu.memory_space<semaphore_mem>>)
      %dma_start3A_491 = arith.constant 1 : i32
      %dma_start3A_492 = arith.constant 12 : i32
      %dma_start3A_493 = arith.constant 1 : i32
      %dma_start3A_494 = arith.constant 1536 : i32
      %dma_start3A_495 = tpu.memref_slice %arg11[%dma_start3A_493, %dma_start3A_494] : memref<2x2048xf32, #tpu.memory_space<vmem>> -> memref<1x128xf32, #tpu.memory_space<vmem>>
      %dma_start3A_496 = tpu.memref_squeeze %dma_start3A_495 : memref<1x128xf32, #tpu.memory_space<vmem>> -> memref<128xf32, #tpu.memory_space<vmem>>
      %dma_start3A_497 = arith.constant 0 : i32
      %dma_start3A_498 = tpu.memref_slice %arg8[%dma_start3A_491, %dma_start3A_492, %dma_start3A_497] : memref<2x16x128xi32, #tpu.memory_space<vmem>> -> memref<1x1x128xi32, #tpu.memory_space<vmem>>
      %dma_start3A_499 = tpu.memref_squeeze %dma_start3A_498 : memref<1x1x128xi32, #tpu.memory_space<vmem>> -> memref<128xi32, #tpu.memory_space<vmem>>
      %dma_start3A_500 = arith.constant 0 : i32
      %dma_start3A_501 = tpu.memref_slice %arg12[%dma_start3A_500] : memref<100000xf32, #tpu.memory_space<vmem_shared>> -> memref<100000xf32, #tpu.memory_space<vmem_shared>>
      tpu.enqueue_indirect_dma source(%dma_start3A_501 : memref<100000xf32, #tpu.memory_space<vmem_shared>>) target(%dma_start3A_496 : memref<128xf32, #tpu.memory_space<vmem>>) offsets(%dma_start3A_499 : memref<128xi32, #tpu.memory_space<vmem>>) semaphore(%arg14 : memref<!tpu.dma_semaphore, #tpu.memory_space<semaphore_mem>>)
      %dma_start3A_502 = arith.constant 1 : i32
      %dma_start3A_503 = arith.constant 13 : i32
      %dma_start3A_504 = arith.constant 1 : i32
      %dma_start3A_505 = arith.constant 1664 : i32
      %dma_start3A_506 = tpu.memref_slice %arg11[%dma_start3A_504, %dma_start3A_505] : memref<2x2048xf32, #tpu.memory_space<vmem>> -> memref<1x128xf32, #tpu.memory_space<vmem>>
      %dma_start3A_507 = tpu.memref_squeeze %dma_start3A_506 : memref<1x128xf32, #tpu.memory_space<vmem>> -> memref<128xf32, #tpu.memory_space<vmem>>
      %dma_start3A_508 = arith.constant 0 : i32
      %dma_start3A_509 = tpu.memref_slice %arg8[%dma_start3A_502, %dma_start3A_503, %dma_start3A_508] : memref<2x16x128xi32, #tpu.memory_space<vmem>> -> memref<1x1x128xi32, #tpu.memory_space<vmem>>
      %dma_start3A_510 = tpu.memref_squeeze %dma_start3A_509 : memref<1x1x128xi32, #tpu.memory_space<vmem>> -> memref<128xi32, #tpu.memory_space<vmem>>
      %dma_start3A_511 = arith.constant 0 : i32
      %dma_start3A_512 = tpu.memref_slice %arg12[%dma_start3A_511] : memref<100000xf32, #tpu.memory_space<vmem_shared>> -> memref<100000xf32, #tpu.memory_space<vmem_shared>>
      tpu.enqueue_indirect_dma source(%dma_start3A_512 : memref<100000xf32, #tpu.memory_space<vmem_shared>>) target(%dma_start3A_507 : memref<128xf32, #tpu.memory_space<vmem>>) offsets(%dma_start3A_510 : memref<128xi32, #tpu.memory_space<vmem>>) semaphore(%arg14 : memref<!tpu.dma_semaphore, #tpu.memory_space<semaphore_mem>>)
      %dma_start3A_513 = arith.constant 1 : i32
      %dma_start3A_514 = arith.constant 14 : i32
      %dma_start3A_515 = arith.constant 1 : i32
      %dma_start3A_516 = arith.constant 1792 : i32
      %dma_start3A_517 = tpu.memref_slice %arg11[%dma_start3A_515, %dma_start3A_516] : memref<2x2048xf32, #tpu.memory_space<vmem>> -> memref<1x128xf32, #tpu.memory_space<vmem>>
      %dma_start3A_518 = tpu.memref_squeeze %dma_start3A_517 : memref<1x128xf32, #tpu.memory_space<vmem>> -> memref<128xf32, #tpu.memory_space<vmem>>
      %dma_start3A_519 = arith.constant 0 : i32
      %dma_start3A_520 = tpu.memref_slice %arg8[%dma_start3A_513, %dma_start3A_514, %dma_start3A_519] : memref<2x16x128xi32, #tpu.memory_space<vmem>> -> memref<1x1x128xi32, #tpu.memory_space<vmem>>
      %dma_start3A_521 = tpu.memref_squeeze %dma_start3A_520 : memref<1x1x128xi32, #tpu.memory_space<vmem>> -> memref<128xi32, #tpu.memory_space<vmem>>
      %dma_start3A_522 = arith.constant 0 : i32
      %dma_start3A_523 = tpu.memref_slice %arg12[%dma_start3A_522] : memref<100000xf32, #tpu.memory_space<vmem_shared>> -> memref<100000xf32, #tpu.memory_space<vmem_shared>>
      tpu.enqueue_indirect_dma source(%dma_start3A_523 : memref<100000xf32, #tpu.memory_space<vmem_shared>>) target(%dma_start3A_518 : memref<128xf32, #tpu.memory_space<vmem>>) offsets(%dma_start3A_521 : memref<128xi32, #tpu.memory_space<vmem>>) semaphore(%arg14 : memref<!tpu.dma_semaphore, #tpu.memory_space<semaphore_mem>>)
      %dma_start3A_524 = arith.constant 1 : i32
      %dma_start3A_525 = arith.constant 15 : i32
      %dma_start3A_526 = arith.constant 1 : i32
      %dma_start3A_527 = arith.constant 1920 : i32
      %dma_start3A_528 = tpu.memref_slice %arg11[%dma_start3A_526, %dma_start3A_527] : memref<2x2048xf32, #tpu.memory_space<vmem>> -> memref<1x128xf32, #tpu.memory_space<vmem>>
      %dma_start3A_529 = tpu.memref_squeeze %dma_start3A_528 : memref<1x128xf32, #tpu.memory_space<vmem>> -> memref<128xf32, #tpu.memory_space<vmem>>
      %dma_start3A_530 = arith.constant 0 : i32
      %dma_start3A_531 = tpu.memref_slice %arg8[%dma_start3A_524, %dma_start3A_525, %dma_start3A_530] : memref<2x16x128xi32, #tpu.memory_space<vmem>> -> memref<1x1x128xi32, #tpu.memory_space<vmem>>
      %dma_start3A_532 = tpu.memref_squeeze %dma_start3A_531 : memref<1x1x128xi32, #tpu.memory_space<vmem>> -> memref<128xi32, #tpu.memory_space<vmem>>
      %dma_start3A_533 = arith.constant 0 : i32
      %dma_start3A_534 = tpu.memref_slice %arg12[%dma_start3A_533] : memref<100000xf32, #tpu.memory_space<vmem_shared>> -> memref<100000xf32, #tpu.memory_space<vmem_shared>>
      tpu.enqueue_indirect_dma source(%dma_start3A_534 : memref<100000xf32, #tpu.memory_space<vmem_shared>>) target(%dma_start3A_529 : memref<128xf32, #tpu.memory_space<vmem>>) offsets(%dma_start3A_532 : memref<128xi32, #tpu.memory_space<vmem>>) semaphore(%arg14 : memref<!tpu.dma_semaphore, #tpu.memory_space<semaphore_mem>>)
      %add3A_535 = arith.constant 1 : i32
      %add3A_536 = arith.addi %add3A_313, %add3A_535 : i32
      %lt3A_537 = arith.constant 98 : i32
      %lt3A_538 = arith.cmpi slt, %add3A_536, %lt3A_537 : i32
      %convert_element_type3A_539 = arith.extui %lt3A_538 : i1 to i32
      %cond3A_540 = arith.constant 0 : i32
      %cond3A_541 = arith.cmpi ne, %convert_element_type3A_539, %cond3A_540 : i32
      scf.if %cond3A_541 {
        %add3A_559 = arith.constant 1 : i32
        %add3A_560 = arith.addi %add3A_313, %add3A_559 : i32
        %mul3A_561 = arith.constant 16 : i32
        %mul3A_562 = arith.muli %add3A_560, %mul3A_561 : i32
        %add3A_563 = arith.addi %mul3A_14, %mul3A_562 : i32
        %dma_start3A_564 = arith.constant 0 : i32
        %dma_start3A_565 = arith.constant 0 : i32
        %dma_start3A_566 = arith.constant 0 : i32
        %dma_start3A_567 = tpu.memref_slice %arg8[%dma_start3A_564, %dma_start3A_565, %dma_start3A_566] : memref<2x16x128xi32, #tpu.memory_space<vmem>> -> memref<1x16x128xi32, #tpu.memory_space<vmem>>
        %dma_start3A_568 = tpu.memref_squeeze %dma_start3A_567 : memref<1x16x128xi32, #tpu.memory_space<vmem>> -> memref<16x128xi32, #tpu.memory_space<vmem>>
        %dma_start3A_569 = arith.constant 0 : i32
        %dma_start3A_570 = tpu.memref_slice %arg2[%add3A_563, %dma_start3A_569] : memref<50176x128xi32, #tpu.memory_space<hbm>> -> memref<16x128xi32, #tpu.memory_space<hbm>>
        %dma_start3A_571 = arith.constant 0 : i32
        %dma_start3A_572 = arith.constant 0 : i32
        %dma_start3A_573 = tpu.memref_slice %arg8[%dma_start3A_564, %dma_start3A_571, %dma_start3A_572] : memref<2x16x128xi32, #tpu.memory_space<vmem>> -> memref<1x16x128xi32, #tpu.memory_space<vmem>>
        %dma_start3A_574 = tpu.memref_squeeze %dma_start3A_573 : memref<1x16x128xi32, #tpu.memory_space<vmem>> -> memref<16x128xi32, #tpu.memory_space<vmem>>
        %dma_start3A_575 = arith.constant 0 : i32
        %dma_start3A_576 = tpu.memref_slice %arg2[%add3A_563, %dma_start3A_575] : memref<50176x128xi32, #tpu.memory_space<hbm>> -> memref<16x128xi32, #tpu.memory_space<hbm>>
        tpu.enqueue_dma source(%dma_start3A_576 : memref<16x128xi32, #tpu.memory_space<hbm>>) target(%dma_start3A_574 : memref<16x128xi32, #tpu.memory_space<vmem>>) target_semaphore(%arg13 : memref<!tpu.dma_semaphore, #tpu.memory_space<semaphore_mem>>)
        %dma_start3A_577 = arith.constant 0 : i32
        %dma_start3A_578 = arith.constant 0 : i32
        %dma_start3A_579 = arith.constant 0 : i32
        %dma_start3A_580 = tpu.memref_slice %arg9[%dma_start3A_577, %dma_start3A_578, %dma_start3A_579] : memref<2x16x128xi32, #tpu.memory_space<vmem>> -> memref<1x16x128xi32, #tpu.memory_space<vmem>>
        %dma_start3A_581 = tpu.memref_squeeze %dma_start3A_580 : memref<1x16x128xi32, #tpu.memory_space<vmem>> -> memref<16x128xi32, #tpu.memory_space<vmem>>
        %dma_start3A_582 = arith.constant 0 : i32
        %dma_start3A_583 = tpu.memref_slice %arg3[%add3A_563, %dma_start3A_582] : memref<50176x128xi32, #tpu.memory_space<hbm>> -> memref<16x128xi32, #tpu.memory_space<hbm>>
        %dma_start3A_584 = arith.constant 0 : i32
        %dma_start3A_585 = arith.constant 0 : i32
        %dma_start3A_586 = tpu.memref_slice %arg9[%dma_start3A_577, %dma_start3A_584, %dma_start3A_585] : memref<2x16x128xi32, #tpu.memory_space<vmem>> -> memref<1x16x128xi32, #tpu.memory_space<vmem>>
        %dma_start3A_587 = tpu.memref_squeeze %dma_start3A_586 : memref<1x16x128xi32, #tpu.memory_space<vmem>> -> memref<16x128xi32, #tpu.memory_space<vmem>>
        %dma_start3A_588 = arith.constant 0 : i32
        %dma_start3A_589 = tpu.memref_slice %arg3[%add3A_563, %dma_start3A_588] : memref<50176x128xi32, #tpu.memory_space<hbm>> -> memref<16x128xi32, #tpu.memory_space<hbm>>
        tpu.enqueue_dma source(%dma_start3A_589 : memref<16x128xi32, #tpu.memory_space<hbm>>) target(%dma_start3A_587 : memref<16x128xi32, #tpu.memory_space<vmem>>) target_semaphore(%arg13 : memref<!tpu.dma_semaphore, #tpu.memory_space<semaphore_mem>>)
        %dma_start3A_590 = arith.constant 0 : i32
        %dma_start3A_591 = arith.constant 0 : i32
        %dma_start3A_592 = arith.constant 0 : i32
        %dma_start3A_593 = tpu.memref_slice %arg10[%dma_start3A_590, %dma_start3A_591, %dma_start3A_592] : memref<2x16x128xf32, #tpu.memory_space<vmem>> -> memref<1x16x128xf32, #tpu.memory_space<vmem>>
        %dma_start3A_594 = tpu.memref_squeeze %dma_start3A_593 : memref<1x16x128xf32, #tpu.memory_space<vmem>> -> memref<16x128xf32, #tpu.memory_space<vmem>>
        %dma_start3A_595 = arith.constant 0 : i32
        %dma_start3A_596 = tpu.memref_slice %arg4[%add3A_563, %dma_start3A_595] : memref<50176x128xf32, #tpu.memory_space<hbm>> -> memref<16x128xf32, #tpu.memory_space<hbm>>
        %dma_start3A_597 = arith.constant 0 : i32
        %dma_start3A_598 = arith.constant 0 : i32
        %dma_start3A_599 = tpu.memref_slice %arg10[%dma_start3A_590, %dma_start3A_597, %dma_start3A_598] : memref<2x16x128xf32, #tpu.memory_space<vmem>> -> memref<1x16x128xf32, #tpu.memory_space<vmem>>
        %dma_start3A_600 = tpu.memref_squeeze %dma_start3A_599 : memref<1x16x128xf32, #tpu.memory_space<vmem>> -> memref<16x128xf32, #tpu.memory_space<vmem>>
        %dma_start3A_601 = arith.constant 0 : i32
        %dma_start3A_602 = tpu.memref_slice %arg4[%add3A_563, %dma_start3A_601] : memref<50176x128xf32, #tpu.memory_space<hbm>> -> memref<16x128xf32, #tpu.memory_space<hbm>>
        tpu.enqueue_dma source(%dma_start3A_602 : memref<16x128xf32, #tpu.memory_space<hbm>>) target(%dma_start3A_600 : memref<16x128xf32, #tpu.memory_space<vmem>>) target_semaphore(%arg13 : memref<!tpu.dma_semaphore, #tpu.memory_space<semaphore_mem>>)
      } else {
      }
      %dma_wait3A_542 = arith.constant 1 : i32
      %dma_wait3A_543 = arith.constant 0 : i32
      %dma_wait3A_544 = tpu.memref_slice %arg11[%dma_wait3A_542, %dma_wait3A_543] : memref<2x2048xf32, #tpu.memory_space<vmem>> -> memref<1x2048xf32, #tpu.memory_space<vmem>>
      %dma_wait3A_545 = tpu.memref_squeeze %dma_wait3A_544 : memref<1x2048xf32, #tpu.memory_space<vmem>> -> memref<2048xf32, #tpu.memory_space<vmem>>
      %dma_wait3A_546 = arith.constant 0 : i32
      %dma_wait3A_547 = tpu.memref_slice %arg12[%dma_wait3A_546] : memref<100000xf32, #tpu.memory_space<vmem_shared>> -> memref<2048xf32, #tpu.memory_space<vmem_shared>>
      %dma_wait3A_548 = arith.constant 0 : i32
      %dma_wait3A_549 = tpu.memref_slice %arg11[%dma_wait3A_542, %dma_wait3A_548] : memref<2x2048xf32, #tpu.memory_space<vmem>> -> memref<1x2048xf32, #tpu.memory_space<vmem>>
      %dma_wait3A_550 = tpu.memref_squeeze %dma_wait3A_549 : memref<1x2048xf32, #tpu.memory_space<vmem>> -> memref<2048xf32, #tpu.memory_space<vmem>>
      %dma_wait3A_551 = arith.constant 0 : i32
      %dma_wait3A_552 = tpu.memref_slice %arg12[%dma_wait3A_551] : memref<100000xf32, #tpu.memory_space<vmem_shared>> -> memref<2048xf32, #tpu.memory_space<vmem_shared>>
      tpu.wait_dma2 semaphore(%arg14 : memref<!tpu.dma_semaphore, #tpu.memory_space<semaphore_mem>>) src(%dma_wait3A_552 : memref<2048xf32, #tpu.memory_space<vmem_shared>>) dst(%dma_wait3A_550 : memref<2048xf32, #tpu.memory_space<vmem>>)
      %scan3A_553 = arith.constant 0 : i32
      %scan3A_554 = arith.constant 0 : i32
      %scan3A_555 = arith.constant 16 : i32
      %scan3A_556 = arith.addi %scan3A_554, %scan3A_555 : i32
      %scan3A_557 = arith.constant 1 : i32
      scf.for %scan3A_559 = %scan3A_554 to %scan3A_556 step %scan3A_557  : i32 {
        %get3A = arith.constant 1 : i32
        %get3A_560 = arith.index_cast %get3A : i32 to index
        %get3A_561 = arith.index_cast %scan3A_559 : i32 to index
        %get3A_562 = arith.constant 0 : index
        %get3A_563 = tpu.vector_load %arg9[%get3A_560, %get3A_561, %get3A_562] {strides = array<i32>} : memref<2x16x128xi32, #tpu.memory_space<vmem>>, vector<16xi32>,
        %get3A_564 = arith.constant 1 : i32
        %get3A_565 = arith.index_cast %get3A_564 : i32 to index
        %get3A_566 = arith.index_cast %scan3A_559 : i32 to index
        %get3A_567 = arith.constant 0 : index
        %get3A_568 = tpu.vector_load %arg10[%get3A_565, %get3A_566, %get3A_567] {strides = array<i32>} : memref<2x16x128xf32, #tpu.memory_space<vmem>>, vector<16xf32>,
        %mul3A_569 = arith.constant 128 : i32
        %mul3A_570 = arith.muli %scan3A_559, %mul3A_569 : i32
        %add3A_571 = arith.constant 0 : i32
        %add3A_572 = arith.addi %mul3A_570, %add3A_571 : i32
        %get3A_573 = arith.constant 1 : i32
        %get3A_574 = arith.index_cast %get3A_573 : i32 to index
        %get3A_575 = arith.index_cast %add3A_572 : i32 to index
        %get3A_576 = tpu.vector_load %arg11[%get3A_574, %get3A_575] {strides = array<i32>} : memref<2x2048xf32, #tpu.memory_space<vmem>>, vector<16xf32>,
        %mul3A_577 = arith.mulf %get3A_576, %get3A_568 : vector<16xf32>
        tpu.vector_store_idx %arg7[%get3A_563], %mul3A_577 {add = true} : memref<100000xf32, #tpu.memory_space<vmem>>[vector<16xi32>], vector<16xf32>,
        %get3A_578 = arith.constant 1 : i32
        %get3A_579 = arith.index_cast %get3A_578 : i32 to index
        %get3A_580 = arith.index_cast %scan3A_559 : i32 to index
        %get3A_581 = arith.constant 16 : index
        %get3A_582 = tpu.vector_load %arg9[%get3A_579, %get3A_580, %get3A_581] {strides = array<i32>} : memref<2x16x128xi32, #tpu.memory_space<vmem>>, vector<16xi32>,
        %get3A_583 = arith.constant 1 : i32
        %get3A_584 = arith.index_cast %get3A_583 : i32 to index
        %get3A_585 = arith.index_cast %scan3A_559 : i32 to index
        %get3A_586 = arith.constant 16 : index
        %get3A_587 = tpu.vector_load %arg10[%get3A_584, %get3A_585, %get3A_586] {strides = array<i32>} : memref<2x16x128xf32, #tpu.memory_space<vmem>>, vector<16xf32>,
        %mul3A_588 = arith.constant 128 : i32
        %mul3A_589 = arith.muli %scan3A_559, %mul3A_588 : i32
        %add3A_590 = arith.constant 16 : i32
        %add3A_591 = arith.addi %mul3A_589, %add3A_590 : i32
        %get3A_592 = arith.constant 1 : i32
        %get3A_593 = arith.index_cast %get3A_592 : i32 to index
        %get3A_594 = arith.index_cast %add3A_591 : i32 to index
        %get3A_595 = tpu.vector_load %arg11[%get3A_593, %get3A_594] {strides = array<i32>} : memref<2x2048xf32, #tpu.memory_space<vmem>>, vector<16xf32>,
        %mul3A_596 = arith.mulf %get3A_595, %get3A_587 : vector<16xf32>
        tpu.vector_store_idx %arg7[%get3A_582], %mul3A_596 {add = true} : memref<100000xf32, #tpu.memory_space<vmem>>[vector<16xi32>], vector<16xf32>,
        %get3A_597 = arith.constant 1 : i32
        %get3A_598 = arith.index_cast %get3A_597 : i32 to index
        %get3A_599 = arith.index_cast %scan3A_559 : i32 to index
        %get3A_600 = arith.constant 32 : index
        %get3A_601 = tpu.vector_load %arg9[%get3A_598, %get3A_599, %get3A_600] {strides = array<i32>} : memref<2x16x128xi32, #tpu.memory_space<vmem>>, vector<16xi32>,
        %get3A_602 = arith.constant 1 : i32
        %get3A_603 = arith.index_cast %get3A_602 : i32 to index
        %get3A_604 = arith.index_cast %scan3A_559 : i32 to index
        %get3A_605 = arith.constant 32 : index
        %get3A_606 = tpu.vector_load %arg10[%get3A_603, %get3A_604, %get3A_605] {strides = array<i32>} : memref<2x16x128xf32, #tpu.memory_space<vmem>>, vector<16xf32>,
        %mul3A_607 = arith.constant 128 : i32
        %mul3A_608 = arith.muli %scan3A_559, %mul3A_607 : i32
        %add3A_609 = arith.constant 32 : i32
        %add3A_610 = arith.addi %mul3A_608, %add3A_609 : i32
        %get3A_611 = arith.constant 1 : i32
        %get3A_612 = arith.index_cast %get3A_611 : i32 to index
        %get3A_613 = arith.index_cast %add3A_610 : i32 to index
        %get3A_614 = tpu.vector_load %arg11[%get3A_612, %get3A_613] {strides = array<i32>} : memref<2x2048xf32, #tpu.memory_space<vmem>>, vector<16xf32>,
        %mul3A_615 = arith.mulf %get3A_614, %get3A_606 : vector<16xf32>
        tpu.vector_store_idx %arg7[%get3A_601], %mul3A_615 {add = true} : memref<100000xf32, #tpu.memory_space<vmem>>[vector<16xi32>], vector<16xf32>,
        %get3A_616 = arith.constant 1 : i32
        %get3A_617 = arith.index_cast %get3A_616 : i32 to index
        %get3A_618 = arith.index_cast %scan3A_559 : i32 to index
        %get3A_619 = arith.constant 48 : index
        %get3A_620 = tpu.vector_load %arg9[%get3A_617, %get3A_618, %get3A_619] {strides = array<i32>} : memref<2x16x128xi32, #tpu.memory_space<vmem>>, vector<16xi32>,
        %get3A_621 = arith.constant 1 : i32
        %get3A_622 = arith.index_cast %get3A_621 : i32 to index
        %get3A_623 = arith.index_cast %scan3A_559 : i32 to index
        %get3A_624 = arith.constant 48 : index
        %get3A_625 = tpu.vector_load %arg10[%get3A_622, %get3A_623, %get3A_624] {strides = array<i32>} : memref<2x16x128xf32, #tpu.memory_space<vmem>>, vector<16xf32>,
        %mul3A_626 = arith.constant 128 : i32
        %mul3A_627 = arith.muli %scan3A_559, %mul3A_626 : i32
        %add3A_628 = arith.constant 48 : i32
        %add3A_629 = arith.addi %mul3A_627, %add3A_628 : i32
        %get3A_630 = arith.constant 1 : i32
        %get3A_631 = arith.index_cast %get3A_630 : i32 to index
        %get3A_632 = arith.index_cast %add3A_629 : i32 to index
        %get3A_633 = tpu.vector_load %arg11[%get3A_631, %get3A_632] {strides = array<i32>} : memref<2x2048xf32, #tpu.memory_space<vmem>>, vector<16xf32>,
        %mul3A_634 = arith.mulf %get3A_633, %get3A_625 : vector<16xf32>
        tpu.vector_store_idx %arg7[%get3A_620], %mul3A_634 {add = true} : memref<100000xf32, #tpu.memory_space<vmem>>[vector<16xi32>], vector<16xf32>,
        %get3A_635 = arith.constant 1 : i32
        %get3A_636 = arith.index_cast %get3A_635 : i32 to index
        %get3A_637 = arith.index_cast %scan3A_559 : i32 to index
        %get3A_638 = arith.constant 64 : index
        %get3A_639 = tpu.vector_load %arg9[%get3A_636, %get3A_637, %get3A_638] {strides = array<i32>} : memref<2x16x128xi32, #tpu.memory_space<vmem>>, vector<16xi32>,
        %get3A_640 = arith.constant 1 : i32
        %get3A_641 = arith.index_cast %get3A_640 : i32 to index
        %get3A_642 = arith.index_cast %scan3A_559 : i32 to index
        %get3A_643 = arith.constant 64 : index
        %get3A_644 = tpu.vector_load %arg10[%get3A_641, %get3A_642, %get3A_643] {strides = array<i32>} : memref<2x16x128xf32, #tpu.memory_space<vmem>>, vector<16xf32>,
        %mul3A_645 = arith.constant 128 : i32
        %mul3A_646 = arith.muli %scan3A_559, %mul3A_645 : i32
        %add3A_647 = arith.constant 64 : i32
        %add3A_648 = arith.addi %mul3A_646, %add3A_647 : i32
        %get3A_649 = arith.constant 1 : i32
        %get3A_650 = arith.index_cast %get3A_649 : i32 to index
        %get3A_651 = arith.index_cast %add3A_648 : i32 to index
        %get3A_652 = tpu.vector_load %arg11[%get3A_650, %get3A_651] {strides = array<i32>} : memref<2x2048xf32, #tpu.memory_space<vmem>>, vector<16xf32>,
        %mul3A_653 = arith.mulf %get3A_652, %get3A_644 : vector<16xf32>
        tpu.vector_store_idx %arg7[%get3A_639], %mul3A_653 {add = true} : memref<100000xf32, #tpu.memory_space<vmem>>[vector<16xi32>], vector<16xf32>,
        %get3A_654 = arith.constant 1 : i32
        %get3A_655 = arith.index_cast %get3A_654 : i32 to index
        %get3A_656 = arith.index_cast %scan3A_559 : i32 to index
        %get3A_657 = arith.constant 80 : index
        %get3A_658 = tpu.vector_load %arg9[%get3A_655, %get3A_656, %get3A_657] {strides = array<i32>} : memref<2x16x128xi32, #tpu.memory_space<vmem>>, vector<16xi32>,
        %get3A_659 = arith.constant 1 : i32
        %get3A_660 = arith.index_cast %get3A_659 : i32 to index
        %get3A_661 = arith.index_cast %scan3A_559 : i32 to index
        %get3A_662 = arith.constant 80 : index
        %get3A_663 = tpu.vector_load %arg10[%get3A_660, %get3A_661, %get3A_662] {strides = array<i32>} : memref<2x16x128xf32, #tpu.memory_space<vmem>>, vector<16xf32>,
        %mul3A_664 = arith.constant 128 : i32
        %mul3A_665 = arith.muli %scan3A_559, %mul3A_664 : i32
        %add3A_666 = arith.constant 80 : i32
        %add3A_667 = arith.addi %mul3A_665, %add3A_666 : i32
        %get3A_668 = arith.constant 1 : i32
        %get3A_669 = arith.index_cast %get3A_668 : i32 to index
        %get3A_670 = arith.index_cast %add3A_667 : i32 to index
        %get3A_671 = tpu.vector_load %arg11[%get3A_669, %get3A_670] {strides = array<i32>} : memref<2x2048xf32, #tpu.memory_space<vmem>>, vector<16xf32>,
        %mul3A_672 = arith.mulf %get3A_671, %get3A_663 : vector<16xf32>
        tpu.vector_store_idx %arg7[%get3A_658], %mul3A_672 {add = true} : memref<100000xf32, #tpu.memory_space<vmem>>[vector<16xi32>], vector<16xf32>,
        %get3A_673 = arith.constant 1 : i32
        %get3A_674 = arith.index_cast %get3A_673 : i32 to index
        %get3A_675 = arith.index_cast %scan3A_559 : i32 to index
        %get3A_676 = arith.constant 96 : index
        %get3A_677 = tpu.vector_load %arg9[%get3A_674, %get3A_675, %get3A_676] {strides = array<i32>} : memref<2x16x128xi32, #tpu.memory_space<vmem>>, vector<16xi32>,
        %get3A_678 = arith.constant 1 : i32
        %get3A_679 = arith.index_cast %get3A_678 : i32 to index
        %get3A_680 = arith.index_cast %scan3A_559 : i32 to index
        %get3A_681 = arith.constant 96 : index
        %get3A_682 = tpu.vector_load %arg10[%get3A_679, %get3A_680, %get3A_681] {strides = array<i32>} : memref<2x16x128xf32, #tpu.memory_space<vmem>>, vector<16xf32>,
        %mul3A_683 = arith.constant 128 : i32
        %mul3A_684 = arith.muli %scan3A_559, %mul3A_683 : i32
        %add3A_685 = arith.constant 96 : i32
        %add3A_686 = arith.addi %mul3A_684, %add3A_685 : i32
        %get3A_687 = arith.constant 1 : i32
        %get3A_688 = arith.index_cast %get3A_687 : i32 to index
        %get3A_689 = arith.index_cast %add3A_686 : i32 to index
        %get3A_690 = tpu.vector_load %arg11[%get3A_688, %get3A_689] {strides = array<i32>} : memref<2x2048xf32, #tpu.memory_space<vmem>>, vector<16xf32>,
        %mul3A_691 = arith.mulf %get3A_690, %get3A_682 : vector<16xf32>
        tpu.vector_store_idx %arg7[%get3A_677], %mul3A_691 {add = true} : memref<100000xf32, #tpu.memory_space<vmem>>[vector<16xi32>], vector<16xf32>,
        %get3A_692 = arith.constant 1 : i32
        %get3A_693 = arith.index_cast %get3A_692 : i32 to index
        %get3A_694 = arith.index_cast %scan3A_559 : i32 to index
        %get3A_695 = arith.constant 112 : index
        %get3A_696 = tpu.vector_load %arg9[%get3A_693, %get3A_694, %get3A_695] {strides = array<i32>} : memref<2x16x128xi32, #tpu.memory_space<vmem>>, vector<16xi32>,
        %get3A_697 = arith.constant 1 : i32
        %get3A_698 = arith.index_cast %get3A_697 : i32 to index
        %get3A_699 = arith.index_cast %scan3A_559 : i32 to index
        %get3A_700 = arith.constant 112 : index
        %get3A_701 = tpu.vector_load %arg10[%get3A_698, %get3A_699, %get3A_700] {strides = array<i32>} : memref<2x16x128xf32, #tpu.memory_space<vmem>>, vector<16xf32>,
        %mul3A_702 = arith.constant 128 : i32
        %mul3A_703 = arith.muli %scan3A_559, %mul3A_702 : i32
        %add3A_704 = arith.constant 112 : i32
        %add3A_705 = arith.addi %mul3A_703, %add3A_704 : i32
        %get3A_706 = arith.constant 1 : i32
        %get3A_707 = arith.index_cast %get3A_706 : i32 to index
        %get3A_708 = arith.index_cast %add3A_705 : i32 to index
        %get3A_709 = tpu.vector_load %arg11[%get3A_707, %get3A_708] {strides = array<i32>} : memref<2x2048xf32, #tpu.memory_space<vmem>>, vector<16xf32>,
        %mul3A_710 = arith.mulf %get3A_709, %get3A_701 : vector<16xf32>
        tpu.vector_store_idx %arg7[%get3A_696], %mul3A_710 {add = true} : memref<100000xf32, #tpu.memory_space<vmem>>[vector<16xi32>], vector<16xf32>,
      }
      %scan3A_558 = arith.constant 16 : i32
    }
    %scan3A_60 = arith.constant 49 : i32
    "tpu.region"() ({
      %run_scoped3A = tpu.sem_alloc : memref<!tpu.dma_semaphore, #tpu.memory_space<semaphore_mem>>
      %dma_start3A_61 = arith.constant 0 : i32
      %dma_start3A_62 = tpu.memref_slice %arg6[%add3A, %dma_start3A_61] : memref<32x100000xf32, #tpu.memory_space<hbm>> -> memref<1x100000xf32, #tpu.memory_space<hbm>>
      %dma_start3A_63 = tpu.memref_squeeze %dma_start3A_62 : memref<1x100000xf32, #tpu.memory_space<hbm>> -> memref<100000xf32, #tpu.memory_space<hbm>>
      %dma_start3A_64 = arith.constant 0 : i32
      %dma_start3A_65 = tpu.memref_slice %arg6[%add3A, %dma_start3A_64] : memref<32x100000xf32, #tpu.memory_space<hbm>> -> memref<1x100000xf32, #tpu.memory_space<hbm>>
      %dma_start3A_66 = tpu.memref_squeeze %dma_start3A_65 : memref<1x100000xf32, #tpu.memory_space<hbm>> -> memref<100000xf32, #tpu.memory_space<hbm>>
      tpu.enqueue_dma source(%arg7 : memref<100000xf32, #tpu.memory_space<vmem>>) target(%dma_start3A_66 : memref<100000xf32, #tpu.memory_space<hbm>>) target_semaphore(%run_scoped3A : memref<!tpu.dma_semaphore, #tpu.memory_space<semaphore_mem>>)
      %dma_wait3A = arith.constant 0 : i32
      %dma_wait3A_67 = tpu.memref_slice %arg6[%add3A, %dma_wait3A] : memref<32x100000xf32, #tpu.memory_space<hbm>> -> memref<1x100000xf32, #tpu.memory_space<hbm>>
      %dma_wait3A_68 = tpu.memref_squeeze %dma_wait3A_67 : memref<1x100000xf32, #tpu.memory_space<hbm>> -> memref<100000xf32, #tpu.memory_space<hbm>>
      %dma_wait3A_69 = arith.constant 0 : i32
      %dma_wait3A_70 = tpu.memref_slice %arg6[%add3A, %dma_wait3A_69] : memref<32x100000xf32, #tpu.memory_space<hbm>> -> memref<1x100000xf32, #tpu.memory_space<hbm>>
      %dma_wait3A_71 = tpu.memref_squeeze %dma_wait3A_70 : memref<1x100000xf32, #tpu.memory_space<hbm>> -> memref<100000xf32, #tpu.memory_space<hbm>>
      tpu.wait_dma2 semaphore(%run_scoped3A : memref<!tpu.dma_semaphore, #tpu.memory_space<semaphore_mem>>) src(%arg7 : memref<100000xf32, #tpu.memory_space<vmem>>) dst(%dma_wait3A_71 : memref<100000xf32, #tpu.memory_space<hbm>>)
      tpu.yield
    }) : () -> ()
    return
  }
}

module attributes {stable_mosaic.version = 14 : i64} {
  func.func @_dis_body(%arg0: memref<32x100000xf32, #tpu.memory_space<vmem>>, %arg1: memref<1x100000xf32, #tpu.memory_space<vmem>>) attributes {dimension_semantics = [], scalar_prefetch = 0 : i64, scratch_operands = 0 : i64, tpu.core_type = #tpu.core_type<tc>} {
    %get3A = arith.constant 0 : index
    %get3A_0 = arith.constant 0 : index
    %get3A_1 = vector.load %arg0[%get3A, %get3A_0] : memref<32x100000xf32, #tpu.memory_space<vmem>>, vector<32x100000xf32>
    %reduce_sum3A = arith.constant dense<0.000000e+00> : vector<100000xf32>
    %reduce_sum3A_2 = vector.multi_reduction <add>, %get3A_1, %reduce_sum3A [0] : vector<32x100000xf32> to vector<100000xf32>
    %broadcast_in_dim3A = vector.shape_cast %reduce_sum3A_2 : vector<100000xf32> to vector<1x100000xf32>
    %add3A = arith.constant 1.000000e+00 : f32
    %add3A_3 = vector.broadcast %add3A : f32 to vector<1x100000xf32>
    %add3A_4 = arith.addf %broadcast_in_dim3A, %add3A_3 : vector<1x100000xf32>
    %rsqrt3A = math.rsqrt %add3A_4 : vector<1x100000xf32>
    %swap3A = arith.constant 0 : index
    %swap3A_5 = arith.constant 0 : index
    %swap3A_6 = vector.load %arg1[%swap3A, %swap3A_5] : memref<1x100000xf32, #tpu.memory_space<vmem>>, vector<1x100000xf32>
    tpu.vector_store %arg1[%swap3A, %swap3A_5], %rsqrt3A {strides = array<i32>} : memref<1x100000xf32, #tpu.memory_space<vmem>>, vector<1x100000xf32>,
    return
  }
}

module attributes {stable_mosaic.version = 14 : i64} {
  func.func @_xs_body(%arg0: i32, %arg1: memref<4000x8xf32, #tpu.memory_space<vmem>>, %arg2: memref<4000x1xf32, #tpu.memory_space<vmem>>, %arg3: memref<4000x8xf32, #tpu.memory_space<vmem>>) attributes {dimension_semantics = [#tpu.dimension_semantics<arbitrary>], iteration_bounds = array<i64: 25>, scalar_prefetch = 0 : i64, scratch_operands = 0 : i64, tpu.core_type = #tpu.core_type<tc>, window_params = [{transform_indices = @transform_0, window_bounds = array<i64: 4000, 8>}, {transform_indices = @transform_1, window_bounds = array<i64: 4000, 1>}, {transform_indices = @transform_2, window_bounds = array<i64: 4000, 8>}]} {
    %get3A = arith.constant 0 : index
    %get3A_0 = arith.constant 0 : index
    %get3A_1 = vector.load %arg1[%get3A, %get3A_0] : memref<4000x8xf32, #tpu.memory_space<vmem>>, vector<4000x8xf32>
    %get3A_2 = arith.constant 0 : index
    %get3A_3 = arith.constant 0 : index
    %get3A_4 = vector.load %arg2[%get3A_2, %get3A_3] : memref<4000x1xf32, #tpu.memory_space<vmem>>, vector<4000x1xf32>
    %mul3A = vector.broadcast %get3A_4 : vector<4000x1xf32> to vector<4000x8xf32>
    %mul3A_5 = arith.mulf %get3A_1, %mul3A : vector<4000x8xf32>
    %swap3A = arith.constant 0 : index
    %swap3A_6 = arith.constant 0 : index
    %swap3A_7 = vector.load %arg3[%swap3A, %swap3A_6] : memref<4000x8xf32, #tpu.memory_space<vmem>>, vector<4000x8xf32>
    tpu.vector_store %arg3[%swap3A, %swap3A_6], %mul3A_5 {strides = array<i32>} : memref<4000x8xf32, #tpu.memory_space<vmem>>, vector<4000x8xf32>,
    return
  }
  func.func @transform_0(%arg0: i32) -> (i32, i32) {
    %c0_i32 = arith.constant 0 : i32
    %c0_i32_0 = arith.constant 0 : i32
    return %arg0, %c0_i32 : i32, i32
  }
  func.func @transform_1(%arg0: i32) -> (i32, i32) {
    %c0_i32 = arith.constant 0 : i32
    %c0_i32_0 = arith.constant 0 : i32
    return %arg0, %c0_i32 : i32, i32
  }
  func.func @transform_2(%arg0: i32) -> (i32, i32) {
    %c0_i32 = arith.constant 0 : i32
    %c0_i32_0 = arith.constant 0 : i32
    return %arg0, %c0_i32 : i32, i32
  }
}

module attributes {stable_mosaic.version = 14 : i64} {
  func.func @_dense_body(%arg0: i32, %arg1: memref<2x4000x8xf32, #tpu.memory_space<vmem>>, %arg2: memref<4000x1xf32, #tpu.memory_space<vmem>>, %arg3: memref<4000x8xf32, #tpu.memory_space<vmem>>, %arg4: memref<8x64xf32, #tpu.memory_space<vmem>>, %arg5: memref<1x64xf32, #tpu.memory_space<vmem>>, %arg6: memref<1x64xf32, #tpu.memory_space<vmem>>, %arg7: memref<4000x1xf32, #tpu.memory_space<vmem>>) attributes {dimension_semantics = [#tpu.dimension_semantics<arbitrary>], iteration_bounds = array<i64: 25>, scalar_prefetch = 0 : i64, scratch_operands = 0 : i64, tpu.core_type = #tpu.core_type<tc>, window_params = [{transform_indices = @transform_0, window_bounds = array<i64: 2, 4000, 8>}, {transform_indices = @transform_1, window_bounds = array<i64: 4000, 1>}, {transform_indices = @transform_2, window_bounds = array<i64: 4000, 8>}, {pipeline_mode = #tpu.pipeline_mode<synchronous>, transform_indices = @transform_3, window_bounds = array<i64: 8, 64>}, {pipeline_mode = #tpu.pipeline_mode<synchronous>, transform_indices = @transform_4, window_bounds = array<i64: 1, 64>}, {pipeline_mode = #tpu.pipeline_mode<synchronous>, transform_indices = @transform_5, window_bounds = array<i64: 1, 64>}, {transform_indices = @transform_6, window_bounds = array<i64: 4000, 1>}]} {
    %get3A = arith.constant 0 : index
    %get3A_0 = arith.constant 0 : index
    %get3A_1 = vector.load %arg2[%get3A, %get3A_0] : memref<4000x1xf32, #tpu.memory_space<vmem>>, vector<4000x1xf32>
    %get3A_2 = arith.constant 0 : index
    %get3A_3 = arith.constant 0 : index
    %get3A_4 = arith.constant 0 : index
    %get3A_5 = vector.load %arg1[%get3A_2, %get3A_3, %get3A_4] : memref<2x4000x8xf32, #tpu.memory_space<vmem>>, vector<1x4000x8xf32>
    %get3A_6 = vector.shape_cast %get3A_5 : vector<1x4000x8xf32> to vector<4000x8xf32>
    %get3A_7 = arith.constant 1 : index
    %get3A_8 = arith.constant 0 : index
    %get3A_9 = arith.constant 0 : index
    %get3A_10 = vector.load %arg1[%get3A_7, %get3A_8, %get3A_9] : memref<2x4000x8xf32, #tpu.memory_space<vmem>>, vector<1x4000x8xf32>
    %get3A_11 = vector.shape_cast %get3A_10 : vector<1x4000x8xf32> to vector<4000x8xf32>
    %add3A = arith.addf %get3A_6, %get3A_11 : vector<4000x8xf32>
    %mul3A = vector.broadcast %get3A_1 : vector<4000x1xf32> to vector<4000x8xf32>
    %mul3A_12 = arith.mulf %add3A, %mul3A : vector<4000x8xf32>
    %get3A_13 = arith.constant 0 : index
    %get3A_14 = arith.constant 0 : index
    %get3A_15 = vector.load %arg3[%get3A_13, %get3A_14] : memref<4000x8xf32, #tpu.memory_space<vmem>>, vector<4000x8xf32>
    %mul3A_16 = arith.mulf %get3A_1, %get3A_1 : vector<4000x1xf32>
    %mul3A_17 = vector.broadcast %mul3A_16 : vector<4000x1xf32> to vector<4000x8xf32>
    %mul3A_18 = arith.mulf %get3A_15, %mul3A_17 : vector<4000x8xf32>
    %add3A_19 = arith.addf %mul3A_12, %mul3A_18 : vector<4000x8xf32>
    %get3A_20 = arith.constant 0 : index
    %get3A_21 = arith.constant 0 : index
    %get3A_22 = vector.load %arg4[%get3A_20, %get3A_21] : memref<8x64xf32, #tpu.memory_space<vmem>>, vector<8x64xf32>
    %dot_general3A = arith.constant dense<0.000000e+00> : vector<4000x64xf32>
    %dot_general3A_23 = tpu.matmul %add3A_19, %get3A_22, %dot_general3A {dimension_numbers = #tpu.dot_dimension_numbers<[1], [0], [0], [1], [0, 0, 1, 1], [], []>, transpose_lhs_hint = false} : vector<4000x8xf32>, vector<8x64xf32>, vector<4000x64xf32> -> vector<4000x64xf32>
    %get3A_24 = arith.constant 0 : index
    %get3A_25 = arith.constant 0 : index
    %get3A_26 = vector.load %arg5[%get3A_24, %get3A_25] : memref<1x64xf32, #tpu.memory_space<vmem>>, vector<1x64xf32>
    %add3A_27 = vector.broadcast %get3A_26 : vector<1x64xf32> to vector<4000x64xf32>
    %add3A_28 = arith.addf %dot_general3A_23, %add3A_27 : vector<4000x64xf32>
    %max3A = arith.constant 0.000000e+00 : f32
    %max3A_29 = vector.broadcast %max3A : f32 to vector<4000x64xf32>
    %max3A_30 = arith.maximumf %add3A_28, %max3A_29 : vector<4000x64xf32>
    %get3A_31 = arith.constant 0 : index
    %get3A_32 = arith.constant 0 : index
    %get3A_33 = vector.load %arg6[%get3A_31, %get3A_32] : memref<1x64xf32, #tpu.memory_space<vmem>>, vector<1x64xf32>
    %mul3A_34 = vector.broadcast %get3A_33 : vector<1x64xf32> to vector<4000x64xf32>
    %mul3A_35 = arith.mulf %max3A_30, %mul3A_34 : vector<4000x64xf32>
    %reduce_sum3A = arith.constant dense<0.000000e+00> : vector<4000xf32>
    %reduce_sum3A_36 = vector.multi_reduction <add>, %mul3A_35, %reduce_sum3A [1] : vector<4000x64xf32> to vector<4000xf32>
    %broadcast_in_dim3A = vector.shape_cast %reduce_sum3A_36 : vector<4000xf32> to vector<4000x1xf32>
    %mul3A_37 = arith.mulf %broadcast_in_dim3A, %get3A_1 : vector<4000x1xf32>
    %swap3A = arith.constant 0 : index
    %swap3A_38 = arith.constant 0 : index
    %swap3A_39 = vector.load %arg7[%swap3A, %swap3A_38] : memref<4000x1xf32, #tpu.memory_space<vmem>>, vector<4000x1xf32>
    tpu.vector_store %arg7[%swap3A, %swap3A_38], %mul3A_37 {strides = array<i32>} : memref<4000x1xf32, #tpu.memory_space<vmem>>, vector<4000x1xf32>,
    return
  }
  func.func @transform_0(%arg0: i32) -> (i32, i32, i32) {
    %c0_i32 = arith.constant 0 : i32
    %c0_i32_0 = arith.constant 0 : i32
    %c0_i32_1 = arith.constant 0 : i32
    return %c0_i32, %arg0, %c0_i32_0 : i32, i32, i32
  }
  func.func @transform_1(%arg0: i32) -> (i32, i32) {
    %c0_i32 = arith.constant 0 : i32
    %c0_i32_0 = arith.constant 0 : i32
    return %arg0, %c0_i32 : i32, i32
  }
  func.func @transform_2(%arg0: i32) -> (i32, i32) {
    %c0_i32 = arith.constant 0 : i32
    %c0_i32_0 = arith.constant 0 : i32
    return %arg0, %c0_i32 : i32, i32
  }
  func.func @transform_3(%arg0: i32) -> (i32, i32) {
    %c0_i32 = arith.constant 0 : i32
    %c0_i32_0 = arith.constant 0 : i32
    %c0_i32_1 = arith.constant 0 : i32
    return %c0_i32, %c0_i32_0 : i32, i32
  }
  func.func @transform_4(%arg0: i32) -> (i32, i32) {
    %c0_i32 = arith.constant 0 : i32
    %c0_i32_0 = arith.constant 0 : i32
    %c0_i32_1 = arith.constant 0 : i32
    return %c0_i32, %c0_i32_0 : i32, i32
  }
  func.func @transform_5(%arg0: i32) -> (i32, i32) {
    %c0_i32 = arith.constant 0 : i32
    %c0_i32_0 = arith.constant 0 : i32
    %c0_i32_1 = arith.constant 0 : i32
    return %c0_i32, %c0_i32_0 : i32, i32
  }
  func.func @transform_6(%arg0: i32) -> (i32, i32) {
    %c0_i32 = arith.constant 0 : i32
    %c0_i32_0 = arith.constant 0 : i32
    return %arg0, %c0_i32 : i32, i32
  }
}

module attributes {stable_mosaic.version = 14 : i64} {
  func.func @_fin_body(%arg0: memref<32x100000xf32, #tpu.memory_space<vmem>>, %arg1: memref<1x100000xf32, #tpu.memory_space<vmem>>, %arg2: memref<1x100000xf32, #tpu.memory_space<vmem>>, %arg3: memref<1x1xf32, #tpu.memory_space<vmem>>, %arg4: memref<1x100000xf32, #tpu.memory_space<vmem>>) attributes {dimension_semantics = [], scalar_prefetch = 0 : i64, scratch_operands = 0 : i64, tpu.core_type = #tpu.core_type<tc>} {
    %get3A = arith.constant 0 : index
    %get3A_0 = arith.constant 0 : index
    %get3A_1 = vector.load %arg0[%get3A, %get3A_0] : memref<32x100000xf32, #tpu.memory_space<vmem>>, vector<32x100000xf32>
    %reduce_sum3A = arith.constant dense<0.000000e+00> : vector<100000xf32>
    %reduce_sum3A_2 = vector.multi_reduction <add>, %get3A_1, %reduce_sum3A [0] : vector<32x100000xf32> to vector<100000xf32>
    %broadcast_in_dim3A = vector.shape_cast %reduce_sum3A_2 : vector<100000xf32> to vector<1x100000xf32>
    %get3A_3 = arith.constant 0 : index
    %get3A_4 = arith.constant 0 : index
    %get3A_5 = vector.load %arg1[%get3A_3, %get3A_4] : memref<1x100000xf32, #tpu.memory_space<vmem>>, vector<1x100000xf32>
    %add3A = arith.addf %broadcast_in_dim3A, %get3A_5 : vector<1x100000xf32>
    %get3A_6 = arith.constant 0 : index
    %get3A_7 = arith.constant 0 : index
    %get3A_8 = vector.load %arg2[%get3A_6, %get3A_7] : memref<1x100000xf32, #tpu.memory_space<vmem>>, vector<1x100000xf32>
    %mul3A = arith.mulf %add3A, %get3A_8 : vector<1x100000xf32>
    %get3A_9 = arith.constant 0 : index
    %get3A_10 = arith.constant 0 : index
    %get3A_11 = vector.load %arg3[%get3A_9, %get3A_10] : memref<1x1xf32, #tpu.memory_space<vmem>>, vector<1x1xf32>
    %add3A_12 = vector.broadcast %get3A_11 : vector<1x1xf32> to vector<1x100000xf32>
    %add3A_13 = arith.addf %mul3A, %add3A_12 : vector<1x100000xf32>
    %swap3A = arith.constant 0 : index
    %swap3A_14 = arith.constant 0 : index
    %swap3A_15 = vector.load %arg4[%swap3A, %swap3A_14] : memref<1x100000xf32, #tpu.memory_space<vmem>>, vector<1x100000xf32>
    tpu.vector_store %arg4[%swap3A, %swap3A_14], %add3A_13 {strides = array<i32>} : memref<1x100000xf32, #tpu.memory_space<vmem>>, vector<1x100000xf32>,
    return
  }
}

</mosaic_0001>

<sc_bundles>
// kernel: kernel.12.cloned.1.call-start
scs
__scs_entry_jumppad:
0x0: {  	(pc) =	sbr.rel $0x88, $3  }
0x1: {  	(tag) =	ssettag $0x0;
	lr =	simm.s32 $0x1  }
0x2: {  	[smem:$0x3F9A] =	sst lr;
	_ =	strace $0xD0000000  }
0x3: {  	_ = 	snop  }
0x4: {  	_ = 	snop  }
0x5: {  	_ = 	snop  }
0x6: {  	_ = 	snop  }
0x7: {  	_ = 	snop  }
__scs_overlays_trampoline_lowered:
0x8: {  	[smem:$0x3FA9] =	sst s0  }
0x9: {  	[smem:$0x3FAA] =	sst s1  }
0xa: {  	[smem:$0x3FAB] =	sst s2  }
0xb: {  	[smem:$0x3FAC] =	sst s3  }
0xc: {  	[smem:$0x3FAD] =	sst s4  }
0xd: {  	[smem:$0x3FAE] =	sst s5  }
0xe: {  	[smem:$0x3FAF] =	sst s6  }
0xf: {  	[smem:$0x3FB0] =	sst s7  }
0x10: {  	[smem:$0x3FB1] =	sst s8  }
0x11: {  	[smem:$0x3FB2] =	sst s9;
	s0 =	simm.s32 @!p0 $0x0  }
0x12: {  	s1 =	sld [smem:$0x3F98];
	s0 =	simm.s32 @p0 $0x1  }
0x13: {  	[smem:$0x3FB3] =	sst s0;
	s0 =	simm.s32 @!p1 $0x0  }
0x14: {  	s2 =	sld [smem:$0x3F97];
	s0 =	simm.s32 @p1 $0x1  }
0x15: {  	[smem:$0x3FB4] =	sst s0;
	s0 =	simm.s32 @!p2 $0x0  }
0x16: {  	s3 =	sld [smem:$0x3FDB];
	s0 =	simm.s32 @p2 $0x1  }
0x17: {  	s4 =	simm.s32 $0x1BF5;
	[smem:$0x3FB6] =	sst s0  }
0x18: {  	s0 =	sld [smem:$0x3F99];
	_ =	swait.ge [sflag:s4], $0x0  }
0x19: {  	s7 =	sld [smem:$0x3F9A]  }
0x1a: {  	s8 =	sadd.s32 $0xFFFFE003, lr  }
0x1b: {  	s9 =	sadd.s32 $0xFFFFFEF7, lr;
	s5 =	simm.s32 $0xFFFFFFFF;
	p2 =	slt.u32 s8, $0xFFFFF086  }
0x1c: {  	p1 =	slt.u32 s9, $0xF7A;
	s5 =	simm.s32 @!p2 $0x0  }
0x1d: {  	s5 =	simm.s32 @p1 $0x1;
	p0 =	seq.s32 s7, s2  }
0x1e: {  	s7 =	smul.u32 @!p0 $0xF7A, s2;
	p2 =	seq.s32 @!p0 s5, $0x0  }
0x1f: {  	s9 =	smul.u32 $0xF7A, s1;
	s8 =	simm.s32 @!p0 $0x1BF5;
	p2 =	por !p2, p0  }
0x20: {  	[sflag:s8] =	ssyncset.s32 @!p0 $0xFFFFF086;
	s6 =	sadd.s32 @!p0 s3, s7;
	s7 =	simm.s32 @!p0 $0x108  }
0x21: {  	s3 =	sadd.s32 s3, s9;
	s6 =	sadd.s32 @!p0 $0x88, s6;
	s7 =	simm.s32 @p2 $0x1082  }
0x22: {  	[simem:s7], [sflag:s8] =	dma.local @!p0 [hbm:s6], $0xF7A  }
0x23: {  	s9 =	sor.u32 $0xD0000000, s2;
	s6 =	simm.s32 $0x108;
	_ =	swait.ge @!p0 [sflag:s8], $0x0  }
0x24: {  	s3 =	sadd.s32 $0x88, s3;
	s6 =	simm.s32 @!p1 $0x1082;
	[sflag:s4] =	ssyncset.s32 $0xFFFFF086  }
0x25: {  	[simem:s6], [sflag:s4] =	dma.local [hbm:s3], $0xF7A  }
0x26: {  	[smem:$0x3F9A] =	sst s1;
	(tag) =	ssettag s2;
	_ =	strace s9  }
0x27: {  	s1 =	sld [smem:$0x3FAA]  }
0x28: {  	s2 =	sld [smem:$0x3FAB]  }
0x29: {  	s4 =	sld [smem:$0x3FAD]  }
0x2a: {  	p0 =	seq.s32 s5, $0x0;
	s5 =	sld [smem:$0x3FAE]  }
0x2b: {  	s6 =	sld [smem:$0x3FAF]  }
0x2c: {  	s7 =	sld [smem:$0x3FB0]  }
0x2d: {  	s3 =	simm.s32 $0x108;
	s8 =	sld [smem:$0x3FB1]  }
0x2e: {  	s3 =	simm.s32 @!p0 $0x1082;
	s9 =	sld [smem:$0x3FB2]  }
0x2f: {  	lr =	sadd.s32 s0, s3;
	s0 =	sld [smem:$0x3FA9]  }
0x30: {  	s3 =	sld [smem:$0x3FAC]  }
0x31: {  	[smem:$0x3FB5] =	sst s10  }
0x32: {  	s10 =	sld [smem:$0x3FB3];
	_ =	sdelay $0x3  }
0x33: {  	p0 =	seq.s32 s10, $0x1;
	s10 =	sld [smem:$0x3FB5];
	_ =	sdelay $0x3  }
0x34: {  	[smem:$0x3FB5] =	sst s10  }
0x35: {  	s10 =	sld [smem:$0x3FB4];
	_ =	sdelay $0x3  }
0x36: {  	p1 =	seq.s32 s10, $0x1;
	s10 =	sld [smem:$0x3FB5];
	_ =	sdelay $0x3  }
0x37: {  	[smem:$0x3FB5] =	sst s10  }
0x38: {  	s10 =	sld [smem:$0x3FB6]  }
0x39: {  	_ = 	snop;
	(pc) =	sbr.ind lr, $3  }
0x3a: {  	_ = 	snop  }
0x3b: {  	_ = 	snop  }
0x3c: {  	p2 =	seq.s32 s10, $0x1;
	s10 =	sld [smem:$0x3FB5]  }
0x3d: {  	_ =	shalt  }
0x3e: {  	_ =	shalt  }
0x3f: {  	_ =	shalt  }
0x40: {  	_ =	shalt  }
0x41: {  	_ =	shalt  }
0x42: {  	_ =	shalt  }
0x43: {  	_ =	shalt  }
0x44: {  	_ =	shalt  }
0x45: {  	_ =	shalt  }
0x46: {  	_ =	shalt  }
0x47: {  	_ =	shalt  }
0x48: {  	_ =	shalt  }
0x49: {  	_ =	shalt  }
0x4a: {  	_ =	shalt  }
0x4b: {  	_ =	shalt  }
0x4c: {  	_ =	shalt  }
0x4d: {  	_ =	shalt  }
0x4e: {  	_ =	shalt  }
0x4f: {  	_ =	shalt  }
0x50: {  	_ =	shalt  }
0x51: {  	_ =	shalt  }
0x52: {  	_ =	shalt  }
0x53: {  	_ =	shalt  }
0x54: {  	_ =	shalt  }
0x55: {  	_ =	shalt  }
0x56: {  	_ =	shalt  }
0x57: {  	_ =	shalt  }
0x58: {  	_ =	shalt  }
0x59: {  	_ =	shalt  }
0x5a: {  	_ =	shalt  }
0x5b: {  	_ =	shalt  }
0x5c: {  	_ =	shalt  }
0x5d: {  	_ =	shalt  }
0x5e: {  	_ =	shalt  }
0x5f: {  	_ =	shalt  }
0x60: {  	_ =	shalt  }
0x61: {  	_ =	shalt  }
0x62: {  	_ =	shalt  }
0x63: {  	_ =	shalt  }
0x64: {  	_ =	shalt  }
0x65: {  	_ =	shalt  }
0x66: {  	_ =	shalt  }
0x67: {  	_ =	shalt  }
0x68: {  	_ =	shalt  }
0x69: {  	_ =	shalt  }
0x6a: {  	_ =	shalt  }
0x6b: {  	_ =	shalt  }
0x6c: {  	_ =	shalt  }
0x6d: {  	_ =	shalt  }
0x6e: {  	_ =	shalt  }
0x6f: {  	_ =	shalt  }
0x70: {  	_ =	shalt  }
0x71: {  	_ =	shalt  }
0x72: {  	_ =	shalt  }
0x73: {  	_ =	shalt  }
0x74: {  	_ =	shalt  }
0x75: {  	_ =	shalt  }
0x76: {  	_ =	shalt  }
0x77: {  	_ =	shalt  }
0x78: {  	_ =	shalt  }
0x79: {  	_ =	shalt  }
0x7a: {  	_ =	shalt  }
0x7b: {  	_ =	shalt  }
0x7c: {  	_ =	shalt  }
0x7d: {  	_ =	shalt  }
0x7e: {  	_ =	shalt  }
0x7f: {  	_ =	shalt  }
0x80: {  	_ =	shalt  }
0x81: {  	_ =	shalt  }
0x82: {  	_ =	shalt  }
0x83: {  	_ =	shalt  }
0x84: {  	_ =	shalt  }
0x85: {  	_ =	shalt  }
0x86: {  	_ =	shalt  }
0x87: {  	_ =	shalt  }
.Lfunc_end0:
.L_simem_size_0:
called_computation.1_lowered:
.L_overlay_start_0:
0x88: {  	s2 =	sld [smem:$0x3FD9]  }
0x89: {  	s3 =	sld [smem:$0x3FFE];
	_ =	sdelay $0x1  }
0x8a: {  	s1 =	srdreg.scid  }
0x8b: {  	s0 =	sand.u32 $0x1, s1  }
0x8c: {  	s16 =	sshll.u32 s0, $0xA;
	s2 =	sadd.s32 s3, s2  }
0x8d: {  	s2 =	sadd.s32 s2, s16  }
0x8e: {  	[smem:$0x3FC1] =	sst s2  }
0x8f: {  	_ = 	snop  }
0x90: {  	(tm) =	ssettm $0x1  }
0x91: {  	s17 =	sld [smem:$0x3FFB];
	_ =	sdelay $0x3  }
0x92: {  	_ =	strace s17  }
0x93: {  	s2 =	sld [smem:$0x3FFC];
	_ =	sdelay $0x3  }
0x94: {  	_ =	strace s2  }
0x95: {  	s2 =	sld [smem:$0x3FFD];
	_ =	sdelay $0x3  }
0x96: {  	_ =	strace s2  }
0x97: {  	_ =	strace $0x8FFFFFFF  }
0x98: {  	s18 =	sld [smem:$0x3FDB];
	_ =	sdelay $0x1  }
0x99: {  	s19 =	simm.s32 $_scs_section_size  }
0x9a: {  	s4 =	simm.s32 $_size__tile_overlayer_lowered;
	s5 =	simm.s32 $_tile_overlayer_lowered  }
0x9b: {  	s22 =	simm.s32 $0x1BFF;
	s21 =	sshll.u32 s5, $0x1;
	s2 =	sadd.s32 s19, s18  }
0x9c: {  	s6 =	simm.s32 $0x0;
	s20 =	sshll.u32 s4, $0x1;
	s4 =	sadd.s32 s21, s2  }
0x9d: {  	[timem:s6], [sflag:s22] =	dma.local [hbm:s4], s20  }
0x9e: {  	_ =	swait.ge [sflag:s22], s20  }
0x9f: {  	s3 =	ssub.s32 $0x0, s20;
	[sflag:s22] =	ssyncset.done $0x0  }
0xa0: {  	[sflag:s22] =	ssyncadd.s32 s3;
	_ =	sdelay $0x1  }
0xa1: {  	s23 =	simm.s32 $0x1B8B  }
0xa2: {  	_ =	swait.ge [sflag:s23], $0x1  }
0xa3: {  	[sflag:s23] =	ssyncset.done $0x0  }
0xa4: {  	s25 =	simm.s32 $0x1B8E;
	s24 =	sld [smem:$0x3FFE];
	[sflag:s23] =	ssyncadd.s32 $0xFFFFFFFF  }
0xa5: {  	s26 =	simm.s32 $execute0_lowered;
	[smem:$0x3FD2] =	sst s25  }
0xa6: {  	s4 =	sshll.u32 s26, $0x1;
	_ =	strace $0x80000049;
	[dreg:$0x1] =	wrdreg $0xFFFFFFFF  }
0xa7: {  	s28 =	simm.s32 $_size_execute0_lowered;
	s2 =	sadd.s32 s2, s4;
	[dreg:$0x0] =	wrdreg $0x0  }
0xa8: {  	s4 =	sshll.u32 s28, $0x1;
	[dreg:$0x2] =	wrdreg s2  }
0xa9: {  	[dreg:$0x3] =	wrdreg s4  }
0xaa: {  	[dreg:$0x4] =	wrdreg $0xC0  }
0xab: {  	_ =	task [dreg:s6], $0x5FFFF  }
0xac: {  	[dreg:$0x1] =	wrdreg $0xFFFFFFFF  }
0xad: {  	[dreg:$0x0] =	wrdreg $0x60  }
0xae: {  	[dreg:$0x2] =	wrdreg s24  }
0xaf: {  	[dreg:$0x3] =	wrdreg $0xB0000  }
0xb0: {  	[dreg:$0x4] =	wrdreg $0x9  }
0xb1: {  	_ =	task.clear_ibuf [dreg:s6], $0x5FFFF;
	_ =	strace $0x90000049  }
0xb2: {  	s29 =	simm.s32 $0x9;
	_ =	strace $0x8000004B  }
0xb3: {  	_ =	swait.ge [sflag:s29], $0x1  }
0xb4: {  	[sflag:s29] =	ssyncadd.s32 $0xFFFFFFFF  }
0xb5: {  	_ =	strace $0x9000004B  }
0xb6: {  	_ =	sfence  }
0xb7: {  	s30 =	sld [smem:$0x0];
	_ =	sdelay $0x2  }
0xb8: {  	s31 =	sshll.u32 s1, $0xD;
	s1 =	sshrl.u32 s1, $0x2  }
0xb9: {  	s3 =	sand.u32 $0x4000, s31;
	s1 =	sadd.s32 s1, s30  }
0xba: {  	s0 =	sor.u32 s3, s0;
	s1 =	sshll.u32 s1, $0x11  }
0xbb: {  	s0 =	sor.u32 s1, s0  }
0xbc: {  	s0 =	sadd.s32 $0x8F2B, s0  }
0xbd: {  	[sflag:s0] =	ssyncadd.remote.s32 $0x1  }
0xbe: {  	_ =	sfence.sel $0xFFFF  }
0xbf: {  	[dreg:$0x0] =	wrdreg $0xFFFFFFFF;
	(pc) =	sbr.abs _section_cstart, $3  }
0xc0: {  	[dreg:$0x1] =	wrdreg $0xFFFFFFFF  }
0xc1: {  	_ =	task.clear_ibuf [dreg:s6], $0x2FFFF;
	_ =	strace $0x9FFFFFFF  }
0xc2: {  	(tm) =	ssettm $0x7FFFFFFF  }
0xc3: {  	_ =	shalt  }
tec
execute0_lowered:
.L_overlay_start_1:
0x0: {  	(tag) =	ssettag $0x1  }
0x1: {  	s0 =	rddreg [dreg:$0x0]  }
0x2: {  	s1 =	rddreg [dreg:$0x1]  }
0x3: {  	s2 =	simm.s32 $0x0;
	s13 =	stileid.u32;
	s3 =	srdreg.scid  }
0x4: {  	s30 =	simm.s32 $0x3400;
	s29 =	simm.s32 $0x8400;
	s31 =	simm.s32 $0x8800  }
0x5: {  	s16 =	simm.s32 $0x9C00;
	s28 =	simm.s32 $0xA800;
	s15 =	simm.s32 $0x0  }
0x6: {  	[smem:$0x7FF] =	sst s2;
	s4 =	sadd.s32 $0x24D000, s0;
	s5 =	sadd.s32 $0x189000, s0  }
0x7: {  	s17 =	smul.u32 $0xC380, s13;
	s6 =	sadd.s32 $0xC5000, s0;
	s7 =	sadd.s32 $0x1A00, s0  }
0x8: {  	s3 =	sand.u32 $0x1, s3;
	s10 =	sshll.u32 s13, $0x1;
	s12 =	sadd.s32 $0x32A00, s0  }
0x9: {  	p0 =	seq.s32 s13, $0xF;
	_ =	strace $0x8000004A;
	s9 =	ssub.s32 $0x2, s3  }
0xa: {  	s10 =	sor.u32 s3, s10;
	s20 =	smul.u32 $0xC3500, s3;
	s8 =	sshrl.u32 s17, $0x3  }
0xb: {  	s11 =	sshrl.u32 s9, $0x1;
	s18 =	smul.u32 $0x6200, s10;
	s14 =	sadd.s32 s17, s1  }
0xc: {  	s19 =	smul.u32 $0x31000, s10;
	s10 =	sadd.s32 $0xB7480, s1;
	s8 =	sadd.s32 s8, s0  }
0xd: {  	s9 =	ssub.s32 s9, s11;
	[dreg:$0x3] =	wrdreg s14;
	s0 =	sadd.s32 $0x31090, s0  }
0xe: {  	s2 =	sadd.s32 s17, s20;
	s14 =	sshrl.u32 @p0 s10, $0x3;
	s11 =	simm.s32 $0x3  }
0xf: {  	s17 =	simm.s32 $0x7000;
	s10 =	simm.s32 $0x9400;
	[dreg:$0x5] =	wrdreg s0  }
0x10: {  	s8 =	sadd.s32 $0x1A200, s8;
	s21 =	sadd.s32 s4, s18;
	[dreg:$0xe] =	wrdreg s14  }
0x11: {  	s22 =	sadd.s32 s5, s18;
	s23 =	sadd.s32 s6, s18;
	[dreg:$0x4] =	wrdreg s8  }
0x12: {  	s24 =	sor.u32 $0x800, s19;
	s0 =	sshrl.u32 s20, $0x3;
	[dreg:$0x6] =	wrdreg s21  }
0x13: {  	s25 =	sadd.s32 $0x1000, s19;
	s2 =	sshrl.u32 s2, $0x3;
	[dreg:$0x7] =	wrdreg s22  }
0x14: {  	s26 =	smax.u32 s9, $0x1;
	s20 =	simm.s32 $0x1800;
	[dreg:$0x8] =	wrdreg s23  }
0x15: {  	s18 =	simm.s32 $0xA000;
	s19 =	simm.s32 $0xA400;
	[dreg:$0x9] =	wrdreg s24  }
0x16: {  	[dreg:$0xa] =	wrdreg s25;
	s0 =	sadd.s32 s12, s0;
	s2 =	sadd.s32 s12, s2  }
0x17: {  	[dreg:$0xd] =	wrdreg s26;
	s23 =	simm.s32 $0x1;
	s24 =	simm.s32 $0x80  }
0x18: {  	s25 =	simm.s32 $0x3000;
	s22 =	simm.s32 $0x2;
	s0 =	sadd.s32 $0x16E90, s0  }
0x19: {  	s8 =	simm.s32 $0x9000;
	[dreg:$0xc] =	wrdreg s0;
	s0 =	sshll.u32 @!p0 s13, $0x6  }
0x1a: {  	v0 =	vlaneseq.u32;
	s12 =	simm.s32 $0x9800;
	[dreg:$0xb] =	wrdreg s2;
	s13 =	sor.u32 @!p0 $0x1C04, s0  }
0x1b: {  	v0 =	vmul.u32 $0x8, v0;
	s2 =	simm.s32 $0x8C00;
	s0 =	simm.s32 $0xAC00;
	[dreg:$0xf] =	wrdreg s13  }
.LBB2_1:
0x1c: {  	[dreg:$0x10] =	wrdreg s15  }
0x1d: {  	s3 =	simm.s32 @p0 $0x1FC4;
	s9 =	rddreg [dreg:$0x5]  }
0x1e: {  	[spmem:s14], [sflag:s3] =	dma.local @p0 [hbm:s9], $0x1810  }
0x1f: {  	s3 =	simm.s32 @p0 $0x4  }
0x20: {  	_ =	swait.ge @p0 [sflag:s3], $0x1810  }
0x21: {  	[sflag:s3] =	ssyncset.done @p0 $0x0  }
0x22: {  	[sflag:s3] =	ssyncadd.s32 @p0 $0xFFFFE7F0;
	s3 =	rddreg [dreg:$0x3]  }
0x23: {  	s9 =	sshrl.u32 @!p0 s3, $0x3;
	s3 =	rddreg [dreg:$0x4]  }
0x24: {  	[dreg:$0x11] =	wrdreg s9  }
0x25: {  	[spmem:s9], [sflag:s13] =	dma.local @!p0 [hbm:s3], $0x1870  }
0x26: {  	s3 =	simm.s32 @!p0 $0x4  }
0x27: {  	_ =	swait.ge @!p0 [sflag:s3], $0x1870  }
0x28: {  	[sflag:s3] =	ssyncset.done @!p0 $0x0  }
0x29: {  	[sflag:s3] =	ssyncadd.s32 @!p0 $0xFFFFE790  }
0x2a: {  	[bflag:$0x0] =	sbarrier.arrive $0xFFFF  }
0x2b: {  	s3 =	simm.s32 $0x0;
	s13 =	rddreg [dreg:$0x6]  }
0x2c: {  	[tilespmem:s3], [sflag:$0x1] =	stream.linear.gather [hbm4b:s13+s3], $0x800, $0x38;
	[tilespmem:$0x17350] =	vst v63  }
0x2d: {  	s15 =	simm.s32 $0x1000;
	s14 =	rddreg [dreg:$0x7]  }
0x2e: {  	[tilespmem:s15], [sflag:$0x1] =	stream.linear.gather [hbm4b:s14+s3], $0x800, $0x38;
	[tilespmem:$0x17350] =	vst v63  }
0x2f: {  	s26 =	simm.s32 $0x2000;
	s9 =	simm.s32 $0x0;
	s21 =	rddreg [dreg:$0x8]  }
0x30: {  	[tilespmem:s26], [sflag:$0x1] =	stream.linear.gather [hbm4b:s21+s3], $0x800, $0x38;
	[tilespmem:$0x17350] =	vst v63  }
.LBB2_2:
0x31: {  	_ =	swait.ge [sflag:s23], $0x800  }
0x32: {  	[sflag:s23] =	ssyncset.done $0x0  }
0x33: {  	[sflag:s23] =	ssyncadd.s32 $0xFFFFF800  }
0x34: {  	_ =	swait.ge [sflag:s23], $0x800  }
0x35: {  	[sflag:s23] =	ssyncset.done $0x0  }
0x36: {  	[sflag:s23] =	ssyncadd.s32 $0xFFFFF800  }
0x37: {  	_ =	swait.ge [sflag:s23], $0x800  }
0x38: {  	[sflag:s23] =	ssyncset.done $0x0  }
0x39: {  	s21 =	simm.s32 $0x0;
	[sflag:s23] =	ssyncadd.s32 $0xFFFFF800  }
0x3a: {  	[tilespmem:s25], [sflag:$0x2] =	stream.indirect.gather [hbm4b:s7+s24], $0x8, s21, s24, $0xb8;
	[tilespmem:$0x17350] =	vst v63  }
0x3b: {  	_ = 	snop  }
0x3c: {  	[tilespmem:s30], [sflag:$0x2] =	stream.indirect.gather [hbm4b:s7+s24], $0x8, s24, s24, $0xb8;
	[tilespmem:$0x17350] =	vst v63  }
0x3d: {  	s3 =	simm.s32 $0x100;
	s13 =	simm.s32 $0x3800  }
0x3e: {  	[tilespmem:s13], [sflag:$0x2] =	stream.indirect.gather [hbm4b:s7+s24], $0x8, s3, s24, $0xb8;
	[tilespmem:$0x17350] =	vst v63  }
0x3f: {  	s26 =	simm.s32 $0x180;
	s30 =	simm.s32 $0x3C00  }
0x40: {  	[tilespmem:s30], [sflag:$0x2] =	stream.indirect.gather [hbm4b:s7+s24], $0x8, s26, s24, $0xb8;
	[tilespmem:$0x17350] =	vst v63  }
0x41: {  	s14 =	simm.s32 $0x200;
	s15 =	simm.s32 $0x4000  }
0x42: {  	[tilespmem:s15], [sflag:$0x2] =	stream.indirect.gather [hbm4b:s7+s24], $0x8, s14, s24, $0xb8;
	[tilespmem:$0x17350] =	vst v63  }
0x43: {  	s26 =	simm.s32 $0x280;
	s30 =	simm.s32 $0x4400  }
0x44: {  	[tilespmem:s30], [sflag:$0x2] =	stream.indirect.gather [hbm4b:s7+s24], $0x8, s26, s24, $0xb8;
	[tilespmem:$0x17350] =	vst v63  }
0x45: {  	s14 =	simm.s32 $0x300;
	s15 =	simm.s32 $0x4800  }
0x46: {  	[tilespmem:s15], [sflag:$0x2] =	stream.indirect.gather [hbm4b:s7+s24], $0x8, s14, s24, $0xb8;
	[tilespmem:$0x17350] =	vst v63  }
0x47: {  	s26 =	simm.s32 $0x380;
	s30 =	simm.s32 $0x4C00  }
0x48: {  	[tilespmem:s30], [sflag:$0x2] =	stream.indirect.gather [hbm4b:s7+s24], $0x8, s26, s24, $0xb8;
	[tilespmem:$0x17350] =	vst v63  }
0x49: {  	s14 =	simm.s32 $0x400;
	s15 =	simm.s32 $0x5000  }
0x4a: {  	[tilespmem:s15], [sflag:$0x2] =	stream.indirect.gather [hbm4b:s7+s24], $0x8, s14, s24, $0xb8;
	[tilespmem:$0x17350] =	vst v63  }
0x4b: {  	s26 =	simm.s32 $0x480;
	s30 =	simm.s32 $0x5400  }
0x4c: {  	[tilespmem:s30], [sflag:$0x2] =	stream.indirect.gather [hbm4b:s7+s24], $0x8, s26, s24, $0xb8;
	[tilespmem:$0x17350] =	vst v63  }
0x4d: {  	s14 =	simm.s32 $0x500;
	s15 =	simm.s32 $0x5800  }
0x4e: {  	[tilespmem:s15], [sflag:$0x2] =	stream.indirect.gather [hbm4b:s7+s24], $0x8, s14, s24, $0xb8;
	[tilespmem:$0x17350] =	vst v63  }
0x4f: {  	s26 =	simm.s32 $0x580;
	s30 =	simm.s32 $0x5C00  }
0x50: {  	[tilespmem:s30], [sflag:$0x2] =	stream.indirect.gather [hbm4b:s7+s24], $0x8, s26, s24, $0xb8;
	[tilespmem:$0x17350] =	vst v63  }
0x51: {  	s14 =	simm.s32 $0x600;
	s15 =	simm.s32 $0x6000  }
0x52: {  	[tilespmem:s15], [sflag:$0x2] =	stream.indirect.gather [hbm4b:s7+s24], $0x8, s14, s24, $0xb8;
	[tilespmem:$0x17350] =	vst v63  }
0x53: {  	s26 =	simm.s32 $0x680;
	s30 =	simm.s32 $0x6400  }
0x54: {  	[tilespmem:s30], [sflag:$0x2] =	stream.indirect.gather [hbm4b:s7+s24], $0x8, s26, s24, $0xb8;
	[tilespmem:$0x17350] =	vst v63  }
0x55: {  	s13 =	simm.s32 $0x700;
	s14 =	simm.s32 $0x6800  }
0x56: {  	[tilespmem:s14], [sflag:$0x2] =	stream.indirect.gather [hbm4b:s7+s24], $0x8, s13, s24, $0xb8;
	[tilespmem:$0x17350] =	vst v63  }
0x57: {  	s26 =	rddreg [dreg:$0x9];
	s13 =	sshll.u32 s9, $0xC  }
0x58: {  	s15 =	simm.s32 $0x780;
	s14 =	simm.s32 $0x6C00;
	s3 =	sadd.s32 s13, s26  }
0x59: {  	[tilespmem:s14], [sflag:$0x2] =	stream.indirect.gather [hbm4b:s7+s24], $0x8, s15, s24, $0xb8;
	[tilespmem:$0x17350] =	vst v63  }
0x5a: {  	s3 =	sshrl.u32 s3, $0x3  }
0x5b: {  	s15 =	simm.s32 $0x800;
	s30 =	sadd.s32 s4, s3  }
0x5c: {  	[tilespmem:s15], [sflag:$0x1] =	stream.linear.gather [hbm4b:s30+s21], $0x800, $0x38;
	[tilespmem:$0x17350] =	vst v63  }
0x5d: {  	s26 =	sadd.s32 s5, s3  }
0x5e: {  	[tilespmem:s20], [sflag:$0x1] =	stream.linear.gather [hbm4b:s26+s21], $0x800, $0x38;
	[tilespmem:$0x17350] =	vst v63  }
0x5f: {  	s3 =	sadd.s32 s6, s3;
	s30 =	simm.s32 $0x2800  }
0x60: {  	[tilespmem:s30], [sflag:$0x1] =	stream.linear.gather [hbm4b:s3+s21], $0x800, $0x38;
	[tilespmem:$0x17350] =	vst v63  }
0x61: {  	_ =	swait.ge [sflag:s22], $0x4000  }
0x62: {  	[sflag:s22] =	ssyncset.done $0x0  }
0x63: {  	s20 =	simm.s32 $0x0;
	s3 =	simm.s32 $0x2000;
	[sflag:s22] =	ssyncadd.s32 $0xFFFFC000  }
.LBB2_3:
0x64: {  	v2 =	vmov s21  }
0x65: {  	v1 =	vmov s3;
	v2 =	vshll.u32 v2, $0x3  }
0x66: {  	v2 =	vor.u32 v0, v2;
	_ =	sdelay $0x2  }
0x67: {  	s14 =	simm.s32 $0x0  }
0x68: {  	v4 =	vld.idx.msk [tilespmem:v1+s14+$0x0 ss:$0x1], $0xffff  }
0x69: {  	v3 =	vld.idx.msk [tilespmem:v2+s25+$0x0], $0xffff;
	_ =	sdelay $0x2  }
0x6a: {  	v5 =	vor.u32 $0x1, v2;
	_ =	sdelay $0x1  }
0x6b: {  	v3 =	vmul.f32 v3, v4;
	_ =	sdelay $0x1  }
0x6c: {  	[tilespmem:v2+s25+$0x0] =	vst.idx.msk $0xffff, v3  }
0x6d: {  	v3 =	vld.idx.msk [tilespmem:v5+s25+$0x0], $0xffff;
	_ =	sdelay $0x2  }
0x6e: {  	v6 =	vor.u32 $0x2, v2;
	_ =	sdelay $0x1  }
0x6f: {  	v3 =	vmul.f32 v3, v4;
	_ =	sdelay $0x1  }
0x70: {  	[tilespmem:v5+s25+$0x0] =	vst.idx.msk $0xffff, v3  }
0x71: {  	v3 =	vld.idx.msk [tilespmem:v6+s25+$0x0], $0xffff;
	_ =	sdelay $0x2  }
0x72: {  	v5 =	vor.u32 $0x3, v2;
	_ =	sdelay $0x1  }
0x73: {  	v3 =	vmul.f32 v3, v4;
	_ =	sdelay $0x1  }
0x74: {  	[tilespmem:v6+s25+$0x0] =	vst.idx.msk $0xffff, v3  }
0x75: {  	v3 =	vld.idx.msk [tilespmem:v5+s25+$0x0], $0xffff;
	_ =	sdelay $0x2  }
0x76: {  	v6 =	vor.u32 $0x4, v2;
	_ =	sdelay $0x1  }
0x77: {  	v3 =	vmul.f32 v3, v4;
	_ =	sdelay $0x1  }
0x78: {  	[tilespmem:v5+s25+$0x0] =	vst.idx.msk $0xffff, v3  }
0x79: {  	v3 =	vld.idx.msk [tilespmem:v6+s25+$0x0], $0xffff;
	_ =	sdelay $0x2  }
0x7a: {  	v5 =	vor.u32 $0x5, v2;
	_ =	sdelay $0x1  }
0x7b: {  	v3 =	vmul.f32 v3, v4;
	_ =	sdelay $0x1  }
0x7c: {  	[tilespmem:v6+s25+$0x0] =	vst.idx.msk $0xffff, v3  }
0x7d: {  	v3 =	vld.idx.msk [tilespmem:v5+s25+$0x0], $0xffff;
	_ =	sdelay $0x2  }
0x7e: {  	v6 =	vor.u32 $0x6, v2;
	_ =	sdelay $0x1  }
0x7f: {  	v3 =	vmul.f32 v3, v4;
	_ =	sdelay $0x1  }
0x80: {  	[tilespmem:v5+s25+$0x0] =	vst.idx.msk $0xffff, v3  }
0x81: {  	v5 =	vld.idx.msk [tilespmem:v6+s25+$0x0], $0xffff;
	_ =	sdelay $0x2  }
0x82: {  	v3 =	vor.u32 $0x7, v2;
	_ =	sdelay $0x1  }
0x83: {  	v2 =	vmul.f32 v5, v4;
	_ =	sdelay $0x1  }
0x84: {  	[tilespmem:v6+s25+$0x0] =	vst.idx.msk $0xffff, v2  }
0x85: {  	v5 =	vld.idx.msk [tilespmem:v3+s25+$0x0], $0xffff  }
0x86: {  	s30 =	sadd.s32 $0x10, s21  }
0x87: {  	v2 =	vmov s30  }
0x88: {  	v2 =	vshll.u32 v2, $0x3  }
0x89: {  	v2 =	vor.u32 v0, v2  }
0x8a: {  	s15 =	simm.s32 $0x80;
	s14 =	simm.s32 $0x10;
	v4 =	vmul.f32 v5, v4  }
.LBB2_4:
0x8b: {  	_ = 	snop  }
0x8c: {  	s26 =	sshra.s32 s15, $0x2;
	p1 =	sne.s32 s15, $0x1C0;
	s15 =	sadd.s32 $0x40, s15;
	[tilespmem:v3+s25+$0x0] =	vst.idx.msk $0xffff, v4  }
0x8d: {  	v4 =	vld.idx.msk [tilespmem:v1+s14+$0x0 ss:$0x1], $0xffff;
	s14 =	smov.u32 s26  }
0x8e: {  	v3 =	vld.idx.msk [tilespmem:v2+s25+$0x0], $0xffff;
	_ =	sdelay $0x3  }
0x8f: {  	v5 =	vor.u32 $0x1, v2;
	_ =	sdelay $0x1  }
0x90: {  	v3 =	vmul.f32 v3, v4;
	_ =	sdelay $0x1  }
0x91: {  	[tilespmem:v2+s25+$0x0] =	vst.idx.msk $0xffff, v3  }
0x92: {  	v3 =	vld.idx.msk [tilespmem:v5+s25+$0x0], $0xffff;
	_ =	sdelay $0x3  }
0x93: {  	v6 =	vor.u32 $0x2, v2;
	_ =	sdelay $0x1  }
0x94: {  	v3 =	vmul.f32 v3, v4;
	_ =	sdelay $0x1  }
0x95: {  	[tilespmem:v5+s25+$0x0] =	vst.idx.msk $0xffff, v3  }
0x96: {  	v3 =	vld.idx.msk [tilespmem:v6+s25+$0x0], $0xffff;
	_ =	sdelay $0x3  }
0x97: {  	v5 =	vor.u32 $0x3, v2;
	_ =	sdelay $0x1  }
0x98: {  	v3 =	vmul.f32 v3, v4;
	_ =	sdelay $0x1  }
0x99: {  	[tilespmem:v6+s25+$0x0] =	vst.idx.msk $0xffff, v3  }
0x9a: {  	v3 =	vld.idx.msk [tilespmem:v5+s25+$0x0], $0xffff;
	_ =	sdelay $0x3  }
0x9b: {  	v6 =	vor.u32 $0x4, v2;
	_ =	sdelay $0x1  }
0x9c: {  	v3 =	vmul.f32 v3, v4;
	_ =	sdelay $0x1  }
0x9d: {  	[tilespmem:v5+s25+$0x0] =	vst.idx.msk $0xffff, v3  }
0x9e: {  	v3 =	vld.idx.msk [tilespmem:v6+s25+$0x0], $0xffff;
	_ =	sdelay $0x3  }
0x9f: {  	v5 =	vor.u32 $0x5, v2;
	_ =	sdelay $0x1  }
0xa0: {  	v3 =	vmul.f32 v3, v4;
	_ =	sdelay $0x1  }
0xa1: {  	[tilespmem:v6+s25+$0x0] =	vst.idx.msk $0xffff, v3  }
0xa2: {  	v3 =	vld.idx.msk [tilespmem:v5+s25+$0x0], $0xffff;
	_ =	sdelay $0x3  }
0xa3: {  	v6 =	vor.u32 $0x6, v2;
	_ =	sdelay $0x1  }
0xa4: {  	v3 =	vmul.f32 v3, v4;
	_ =	sdelay $0x1  }
0xa5: {  	[tilespmem:v5+s25+$0x0] =	vst.idx.msk $0xffff, v3  }
0xa6: {  	v5 =	vld.idx.msk [tilespmem:v6+s25+$0x0], $0xffff;
	_ =	sdelay $0x3  }
0xa7: {  	v3 =	vor.u32 $0x7, v2;
	_ =	sdelay $0x1  }
0xa8: {  	v2 =	vmul.f32 v5, v4;
	_ =	sdelay $0x1  }
0xa9: {  	[tilespmem:v6+s25+$0x0] =	vst.idx.msk $0xffff, v2  }
0xaa: {  	v5 =	vld.idx.msk [tilespmem:v3+s25+$0x0], $0xffff;
	_ =	sdelay $0x1  }
.Ltmp0:
0xab: {  	s30 =	sadd.s32 $0x10, s30;
	(pc) =	sbr.rel @p1 .LBB2_4-.Ltmp0, $4  }
0xac: {  	v2 =	vmov s30  }
0xad: {  	v2 =	vshll.u32 v2, $0x3  }
0xae: {  	v2 =	vor.u32 v0, v2  }
0xaf: {  	v4 =	vmul.f32 v5, v4  }
0xb0: {  	_ =	sdelay $0x3  }
0xb1: {  	[tilespmem:v3+s25+$0x0] =	vst.idx.msk $0xffff, v4  }
0xb2: {  	v1 =	vld.idx.msk [tilespmem:v1+s14+$0x0 ss:$0x1], $0xffff  }
0xb3: {  	v3 =	vld.idx.msk [tilespmem:v2+s25+$0x0], $0xffff;
	_ =	sdelay $0x2  }
0xb4: {  	v59 =	vor.u32 $0x1, v2;
	_ =	sdelay $0x1  }
0xb5: {  	v3 =	vmul.f32 v3, v1;
	_ =	sdelay $0x1  }
0xb6: {  	[tilespmem:v2+s25+$0x0] =	vst.idx.msk $0xffff, v3  }
0xb7: {  	v3 =	vld.idx.msk [tilespmem:v59+s25+$0x0], $0xffff;
	_ =	sdelay $0x2  }
0xb8: {  	v5 =	vor.u32 $0x2, v2;
	_ =	sdelay $0x1  }
0xb9: {  	v3 =	vmul.f32 v3, v1;
	_ =	sdelay $0x1  }
0xba: {  	[tilespmem:v59+s25+$0x0] =	vst.idx.msk $0xffff, v3  }
0xbb: {  	v3 =	vld.idx.msk [tilespmem:v5+s25+$0x0], $0xffff;
	_ =	sdelay $0x2  }
0xbc: {  	v60 =	vor.u32 $0x3, v2;
	_ =	sdelay $0x1  }
0xbd: {  	v3 =	vmul.f32 v3, v1;
	_ =	sdelay $0x1  }
0xbe: {  	[tilespmem:v5+s25+$0x0] =	vst.idx.msk $0xffff, v3  }
0xbf: {  	v3 =	vld.idx.msk [tilespmem:v60+s25+$0x0], $0xffff;
	_ =	sdelay $0x2  }
0xc0: {  	v61 =	vor.u32 $0x4, v2;
	_ =	sdelay $0x1  }
0xc1: {  	v3 =	vmul.f32 v3, v1;
	_ =	sdelay $0x1  }
0xc2: {  	[tilespmem:v60+s25+$0x0] =	vst.idx.msk $0xffff, v3  }
0xc3: {  	v3 =	vld.idx.msk [tilespmem:v61+s25+$0x0], $0xffff;
	_ =	sdelay $0x2  }
0xc4: {  	v62 =	vor.u32 $0x5, v2;
	_ =	sdelay $0x1  }
0xc5: {  	v3 =	vmul.f32 v3, v1;
	_ =	sdelay $0x1  }
0xc6: {  	[tilespmem:v61+s25+$0x0] =	vst.idx.msk $0xffff, v3  }
0xc7: {  	v3 =	vld.idx.msk [tilespmem:v62+s25+$0x0], $0xffff;
	_ =	sdelay $0x2  }
0xc8: {  	v63 =	vor.u32 $0x6, v2;
	_ =	sdelay $0x1  }
0xc9: {  	v3 =	vmul.f32 v3, v1;
	_ =	sdelay $0x1  }
0xca: {  	[tilespmem:v62+s25+$0x0] =	vst.idx.msk $0xffff, v3  }
0xcb: {  	v3 =	vld.idx.msk [tilespmem:v63+s25+$0x0], $0xffff;
	_ =	sdelay $0x2  }
0xcc: {  	v2 =	vor.u32 $0x7, v2;
	_ =	sdelay $0x1  }
0xcd: {  	v3 =	vmul.f32 v3, v1;
	_ =	sdelay $0x1  }
0xce: {  	[tilespmem:v63+s25+$0x0] =	vst.idx.msk $0xffff, v3  }
0xcf: {  	v3 =	vld.idx.msk [tilespmem:v2+s25+$0x0], $0xffff  }
0xd0: {  	s20 =	sadd.s32 $0x1, s20  }
0xd1: {  	p1 =	sne.s32 s20, $0x10  }
.Ltmp1:
0xd2: {  	_ = 	snop;
	(pc) =	sbr.rel @p1 .LBB2_3-.Ltmp1, $3  }
0xd3: {  	_ = 	snop  }
0xd4: {  	v1 =	vmul.f32 v3, v1;
	_ =	sdelay $0x1  }
0xd5: {  	s21 =	sadd.s32 $0x80, s21;
	s3 =	sadd.s32 $0x80, s3;
	[tilespmem:v2+s25+$0x0] =	vst.idx.msk $0xffff, v1  }
0xd6: {  	s3 =	simm.s32 $0x1000  }
0xd7: {  	[spmem:s1] =	stream.indirect.scatter.add.f32 [tilespmem:s25], [sflag:$0x3], $0x8, s3, s24, $0xb8;
	[tilespmem:$0x17350] =	vst v63  }
0xd8: {  	s30 =	simm.s32 $0x3400;
	s15 =	simm.s32 $0x1080  }
0xd9: {  	[spmem:s1] =	stream.indirect.scatter.add.f32 [tilespmem:s30], [sflag:$0x3], $0x8, s15, s24, $0xb8;
	[tilespmem:$0x17350] =	vst v63  }
0xda: {  	s20 =	simm.s32 $0x3800;
	s14 =	simm.s32 $0x1100  }
0xdb: {  	[spmem:s1] =	stream.indirect.scatter.add.f32 [tilespmem:s20], [sflag:$0x3], $0x8, s14, s24, $0xb8;
	[tilespmem:$0x17350] =	vst v63  }
0xdc: {  	s21 =	simm.s32 $0x3C00;
	s26 =	simm.s32 $0x1180  }
0xdd: {  	[spmem:s1] =	stream.indirect.scatter.add.f32 [tilespmem:s21], [sflag:$0x3], $0x8, s26, s24, $0xb8;
	[tilespmem:$0x17350] =	vst v63  }
0xde: {  	s15 =	simm.s32 $0x4000;
	s20 =	simm.s32 $0x1200  }
0xdf: {  	[spmem:s1] =	stream.indirect.scatter.add.f32 [tilespmem:s15], [sflag:$0x3], $0x8, s20, s24, $0xb8;
	[tilespmem:$0x17350] =	vst v63  }
0xe0: {  	s21 =	simm.s32 $0x4400;
	s26 =	simm.s32 $0x1280  }
0xe1: {  	[spmem:s1] =	stream.indirect.scatter.add.f32 [tilespmem:s21], [sflag:$0x3], $0x8, s26, s24, $0xb8;
	[tilespmem:$0x17350] =	vst v63  }
0xe2: {  	s15 =	simm.s32 $0x4800;
	s20 =	simm.s32 $0x1300  }
0xe3: {  	[spmem:s1] =	stream.indirect.scatter.add.f32 [tilespmem:s15], [sflag:$0x3], $0x8, s20, s24, $0xb8;
	[tilespmem:$0x17350] =	vst v63  }
0xe4: {  	s21 =	simm.s32 $0x4C00;
	s26 =	simm.s32 $0x1380  }
0xe5: {  	[spmem:s1] =	stream.indirect.scatter.add.f32 [tilespmem:s21], [sflag:$0x3], $0x8, s26, s24, $0xb8;
	[tilespmem:$0x17350] =	vst v63  }
0xe6: {  	s15 =	simm.s32 $0x5000;
	s20 =	simm.s32 $0x1400  }
0xe7: {  	[spmem:s1] =	stream.indirect.scatter.add.f32 [tilespmem:s15], [sflag:$0x3], $0x8, s20, s24, $0xb8;
	[tilespmem:$0x17350] =	vst v63  }
0xe8: {  	s21 =	simm.s32 $0x5400;
	s26 =	simm.s32 $0x1480  }
0xe9: {  	[spmem:s1] =	stream.indirect.scatter.add.f32 [tilespmem:s21], [sflag:$0x3], $0x8, s26, s24, $0xb8;
	[tilespmem:$0x17350] =	vst v63  }
0xea: {  	s15 =	simm.s32 $0x5800;
	s20 =	simm.s32 $0x1500  }
0xeb: {  	[spmem:s1] =	stream.indirect.scatter.add.f32 [tilespmem:s15], [sflag:$0x3], $0x8, s20, s24, $0xb8;
	[tilespmem:$0x17350] =	vst v63  }
0xec: {  	s21 =	simm.s32 $0x5C00;
	s26 =	simm.s32 $0x1580  }
0xed: {  	[spmem:s1] =	stream.indirect.scatter.add.f32 [tilespmem:s21], [sflag:$0x3], $0x8, s26, s24, $0xb8;
	[tilespmem:$0x17350] =	vst v63  }
0xee: {  	s15 =	simm.s32 $0x6000;
	s20 =	simm.s32 $0x1600  }
0xef: {  	[spmem:s1] =	stream.indirect.scatter.add.f32 [tilespmem:s15], [sflag:$0x3], $0x8, s20, s24, $0xb8;
	[tilespmem:$0x17350] =	vst v63  }
0xf0: {  	s21 =	simm.s32 $0x6400;
	s26 =	simm.s32 $0x1680  }
0xf1: {  	[spmem:s1] =	stream.indirect.scatter.add.f32 [tilespmem:s21], [sflag:$0x3], $0x8, s26, s24, $0xb8;
	[tilespmem:$0x17350] =	vst v63  }
0xf2: {  	s15 =	simm.s32 $0x6800;
	s20 =	simm.s32 $0x1700  }
0xf3: {  	[spmem:s1] =	stream.indirect.scatter.add.f32 [tilespmem:s15], [sflag:$0x3], $0x8, s20, s24, $0xb8;
	[tilespmem:$0x17350] =	vst v63  }
0xf4: {  	s21 =	simm.s32 $0x6C00;
	s26 =	simm.s32 $0x1780  }
0xf5: {  	[spmem:s1] =	stream.indirect.scatter.add.f32 [tilespmem:s21], [sflag:$0x3], $0x8, s26, s24, $0xb8;
	[tilespmem:$0x17350] =	vst v63  }
0xf6: {  	_ =	swait.ge [sflag:s11], $0x4000  }
0xf7: {  	[sflag:s11] =	ssyncset.done $0x0  }
0xf8: {  	[sflag:s11] =	ssyncadd.s32 $0xFFFFC000  }
0xf9: {  	_ =	swait.ge [sflag:s23], $0x800  }
0xfa: {  	[sflag:s23] =	ssyncset.done $0x0  }
0xfb: {  	[sflag:s23] =	ssyncadd.s32 $0xFFFFF800  }
0xfc: {  	_ =	swait.ge [sflag:s23], $0x800  }
0xfd: {  	[sflag:s23] =	ssyncset.done $0x0  }
0xfe: {  	[sflag:s23] =	ssyncadd.s32 $0xFFFFF800  }
0xff: {  	_ =	swait.ge [sflag:s23], $0x800  }
0x100: {  	[sflag:s23] =	ssyncset.done $0x0  }
0x101: {  	s14 =	simm.s32 $0x800;
	[sflag:s23] =	ssyncadd.s32 $0xFFFFF800  }
0x102: {  	[tilespmem:s17], [sflag:$0x2] =	stream.indirect.gather [hbm4b:s7+s24], $0x8, s14, s24, $0xb8;
	[tilespmem:$0x17350] =	vst v63  }
0x103: {  	s15 =	simm.s32 $0x880;
	s20 =	simm.s32 $0x7400  }
0x104: {  	[tilespmem:s20], [sflag:$0x2] =	stream.indirect.gather [hbm4b:s7+s24], $0x8, s15, s24, $0xb8;
	[tilespmem:$0x17350] =	vst v63  }
0x105: {  	s21 =	simm.s32 $0x900;
	s26 =	simm.s32 $0x7800  }
0x106: {  	[tilespmem:s26], [sflag:$0x2] =	stream.indirect.gather [hbm4b:s7+s24], $0x8, s21, s24, $0xb8;
	[tilespmem:$0x17350] =	vst v63  }
0x107: {  	s14 =	simm.s32 $0x980;
	s15 =	simm.s32 $0x7C00  }
0x108: {  	[tilespmem:s15], [sflag:$0x2] =	stream.indirect.gather [hbm4b:s7+s24], $0x8, s14, s24, $0xb8;
	[tilespmem:$0x17350] =	vst v63  }
0x109: {  	s20 =	simm.s32 $0xA00;
	s21 =	simm.s32 $0x8000  }
0x10a: {  	[tilespmem:s21], [sflag:$0x2] =	stream.indirect.gather [hbm4b:s7+s24], $0x8, s20, s24, $0xb8;
	[tilespmem:$0x17350] =	vst v63  }
0x10b: {  	s26 =	simm.s32 $0xA80  }
0x10c: {  	[tilespmem:s29], [sflag:$0x2] =	stream.indirect.gather [hbm4b:s7+s24], $0x8, s26, s24, $0xb8;
	[tilespmem:$0x17350] =	vst v63  }
0x10d: {  	s14 =	simm.s32 $0xB00  }
0x10e: {  	[tilespmem:s31], [sflag:$0x2] =	stream.indirect.gather [hbm4b:s7+s24], $0x8, s14, s24, $0xb8;
	[tilespmem:$0x17350] =	vst v63  }
0x10f: {  	s15 =	simm.s32 $0xB80  }
0x110: {  	[tilespmem:s2], [sflag:$0x2] =	stream.indirect.gather [hbm4b:s7+s24], $0x8, s15, s24, $0xb8;
	[tilespmem:$0x17350] =	vst v63  }
0x111: {  	s20 =	simm.s32 $0xC00  }
0x112: {  	[tilespmem:s8], [sflag:$0x2] =	stream.indirect.gather [hbm4b:s7+s24], $0x8, s20, s24, $0xb8;
	[tilespmem:$0x17350] =	vst v63  }
0x113: {  	s21 =	simm.s32 $0xC80  }
0x114: {  	[tilespmem:s10], [sflag:$0x2] =	stream.indirect.gather [hbm4b:s7+s24], $0x8, s21, s24, $0xb8;
	[tilespmem:$0x17350] =	vst v63  }
0x115: {  	s26 =	simm.s32 $0xD00  }
0x116: {  	[tilespmem:s12], [sflag:$0x2] =	stream.indirect.gather [hbm4b:s7+s24], $0x8, s26, s24, $0xb8;
	[tilespmem:$0x17350] =	vst v63  }
0x117: {  	s14 =	simm.s32 $0xD80  }
0x118: {  	[tilespmem:s16], [sflag:$0x2] =	stream.indirect.gather [hbm4b:s7+s24], $0x8, s14, s24, $0xb8;
	[tilespmem:$0x17350] =	vst v63  }
0x119: {  	s15 =	simm.s32 $0xE00  }
0x11a: {  	[tilespmem:s18], [sflag:$0x2] =	stream.indirect.gather [hbm4b:s7+s24], $0x8, s15, s24, $0xb8;
	[tilespmem:$0x17350] =	vst v63  }
0x11b: {  	p1 =	seq.s32 s9, $0x30;
	s3 =	rddreg [dreg:$0xa];
	s20 =	simm.s32 $0xE80  }
0x11c: {  	[tilespmem:s19], [sflag:$0x2] =	stream.indirect.gather [hbm4b:s7+s24], $0x8, s20, s24, $0xb8;
	[tilespmem:$0x17350] =	vst v63  }
0x11d: {  	s3 =	sadd.s32 @!p1 s13, s3;
	s21 =	simm.s32 $0xF00  }
0x11e: {  	[tilespmem:s28], [sflag:$0x2] =	stream.indirect.gather [hbm4b:s7+s24], $0x8, s21, s24, $0xb8;
	[tilespmem:$0x17350] =	vst v63  }
0x11f: {  	s3 =	sshrl.u32 @!p1 s3, $0x3;
	s26 =	simm.s32 $0xF80  }
0x120: {  	[tilespmem:s0], [sflag:$0x2] =	stream.indirect.gather [hbm4b:s7+s24], $0x8, s26, s24, $0xb8;
	[tilespmem:$0x17350] =	vst v63  }
0x121: {  	s13 =	sadd.s32 @!p1 s4, s3;
	s14 =	simm.s32 @!p1 $0x0  }
0x122: {  	[tilespmem:s14], [sflag:$0x1] =	stream.linear.gather @!p1 [hbm4b:s13+s14], $0x800, $0x38;
	[tilespmem:$0x17350] =	vst v63  }
0x123: {  	s15 =	simm.s32 @!p1 $0x1000;
	s13 =	sadd.s32 @!p1 s5, s3  }
0x124: {  	[tilespmem:s15], [sflag:$0x1] =	stream.linear.gather @!p1 [hbm4b:s13+s14], $0x800, $0x38;
	[tilespmem:$0x17350] =	vst v63  }
0x125: {  	s3 =	sadd.s32 @!p1 s6, s3;
	s13 =	simm.s32 @!p1 $0x2000  }
0x126: {  	[tilespmem:s13], [sflag:$0x1] =	stream.linear.gather @!p1 [hbm4b:s3+s14], $0x800, $0x38;
	[tilespmem:$0x17350] =	vst v63  }
0x127: {  	_ =	swait.ge [sflag:s22], $0x4000  }
0x128: {  	s20 =	simm.s32 $0x0;
	[sflag:s22] =	ssyncset.done $0x0  }
0x129: {  	s13 =	simm.s32 $0x0;
	s3 =	simm.s32 $0x2800;
	[sflag:s22] =	ssyncadd.s32 $0xFFFFC000  }
.LBB2_7:
0x12a: {  	v2 =	vmov s13  }
0x12b: {  	v1 =	vmov s3;
	v2 =	vshll.u32 v2, $0x3  }
0x12c: {  	v2 =	vor.u32 v0, v2;
	_ =	sdelay $0x2  }
0x12d: {  	s14 =	simm.s32 $0x0  }
0x12e: {  	v4 =	vld.idx.msk [tilespmem:v1+s14+$0x0 ss:$0x1], $0xffff  }
0x12f: {  	v3 =	vld.idx.msk [tilespmem:v2+s17+$0x0], $0xffff;
	_ =	sdelay $0x2  }
0x130: {  	v5 =	vor.u32 $0x1, v2;
	_ =	sdelay $0x1  }
0x131: {  	v3 =	vmul.f32 v3, v4;
	_ =	sdelay $0x1  }
0x132: {  	[tilespmem:v2+s17+$0x0] =	vst.idx.msk $0xffff, v3  }
0x133: {  	v3 =	vld.idx.msk [tilespmem:v5+s17+$0x0], $0xffff;
	_ =	sdelay $0x2  }
0x134: {  	v6 =	vor.u32 $0x2, v2;
	_ =	sdelay $0x1  }
0x135: {  	v3 =	vmul.f32 v3, v4;
	_ =	sdelay $0x1  }
0x136: {  	[tilespmem:v5+s17+$0x0] =	vst.idx.msk $0xffff, v3  }
0x137: {  	v3 =	vld.idx.msk [tilespmem:v6+s17+$0x0], $0xffff;
	_ =	sdelay $0x2  }
0x138: {  	v5 =	vor.u32 $0x3, v2;
	_ =	sdelay $0x1  }
0x139: {  	v3 =	vmul.f32 v3, v4;
	_ =	sdelay $0x1  }
0x13a: {  	[tilespmem:v6+s17+$0x0] =	vst.idx.msk $0xffff, v3  }
0x13b: {  	v3 =	vld.idx.msk [tilespmem:v5+s17+$0x0], $0xffff;
	_ =	sdelay $0x2  }
0x13c: {  	v6 =	vor.u32 $0x4, v2;
	_ =	sdelay $0x1  }
0x13d: {  	v3 =	vmul.f32 v3, v4;
	_ =	sdelay $0x1  }
0x13e: {  	[tilespmem:v5+s17+$0x0] =	vst.idx.msk $0xffff, v3  }
0x13f: {  	v3 =	vld.idx.msk [tilespmem:v6+s17+$0x0], $0xffff;
	_ =	sdelay $0x2  }
0x140: {  	v5 =	vor.u32 $0x5, v2;
	_ =	sdelay $0x1  }
0x141: {  	v3 =	vmul.f32 v3, v4;
	_ =	sdelay $0x1  }
0x142: {  	[tilespmem:v6+s17+$0x0] =	vst.idx.msk $0xffff, v3  }
0x143: {  	v3 =	vld.idx.msk [tilespmem:v5+s17+$0x0], $0xffff;
	_ =	sdelay $0x2  }
0x144: {  	v6 =	vor.u32 $0x6, v2;
	_ =	sdelay $0x1  }
0x145: {  	v3 =	vmul.f32 v3, v4;
	_ =	sdelay $0x1  }
0x146: {  	[tilespmem:v5+s17+$0x0] =	vst.idx.msk $0xffff, v3  }
0x147: {  	v5 =	vld.idx.msk [tilespmem:v6+s17+$0x0], $0xffff;
	_ =	sdelay $0x2  }
0x148: {  	v3 =	vor.u32 $0x7, v2;
	_ =	sdelay $0x1  }
0x149: {  	v2 =	vmul.f32 v5, v4;
	_ =	sdelay $0x1  }
0x14a: {  	[tilespmem:v6+s17+$0x0] =	vst.idx.msk $0xffff, v2  }
0x14b: {  	v5 =	vld.idx.msk [tilespmem:v3+s17+$0x0], $0xffff  }
0x14c: {  	s21 =	sadd.s32 $0x10, s13  }
0x14d: {  	v2 =	vmov s21  }
0x14e: {  	v2 =	vshll.u32 v2, $0x3  }
0x14f: {  	v2 =	vor.u32 v0, v2  }
0x150: {  	s15 =	simm.s32 $0x80;
	s14 =	simm.s32 $0x10;
	v4 =	vmul.f32 v5, v4  }
.LBB2_8:
0x151: {  	_ = 	snop  }
0x152: {  	s26 =	sshra.s32 s15, $0x2;
	p1 =	sne.s32 s15, $0x1C0;
	s15 =	sadd.s32 $0x40, s15;
	[tilespmem:v3+s17+$0x0] =	vst.idx.msk $0xffff, v4  }
0x153: {  	v4 =	vld.idx.msk [tilespmem:v1+s14+$0x0 ss:$0x1], $0xffff;
	s14 =	smov.u32 s26  }
0x154: {  	v3 =	vld.idx.msk [tilespmem:v2+s17+$0x0], $0xffff;
	_ =	sdelay $0x3  }
0x155: {  	v5 =	vor.u32 $0x1, v2;
	_ =	sdelay $0x1  }
0x156: {  	v3 =	vmul.f32 v3, v4;
	_ =	sdelay $0x1  }
0x157: {  	[tilespmem:v2+s17+$0x0] =	vst.idx.msk $0xffff, v3  }
0x158: {  	v3 =	vld.idx.msk [tilespmem:v5+s17+$0x0], $0xffff;
	_ =	sdelay $0x3  }
0x159: {  	v6 =	vor.u32 $0x2, v2;
	_ =	sdelay $0x1  }
0x15a: {  	v3 =	vmul.f32 v3, v4;
	_ =	sdelay $0x1  }
0x15b: {  	[tilespmem:v5+s17+$0x0] =	vst.idx.msk $0xffff, v3  }
0x15c: {  	v3 =	vld.idx.msk [tilespmem:v6+s17+$0x0], $0xffff;
	_ =	sdelay $0x3  }
0x15d: {  	v5 =	vor.u32 $0x3, v2;
	_ =	sdelay $0x1  }
0x15e: {  	v3 =	vmul.f32 v3, v4;
	_ =	sdelay $0x1  }
0x15f: {  	[tilespmem:v6+s17+$0x0] =	vst.idx.msk $0xffff, v3  }
0x160: {  	v3 =	vld.idx.msk [tilespmem:v5+s17+$0x0], $0xffff;
	_ =	sdelay $0x3  }
0x161: {  	v6 =	vor.u32 $0x4, v2;
	_ =	sdelay $0x1  }
0x162: {  	v3 =	vmul.f32 v3, v4;
	_ =	sdelay $0x1  }
0x163: {  	[tilespmem:v5+s17+$0x0] =	vst.idx.msk $0xffff, v3  }
0x164: {  	v3 =	vld.idx.msk [tilespmem:v6+s17+$0x0], $0xffff;
	_ =	sdelay $0x3  }
0x165: {  	v5 =	vor.u32 $0x5, v2;
	_ =	sdelay $0x1  }
0x166: {  	v3 =	vmul.f32 v3, v4;
	_ =	sdelay $0x1  }
0x167: {  	[tilespmem:v6+s17+$0x0] =	vst.idx.msk $0xffff, v3  }
0x168: {  	v3 =	vld.idx.msk [tilespmem:v5+s17+$0x0], $0xffff;
	_ =	sdelay $0x3  }
0x169: {  	v6 =	vor.u32 $0x6, v2;
	_ =	sdelay $0x1  }
0x16a: {  	v3 =	vmul.f32 v3, v4;
	_ =	sdelay $0x1  }
0x16b: {  	[tilespmem:v5+s17+$0x0] =	vst.idx.msk $0xffff, v3  }
0x16c: {  	v5 =	vld.idx.msk [tilespmem:v6+s17+$0x0], $0xffff;
	_ =	sdelay $0x3  }
0x16d: {  	v3 =	vor.u32 $0x7, v2;
	_ =	sdelay $0x1  }
0x16e: {  	v2 =	vmul.f32 v5, v4;
	_ =	sdelay $0x1  }
0x16f: {  	[tilespmem:v6+s17+$0x0] =	vst.idx.msk $0xffff, v2  }
0x170: {  	v5 =	vld.idx.msk [tilespmem:v3+s17+$0x0], $0xffff;
	_ =	sdelay $0x1  }
.Ltmp2:
0x171: {  	s21 =	sadd.s32 $0x10, s21;
	(pc) =	sbr.rel @p1 .LBB2_8-.Ltmp2, $4  }
0x172: {  	v2 =	vmov s21  }
0x173: {  	v2 =	vshll.u32 v2, $0x3  }
0x174: {  	v2 =	vor.u32 v0, v2  }
0x175: {  	v4 =	vmul.f32 v5, v4  }
0x176: {  	_ =	sdelay $0x3  }
0x177: {  	[tilespmem:v3+s17+$0x0] =	vst.idx.msk $0xffff, v4  }
0x178: {  	v1 =	vld.idx.msk [tilespmem:v1+s14+$0x0 ss:$0x1], $0xffff  }
0x179: {  	v3 =	vld.idx.msk [tilespmem:v2+s17+$0x0], $0xffff;
	_ =	sdelay $0x2  }
0x17a: {  	v59 =	vor.u32 $0x1, v2;
	_ =	sdelay $0x1  }
0x17b: {  	v3 =	vmul.f32 v3, v1;
	_ =	sdelay $0x1  }
0x17c: {  	[tilespmem:v2+s17+$0x0] =	vst.idx.msk $0xffff, v3  }
0x17d: {  	v3 =	vld.idx.msk [tilespmem:v59+s17+$0x0], $0xffff;
	_ =	sdelay $0x2  }
0x17e: {  	v5 =	vor.u32 $0x2, v2;
	_ =	sdelay $0x1  }
0x17f: {  	v3 =	vmul.f32 v3, v1;
	_ =	sdelay $0x1  }
0x180: {  	[tilespmem:v59+s17+$0x0] =	vst.idx.msk $0xffff, v3  }
0x181: {  	v3 =	vld.idx.msk [tilespmem:v5+s17+$0x0], $0xffff;
	_ =	sdelay $0x2  }
0x182: {  	v60 =	vor.u32 $0x3, v2;
	_ =	sdelay $0x1  }
0x183: {  	v3 =	vmul.f32 v3, v1;
	_ =	sdelay $0x1  }
0x184: {  	[tilespmem:v5+s17+$0x0] =	vst.idx.msk $0xffff, v3  }
0x185: {  	v3 =	vld.idx.msk [tilespmem:v60+s17+$0x0], $0xffff;
	_ =	sdelay $0x2  }
0x186: {  	v61 =	vor.u32 $0x4, v2;
	_ =	sdelay $0x1  }
0x187: {  	v3 =	vmul.f32 v3, v1;
	_ =	sdelay $0x1  }
0x188: {  	[tilespmem:v60+s17+$0x0] =	vst.idx.msk $0xffff, v3  }
0x189: {  	v3 =	vld.idx.msk [tilespmem:v61+s17+$0x0], $0xffff;
	_ =	sdelay $0x2  }
0x18a: {  	v62 =	vor.u32 $0x5, v2;
	_ =	sdelay $0x1  }
0x18b: {  	v3 =	vmul.f32 v3, v1;
	_ =	sdelay $0x1  }
0x18c: {  	[tilespmem:v61+s17+$0x0] =	vst.idx.msk $0xffff, v3  }
0x18d: {  	v3 =	vld.idx.msk [tilespmem:v62+s17+$0x0], $0xffff;
	_ =	sdelay $0x2  }
0x18e: {  	v63 =	vor.u32 $0x6, v2;
	_ =	sdelay $0x1  }
0x18f: {  	v3 =	vmul.f32 v3, v1;
	_ =	sdelay $0x1  }
0x190: {  	[tilespmem:v62+s17+$0x0] =	vst.idx.msk $0xffff, v3  }
0x191: {  	v3 =	vld.idx.msk [tilespmem:v63+s17+$0x0], $0xffff;
	_ =	sdelay $0x2  }
0x192: {  	v2 =	vor.u32 $0x7, v2;
	_ =	sdelay $0x1  }
0x193: {  	v3 =	vmul.f32 v3, v1;
	_ =	sdelay $0x1  }
0x194: {  	[tilespmem:v63+s17+$0x0] =	vst.idx.msk $0xffff, v3  }
0x195: {  	v3 =	vld.idx.msk [tilespmem:v2+s17+$0x0], $0xffff  }
0x196: {  	s20 =	sadd.s32 $0x1, s20  }
0x197: {  	p1 =	sne.s32 s20, $0x10  }
.Ltmp3:
0x198: {  	_ = 	snop;
	(pc) =	sbr.rel @p1 .LBB2_7-.Ltmp3, $3  }
0x199: {  	_ = 	snop  }
0x19a: {  	v1 =	vmul.f32 v3, v1;
	_ =	sdelay $0x1  }
0x19b: {  	s13 =	sadd.s32 $0x80, s13;
	s3 =	sadd.s32 $0x80, s3;
	[tilespmem:v2+s17+$0x0] =	vst.idx.msk $0xffff, v1  }
0x19c: {  	s20 =	simm.s32 $0x1800  }
0x19d: {  	[spmem:s1] =	stream.indirect.scatter.add.f32 [tilespmem:s17], [sflag:$0x3], $0x8, s20, s24, $0xb8;
	[tilespmem:$0x17350] =	vst v63  }
0x19e: {  	s3 =	simm.s32 $0x7400;
	s13 =	simm.s32 $0x1880  }
0x19f: {  	[spmem:s1] =	stream.indirect.scatter.add.f32 [tilespmem:s3], [sflag:$0x3], $0x8, s13, s24, $0xb8;
	[tilespmem:$0x17350] =	vst v63  }
0x1a0: {  	s21 =	simm.s32 $0x7800;
	s26 =	simm.s32 $0x1900  }
0x1a1: {  	[spmem:s1] =	stream.indirect.scatter.add.f32 [tilespmem:s21], [sflag:$0x3], $0x8, s26, s24, $0xb8;
	[tilespmem:$0x17350] =	vst v63  }
0x1a2: {  	s14 =	simm.s32 $0x1980;
	s13 =	simm.s32 $0x7C00  }
0x1a3: {  	[spmem:s1] =	stream.indirect.scatter.add.f32 [tilespmem:s13], [sflag:$0x3], $0x8, s14, s24, $0xb8;
	[tilespmem:$0x17350] =	vst v63  }
0x1a4: {  	s15 =	simm.s32 $0x8000;
	s21 =	simm.s32 $0x1A00  }
0x1a5: {  	[spmem:s1] =	stream.indirect.scatter.add.f32 [tilespmem:s15], [sflag:$0x3], $0x8, s21, s24, $0xb8;
	[tilespmem:$0x17350] =	vst v63  }
0x1a6: {  	s26 =	simm.s32 $0x1A80  }
0x1a7: {  	[spmem:s1] =	stream.indirect.scatter.add.f32 [tilespmem:s29], [sflag:$0x3], $0x8, s26, s24, $0xb8;
	[tilespmem:$0x17350] =	vst v63  }
0x1a8: {  	s13 =	simm.s32 $0x1B00  }
0x1a9: {  	[spmem:s1] =	stream.indirect.scatter.add.f32 [tilespmem:s31], [sflag:$0x3], $0x8, s13, s24, $0xb8;
	[tilespmem:$0x17350] =	vst v63  }
0x1aa: {  	s14 =	simm.s32 $0x1B80  }
0x1ab: {  	[spmem:s1] =	stream.indirect.scatter.add.f32 [tilespmem:s2], [sflag:$0x3], $0x8, s14, s24, $0xb8;
	[tilespmem:$0x17350] =	vst v63  }
0x1ac: {  	s15 =	simm.s32 $0x1C00  }
0x1ad: {  	[spmem:s1] =	stream.indirect.scatter.add.f32 [tilespmem:s8], [sflag:$0x3], $0x8, s15, s24, $0xb8;
	[tilespmem:$0x17350] =	vst v63  }
0x1ae: {  	s21 =	simm.s32 $0x1C80  }
0x1af: {  	[spmem:s1] =	stream.indirect.scatter.add.f32 [tilespmem:s10], [sflag:$0x3], $0x8, s21, s24, $0xb8;
	[tilespmem:$0x17350] =	vst v63  }
0x1b0: {  	s26 =	simm.s32 $0x1D00  }
0x1b1: {  	[spmem:s1] =	stream.indirect.scatter.add.f32 [tilespmem:s12], [sflag:$0x3], $0x8, s26, s24, $0xb8;
	[tilespmem:$0x17350] =	vst v63  }
0x1b2: {  	s13 =	simm.s32 $0x1D80  }
0x1b3: {  	[spmem:s1] =	stream.indirect.scatter.add.f32 [tilespmem:s16], [sflag:$0x3], $0x8, s13, s24, $0xb8;
	[tilespmem:$0x17350] =	vst v63  }
0x1b4: {  	s14 =	simm.s32 $0x1E00  }
0x1b5: {  	[spmem:s1] =	stream.indirect.scatter.add.f32 [tilespmem:s18], [sflag:$0x3], $0x8, s14, s24, $0xb8;
	[tilespmem:$0x17350] =	vst v63  }
0x1b6: {  	s9 =	sadd.s32 $0x1, s9;
	s15 =	simm.s32 $0x1E80  }
0x1b7: {  	[spmem:s1] =	stream.indirect.scatter.add.f32 [tilespmem:s19], [sflag:$0x3], $0x8, s15, s24, $0xb8;
	[tilespmem:$0x17350] =	vst v63  }
0x1b8: {  	p1 =	sne.s32 s9, $0x31;
	s21 =	simm.s32 $0x1F00  }
0x1b9: {  	[spmem:s1] =	stream.indirect.scatter.add.f32 [tilespmem:s28], [sflag:$0x3], $0x8, s21, s24, $0xb8;
	[tilespmem:$0x17350] =	vst v63  }
.Ltmp4:
0x1ba: {  	s26 =	simm.s32 $0x1F80;
	(pc) =	sbr.rel @p1 .LBB2_2-.Ltmp4, $4  }
0x1bb: {  	[spmem:s1] =	stream.indirect.scatter.add.f32 [tilespmem:s0], [sflag:$0x3], $0x8, s26, s24, $0xb8;
	[tilespmem:$0x17350] =	vst v63  }
0x1bc: {  	_ =	swait.ge [sflag:s11], $0x4000  }
0x1bd: {  	[sflag:s11] =	ssyncset.done $0x0  }
0x1be: {  	[sflag:s11] =	ssyncadd.s32 $0xFFFFC000  }
0x1bf: {  	[bflag:$0x0] =	sbarrier.arrive $0xFFFF  }
0x1c0: {  	s9 =	rddreg [dreg:$0xc]  }
0x1c1: {  	s3 =	simm.s32 @p0 $0x1FC4;
	s14 =	rddreg [dreg:$0xe]  }
0x1c2: {  	[hbm:s9], [sflag:s3] =	dma.local @p0 [spmem:s14], $0x1810  }
0x1c3: {  	s3 =	simm.s32 @p0 $0x4  }
0x1c4: {  	_ =	swait.ge @p0 [sflag:s3], $0x1810  }
0x1c5: {  	s13 =	rddreg [dreg:$0xf]  }
0x1c6: {  	[sflag:s3] =	ssyncset.done @p0 $0x0;
	s9 =	rddreg [dreg:$0x11]  }
0x1c7: {  	[sflag:s3] =	ssyncadd.s32 @p0 $0xFFFFE7F0;
	s3 =	rddreg [dreg:$0xb]  }
0x1c8: {  	[hbm:s3], [sflag:s13] =	dma.local @!p0 [spmem:s9], $0x1870  }
0x1c9: {  	s3 =	simm.s32 @!p0 $0x4  }
0x1ca: {  	_ =	swait.ge @!p0 [sflag:s3], $0x1870  }
0x1cb: {  	s15 =	rddreg [dreg:$0x10]  }
0x1cc: {  	s26 =	rddreg [dreg:$0xd];
	s15 =	sadd.s32 $0x1, s15  }
0x1cd: {  	p1 =	sne.s32 s15, s26  }
.Ltmp5:
0x1ce: {  	_ = 	snop;
	(pc) =	sbr.rel @p1 .LBB2_1-.Ltmp5, $3  }
0x1cf: {  	_ =	sdelay $0x1  }
0x1d0: {  	[sflag:s3] =	ssyncset.done @!p0 $0x0  }
0x1d1: {  	[sflag:s3] =	ssyncadd.s32 @!p0 $0xFFFFE790  }
0x1d2: {  	_ =	sfence.sel $0x180000  }
0x1d3: {  	[bflag:$0x0] =	sbarrier.arrive $0xFFFF  }
0x1d4: {  	_ =	strace $0x9000004A  }
0x1d5: {  	s0 =	stileid.u32;
	[bflag:$0x2] =	sbarrier.arrive $0xFFFF  }
0x1d6: {  	p0 =	sne.s32 s0, $0x0;
	s0 =	rddreg [dreg:$0x2]  }
0x1d7: {  	s0 =	sadd.s32 @!p0 $0x100000, s0  }
0x1d8: {  	[sflag:s0] =	ssyncadd.tile.s32 @!p0 $0x1;
	_ =	shalt  }
.Lfunc_end2:
_tile_overlayer_lowered:
.L_overlay_start_2:
0x1d9: {  	(tag) =	ssettag $0x2  }
0x1da: {  	s0 =	rddreg [dreg:$0x0];
	s2 =	stileid.u32  }
0x1db: {  	s1 =	rddreg [dreg:$0x1];
	p0 =	sne.s32 s2, $0x0  }
0x1dc: {  	s3 =	rddreg [dreg:$0x2];
	[bflag:$0x3] =	sbarrier.arrive $0xFFFF;
	s2 =	simm.s32 @!p0 $0x1C04  }
0x1dd: {  	[timem:s3], [sflag:s2] =	dma.local @!p0 [hbm:s0], s1  }
0x1de: {  	s0 =	simm.s32 @!p0 $0x4  }
0x1df: {  	_ =	swait.ge @!p0 [sflag:s0], s1  }
0x1e0: {  	s1 =	ssub.s32 @!p0 $0x0, s1;
	[sflag:s0] =	ssyncset.done @!p0 $0x0  }
0x1e1: {  	[sflag:s0] =	ssyncadd.s32 @!p0 s1  }
0x1e2: {  	[bflag:$0x3] =	sbarrier.arrive $0xFFFF  }
0x1e3: {  	_ =	shalt  }

// kernel: kernel.15.cloned.1.call-start
scs
__scs_entry_jumppad:
0x0: {  	(pc) =	sbr.rel $0x88, $3  }
0x1: {  	(tag) =	ssettag $0x0;
	lr =	simm.s32 $0x1  }
0x2: {  	[smem:$0x3F9A] =	sst lr;
	_ =	strace $0xD0000000  }
0x3: {  	_ = 	snop  }
0x4: {  	_ = 	snop  }
0x5: {  	_ = 	snop  }
0x6: {  	_ = 	snop  }
0x7: {  	_ = 	snop  }
__scs_overlays_trampoline_lowered:
0x8: {  	[smem:$0x3FA9] =	sst s0  }
0x9: {  	[smem:$0x3FAA] =	sst s1  }
0xa: {  	[smem:$0x3FAB] =	sst s2  }
0xb: {  	[smem:$0x3FAC] =	sst s3  }
0xc: {  	[smem:$0x3FAD] =	sst s4  }
0xd: {  	[smem:$0x3FAE] =	sst s5  }
0xe: {  	[smem:$0x3FAF] =	sst s6  }
0xf: {  	[smem:$0x3FB0] =	sst s7  }
0x10: {  	[smem:$0x3FB1] =	sst s8  }
0x11: {  	[smem:$0x3FB2] =	sst s9;
	s0 =	simm.s32 @!p0 $0x0  }
0x12: {  	s1 =	sld [smem:$0x3F98];
	s0 =	simm.s32 @p0 $0x1  }
0x13: {  	[smem:$0x3FB3] =	sst s0;
	s0 =	simm.s32 @!p1 $0x0  }
0x14: {  	s2 =	sld [smem:$0x3F97];
	s0 =	simm.s32 @p1 $0x1  }
0x15: {  	[smem:$0x3FB4] =	sst s0;
	s0 =	simm.s32 @!p2 $0x0  }
0x16: {  	s3 =	sld [smem:$0x3FDB];
	s0 =	simm.s32 @p2 $0x1  }
0x17: {  	s4 =	simm.s32 $0x1BF5;
	[smem:$0x3FB6] =	sst s0  }
0x18: {  	s0 =	sld [smem:$0x3F99];
	_ =	swait.ge [sflag:s4], $0x0  }
0x19: {  	s7 =	sld [smem:$0x3F9A]  }
0x1a: {  	s8 =	sadd.s32 $0xFFFFE003, lr  }
0x1b: {  	s9 =	sadd.s32 $0xFFFFFEF7, lr;
	s5 =	simm.s32 $0xFFFFFFFF;
	p2 =	slt.u32 s8, $0xFFFFF086  }
0x1c: {  	p1 =	slt.u32 s9, $0xF7A;
	s5 =	simm.s32 @!p2 $0x0  }
0x1d: {  	s5 =	simm.s32 @p1 $0x1;
	p0 =	seq.s32 s7, s2  }
0x1e: {  	s7 =	smul.u32 @!p0 $0xF7A, s2;
	p2 =	seq.s32 @!p0 s5, $0x0  }
0x1f: {  	s9 =	smul.u32 $0xF7A, s1;
	s8 =	simm.s32 @!p0 $0x1BF5;
	p2 =	por !p2, p0  }
0x20: {  	[sflag:s8] =	ssyncset.s32 @!p0 $0xFFFFF086;
	s6 =	sadd.s32 @!p0 s3, s7;
	s7 =	simm.s32 @!p0 $0x108  }
0x21: {  	s3 =	sadd.s32 s3, s9;
	s6 =	sadd.s32 @!p0 $0x88, s6;
	s7 =	simm.s32 @p2 $0x1082  }
0x22: {  	[simem:s7], [sflag:s8] =	dma.local @!p0 [hbm:s6], $0xF7A  }
0x23: {  	s9 =	sor.u32 $0xD0000000, s2;
	s6 =	simm.s32 $0x108;
	_ =	swait.ge @!p0 [sflag:s8], $0x0  }
0x24: {  	s3 =	sadd.s32 $0x88, s3;
	s6 =	simm.s32 @!p1 $0x1082;
	[sflag:s4] =	ssyncset.s32 $0xFFFFF086  }
0x25: {  	[simem:s6], [sflag:s4] =	dma.local [hbm:s3], $0xF7A  }
0x26: {  	[smem:$0x3F9A] =	sst s1;
	(tag) =	ssettag s2;
	_ =	strace s9  }
0x27: {  	s1 =	sld [smem:$0x3FAA]  }
0x28: {  	s2 =	sld [smem:$0x3FAB]  }
0x29: {  	s4 =	sld [smem:$0x3FAD]  }
0x2a: {  	p0 =	seq.s32 s5, $0x0;
	s5 =	sld [smem:$0x3FAE]  }
0x2b: {  	s6 =	sld [smem:$0x3FAF]  }
0x2c: {  	s7 =	sld [smem:$0x3FB0]  }
0x2d: {  	s3 =	simm.s32 $0x108;
	s8 =	sld [smem:$0x3FB1]  }
0x2e: {  	s3 =	simm.s32 @!p0 $0x1082;
	s9 =	sld [smem:$0x3FB2]  }
0x2f: {  	lr =	sadd.s32 s0, s3;
	s0 =	sld [smem:$0x3FA9]  }
0x30: {  	s3 =	sld [smem:$0x3FAC]  }
0x31: {  	[smem:$0x3FB5] =	sst s10  }
0x32: {  	s10 =	sld [smem:$0x3FB3];
	_ =	sdelay $0x3  }
0x33: {  	p0 =	seq.s32 s10, $0x1;
	s10 =	sld [smem:$0x3FB5];
	_ =	sdelay $0x3  }
0x34: {  	[smem:$0x3FB5] =	sst s10  }
0x35: {  	s10 =	sld [smem:$0x3FB4];
	_ =	sdelay $0x3  }
0x36: {  	p1 =	seq.s32 s10, $0x1;
	s10 =	sld [smem:$0x3FB5];
	_ =	sdelay $0x3  }
0x37: {  	[smem:$0x3FB5] =	sst s10  }
0x38: {  	s10 =	sld [smem:$0x3FB6]  }
0x39: {  	_ = 	snop;
	(pc) =	sbr.ind lr, $3  }
0x3a: {  	_ = 	snop  }
0x3b: {  	_ = 	snop  }
0x3c: {  	p2 =	seq.s32 s10, $0x1;
	s10 =	sld [smem:$0x3FB5]  }
0x3d: {  	_ =	shalt  }
0x3e: {  	_ =	shalt  }
0x3f: {  	_ =	shalt  }
0x40: {  	_ =	shalt  }
0x41: {  	_ =	shalt  }
0x42: {  	_ =	shalt  }
0x43: {  	_ =	shalt  }
0x44: {  	_ =	shalt  }
0x45: {  	_ =	shalt  }
0x46: {  	_ =	shalt  }
0x47: {  	_ =	shalt  }
0x48: {  	_ =	shalt  }
0x49: {  	_ =	shalt  }
0x4a: {  	_ =	shalt  }
0x4b: {  	_ =	shalt  }
0x4c: {  	_ =	shalt  }
0x4d: {  	_ =	shalt  }
0x4e: {  	_ =	shalt  }
0x4f: {  	_ =	shalt  }
0x50: {  	_ =	shalt  }
0x51: {  	_ =	shalt  }
0x52: {  	_ =	shalt  }
0x53: {  	_ =	shalt  }
0x54: {  	_ =	shalt  }
0x55: {  	_ =	shalt  }
0x56: {  	_ =	shalt  }
0x57: {  	_ =	shalt  }
0x58: {  	_ =	shalt  }
0x59: {  	_ =	shalt  }
0x5a: {  	_ =	shalt  }
0x5b: {  	_ =	shalt  }
0x5c: {  	_ =	shalt  }
0x5d: {  	_ =	shalt  }
0x5e: {  	_ =	shalt  }
0x5f: {  	_ =	shalt  }
0x60: {  	_ =	shalt  }
0x61: {  	_ =	shalt  }
0x62: {  	_ =	shalt  }
0x63: {  	_ =	shalt  }
0x64: {  	_ =	shalt  }
0x65: {  	_ =	shalt  }
0x66: {  	_ =	shalt  }
0x67: {  	_ =	shalt  }
0x68: {  	_ =	shalt  }
0x69: {  	_ =	shalt  }
0x6a: {  	_ =	shalt  }
0x6b: {  	_ =	shalt  }
0x6c: {  	_ =	shalt  }
0x6d: {  	_ =	shalt  }
0x6e: {  	_ =	shalt  }
0x6f: {  	_ =	shalt  }
0x70: {  	_ =	shalt  }
0x71: {  	_ =	shalt  }
0x72: {  	_ =	shalt  }
0x73: {  	_ =	shalt  }
0x74: {  	_ =	shalt  }
0x75: {  	_ =	shalt  }
0x76: {  	_ =	shalt  }
0x77: {  	_ =	shalt  }
0x78: {  	_ =	shalt  }
0x79: {  	_ =	shalt  }
0x7a: {  	_ =	shalt  }
0x7b: {  	_ =	shalt  }
0x7c: {  	_ =	shalt  }
0x7d: {  	_ =	shalt  }
0x7e: {  	_ =	shalt  }
0x7f: {  	_ =	shalt  }
0x80: {  	_ =	shalt  }
0x81: {  	_ =	shalt  }
0x82: {  	_ =	shalt  }
0x83: {  	_ =	shalt  }
0x84: {  	_ =	shalt  }
0x85: {  	_ =	shalt  }
0x86: {  	_ =	shalt  }
0x87: {  	_ =	shalt  }
.Lfunc_end0:
.L_simem_size_0:
called_computation.2_lowered:
.L_overlay_start_0:
0x88: {  	s2 =	sld [smem:$0x3FD9]  }
0x89: {  	s3 =	sld [smem:$0x3FFE];
	_ =	sdelay $0x1  }
0x8a: {  	s1 =	srdreg.scid  }
0x8b: {  	s0 =	sand.u32 $0x1, s1  }
0x8c: {  	s16 =	sshll.u32 s0, $0xA;
	s2 =	sadd.s32 s3, s2  }
0x8d: {  	s2 =	sadd.s32 s2, s16  }
0x8e: {  	[smem:$0x3FC1] =	sst s2  }
0x8f: {  	_ = 	snop  }
0x90: {  	(tm) =	ssettm $0x1  }
0x91: {  	s17 =	sld [smem:$0x3FFB];
	_ =	sdelay $0x3  }
0x92: {  	_ =	strace s17  }
0x93: {  	s2 =	sld [smem:$0x3FFC];
	_ =	sdelay $0x3  }
0x94: {  	_ =	strace s2  }
0x95: {  	s2 =	sld [smem:$0x3FFD];
	_ =	sdelay $0x3  }
0x96: {  	_ =	strace s2  }
0x97: {  	_ =	strace $0x8FFFFFFF  }
0x98: {  	s18 =	sld [smem:$0x3FDB];
	_ =	sdelay $0x1  }
0x99: {  	s19 =	simm.s32 $_scs_section_size  }
0x9a: {  	s4 =	simm.s32 $_size__tile_overlayer_lowered;
	s5 =	simm.s32 $_tile_overlayer_lowered  }
0x9b: {  	s22 =	simm.s32 $0x1BFF;
	s21 =	sshll.u32 s5, $0x1;
	s2 =	sadd.s32 s19, s18  }
0x9c: {  	s6 =	simm.s32 $0x0;
	s20 =	sshll.u32 s4, $0x1;
	s4 =	sadd.s32 s21, s2  }
0x9d: {  	[timem:s6], [sflag:s22] =	dma.local [hbm:s4], s20  }
0x9e: {  	_ =	swait.ge [sflag:s22], s20  }
0x9f: {  	s3 =	ssub.s32 $0x0, s20;
	[sflag:s22] =	ssyncset.done $0x0  }
0xa0: {  	[sflag:s22] =	ssyncadd.s32 s3;
	_ =	sdelay $0x1  }
0xa1: {  	s23 =	simm.s32 $0x1B8B  }
0xa2: {  	_ =	swait.ge [sflag:s23], $0x1  }
0xa3: {  	[sflag:s23] =	ssyncset.done $0x0  }
0xa4: {  	s25 =	simm.s32 $0x1B8E;
	s24 =	sld [smem:$0x3FFE];
	[sflag:s23] =	ssyncadd.s32 $0xFFFFFFFF  }
0xa5: {  	s26 =	simm.s32 $execute0_lowered;
	[smem:$0x3FD2] =	sst s25  }
0xa6: {  	s4 =	sshll.u32 s26, $0x1;
	_ =	strace $0x8000004C;
	[dreg:$0x1] =	wrdreg $0xFFFFFFFF  }
0xa7: {  	s28 =	simm.s32 $_size_execute0_lowered;
	s2 =	sadd.s32 s2, s4;
	[dreg:$0x0] =	wrdreg $0x0  }
0xa8: {  	s4 =	sshll.u32 s28, $0x1;
	[dreg:$0x2] =	wrdreg s2  }
0xa9: {  	[dreg:$0x3] =	wrdreg s4  }
0xaa: {  	[dreg:$0x4] =	wrdreg $0xC0  }
0xab: {  	_ =	task [dreg:s6], $0x5FFFF  }
0xac: {  	[dreg:$0x1] =	wrdreg $0xFFFFFFFF  }
0xad: {  	[dreg:$0x0] =	wrdreg $0x60  }
0xae: {  	[dreg:$0x2] =	wrdreg s24  }
0xaf: {  	[dreg:$0x3] =	wrdreg $0x1C6A00  }
0xb0: {  	[dreg:$0x4] =	wrdreg $0x9  }
0xb1: {  	_ =	task.clear_ibuf [dreg:s6], $0x5FFFF;
	_ =	strace $0x9000004C  }
0xb2: {  	s29 =	simm.s32 $0x9;
	_ =	strace $0x8000004E  }
0xb3: {  	_ =	swait.ge [sflag:s29], $0x1  }
0xb4: {  	[sflag:s29] =	ssyncadd.s32 $0xFFFFFFFF  }
0xb5: {  	_ =	strace $0x9000004E  }
0xb6: {  	_ =	sfence  }
0xb7: {  	s30 =	sld [smem:$0x0];
	_ =	sdelay $0x2  }
0xb8: {  	s31 =	sshll.u32 s1, $0xD;
	s1 =	sshrl.u32 s1, $0x2  }
0xb9: {  	s3 =	sand.u32 $0x4000, s31;
	s1 =	sadd.s32 s1, s30  }
0xba: {  	s0 =	sor.u32 s3, s0;
	s1 =	sshll.u32 s1, $0x11  }
0xbb: {  	s0 =	sor.u32 s1, s0  }
0xbc: {  	s0 =	sadd.s32 $0x8F2B, s0  }
0xbd: {  	[sflag:s0] =	ssyncadd.remote.s32 $0x1  }
0xbe: {  	_ =	sfence.sel $0xFFFF  }
0xbf: {  	[dreg:$0x0] =	wrdreg $0xFFFFFFFF;
	(pc) =	sbr.abs _section_cstart, $3  }
0xc0: {  	[dreg:$0x1] =	wrdreg $0xFFFFFFFF  }
0xc1: {  	_ =	task.clear_ibuf [dreg:s6], $0x2FFFF;
	_ =	strace $0x9FFFFFFF  }
0xc2: {  	(tm) =	ssettm $0x7FFFFFFF  }
0xc3: {  	_ =	shalt  }
tec
execute0_lowered:
.L_overlay_start_1:
0x0: {  	(tag) =	ssettag $0x1  }
0x1: {  	s0 =	rddreg [dreg:$0x0]  }
0x2: {  	s1 =	rddreg [dreg:$0x1]  }
0x3: {  	s3 =	simm.s32 $0x0;
	s14 =	stileid.u32;
	s2 =	srdreg.scid  }
0x4: {  	s22 =	simm.s32 $0x1;
	s23 =	simm.s32 $0x80;
	s20 =	simm.s32 $0x18EA0  }
0x5: {  	s21 =	simm.s32 $0x1C320;
	s15 =	simm.s32 $0x1C4A0;
	s16 =	simm.s32 $0x19520  }
0x6: {  	s17 =	simm.s32 $0x1C520;
	s18 =	simm.s32 $0x195A0;
	s28 =	simm.s32 $0x0  }
0x7: {  	[smem:$0x7FF] =	sst s3;
	s7 =	smul.u32 $0x1870, s14;
	s2 =	sand.u32 $0x1, s2  }
0x8: {  	s6 =	sshll.u32 s14, $0x1;
	s4 =	sadd.s32 $0x24D000, s0;
	s5 =	sadd.s32 $0x189000, s0  }
0x9: {  	p0 =	seq.s32 s14, $0xF;
	_ =	strace $0x8000004D;
	s8 =	sor.u32 s2, s6  }
0xa: {  	s2 =	ssub.s32 $0x2, s2;
	s6 =	sadd.s32 $0xC5000, s0;
	s10 =	smul.u32 $0x30D4, s8  }
0xb: {  	s9 =	sshrl.u32 s7, $0x3;
	s11 =	sshrl.u32 s2, $0x1;
	s24 =	smul.u32 $0x6200, s8  }
0xc: {  	s7 =	sadd.s32 s7, s1;
	s8 =	smul.u32 $0x31000, s8;
	s9 =	sadd.s32 s9, s0  }
0xd: {  	s2 =	ssub.s32 s2, s11;
	s11 =	simm.s32 $0x1C420;
	s10 =	sadd.s32 s10, s0  }
0xe: {  	s9 =	sadd.s32 $0x1A00, s9;
	s0 =	sadd.s32 $0x47D2, s0;
	s25 =	sadd.s32 s4, s24  }
0xf: {  	s26 =	sadd.s32 s5, s24;
	s29 =	sadd.s32 s6, s24;
	[dreg:$0x3] =	wrdreg s9  }
0x10: {  	s12 =	sor.u32 $0x800, s8;
	s13 =	sadd.s32 $0x1000, s8;
	[dreg:$0x4] =	wrdreg s0  }
0x11: {  	s31 =	smax.u32 s2, $0x1;
	s8 =	simm.s32 $0x2;
	[dreg:$0x5] =	wrdreg s25  }
0x12: {  	s2 =	simm.s32 $0x19320;
	s24 =	simm.s32 $0x1C5A0;
	[dreg:$0x6] =	wrdreg s26  }
0x13: {  	s9 =	sadd.s32 $0x16E90, s1;
	[dreg:$0x7] =	wrdreg s29;
	s30 =	sadd.s32 $0x4C00, s10  }
0x14: {  	[dreg:$0x9] =	wrdreg s31;
	s10 =	simm.s32 $0x19420;
	s0 =	sshrl.u32 @p0 s9, $0x3  }
0x15: {  	s25 =	simm.s32 $0x19620;
	[dreg:$0xa] =	wrdreg s0;
	s0 =	sshll.u32 @!p0 s14, $0x6  }
0x16: {  	s26 =	simm.s32 $0x1C620;
	[dreg:$0x8] =	wrdreg s30;
	s0 =	sor.u32 @!p0 $0x1C03, s0  }
0x17: {  	s9 =	simm.s32 $0x1C3A0;
	[dreg:$0xb] =	wrdreg s0;
	s0 =	sshrl.u32 @!p0 s7, $0x3  }
0x18: {  	v0 =	vimm.f32 $0.0e+00;
	s14 =	simm.s32 $0x194A0;
	s7 =	simm.s32 $0x193A0;
	[dreg:$0xc] =	wrdreg s0  }
.LBB2_1:
0x19: {  	[dreg:$0xd] =	wrdreg s28  }
0x1a: {  	s0 =	rddreg [dreg:$0x4]  }
0x1b: {  	s19 =	simm.s32 @p0 $0x1FC3;
	s28 =	rddreg [dreg:$0xa]  }
0x1c: {  	[spmem:s28], [sflag:s19] =	dma.local @p0 [hbm:s0], $0x302  }
0x1d: {  	s19 =	simm.s32 @p0 $0x3  }
0x1e: {  	_ =	swait.ge @p0 [sflag:s19], $0x302  }
0x1f: {  	s0 =	rddreg [dreg:$0x3]  }
0x20: {  	[sflag:s19] =	ssyncset.done @p0 $0x0;
	s28 =	rddreg [dreg:$0xc]  }
0x21: {  	[sflag:s19] =	ssyncadd.s32 @p0 $0xFFFFFCFE;
	s19 =	rddreg [dreg:$0xb]  }
0x22: {  	[spmem:s28], [sflag:s19] =	dma.local @!p0 [hbm:s0], $0x30E  }
0x23: {  	s19 =	simm.s32 @!p0 $0x3  }
0x24: {  	_ =	swait.ge @!p0 [sflag:s19], $0x30E  }
0x25: {  	[sflag:s19] =	ssyncset.done @!p0 $0x0  }
0x26: {  	s28 =	simm.s32 $0x0;
	[sflag:s19] =	ssyncadd.s32 @!p0 $0xFFFFFCF2;
	s19 =	simm.s32 $0x40  }
.LBB2_2:
0x27: {  	p1 =	sne.s32 s19, $0x61A40;
	[tilespmem:s28+$0x0] =	vst v0;
	s28 =	smov.u32 s19;
	s19 =	sadd.s32 $0x40, s19  }
.Ltmp0:
0x28: {  	(pc) =	sbr.rel @p1 .LBB2_2-.Ltmp0, $2  }
0x29: {  	_ =	sdelay $0x2  }
0x2a: {  	s28 =	sshra.s32 s28, $0x2  }
0x2b: {  	[tilespmem:s28+$0x0] =	vst v0  }
0x2c: {  	[bflag:$0x0] =	sbarrier.arrive $0xFFFF  }
0x2d: {  	s28 =	simm.s32 $0x0;
	s19 =	simm.s32 $0x186A0;
	s0 =	rddreg [dreg:$0x5]  }
0x2e: {  	[tilespmem:s19], [sflag:$0x1] =	stream.linear.gather [hbm4b:s0+s28], $0x800, $0x38;
	[tilespmem:$0x1DF10] =	vst v63  }
0x2f: {  	s31 =	simm.s32 $0x196A0;
	s30 =	rddreg [dreg:$0x6]  }
0x30: {  	[tilespmem:s31], [sflag:$0x1] =	stream.linear.gather [hbm4b:s30+s28], $0x800, $0x38;
	[tilespmem:$0x1DF10] =	vst v63  }
0x31: {  	s29 =	simm.s32 $0x0;
	s30 =	rddreg [dreg:$0x7];
	s31 =	simm.s32 $0x1A6A0  }
0x32: {  	[tilespmem:s31], [sflag:$0x1] =	stream.linear.gather [hbm4b:s30+s28], $0x800, $0x38;
	[tilespmem:$0x1DF10] =	vst v63  }
.LBB2_4:
0x33: {  	_ =	swait.ge [sflag:s22], $0x800  }
0x34: {  	[sflag:s22] =	ssyncset.done $0x0  }
0x35: {  	[sflag:s22] =	ssyncadd.s32 $0xFFFFF800  }
0x36: {  	_ =	swait.ge [sflag:s22], $0x800  }
0x37: {  	[sflag:s22] =	ssyncset.done $0x0  }
0x38: {  	[sflag:s22] =	ssyncadd.s32 $0xFFFFF800  }
0x39: {  	_ =	swait.ge [sflag:s22], $0x800  }
0x3a: {  	[sflag:s22] =	ssyncset.done $0x0  }
0x3b: {  	s0 =	simm.s32 $0x186A0;
	s19 =	simm.s32 $0x1B6A0;
	[sflag:s22] =	ssyncadd.s32 $0xFFFFF800  }
0x3c: {  	[tilespmem:s19], [sflag:$0x2] =	stream.indirect.gather [spmem:s1], $0x1, s0, s23, $0xb8;
	[tilespmem:$0x1DF10] =	vst v63  }
0x3d: {  	s31 =	simm.s32 $0x1B720;
	s19 =	simm.s32 $0x18720  }
0x3e: {  	[tilespmem:s31], [sflag:$0x2] =	stream.indirect.gather [spmem:s1], $0x1, s19, s23, $0xb8;
	[tilespmem:$0x1DF10] =	vst v63  }
0x3f: {  	s19 =	simm.s32 $0x187A0;
	s31 =	simm.s32 $0x1B7A0  }
0x40: {  	[tilespmem:s31], [sflag:$0x2] =	stream.indirect.gather [spmem:s1], $0x1, s19, s23, $0xb8;
	[tilespmem:$0x1DF10] =	vst v63  }
0x41: {  	s19 =	simm.s32 $0x18820;
	s31 =	simm.s32 $0x1B820  }
0x42: {  	[tilespmem:s31], [sflag:$0x2] =	stream.indirect.gather [spmem:s1], $0x1, s19, s23, $0xb8;
	[tilespmem:$0x1DF10] =	vst v63  }
0x43: {  	s19 =	simm.s32 $0x188A0;
	s31 =	simm.s32 $0x1B8A0  }
0x44: {  	[tilespmem:s31], [sflag:$0x2] =	stream.indirect.gather [spmem:s1], $0x1, s19, s23, $0xb8;
	[tilespmem:$0x1DF10] =	vst v63  }
0x45: {  	s19 =	simm.s32 $0x18920;
	s31 =	simm.s32 $0x1B920  }
0x46: {  	[tilespmem:s31], [sflag:$0x2] =	stream.indirect.gather [spmem:s1], $0x1, s19, s23, $0xb8;
	[tilespmem:$0x1DF10] =	vst v63  }
0x47: {  	s19 =	simm.s32 $0x189A0;
	s31 =	simm.s32 $0x1B9A0  }
0x48: {  	[tilespmem:s31], [sflag:$0x2] =	stream.indirect.gather [spmem:s1], $0x1, s19, s23, $0xb8;
	[tilespmem:$0x1DF10] =	vst v63  }
0x49: {  	s19 =	simm.s32 $0x18A20;
	s31 =	simm.s32 $0x1BA20  }
0x4a: {  	[tilespmem:s31], [sflag:$0x2] =	stream.indirect.gather [spmem:s1], $0x1, s19, s23, $0xb8;
	[tilespmem:$0x1DF10] =	vst v63  }
0x4b: {  	s19 =	simm.s32 $0x18AA0;
	s31 =	simm.s32 $0x1BAA0  }
0x4c: {  	[tilespmem:s31], [sflag:$0x2] =	stream.indirect.gather [spmem:s1], $0x1, s19, s23, $0xb8;
	[tilespmem:$0x1DF10] =	vst v63  }
0x4d: {  	s19 =	simm.s32 $0x18B20;
	s31 =	simm.s32 $0x1BB20  }
0x4e: {  	[tilespmem:s31], [sflag:$0x2] =	stream.indirect.gather [spmem:s1], $0x1, s19, s23, $0xb8;
	[tilespmem:$0x1DF10] =	vst v63  }
0x4f: {  	s19 =	simm.s32 $0x18BA0;
	s31 =	simm.s32 $0x1BBA0  }
0x50: {  	[tilespmem:s31], [sflag:$0x2] =	stream.indirect.gather [spmem:s1], $0x1, s19, s23, $0xb8;
	[tilespmem:$0x1DF10] =	vst v63  }
0x51: {  	s19 =	simm.s32 $0x18C20;
	s31 =	simm.s32 $0x1BC20  }
0x52: {  	[tilespmem:s31], [sflag:$0x2] =	stream.indirect.gather [spmem:s1], $0x1, s19, s23, $0xb8;
	[tilespmem:$0x1DF10] =	vst v63  }
0x53: {  	s19 =	simm.s32 $0x18CA0;
	s31 =	simm.s32 $0x1BCA0  }
0x54: {  	[tilespmem:s31], [sflag:$0x2] =	stream.indirect.gather [spmem:s1], $0x1, s19, s23, $0xb8;
	[tilespmem:$0x1DF10] =	vst v63  }
0x55: {  	s19 =	simm.s32 $0x18D20;
	s31 =	simm.s32 $0x1BD20  }
0x56: {  	[tilespmem:s31], [sflag:$0x2] =	stream.indirect.gather [spmem:s1], $0x1, s19, s23, $0xb8;
	[tilespmem:$0x1DF10] =	vst v63  }
0x57: {  	s19 =	simm.s32 $0x18DA0;
	s31 =	simm.s32 $0x1BDA0  }
0x58: {  	[tilespmem:s31], [sflag:$0x2] =	stream.indirect.gather [spmem:s1], $0x1, s19, s23, $0xb8;
	[tilespmem:$0x1DF10] =	vst v63  }
0x59: {  	s30 =	simm.s32 $0x1BE20;
	s19 =	sshll.u32 s29, $0xC;
	s31 =	simm.s32 $0x18E20  }
0x5a: {  	[tilespmem:s30], [sflag:$0x2] =	stream.indirect.gather [spmem:s1], $0x1, s31, s23, $0xb8;
	[tilespmem:$0x1DF10] =	vst v63  }
0x5b: {  	s30 =	sadd.s32 s19, s12  }
0x5c: {  	s30 =	sshrl.u32 s30, $0x3  }
0x5d: {  	s31 =	sadd.s32 s4, s30  }
0x5e: {  	[tilespmem:s20], [sflag:$0x1] =	stream.linear.gather [hbm4b:s31+s28], $0x800, $0x38;
	[tilespmem:$0x1DF10] =	vst v63  }
0x5f: {  	s0 =	simm.s32 $0x19EA0;
	s31 =	sadd.s32 s5, s30  }
0x60: {  	[tilespmem:s0], [sflag:$0x1] =	stream.linear.gather [hbm4b:s31+s28], $0x800, $0x38;
	[tilespmem:$0x1DF10] =	vst v63  }
0x61: {  	s30 =	sadd.s32 s6, s30;
	s31 =	simm.s32 $0x1AEA0  }
0x62: {  	[tilespmem:s31], [sflag:$0x1] =	stream.linear.gather [hbm4b:s30+s28], $0x800, $0x38;
	[tilespmem:$0x1DF10] =	vst v63  }
0x63: {  	_ =	swait.ge [sflag:s8], $0x800  }
0x64: {  	[sflag:s8] =	ssyncset.done $0x0  }
0x65: {  	s30 =	simm.s32 $0x0;
	[sflag:s8] =	ssyncadd.s32 $0xFFFFF800  }
.LBB2_5:
0x66: {  	s31 =	sshra.s32 s30, $0x2  }
0x67: {  	v1 =	vld [tilespmem:s31+$0x196A0]  }
0x68: {  	v2 =	vld [tilespmem:s31+$0x1A6A0]  }
0x69: {  	v3 =	vld [tilespmem:s31+$0x1B6A0];
	_ =	sdelay $0x4  }
0x6a: {  	v2 =	vmul.f32 v3, v2;
	_ =	sdelay $0x1  }
0x6b: {  	[tilespmem:v1+s3+$0x0] =	vst.idx.add.f32.msk $0xffff, v2  }
0x6c: {  	v1 =	vld [tilespmem:s31+$0x196B0]  }
0x6d: {  	v2 =	vld [tilespmem:s31+$0x1A6B0]  }
0x6e: {  	v3 =	vld [tilespmem:s31+$0x1B6B0];
	_ =	sdelay $0x4  }
0x6f: {  	v2 =	vmul.f32 v3, v2;
	_ =	sdelay $0x1  }
0x70: {  	[tilespmem:v1+s3+$0x0] =	vst.idx.add.f32.msk $0xffff, v2  }
0x71: {  	v1 =	vld [tilespmem:s31+$0x196C0]  }
0x72: {  	v2 =	vld [tilespmem:s31+$0x1A6C0]  }
0x73: {  	v3 =	vld [tilespmem:s31+$0x1B6C0];
	_ =	sdelay $0x4  }
0x74: {  	v2 =	vmul.f32 v3, v2;
	_ =	sdelay $0x1  }
0x75: {  	[tilespmem:v1+s3+$0x0] =	vst.idx.add.f32.msk $0xffff, v2  }
0x76: {  	v1 =	vld [tilespmem:s31+$0x196D0]  }
0x77: {  	v2 =	vld [tilespmem:s31+$0x1A6D0]  }
0x78: {  	v3 =	vld [tilespmem:s31+$0x1B6D0];
	_ =	sdelay $0x4  }
0x79: {  	v2 =	vmul.f32 v3, v2;
	_ =	sdelay $0x1  }
0x7a: {  	[tilespmem:v1+s3+$0x0] =	vst.idx.add.f32.msk $0xffff, v2  }
0x7b: {  	v1 =	vld [tilespmem:s31+$0x196E0]  }
0x7c: {  	v2 =	vld [tilespmem:s31+$0x1A6E0]  }
0x7d: {  	v3 =	vld [tilespmem:s31+$0x1B6E0];
	_ =	sdelay $0x4  }
0x7e: {  	v2 =	vmul.f32 v3, v2;
	_ =	sdelay $0x1  }
0x7f: {  	[tilespmem:v1+s3+$0x0] =	vst.idx.add.f32.msk $0xffff, v2  }
0x80: {  	v1 =	vld [tilespmem:s31+$0x196F0]  }
0x81: {  	v2 =	vld [tilespmem:s31+$0x1A6F0]  }
0x82: {  	v3 =	vld [tilespmem:s31+$0x1B6F0];
	_ =	sdelay $0x4  }
0x83: {  	v2 =	vmul.f32 v3, v2;
	_ =	sdelay $0x1  }
0x84: {  	[tilespmem:v1+s3+$0x0] =	vst.idx.add.f32.msk $0xffff, v2  }
0x85: {  	v1 =	vld [tilespmem:s31+$0x19700]  }
0x86: {  	v2 =	vld [tilespmem:s31+$0x1A700]  }
0x87: {  	v3 =	vld [tilespmem:s31+$0x1B700];
	_ =	sdelay $0x4  }
0x88: {  	v2 =	vmul.f32 v3, v2;
	_ =	sdelay $0x1  }
0x89: {  	[tilespmem:v1+s3+$0x0] =	vst.idx.add.f32.msk $0xffff, v2  }
0x8a: {  	v1 =	vld [tilespmem:s31+$0x19710]  }
0x8b: {  	v2 =	vld [tilespmem:s31+$0x1A710]  }
0x8c: {  	v3 =	vld [tilespmem:s31+$0x1B710];
	_ =	sdelay $0x1  }
0x8d: {  	p1 =	sne.s32 s30, $0x1E00  }
.Ltmp1:
0x8e: {  	_ = 	snop;
	(pc) =	sbr.rel @p1 .LBB2_5-.Ltmp1, $3  }
0x8f: {  	_ = 	snop  }
0x90: {  	v2 =	vmul.f32 v3, v2;
	_ =	sdelay $0x1  }
0x91: {  	s30 =	sadd.s32 $0x200, s30;
	[tilespmem:v1+s3+$0x0] =	vst.idx.add.f32.msk $0xffff, v2  }
0x92: {  	_ =	swait.ge [sflag:s22], $0x800  }
0x93: {  	[sflag:s22] =	ssyncset.done $0x0  }
0x94: {  	[sflag:s22] =	ssyncadd.s32 $0xFFFFF800  }
0x95: {  	_ =	swait.ge [sflag:s22], $0x800  }
0x96: {  	[sflag:s22] =	ssyncset.done $0x0  }
0x97: {  	[sflag:s22] =	ssyncadd.s32 $0xFFFFF800  }
0x98: {  	_ =	swait.ge [sflag:s22], $0x800  }
0x99: {  	[sflag:s22] =	ssyncset.done $0x0  }
0x9a: {  	s0 =	simm.s32 $0x1BEA0;
	[sflag:s22] =	ssyncadd.s32 $0xFFFFF800  }
0x9b: {  	[tilespmem:s0], [sflag:$0x2] =	stream.indirect.gather [spmem:s1], $0x1, s20, s23, $0xb8;
	[tilespmem:$0x1DF10] =	vst v63  }
0x9c: {  	s31 =	simm.s32 $0x18F20;
	s30 =	simm.s32 $0x1BF20  }
0x9d: {  	[tilespmem:s30], [sflag:$0x2] =	stream.indirect.gather [spmem:s1], $0x1, s31, s23, $0xb8;
	[tilespmem:$0x1DF10] =	vst v63  }
0x9e: {  	s0 =	simm.s32 $0x18FA0;
	s31 =	simm.s32 $0x1BFA0  }
0x9f: {  	[tilespmem:s31], [sflag:$0x2] =	stream.indirect.gather [spmem:s1], $0x1, s0, s23, $0xb8;
	[tilespmem:$0x1DF10] =	vst v63  }
0xa0: {  	s0 =	simm.s32 $0x19020;
	s31 =	simm.s32 $0x1C020  }
0xa1: {  	[tilespmem:s31], [sflag:$0x2] =	stream.indirect.gather [spmem:s1], $0x1, s0, s23, $0xb8;
	[tilespmem:$0x1DF10] =	vst v63  }
0xa2: {  	s0 =	simm.s32 $0x190A0;
	s31 =	simm.s32 $0x1C0A0  }
0xa3: {  	[tilespmem:s31], [sflag:$0x2] =	stream.indirect.gather [spmem:s1], $0x1, s0, s23, $0xb8;
	[tilespmem:$0x1DF10] =	vst v63  }
0xa4: {  	s0 =	simm.s32 $0x19120;
	s31 =	simm.s32 $0x1C120  }
0xa5: {  	[tilespmem:s31], [sflag:$0x2] =	stream.indirect.gather [spmem:s1], $0x1, s0, s23, $0xb8;
	[tilespmem:$0x1DF10] =	vst v63  }
0xa6: {  	s0 =	simm.s32 $0x191A0;
	s31 =	simm.s32 $0x1C1A0  }
0xa7: {  	[tilespmem:s31], [sflag:$0x2] =	stream.indirect.gather [spmem:s1], $0x1, s0, s23, $0xb8;
	[tilespmem:$0x1DF10] =	vst v63  }
0xa8: {  	s0 =	simm.s32 $0x19220;
	s31 =	simm.s32 $0x1C220  }
0xa9: {  	[tilespmem:s31], [sflag:$0x2] =	stream.indirect.gather [spmem:s1], $0x1, s0, s23, $0xb8;
	[tilespmem:$0x1DF10] =	vst v63  }
0xaa: {  	s0 =	simm.s32 $0x192A0;
	s31 =	simm.s32 $0x1C2A0  }
0xab: {  	[tilespmem:s31], [sflag:$0x2] =	stream.indirect.gather [spmem:s1], $0x1, s0, s23, $0xb8;
	[tilespmem:$0x1DF10] =	vst v63  }
0xac: {  	_ = 	snop  }
0xad: {  	[tilespmem:s21], [sflag:$0x2] =	stream.indirect.gather [spmem:s1], $0x1, s2, s23, $0xb8;
	[tilespmem:$0x1DF10] =	vst v63  }
0xae: {  	_ = 	snop  }
0xaf: {  	[tilespmem:s9], [sflag:$0x2] =	stream.indirect.gather [spmem:s1], $0x1, s7, s23, $0xb8;
	[tilespmem:$0x1DF10] =	vst v63  }
0xb0: {  	_ = 	snop  }
0xb1: {  	[tilespmem:s11], [sflag:$0x2] =	stream.indirect.gather [spmem:s1], $0x1, s10, s23, $0xb8;
	[tilespmem:$0x1DF10] =	vst v63  }
0xb2: {  	_ = 	snop  }
0xb3: {  	[tilespmem:s15], [sflag:$0x2] =	stream.indirect.gather [spmem:s1], $0x1, s14, s23, $0xb8;
	[tilespmem:$0x1DF10] =	vst v63  }
0xb4: {  	p1 =	seq.s32 s29, $0x30  }
0xb5: {  	[tilespmem:s17], [sflag:$0x2] =	stream.indirect.gather [spmem:s1], $0x1, s16, s23, $0xb8;
	[tilespmem:$0x1DF10] =	vst v63  }
0xb6: {  	s19 =	sadd.s32 @!p1 s19, s13  }
0xb7: {  	[tilespmem:s24], [sflag:$0x2] =	stream.indirect.gather [spmem:s1], $0x1, s18, s23, $0xb8;
	[tilespmem:$0x1DF10] =	vst v63  }
0xb8: {  	s19 =	sshrl.u32 @!p1 s19, $0x3  }
0xb9: {  	[tilespmem:s26], [sflag:$0x2] =	stream.indirect.gather [spmem:s1], $0x1, s25, s23, $0xb8;
	[tilespmem:$0x1DF10] =	vst v63  }
0xba: {  	s30 =	sadd.s32 @!p1 s4, s19;
	s31 =	simm.s32 @!p1 $0x0;
	s0 =	simm.s32 @!p1 $0x186A0  }
0xbb: {  	[tilespmem:s0], [sflag:$0x1] =	stream.linear.gather @!p1 [hbm4b:s30+s31], $0x800, $0x38;
	[tilespmem:$0x1DF10] =	vst v63  }
0xbc: {  	s0 =	sadd.s32 @!p1 s5, s19;
	s30 =	simm.s32 @!p1 $0x196A0  }
0xbd: {  	[tilespmem:s30], [sflag:$0x1] =	stream.linear.gather @!p1 [hbm4b:s0+s31], $0x800, $0x38;
	[tilespmem:$0x1DF10] =	vst v63  }
0xbe: {  	s0 =	sadd.s32 @!p1 s6, s19;
	s19 =	simm.s32 @!p1 $0x1A6A0  }
0xbf: {  	[tilespmem:s19], [sflag:$0x1] =	stream.linear.gather @!p1 [hbm4b:s0+s31], $0x800, $0x38;
	[tilespmem:$0x1DF10] =	vst v63  }
0xc0: {  	_ =	swait.ge [sflag:s8], $0x800  }
0xc1: {  	[sflag:s8] =	ssyncset.done $0x0  }
0xc2: {  	s19 =	simm.s32 $0x0;
	[sflag:s8] =	ssyncadd.s32 $0xFFFFF800  }
.LBB2_7:
0xc3: {  	s0 =	sshra.s32 s19, $0x2  }
0xc4: {  	v1 =	vld [tilespmem:s0+$0x19EA0]  }
0xc5: {  	v2 =	vld [tilespmem:s0+$0x1AEA0]  }
0xc6: {  	v3 =	vld [tilespmem:s0+$0x1BEA0];
	_ =	sdelay $0x4  }
0xc7: {  	v2 =	vmul.f32 v3, v2;
	_ =	sdelay $0x1  }
0xc8: {  	[tilespmem:v1+s3+$0x0] =	vst.idx.add.f32.msk $0xffff, v2  }
0xc9: {  	v1 =	vld [tilespmem:s0+$0x19EB0]  }
0xca: {  	v2 =	vld [tilespmem:s0+$0x1AEB0]  }
0xcb: {  	v3 =	vld [tilespmem:s0+$0x1BEB0];
	_ =	sdelay $0x4  }
0xcc: {  	v2 =	vmul.f32 v3, v2;
	_ =	sdelay $0x1  }
0xcd: {  	[tilespmem:v1+s3+$0x0] =	vst.idx.add.f32.msk $0xffff, v2  }
0xce: {  	v1 =	vld [tilespmem:s0+$0x19EC0]  }
0xcf: {  	v2 =	vld [tilespmem:s0+$0x1AEC0]  }
0xd0: {  	v3 =	vld [tilespmem:s0+$0x1BEC0];
	_ =	sdelay $0x4  }
0xd1: {  	v2 =	vmul.f32 v3, v2;
	_ =	sdelay $0x1  }
0xd2: {  	[tilespmem:v1+s3+$0x0] =	vst.idx.add.f32.msk $0xffff, v2  }
0xd3: {  	v1 =	vld [tilespmem:s0+$0x19ED0]  }
0xd4: {  	v2 =	vld [tilespmem:s0+$0x1AED0]  }
0xd5: {  	v3 =	vld [tilespmem:s0+$0x1BED0];
	_ =	sdelay $0x4  }
0xd6: {  	v2 =	vmul.f32 v3, v2;
	_ =	sdelay $0x1  }
0xd7: {  	[tilespmem:v1+s3+$0x0] =	vst.idx.add.f32.msk $0xffff, v2  }
0xd8: {  	v1 =	vld [tilespmem:s0+$0x19EE0]  }
0xd9: {  	v2 =	vld [tilespmem:s0+$0x1AEE0]  }
0xda: {  	v3 =	vld [tilespmem:s0+$0x1BEE0];
	_ =	sdelay $0x4  }
0xdb: {  	v2 =	vmul.f32 v3, v2;
	_ =	sdelay $0x1  }
0xdc: {  	[tilespmem:v1+s3+$0x0] =	vst.idx.add.f32.msk $0xffff, v2  }
0xdd: {  	v1 =	vld [tilespmem:s0+$0x19EF0]  }
0xde: {  	v2 =	vld [tilespmem:s0+$0x1AEF0]  }
0xdf: {  	v3 =	vld [tilespmem:s0+$0x1BEF0];
	_ =	sdelay $0x4  }
0xe0: {  	v2 =	vmul.f32 v3, v2;
	_ =	sdelay $0x1  }
0xe1: {  	[tilespmem:v1+s3+$0x0] =	vst.idx.add.f32.msk $0xffff, v2  }
0xe2: {  	v1 =	vld [tilespmem:s0+$0x19F00]  }
0xe3: {  	v2 =	vld [tilespmem:s0+$0x1AF00]  }
0xe4: {  	v3 =	vld [tilespmem:s0+$0x1BF00];
	_ =	sdelay $0x4  }
0xe5: {  	v2 =	vmul.f32 v3, v2;
	_ =	sdelay $0x1  }
0xe6: {  	[tilespmem:v1+s3+$0x0] =	vst.idx.add.f32.msk $0xffff, v2  }
0xe7: {  	v1 =	vld [tilespmem:s0+$0x19F10]  }
0xe8: {  	v2 =	vld [tilespmem:s0+$0x1AF10]  }
0xe9: {  	v3 =	vld [tilespmem:s0+$0x1BF10];
	_ =	sdelay $0x1  }
0xea: {  	p1 =	sne.s32 s19, $0x1E00  }
.Ltmp2:
0xeb: {  	_ = 	snop;
	(pc) =	sbr.rel @p1 .LBB2_7-.Ltmp2, $3  }
0xec: {  	_ = 	snop  }
0xed: {  	v2 =	vmul.f32 v3, v2;
	_ =	sdelay $0x1  }
0xee: {  	s19 =	sadd.s32 $0x200, s19;
	[tilespmem:v1+s3+$0x0] =	vst.idx.add.f32.msk $0xffff, v2  }
0xef: {  	s29 =	sadd.s32 $0x1, s29  }
0xf0: {  	p1 =	sne.s32 s29, $0x31  }
.Ltmp3:
0xf1: {  	_ = 	snop;
	(pc) =	sbr.rel @p1 .LBB2_4-.Ltmp3, $1  }
0xf2: {  	_ =	sdelay $0x3  }
0xf3: {  	s0 =	rddreg [dreg:$0x8];
	s19 =	simm.s32 $0x3  }
0xf4: {  	[hbm4b:s0+s3] =	stream.linear.scatter [tilespmem:s3], [sflag:$0x3], $0x186A0, $0x38;
	[tilespmem:$0x1DF10] =	vst v63  }
0xf5: {  	_ =	swait.ge [sflag:s19], $0x186A0  }
0xf6: {  	s28 =	rddreg [dreg:$0xd]  }
0xf7: {  	s31 =	rddreg [dreg:$0x9];
	s28 =	sadd.s32 $0x1, s28  }
0xf8: {  	p1 =	sne.s32 s28, s31  }
.Ltmp4:
0xf9: {  	_ = 	snop;
	(pc) =	sbr.rel @p1 .LBB2_1-.Ltmp4, $3  }
0xfa: {  	_ =	sdelay $0x1  }
0xfb: {  	[sflag:s19] =	ssyncset.done $0x0  }
0xfc: {  	[sflag:s19] =	ssyncadd.s32 $0xFFFE7960  }
0xfd: {  	_ =	sfence.sel $0x180000  }
0xfe: {  	[bflag:$0x0] =	sbarrier.arrive $0xFFFF  }
0xff: {  	_ =	strace $0x9000004D  }
0x100: {  	s0 =	stileid.u32;
	[bflag:$0x2] =	sbarrier.arrive $0xFFFF  }
0x101: {  	p0 =	sne.s32 s0, $0x0;
	s0 =	rddreg [dreg:$0x2]  }
0x102: {  	s0 =	sadd.s32 @!p0 $0x100000, s0  }
0x103: {  	[sflag:s0] =	ssyncadd.tile.s32 @!p0 $0x1;
	_ =	shalt  }
.Lfunc_end2:
_tile_overlayer_lowered:
.L_overlay_start_2:
0x104: {  	(tag) =	ssettag $0x2  }
0x105: {  	s0 =	rddreg [dreg:$0x0];
	s2 =	stileid.u32  }
0x106: {  	s1 =	rddreg [dreg:$0x1];
	p0 =	sne.s32 s2, $0x0  }
0x107: {  	s3 =	rddreg [dreg:$0x2];
	[bflag:$0x3] =	sbarrier.arrive $0xFFFF;
	s2 =	simm.s32 @!p0 $0x1C03  }
0x108: {  	[timem:s3], [sflag:s2] =	dma.local @!p0 [hbm:s0], s1  }
0x109: {  	s0 =	simm.s32 @!p0 $0x3  }
0x10a: {  	_ =	swait.ge @!p0 [sflag:s0], s1  }
0x10b: {  	s1 =	ssub.s32 @!p0 $0x0, s1;
	[sflag:s0] =	ssyncset.done @!p0 $0x0  }
0x10c: {  	[sflag:s0] =	ssyncadd.s32 @!p0 s1  }
0x10d: {  	[bflag:$0x3] =	sbarrier.arrive $0xFFFF  }
0x10e: {  	_ =	shalt  }

// kernel: kernel.9.cloned.1.call-start
scs
__scs_entry_jumppad:
0x0: {  	(pc) =	sbr.rel $0x88, $3  }
0x1: {  	(tag) =	ssettag $0x0;
	lr =	simm.s32 $0x1  }
0x2: {  	[smem:$0x3F9A] =	sst lr;
	_ =	strace $0xD0000000  }
0x3: {  	_ = 	snop  }
0x4: {  	_ = 	snop  }
0x5: {  	_ = 	snop  }
0x6: {  	_ = 	snop  }
0x7: {  	_ = 	snop  }
__scs_overlays_trampoline_lowered:
0x8: {  	[smem:$0x3FA9] =	sst s0  }
0x9: {  	[smem:$0x3FAA] =	sst s1  }
0xa: {  	[smem:$0x3FAB] =	sst s2  }
0xb: {  	[smem:$0x3FAC] =	sst s3  }
0xc: {  	[smem:$0x3FAD] =	sst s4  }
0xd: {  	[smem:$0x3FAE] =	sst s5  }
0xe: {  	[smem:$0x3FAF] =	sst s6  }
0xf: {  	[smem:$0x3FB0] =	sst s7  }
0x10: {  	[smem:$0x3FB1] =	sst s8  }
0x11: {  	[smem:$0x3FB2] =	sst s9;
	s0 =	simm.s32 @!p0 $0x0  }
0x12: {  	s1 =	sld [smem:$0x3F98];
	s0 =	simm.s32 @p0 $0x1  }
0x13: {  	[smem:$0x3FB3] =	sst s0;
	s0 =	simm.s32 @!p1 $0x0  }
0x14: {  	s2 =	sld [smem:$0x3F97];
	s0 =	simm.s32 @p1 $0x1  }
0x15: {  	[smem:$0x3FB4] =	sst s0;
	s0 =	simm.s32 @!p2 $0x0  }
0x16: {  	s3 =	sld [smem:$0x3FDB];
	s0 =	simm.s32 @p2 $0x1  }
0x17: {  	s4 =	simm.s32 $0x1BF5;
	[smem:$0x3FB6] =	sst s0  }
0x18: {  	s0 =	sld [smem:$0x3F99];
	_ =	swait.ge [sflag:s4], $0x0  }
0x19: {  	s7 =	sld [smem:$0x3F9A]  }
0x1a: {  	s8 =	sadd.s32 $0xFFFFE003, lr  }
0x1b: {  	s9 =	sadd.s32 $0xFFFFFEF7, lr;
	s5 =	simm.s32 $0xFFFFFFFF;
	p2 =	slt.u32 s8, $0xFFFFF086  }
0x1c: {  	p1 =	slt.u32 s9, $0xF7A;
	s5 =	simm.s32 @!p2 $0x0  }
0x1d: {  	s5 =	simm.s32 @p1 $0x1;
	p0 =	seq.s32 s7, s2  }
0x1e: {  	s7 =	smul.u32 @!p0 $0xF7A, s2;
	p2 =	seq.s32 @!p0 s5, $0x0  }
0x1f: {  	s9 =	smul.u32 $0xF7A, s1;
	s8 =	simm.s32 @!p0 $0x1BF5;
	p2 =	por !p2, p0  }
0x20: {  	[sflag:s8] =	ssyncset.s32 @!p0 $0xFFFFF086;
	s6 =	sadd.s32 @!p0 s3, s7;
	s7 =	simm.s32 @!p0 $0x108  }
0x21: {  	s3 =	sadd.s32 s3, s9;
	s6 =	sadd.s32 @!p0 $0x88, s6;
	s7 =	simm.s32 @p2 $0x1082  }
0x22: {  	[simem:s7], [sflag:s8] =	dma.local @!p0 [hbm:s6], $0xF7A  }
0x23: {  	s9 =	sor.u32 $0xD0000000, s2;
	s6 =	simm.s32 $0x108;
	_ =	swait.ge @!p0 [sflag:s8], $0x0  }
0x24: {  	s3 =	sadd.s32 $0x88, s3;
	s6 =	simm.s32 @!p1 $0x1082;
	[sflag:s4] =	ssyncset.s32 $0xFFFFF086  }
0x25: {  	[simem:s6], [sflag:s4] =	dma.local [hbm:s3], $0xF7A  }
0x26: {  	[smem:$0x3F9A] =	sst s1;
	(tag) =	ssettag s2;
	_ =	strace s9  }
0x27: {  	s1 =	sld [smem:$0x3FAA]  }
0x28: {  	s2 =	sld [smem:$0x3FAB]  }
0x29: {  	s4 =	sld [smem:$0x3FAD]  }
0x2a: {  	p0 =	seq.s32 s5, $0x0;
	s5 =	sld [smem:$0x3FAE]  }
0x2b: {  	s6 =	sld [smem:$0x3FAF]  }
0x2c: {  	s7 =	sld [smem:$0x3FB0]  }
0x2d: {  	s3 =	simm.s32 $0x108;
	s8 =	sld [smem:$0x3FB1]  }
0x2e: {  	s3 =	simm.s32 @!p0 $0x1082;
	s9 =	sld [smem:$0x3FB2]  }
0x2f: {  	lr =	sadd.s32 s0, s3;
	s0 =	sld [smem:$0x3FA9]  }
0x30: {  	s3 =	sld [smem:$0x3FAC]  }
0x31: {  	[smem:$0x3FB5] =	sst s10  }
0x32: {  	s10 =	sld [smem:$0x3FB3];
	_ =	sdelay $0x3  }
0x33: {  	p0 =	seq.s32 s10, $0x1;
	s10 =	sld [smem:$0x3FB5];
	_ =	sdelay $0x3  }
0x34: {  	[smem:$0x3FB5] =	sst s10  }
0x35: {  	s10 =	sld [smem:$0x3FB4];
	_ =	sdelay $0x3  }
0x36: {  	p1 =	seq.s32 s10, $0x1;
	s10 =	sld [smem:$0x3FB5];
	_ =	sdelay $0x3  }
0x37: {  	[smem:$0x3FB5] =	sst s10  }
0x38: {  	s10 =	sld [smem:$0x3FB6]  }
0x39: {  	_ = 	snop;
	(pc) =	sbr.ind lr, $3  }
0x3a: {  	_ = 	snop  }
0x3b: {  	_ = 	snop  }
0x3c: {  	p2 =	seq.s32 s10, $0x1;
	s10 =	sld [smem:$0x3FB5]  }
0x3d: {  	_ =	shalt  }
0x3e: {  	_ =	shalt  }
0x3f: {  	_ =	shalt  }
0x40: {  	_ =	shalt  }
0x41: {  	_ =	shalt  }
0x42: {  	_ =	shalt  }
0x43: {  	_ =	shalt  }
0x44: {  	_ =	shalt  }
0x45: {  	_ =	shalt  }
0x46: {  	_ =	shalt  }
0x47: {  	_ =	shalt  }
0x48: {  	_ =	shalt  }
0x49: {  	_ =	shalt  }
0x4a: {  	_ =	shalt  }
0x4b: {  	_ =	shalt  }
0x4c: {  	_ =	shalt  }
0x4d: {  	_ =	shalt  }
0x4e: {  	_ =	shalt  }
0x4f: {  	_ =	shalt  }
0x50: {  	_ =	shalt  }
0x51: {  	_ =	shalt  }
0x52: {  	_ =	shalt  }
0x53: {  	_ =	shalt  }
0x54: {  	_ =	shalt  }
0x55: {  	_ =	shalt  }
0x56: {  	_ =	shalt  }
0x57: {  	_ =	shalt  }
0x58: {  	_ =	shalt  }
0x59: {  	_ =	shalt  }
0x5a: {  	_ =	shalt  }
0x5b: {  	_ =	shalt  }
0x5c: {  	_ =	shalt  }
0x5d: {  	_ =	shalt  }
0x5e: {  	_ =	shalt  }
0x5f: {  	_ =	shalt  }
0x60: {  	_ =	shalt  }
0x61: {  	_ =	shalt  }
0x62: {  	_ =	shalt  }
0x63: {  	_ =	shalt  }
0x64: {  	_ =	shalt  }
0x65: {  	_ =	shalt  }
0x66: {  	_ =	shalt  }
0x67: {  	_ =	shalt  }
0x68: {  	_ =	shalt  }
0x69: {  	_ =	shalt  }
0x6a: {  	_ =	shalt  }
0x6b: {  	_ =	shalt  }
0x6c: {  	_ =	shalt  }
0x6d: {  	_ =	shalt  }
0x6e: {  	_ =	shalt  }
0x6f: {  	_ =	shalt  }
0x70: {  	_ =	shalt  }
0x71: {  	_ =	shalt  }
0x72: {  	_ =	shalt  }
0x73: {  	_ =	shalt  }
0x74: {  	_ =	shalt  }
0x75: {  	_ =	shalt  }
0x76: {  	_ =	shalt  }
0x77: {  	_ =	shalt  }
0x78: {  	_ =	shalt  }
0x79: {  	_ =	shalt  }
0x7a: {  	_ =	shalt  }
0x7b: {  	_ =	shalt  }
0x7c: {  	_ =	shalt  }
0x7d: {  	_ =	shalt  }
0x7e: {  	_ =	shalt  }
0x7f: {  	_ =	shalt  }
0x80: {  	_ =	shalt  }
0x81: {  	_ =	shalt  }
0x82: {  	_ =	shalt  }
0x83: {  	_ =	shalt  }
0x84: {  	_ =	shalt  }
0x85: {  	_ =	shalt  }
0x86: {  	_ =	shalt  }
0x87: {  	_ =	shalt  }
.Lfunc_end0:
.L_simem_size_0:
called_computation_lowered:
.L_overlay_start_0:
0x88: {  	s2 =	sld [smem:$0x3FD9]  }
0x89: {  	s3 =	sld [smem:$0x3FFE];
	_ =	sdelay $0x1  }
0x8a: {  	s1 =	srdreg.scid  }
0x8b: {  	s0 =	sand.u32 $0x1, s1  }
0x8c: {  	s16 =	sshll.u32 s0, $0xA;
	s2 =	sadd.s32 s3, s2  }
0x8d: {  	s2 =	sadd.s32 s2, s16  }
0x8e: {  	[smem:$0x3FC1] =	sst s2  }
0x8f: {  	_ = 	snop  }
0x90: {  	(tm) =	ssettm $0x1  }
0x91: {  	s17 =	sld [smem:$0x3FFB];
	_ =	sdelay $0x3  }
0x92: {  	_ =	strace s17  }
0x93: {  	s2 =	sld [smem:$0x3FFC];
	_ =	sdelay $0x3  }
0x94: {  	_ =	strace s2  }
0x95: {  	s2 =	sld [smem:$0x3FFD];
	_ =	sdelay $0x3  }
0x96: {  	_ =	strace s2  }
0x97: {  	_ =	strace $0x8FFFFFFF  }
0x98: {  	s18 =	sld [smem:$0x3FDB];
	_ =	sdelay $0x1  }
0x99: {  	s19 =	simm.s32 $_scs_section_size  }
0x9a: {  	s4 =	simm.s32 $_size__tile_overlayer_lowered;
	s5 =	simm.s32 $_tile_overlayer_lowered  }
0x9b: {  	s22 =	simm.s32 $0x1BFF;
	s21 =	sshll.u32 s5, $0x1;
	s2 =	sadd.s32 s19, s18  }
0x9c: {  	s6 =	simm.s32 $0x0;
	s20 =	sshll.u32 s4, $0x1;
	s4 =	sadd.s32 s21, s2  }
0x9d: {  	[timem:s6], [sflag:s22] =	dma.local [hbm:s4], s20  }
0x9e: {  	_ =	swait.ge [sflag:s22], s20  }
0x9f: {  	s3 =	ssub.s32 $0x0, s20;
	[sflag:s22] =	ssyncset.done $0x0  }
0xa0: {  	[sflag:s22] =	ssyncadd.s32 s3;
	_ =	sdelay $0x1  }
0xa1: {  	s23 =	simm.s32 $0x1B8B  }
0xa2: {  	_ =	swait.ge [sflag:s23], $0x1  }
0xa3: {  	[sflag:s23] =	ssyncset.done $0x0  }
0xa4: {  	s25 =	simm.s32 $0x1B8E;
	s24 =	sld [smem:$0x3FFE];
	[sflag:s23] =	ssyncadd.s32 $0xFFFFFFFF  }
0xa5: {  	s26 =	simm.s32 $execute0_lowered;
	[smem:$0x3FD2] =	sst s25  }
0xa6: {  	s4 =	sshll.u32 s26, $0x1;
	_ =	strace $0x80000046;
	[dreg:$0x1] =	wrdreg $0xFFFFFFFF  }
0xa7: {  	s28 =	simm.s32 $_size_execute0_lowered;
	s2 =	sadd.s32 s2, s4;
	[dreg:$0x0] =	wrdreg $0x0  }
0xa8: {  	s4 =	sshll.u32 s28, $0x1;
	[dreg:$0x2] =	wrdreg s2  }
0xa9: {  	[dreg:$0x3] =	wrdreg s4  }
0xaa: {  	[dreg:$0x4] =	wrdreg $0xC0  }
0xab: {  	_ =	task [dreg:s6], $0x5FFFF  }
0xac: {  	[dreg:$0x1] =	wrdreg $0xFFFFFFFF  }
0xad: {  	[dreg:$0x0] =	wrdreg $0x60  }
0xae: {  	[dreg:$0x2] =	wrdreg s24  }
0xaf: {  	[dreg:$0x3] =	wrdreg $0x9  }
0xb0: {  	_ =	task.clear_ibuf [dreg:s6], $0x4FFFF;
	_ =	strace $0x90000046  }
0xb1: {  	s29 =	simm.s32 $0x9;
	_ =	strace $0x80000048  }
0xb2: {  	_ =	swait.ge [sflag:s29], $0x1  }
0xb3: {  	[sflag:s29] =	ssyncadd.s32 $0xFFFFFFFF  }
0xb4: {  	_ =	strace $0x90000048  }
0xb5: {  	_ =	sfence  }
0xb6: {  	s30 =	sld [smem:$0x0];
	_ =	sdelay $0x2  }
0xb7: {  	s31 =	sshll.u32 s1, $0xD;
	s1 =	sshrl.u32 s1, $0x2  }
0xb8: {  	s3 =	sand.u32 $0x4000, s31;
	s1 =	sadd.s32 s1, s30  }
0xb9: {  	s0 =	sor.u32 s3, s0;
	s1 =	sshll.u32 s1, $0x11  }
0xba: {  	s0 =	sor.u32 s1, s0  }
0xbb: {  	s0 =	sadd.s32 $0x8F2B, s0  }
0xbc: {  	[sflag:s0] =	ssyncadd.remote.s32 $0x1  }
0xbd: {  	_ =	sfence.sel $0xFFFF  }
0xbe: {  	[dreg:$0x0] =	wrdreg $0xFFFFFFFF;
	(pc) =	sbr.abs _section_cstart, $3  }
0xbf: {  	[dreg:$0x1] =	wrdreg $0xFFFFFFFF  }
0xc0: {  	_ =	task.clear_ibuf [dreg:s6], $0x2FFFF;
	_ =	strace $0x9FFFFFFF  }
0xc1: {  	(tm) =	ssettm $0x7FFFFFFF  }
tec
execute0_lowered:
.L_overlay_start_1:
0x0: {  	(tag) =	ssettag $0x1  }
0x1: {  	s5 =	rddreg [dreg:$0x0]  }
0x2: {  	s0 =	rddreg [dreg:$0x1]  }
0x3: {  	s3 =	srdreg.scid;
	s1 =	stileid.u32;
	s2 =	simm.s32 $0x0  }
0x4: {  	s13 =	simm.s32 $0x1;
	s14 =	simm.s32 $0x18EA0;
	s15 =	simm.s32 $0x19EA0  }
0x5: {  	s16 =	simm.s32 $0x2;
	s4 =	sand.u32 $0x1, s3;
	s31 =	sshll.u32 s1, $0x1  }
0x6: {  	s17 =	simm.s32 $0x0;
	[smem:$0x7FF] =	sst s2;
	s6 =	sor.u32 s4, s31  }
0x7: {  	s3 =	sadd.s32 $0x189000, s5;
	s8 =	ssub.s32 $0x2, s4;
	s7 =	smul.u32 $0x30D4, s6  }
0x8: {  	_ =	strace $0x80000047;
	s9 =	smul.u32 $0x6200, s6;
	s10 =	sshrl.u32 s8, $0x1  }
0x9: {  	s4 =	sadd.s32 $0xC5000, s5;
	s11 =	smul.u32 $0x31000, s6;
	s10 =	ssub.s32 s8, s10  }
0xa: {  	s12 =	sadd.s32 s7, s5;
	s5 =	sadd.s32 s3, s9;
	s6 =	sadd.s32 s4, s9  }
0xb: {  	s7 =	sor.u32 $0x800, s11;
	s8 =	sadd.s32 $0x1000, s11;
	s10 =	smax.u32 s10, $0x1  }
0xc: {  	v0 =	vimm.f32 $0.0e+00;
	s11 =	simm.s32 $0x186A0;
	s9 =	sadd.s32 $0x1A00, s12;
	s12 =	simm.s32 $0x196A0  }
.LBB2_1:
0xd: {  	s18 =	simm.s32 $0x40;
	s19 =	simm.s32 $0x0  }
.LBB2_2:
0xe: {  	p0 =	sne.s32 s18, $0x61A40;
	[tilespmem:s19+$0x0] =	vst v0;
	s19 =	smov.u32 s18;
	s18 =	sadd.s32 $0x40, s18  }
.Ltmp0:
0xf: {  	(pc) =	sbr.rel @p0 .LBB2_2-.Ltmp0, $2  }
0x10: {  	_ =	sdelay $0x2  }
0x11: {  	s19 =	sshra.s32 s19, $0x2  }
0x12: {  	[tilespmem:s19+$0x0] =	vst v0;
	s18 =	simm.s32 $0x0  }
0x13: {  	[tilespmem:s11], [sflag:$0x1] =	stream.linear.gather [hbm4b:s5+s18], $0x800, $0x38;
	[tilespmem:$0x1A6A0] =	vst v63  }
0x14: {  	s19 =	simm.s32 $0x0  }
0x15: {  	[tilespmem:s12], [sflag:$0x1] =	stream.linear.gather [hbm4b:s6+s18], $0x800, $0x38;
	[tilespmem:$0x1A6A0] =	vst v63  }
.LBB2_4:
0x16: {  	_ =	swait.ge [sflag:s13], $0x800  }
0x17: {  	[sflag:s13] =	ssyncset.done $0x0  }
0x18: {  	s20 =	sshll.u32 s19, $0xC;
	[sflag:s13] =	ssyncadd.s32 $0xFFFFF800  }
0x19: {  	s21 =	sadd.s32 s20, s7;
	_ =	swait.ge [sflag:s13], $0x800  }
0x1a: {  	s21 =	sshrl.u32 s21, $0x3;
	[sflag:s13] =	ssyncset.done $0x0  }
0x1b: {  	s22 =	sadd.s32 s3, s21;
	[sflag:s13] =	ssyncadd.s32 $0xFFFFF800  }
0x1c: {  	[tilespmem:s14], [sflag:$0x1] =	stream.linear.gather [hbm4b:s22+s18], $0x800, $0x38;
	[tilespmem:$0x1A6A0] =	vst v63  }
0x1d: {  	s21 =	sadd.s32 s4, s21  }
0x1e: {  	[tilespmem:s15], [sflag:$0x1] =	stream.linear.gather [hbm4b:s21+s18], $0x800, $0x38;
	[tilespmem:$0x1A6A0] =	vst v63  }
0x1f: {  	s21 =	simm.s32 $0x0  }
.LBB2_5:
0x20: {  	s22 =	sshra.s32 s21, $0x2  }
0x21: {  	v1 =	vld [tilespmem:s22+$0x186A0];
	_ =	sdelay $0x2  }
0x22: {  	v2 =	vld [tilespmem:s22+$0x196A0];
	_ =	sdelay $0x4  }
0x23: {  	[tilespmem:v1+s2+$0x0] =	vst.idx.add.f32.msk $0xffff, v2  }
0x24: {  	v1 =	vld [tilespmem:s22+$0x186B0];
	_ =	sdelay $0x2  }
0x25: {  	v2 =	vld [tilespmem:s22+$0x196B0];
	_ =	sdelay $0x4  }
0x26: {  	[tilespmem:v1+s2+$0x0] =	vst.idx.add.f32.msk $0xffff, v2  }
0x27: {  	v1 =	vld [tilespmem:s22+$0x186C0];
	_ =	sdelay $0x2  }
0x28: {  	v2 =	vld [tilespmem:s22+$0x196C0];
	_ =	sdelay $0x4  }
0x29: {  	[tilespmem:v1+s2+$0x0] =	vst.idx.add.f32.msk $0xffff, v2  }
0x2a: {  	v1 =	vld [tilespmem:s22+$0x186D0];
	_ =	sdelay $0x2  }
0x2b: {  	v2 =	vld [tilespmem:s22+$0x196D0];
	_ =	sdelay $0x4  }
0x2c: {  	[tilespmem:v1+s2+$0x0] =	vst.idx.add.f32.msk $0xffff, v2  }
0x2d: {  	v1 =	vld [tilespmem:s22+$0x186E0];
	_ =	sdelay $0x2  }
0x2e: {  	v2 =	vld [tilespmem:s22+$0x196E0];
	_ =	sdelay $0x4  }
0x2f: {  	[tilespmem:v1+s2+$0x0] =	vst.idx.add.f32.msk $0xffff, v2  }
0x30: {  	v1 =	vld [tilespmem:s22+$0x186F0];
	_ =	sdelay $0x2  }
0x31: {  	v2 =	vld [tilespmem:s22+$0x196F0];
	_ =	sdelay $0x4  }
0x32: {  	[tilespmem:v1+s2+$0x0] =	vst.idx.add.f32.msk $0xffff, v2  }
0x33: {  	v1 =	vld [tilespmem:s22+$0x18700];
	_ =	sdelay $0x2  }
0x34: {  	v2 =	vld [tilespmem:s22+$0x19700];
	_ =	sdelay $0x4  }
0x35: {  	[tilespmem:v1+s2+$0x0] =	vst.idx.add.f32.msk $0xffff, v2  }
0x36: {  	v1 =	vld [tilespmem:s22+$0x18710];
	_ =	sdelay $0x2  }
0x37: {  	p0 =	sne.s32 s21, $0x1E00;
	v2 =	vld [tilespmem:s22+$0x19710]  }
.Ltmp1:
0x38: {  	_ = 	snop;
	(pc) =	sbr.rel @p0 .LBB2_5-.Ltmp1, $2  }
0x39: {  	_ =	sdelay $0x2  }
0x3a: {  	s21 =	sadd.s32 $0x200, s21;
	[tilespmem:v1+s2+$0x0] =	vst.idx.add.f32.msk $0xffff, v2  }
0x3b: {  	_ =	swait.ge [sflag:s13], $0x800  }
0x3c: {  	[sflag:s13] =	ssyncset.done $0x0  }
0x3d: {  	p0 =	seq.s32 s19, $0x30;
	[sflag:s13] =	ssyncadd.s32 $0xFFFFF800  }
0x3e: {  	s20 =	sadd.s32 @!p0 s20, s8;
	_ =	swait.ge [sflag:s13], $0x800  }
0x3f: {  	s22 =	simm.s32 @!p0 $0x0;
	s20 =	sshrl.u32 @!p0 s20, $0x3;
	[sflag:s13] =	ssyncset.done $0x0  }
0x40: {  	s23 =	simm.s32 @!p0 $0x186A0;
	s21 =	sadd.s32 @!p0 s3, s20;
	[sflag:s13] =	ssyncadd.s32 $0xFFFFF800  }
0x41: {  	[tilespmem:s23], [sflag:$0x1] =	stream.linear.gather @!p0 [hbm4b:s21+s22], $0x800, $0x38;
	[tilespmem:$0x1A6A0] =	vst v63  }
0x42: {  	s20 =	sadd.s32 @!p0 s4, s20;
	s21 =	simm.s32 @!p0 $0x196A0  }
0x43: {  	[tilespmem:s21], [sflag:$0x1] =	stream.linear.gather @!p0 [hbm4b:s20+s22], $0x800, $0x38;
	[tilespmem:$0x1A6A0] =	vst v63  }
0x44: {  	s20 =	simm.s32 $0x0  }
.LBB2_7:
0x45: {  	s21 =	sshra.s32 s20, $0x2  }
0x46: {  	v1 =	vld [tilespmem:s21+$0x18EA0];
	_ =	sdelay $0x2  }
0x47: {  	v2 =	vld [tilespmem:s21+$0x19EA0];
	_ =	sdelay $0x4  }
0x48: {  	[tilespmem:v1+s2+$0x0] =	vst.idx.add.f32.msk $0xffff, v2  }
0x49: {  	v1 =	vld [tilespmem:s21+$0x18EB0];
	_ =	sdelay $0x2  }
0x4a: {  	v2 =	vld [tilespmem:s21+$0x19EB0];
	_ =	sdelay $0x4  }
0x4b: {  	[tilespmem:v1+s2+$0x0] =	vst.idx.add.f32.msk $0xffff, v2  }
0x4c: {  	v1 =	vld [tilespmem:s21+$0x18EC0];
	_ =	sdelay $0x2  }
0x4d: {  	v2 =	vld [tilespmem:s21+$0x19EC0];
	_ =	sdelay $0x4  }
0x4e: {  	[tilespmem:v1+s2+$0x0] =	vst.idx.add.f32.msk $0xffff, v2  }
0x4f: {  	v1 =	vld [tilespmem:s21+$0x18ED0];
	_ =	sdelay $0x2  }
0x50: {  	v2 =	vld [tilespmem:s21+$0x19ED0];
	_ =	sdelay $0x4  }
0x51: {  	[tilespmem:v1+s2+$0x0] =	vst.idx.add.f32.msk $0xffff, v2  }
0x52: {  	v1 =	vld [tilespmem:s21+$0x18EE0];
	_ =	sdelay $0x2  }
0x53: {  	v2 =	vld [tilespmem:s21+$0x19EE0];
	_ =	sdelay $0x4  }
0x54: {  	[tilespmem:v1+s2+$0x0] =	vst.idx.add.f32.msk $0xffff, v2  }
0x55: {  	v1 =	vld [tilespmem:s21+$0x18EF0];
	_ =	sdelay $0x2  }
0x56: {  	v2 =	vld [tilespmem:s21+$0x19EF0];
	_ =	sdelay $0x4  }
0x57: {  	[tilespmem:v1+s2+$0x0] =	vst.idx.add.f32.msk $0xffff, v2  }
0x58: {  	v1 =	vld [tilespmem:s21+$0x18F00];
	_ =	sdelay $0x2  }
0x59: {  	v2 =	vld [tilespmem:s21+$0x19F00];
	_ =	sdelay $0x4  }
0x5a: {  	[tilespmem:v1+s2+$0x0] =	vst.idx.add.f32.msk $0xffff, v2  }
0x5b: {  	v1 =	vld [tilespmem:s21+$0x18F10];
	_ =	sdelay $0x2  }
0x5c: {  	p0 =	sne.s32 s20, $0x1E00;
	v2 =	vld [tilespmem:s21+$0x19F10]  }
.Ltmp2:
0x5d: {  	_ = 	snop;
	(pc) =	sbr.rel @p0 .LBB2_7-.Ltmp2, $2  }
0x5e: {  	_ =	sdelay $0x2  }
0x5f: {  	s20 =	sadd.s32 $0x200, s20;
	[tilespmem:v1+s2+$0x0] =	vst.idx.add.f32.msk $0xffff, v2  }
0x60: {  	s19 =	sadd.s32 $0x1, s19  }
0x61: {  	p0 =	sne.s32 s19, $0x31  }
.Ltmp3:
0x62: {  	_ = 	snop;
	(pc) =	sbr.rel @p0 .LBB2_4-.Ltmp3, $1  }
0x63: {  	_ =	sdelay $0x3  }
0x64: {  	s17 =	sadd.s32 $0x1, s17  }
0x65: {  	p0 =	sne.s32 s17, s10  }
.Ltmp4:
0x66: {  	_ = 	snop;
	(pc) =	sbr.rel @p0 .LBB2_1-.Ltmp4, $4  }
0x67: {  	[hbm4b:s9+s2] =	stream.linear.scatter [tilespmem:s2], [sflag:$0x2], $0x186A0, $0x38;
	[tilespmem:$0x1A6A0] =	vst v63  }
0x68: {  	_ =	swait.ge [sflag:s16], $0x186A0  }
0x69: {  	[sflag:s16] =	ssyncset.done $0x0  }
0x6a: {  	[sflag:s16] =	ssyncadd.s32 $0xFFFE7960  }
0x6b: {  	_ =	sfence.sel $0x180000  }
0x6c: {  	[bflag:$0x0] =	sbarrier.arrive $0xFFFF  }
0x6d: {  	p0 =	sne.s32 s1, $0x0;
	_ =	strace $0x90000047  }
0x6e: {  	s0 =	sadd.s32 @!p0 $0x100000, s0;
	[bflag:$0x2] =	sbarrier.arrive $0xFFFF  }
0x6f: {  	[sflag:s0] =	ssyncadd.tile.s32 @!p0 $0x1;
	_ =	shalt  }
.Lfunc_end2:
_tile_overlayer_lowered:
.L_overlay_start_2:
0x70: {  	(tag) =	ssettag $0x2  }
0x71: {  	s0 =	rddreg [dreg:$0x0];
	s2 =	stileid.u32  }
0x72: {  	s1 =	rddreg [dreg:$0x1];
	p0 =	sne.s32 s2, $0x0  }
0x73: {  	s3 =	rddreg [dreg:$0x2];
	[bflag:$0x3] =	sbarrier.arrive $0xFFFF;
	s2 =	simm.s32 @!p0 $0x1C02  }
0x74: {  	[timem:s3], [sflag:s2] =	dma.local @!p0 [hbm:s0], s1  }
0x75: {  	s0 =	simm.s32 @!p0 $0x2  }
0x76: {  	_ =	swait.ge @!p0 [sflag:s0], s1  }
0x77: {  	s1 =	ssub.s32 @!p0 $0x0, s1;
	[sflag:s0] =	ssyncset.done @!p0 $0x0  }
0x78: {  	[sflag:s0] =	ssyncadd.s32 @!p0 s1  }
0x79: {  	[bflag:$0x3] =	sbarrier.arrive $0xFFFF  }
0x7a: {  	_ =	shalt  }

</sc_bundles>
